<compile_context>
chip_gen: v7x
topology: tpu7x:2x2x1
jax: 0.10.2.dev20260603
libtpu: 0.0.44.dev20260713+nightly
codegen_flags: <defaults>
</compile_context>

<pallas_src>
import dataclasses

import jax
import jax.numpy as jnp
from jax import lax
from jax.experimental import pallas as pl
from jax.experimental.pallas import tpu as pltpu
from jax.experimental.pallas import tpu_sc as plsc

M = 100000
B = 16384
D = 128

RPT = 3200
W = 160
NW = RPT // W
NBUF = 4
CH = 64
LANES = 16

_GATHER_DNUMS = lax.GatherDimensionNumbers(
    offset_dims=(), collapsed_slice_dims=(0,), start_index_map=(0,))


def _bcast16(vals, pos):
    idx = jnp.full((LANES,), pos, jnp.int32)
    return lax.gather(vals, idx[:, None], _GATHER_DNUMS, slice_sizes=(1,),
                      mode=lax.GatherScatterMode.PROMISE_IN_BOUNDS)


def _scatter_add_kernel(var_hbm, value_hbm, idx_hbm, alpha_hbm, out_hbm,
                        b0, b1, b2, b3, idx_v, vc0, vc1, alpha_v,
                        isems, wsems, vsems):
    c = lax.axis_index("c")
    s = lax.axis_index("s")
    tg = s * 2 + c

    pltpu.sync_copy(idx_hbm, idx_v)
    pltpu.sync_copy(alpha_hbm, alpha_v)
    avec = alpha_v[...]
    alpha_s = lax.reduce_max(avec, axes=(0,))

    lane_iota = lax.iota(jnp.int32, LANES)
    start = pl.multiple_of(
        jnp.minimum(tg * RPT, jnp.int32(M - RPT)), 8)

    def search16(bounds):
        lo = jnp.zeros((LANES,), jnp.int32)
        hi = jnp.full((LANES,), B, jnp.int32)
        for _ in range(15):
            live = lo < hi
            mid = lax.div(lo + hi, jnp.int32(2))
            vals = plsc.load_gather(
                idx_v, [jnp.minimum(mid, jnp.int32(B - 1))])
            pred = live & (vals < bounds)
            lo = jnp.where(pred, mid + 1, lo)
            hi = jnp.where(live & jnp.logical_not(vals < bounds), mid, hi)
        return lo

    q0 = search16(start + lane_iota * W)
    q1 = search16(start + (LANES + lane_iota) * W)

    def extract(k):
        e0 = lax.reduce_max(
            jnp.where(lane_iota == k, q0, jnp.int32(0)), axes=(0,))
        e1 = lax.reduce_max(
            jnp.where(lane_iota == k - LANES, q1, jnp.int32(0)), axes=(0,))
        return jnp.where(k < LANES, e0, e1)

    bufs = (b0, b1, b2, b3)
    vcs = (vc0, vc1)
    cols = [m * LANES + lane_iota for m in range(D // LANES)]

    def win_rows(k):
        return pl.multiple_of(start + k * W, 8)

    def chunk_start(j):
        return pl.multiple_of(
            jnp.minimum(lax.div(j, jnp.int32(CH)) * CH, jnp.int32(B - CH)), 8)

    pltpu.async_copy(var_hbm.at[pl.ds(win_rows(0), W), :], bufs[0],
                     isems.at[0])
    pltpu.async_copy(var_hbm.at[pl.ds(win_rows(1), W), :], bufs[1],
                     isems.at[1])
    jb0 = extract(jnp.int32(0))
    pltpu.async_copy(value_hbm.at[pl.ds(chunk_start(jb0), CH), :],
                     vcs[0], vsems.at[0])

    def process_chunk(buf, vc, kk, w, jlo, jhi):
        @pl.when(alpha_s != 1.0)
        def _():
            @pl.loop(0, CH)
            def _(r):
                for m in range(D // LANES):
                    sl = pl.ds(m * LANES, LANES)
                    vc[r, sl] = vc[r, sl] * avec

        lo_c = jnp.maximum(jlo, kk)
        hi_c = jnp.minimum(jhi, kk + CH)

        def j_body(j, _):
            jr = j - kk
            grp = lax.div(jr, jnp.int32(LANES)) * LANES
            iv = idx_v[pl.ds(kk + grp, LANES)]
            rowv = _bcast16(iv, jr - grp) - w
            mask = (rowv >= 0) & (rowv < W)
            rowc = jnp.clip(rowv, 0, W - 1)
            for m in range(D // LANES):
                x = vc[jr, pl.ds(m * LANES, LANES)]
                plsc.addupdate_scatter(buf, [rowc, cols[m]], x, mask=mask)
            return 0

        lax.fori_loop(lo_c, hi_c, j_body, 0)

    @pl.loop(0, NW // NBUF)
    def _(g):
        for bslot in range(NBUF):
            k = g * NBUF + bslot
            buf = bufs[bslot]
            vslot = bslot % 2
            vc = vcs[vslot]
            w = win_rows(k)

            @pl.when(k + 2 < NW)
            def _():
                nslot = (bslot + 2) % NBUF

                @pl.when(k >= 2)
                def _():
                    pltpu.make_async_copy(
                        bufs[nslot],
                        out_hbm.at[pl.ds(win_rows(k - 2), W), :],
                        wsems.at[nslot]).wait()

                pltpu.async_copy(
                    var_hbm.at[pl.ds(win_rows(k + 2), W), :],
                    bufs[nslot], isems.at[nslot])

            jlo = extract(k)
            jhi = extract(k + 1)
            kk0 = chunk_start(jlo)

            @pl.when(k + 1 < NW)
            def _():
                pltpu.async_copy(
                    value_hbm.at[pl.ds(chunk_start(jhi), CH), :],
                    vcs[(vslot + 1) % 2], vsems.at[(vslot + 1) % 2])

            pltpu.make_async_copy(
                var_hbm.at[pl.ds(w, W), :], buf, isems.at[bslot]).wait()
            pltpu.make_async_copy(
                value_hbm.at[pl.ds(kk0, CH), :], vc, vsems.at[vslot]).wait()

            @pl.when(jlo < jhi)
            def _():
                process_chunk(buf, vc, kk0, w, jlo, jhi)

                def extra_body(kk):
                    kk = pl.multiple_of(kk, 8)
                    pltpu.sync_copy(value_hbm.at[pl.ds(kk, CH), :], vc)
                    process_chunk(buf, vc, kk, w, jlo, jhi)
                    return kk + CH

                lax.while_loop(lambda kk: kk < jhi, extra_body, kk0 + CH)

            pltpu.async_copy(buf, out_hbm.at[pl.ds(w, W), :],
                             wsems.at[bslot])

    for k in range(NW - NBUF, NW):
        pltpu.make_async_copy(
            bufs[k % NBUF],
            out_hbm.at[pl.ds(win_rows(k), W), :],
            wsems.at[k % NBUF]).wait()


def kernel(var, value, sorted_indices, pos, alpha):
    del pos
    alpha_vec = jnp.broadcast_to(
        jnp.asarray(alpha, jnp.float32).reshape(1), (LANES,))

    cp = pltpu.CompilerParams()
    if "needs_layout_passes" in pltpu.CompilerParams.__dataclass_fields__:
        cp = dataclasses.replace(cp, needs_layout_passes=False)

    mesh = plsc.VectorSubcoreMesh(core_axis_name="c", subcore_axis_name="s")
    run = pl.kernel(
        _scatter_add_kernel,
        out_type=jax.ShapeDtypeStruct((M, D), jnp.float32),
        mesh=mesh,
        scratch_types=[
            pltpu.VMEM((W, D), jnp.float32),
            pltpu.VMEM((W, D), jnp.float32),
            pltpu.VMEM((W, D), jnp.float32),
            pltpu.VMEM((W, D), jnp.float32),
            pltpu.VMEM((B,), jnp.int32),
            pltpu.VMEM((CH, D), jnp.float32),
            pltpu.VMEM((CH, D), jnp.float32),
            pltpu.VMEM((LANES,), jnp.float32),
            pltpu.SemaphoreType.DMA((NBUF,)),
            pltpu.SemaphoreType.DMA((NBUF,)),
            pltpu.SemaphoreType.DMA((2,)),
        ],
        compiler_params=cp,
    )
    return run(var, value, sorted_indices.astype(jnp.int32), alpha_vec)

# --- scband reference (transcript-rebuilt; emitter-appended) ---
"""Pipeline reference for scband-model-22265110462495 (READ-ONLY COPY).

The authoritative reference and input builder live on the scoring server;
editing this copy changes nothing except your own understanding.
"""

import jax, jax.numpy as jnp
import numpy as np

M = 100000
B = 16384
D = 128

def setup_inputs(seed=0) -> dict:
    key = jax.random.key(seed)
    k1, k2, k3, k4 = jax.random.split(key, 4)
    var = jax.random.normal(k1, (M, D), dtype=jnp.float32)
    value = jax.random.normal(k2, (B, D), dtype=jnp.float32)
    sorted_indices = jnp.sort(jax.random.randint(k3, (B,), 0, M, dtype=jnp.int32))
    pos = jax.random.randint(k4, (B,), 0, B, dtype=jnp.int32)
    alpha = jnp.asarray(1.0, dtype=jnp.float32)
    return {"var": var, "value": value, "sorted_indices": sorted_indices, "pos": pos, "alpha": alpha}

def reference(var, value, sorted_indices, pos, alpha=1.0):
    # InplaceIndexAddWithSorted along axis 0: out = var.clone(); out.index_add_(0, idx, value, alpha)
    # pos is accepted but unused in the computation (faithful to the torch module).
    out = var.at[sorted_indices].add(value * alpha)
    return out

if __name__ == "__main__":
    import jax
    _d = setup_inputs()
    print(jax.jit(kernel)(*tuple(_d.values())))

</pallas_src>

<mosaic_0001>
#map = affine_map<(d0, d1) -> (0, 0)>
#map1 = affine_map<(d0, d1) -> (0)>
module attributes {stable_mosaic.version = 14 : i64} {
  func.func @_scatter_add_kernel(%arg0: i32, %arg1: i32, %arg2: memref<100000x128xf32, #tpu.memory_space<hbm>>, %arg3: memref<16384x128xf32, #tpu.memory_space<hbm>>, %arg4: memref<16384xi32, #tpu.memory_space<hbm>>, %arg5: memref<16xf32, #tpu.memory_space<hbm>>, %arg6: memref<100000x128xf32, #tpu.memory_space<hbm>>, %arg7: memref<160x128xf32, #tpu.memory_space<vmem>>, %arg8: memref<160x128xf32, #tpu.memory_space<vmem>>, %arg9: memref<160x128xf32, #tpu.memory_space<vmem>>, %arg10: memref<160x128xf32, #tpu.memory_space<vmem>>, %arg11: memref<16384xi32, #tpu.memory_space<vmem>>, %arg12: memref<64x128xf32, #tpu.memory_space<vmem>>, %arg13: memref<64x128xf32, #tpu.memory_space<vmem>>, %arg14: memref<16xf32, #tpu.memory_space<vmem>>, %arg15: memref<4x!tpu.dma_semaphore, #tpu.memory_space<semaphore_mem>>, %arg16: memref<4x!tpu.dma_semaphore, #tpu.memory_space<semaphore_mem>>, %arg17: memref<2x!tpu.dma_semaphore, #tpu.memory_space<semaphore_mem>>) attributes {dimension_semantics = [#tpu.dimension_semantics<core_parallel>, #tpu.dimension_semantics<subcore_parallel>], iteration_bounds = array<i64: 2, 16>, scalar_prefetch = 0 : i64, scratch_operands = 11 : i64, tpu.core_type = #tpu.core_type<sc_vector_subcore>, window_params = [{transform_indices = #map}, {transform_indices = #map}, {transform_indices = #map1}, {transform_indices = #map1}, {transform_indices = #map}]} {
    %mul3A = arith.constant 2 : i32
    %mul3A_0 = arith.muli %arg1, %mul3A : i32
    %add3A = arith.addi %mul3A_0, %arg0 : i32
    "tpu.region"() ({
      %run_scoped3A = tpu.sem_alloc : memref<!tpu.dma_semaphore, #tpu.memory_space<semaphore_mem>>
      tpu.enqueue_dma source(%arg4 : memref<16384xi32, #tpu.memory_space<hbm>>) target(%arg11 : memref<16384xi32, #tpu.memory_space<vmem>>) target_semaphore(%run_scoped3A : memref<!tpu.dma_semaphore, #tpu.memory_space<semaphore_mem>>)
      tpu.wait_dma2 semaphore(%run_scoped3A : memref<!tpu.dma_semaphore, #tpu.memory_space<semaphore_mem>>) src(%arg4 : memref<16384xi32, #tpu.memory_space<hbm>>) dst(%arg11 : memref<16384xi32, #tpu.memory_space<vmem>>)
      tpu.yield
    }) : () -> ()
    "tpu.region"() ({
      %run_scoped3A = tpu.sem_alloc : memref<!tpu.dma_semaphore, #tpu.memory_space<semaphore_mem>>
      tpu.enqueue_dma source(%arg5 : memref<16xf32, #tpu.memory_space<hbm>>) target(%arg14 : memref<16xf32, #tpu.memory_space<vmem>>) target_semaphore(%run_scoped3A : memref<!tpu.dma_semaphore, #tpu.memory_space<semaphore_mem>>)
      tpu.wait_dma2 semaphore(%run_scoped3A : memref<!tpu.dma_semaphore, #tpu.memory_space<semaphore_mem>>) src(%arg5 : memref<16xf32, #tpu.memory_space<hbm>>) dst(%arg14 : memref<16xf32, #tpu.memory_space<vmem>>)
      tpu.yield
    }) : () -> ()
    %get3A = arith.constant 0 : index
    %get3A_1 = tpu.vector_load %arg14[%get3A] {strides = array<i32>} : memref<16xf32, #tpu.memory_space<vmem>>, vector<16xf32>,
    %reduce_max3A = arith.constant true
    %reduce_max3A_2 = vector.broadcast %reduce_max3A : i1 to vector<16xi1>
    %reduce_max3A_3 = tpu.scan <max>, %get3A_1 masked %reduce_max3A_2 : vector<16xf32>, vector<16xi1> -> vector<16xf32>
    %reduce_max3A_4 = vector.extract %reduce_max3A_3[15] : f32 from vector<16xf32>
    %iota3A = tpu.iota {dimensions = array<i32: 0>} : vector<16xi32>
    %mul3A_5 = arith.constant 3200 : i32
    %mul3A_6 = arith.muli %add3A, %mul3A_5 : i32
    %min3A = arith.constant 96800 : i32
    %min3A_7 = arith.minsi %mul3A_6, %min3A : i32
    %multiple_of3A = tpu.assume_multiple %min3A_7, 8 : i32
    %mul3A_8 = arith.constant 160 : i32
    %mul3A_9 = vector.broadcast %mul3A_8 : i32 to vector<16xi32>
    %mul3A_10 = arith.muli %iota3A, %mul3A_9 : vector<16xi32>
    %add3A_11 = vector.broadcast %multiple_of3A : i32 to vector<16xi32>
    %add3A_12 = arith.addi %add3A_11, %mul3A_10 : vector<16xi32>
    %broadcast_in_dim3A = arith.constant 0 : i32
    %broadcast_in_dim3A_13 = vector.broadcast %broadcast_in_dim3A : i32 to vector<16xi32>
    %broadcast_in_dim3A_14 = arith.constant 16384 : i32
    %broadcast_in_dim3A_15 = vector.broadcast %broadcast_in_dim3A_14 : i32 to vector<16xi32>
    %lt3A = arith.cmpi slt, %broadcast_in_dim3A_13, %broadcast_in_dim3A_15 : vector<16xi32>
    %add3A_16 = arith.addi %broadcast_in_dim3A_13, %broadcast_in_dim3A_15 : vector<16xi32>
    %div3A = arith.constant 2 : i32
    %div3A_17 = vector.broadcast %div3A : i32 to vector<16xi32>
    %div3A_18 = arith.divsi %add3A_16, %div3A_17 : vector<16xi32>
    %min3A_19 = arith.constant 16383 : i32
    %min3A_20 = vector.broadcast %min3A_19 : i32 to vector<16xi32>
    %min3A_21 = arith.minsi %div3A_18, %min3A_20 : vector<16xi32>
    %gather3A = tpu.vector_load_idx %arg11[%min3A_21] : memref<16384xi32, #tpu.memory_space<vmem>>[vector<16xi32>], vector<16xi32>,
    %lt3A_22 = arith.cmpi slt, %gather3A, %add3A_12 : vector<16xi32>
    %and3A = arith.andi %lt3A, %lt3A_22 : vector<16xi1>
    %add3A_23 = arith.constant 1 : i32
    %add3A_24 = vector.broadcast %add3A_23 : i32 to vector<16xi32>
    %add3A_25 = arith.addi %div3A_18, %add3A_24 : vector<16xi32>
    %select_n3A = arith.select %and3A, %add3A_25, %broadcast_in_dim3A_13 : vector<16xi1>, vector<16xi32>
    %lt3A_26 = arith.cmpi slt, %gather3A, %add3A_12 : vector<16xi32>
    %not3A = arith.constant dense<true> : vector<16xi1>
    %not3A_27 = arith.xori %lt3A_26, %not3A : vector<16xi1>
    %and3A_28 = arith.andi %lt3A, %not3A_27 : vector<16xi1>
    %select_n3A_29 = arith.select %and3A_28, %div3A_18, %broadcast_in_dim3A_15 : vector<16xi1>, vector<16xi32>
    %lt3A_30 = arith.cmpi slt, %select_n3A, %select_n3A_29 : vector<16xi32>
    %add3A_31 = arith.addi %select_n3A, %select_n3A_29 : vector<16xi32>
    %div3A_32 = arith.constant 2 : i32
    %div3A_33 = vector.broadcast %div3A_32 : i32 to vector<16xi32>
    %div3A_34 = arith.divsi %add3A_31, %div3A_33 : vector<16xi32>
    %min3A_35 = arith.constant 16383 : i32
    %min3A_36 = vector.broadcast %min3A_35 : i32 to vector<16xi32>
    %min3A_37 = arith.minsi %div3A_34, %min3A_36 : vector<16xi32>
    %gather3A_38 = tpu.vector_load_idx %arg11[%min3A_37] : memref<16384xi32, #tpu.memory_space<vmem>>[vector<16xi32>], vector<16xi32>,
    %lt3A_39 = arith.cmpi slt, %gather3A_38, %add3A_12 : vector<16xi32>
    %and3A_40 = arith.andi %lt3A_30, %lt3A_39 : vector<16xi1>
    %add3A_41 = arith.constant 1 : i32
    %add3A_42 = vector.broadcast %add3A_41 : i32 to vector<16xi32>
    %add3A_43 = arith.addi %div3A_34, %add3A_42 : vector<16xi32>
    %select_n3A_44 = arith.select %and3A_40, %add3A_43, %select_n3A : vector<16xi1>, vector<16xi32>
    %lt3A_45 = arith.cmpi slt, %gather3A_38, %add3A_12 : vector<16xi32>
    %not3A_46 = arith.constant dense<true> : vector<16xi1>
    %not3A_47 = arith.xori %lt3A_45, %not3A_46 : vector<16xi1>
    %and3A_48 = arith.andi %lt3A_30, %not3A_47 : vector<16xi1>
    %select_n3A_49 = arith.select %and3A_48, %div3A_34, %select_n3A_29 : vector<16xi1>, vector<16xi32>
    %lt3A_50 = arith.cmpi slt, %select_n3A_44, %select_n3A_49 : vector<16xi32>
    %add3A_51 = arith.addi %select_n3A_44, %select_n3A_49 : vector<16xi32>
    %div3A_52 = arith.constant 2 : i32
    %div3A_53 = vector.broadcast %div3A_52 : i32 to vector<16xi32>
    %div3A_54 = arith.divsi %add3A_51, %div3A_53 : vector<16xi32>
    %min3A_55 = arith.constant 16383 : i32
    %min3A_56 = vector.broadcast %min3A_55 : i32 to vector<16xi32>
    %min3A_57 = arith.minsi %div3A_54, %min3A_56 : vector<16xi32>
    %gather3A_58 = tpu.vector_load_idx %arg11[%min3A_57] : memref<16384xi32, #tpu.memory_space<vmem>>[vector<16xi32>], vector<16xi32>,
    %lt3A_59 = arith.cmpi slt, %gather3A_58, %add3A_12 : vector<16xi32>
    %and3A_60 = arith.andi %lt3A_50, %lt3A_59 : vector<16xi1>
    %add3A_61 = arith.constant 1 : i32
    %add3A_62 = vector.broadcast %add3A_61 : i32 to vector<16xi32>
    %add3A_63 = arith.addi %div3A_54, %add3A_62 : vector<16xi32>
    %select_n3A_64 = arith.select %and3A_60, %add3A_63, %select_n3A_44 : vector<16xi1>, vector<16xi32>
    %lt3A_65 = arith.cmpi slt, %gather3A_58, %add3A_12 : vector<16xi32>
    %not3A_66 = arith.constant dense<true> : vector<16xi1>
    %not3A_67 = arith.xori %lt3A_65, %not3A_66 : vector<16xi1>
    %and3A_68 = arith.andi %lt3A_50, %not3A_67 : vector<16xi1>
    %select_n3A_69 = arith.select %and3A_68, %div3A_54, %select_n3A_49 : vector<16xi1>, vector<16xi32>
    %lt3A_70 = arith.cmpi slt, %select_n3A_64, %select_n3A_69 : vector<16xi32>
    %add3A_71 = arith.addi %select_n3A_64, %select_n3A_69 : vector<16xi32>
    %div3A_72 = arith.constant 2 : i32
    %div3A_73 = vector.broadcast %div3A_72 : i32 to vector<16xi32>
    %div3A_74 = arith.divsi %add3A_71, %div3A_73 : vector<16xi32>
    %min3A_75 = arith.constant 16383 : i32
    %min3A_76 = vector.broadcast %min3A_75 : i32 to vector<16xi32>
    %min3A_77 = arith.minsi %div3A_74, %min3A_76 : vector<16xi32>
    %gather3A_78 = tpu.vector_load_idx %arg11[%min3A_77] : memref<16384xi32, #tpu.memory_space<vmem>>[vector<16xi32>], vector<16xi32>,
    %lt3A_79 = arith.cmpi slt, %gather3A_78, %add3A_12 : vector<16xi32>
    %and3A_80 = arith.andi %lt3A_70, %lt3A_79 : vector<16xi1>
    %add3A_81 = arith.constant 1 : i32
    %add3A_82 = vector.broadcast %add3A_81 : i32 to vector<16xi32>
    %add3A_83 = arith.addi %div3A_74, %add3A_82 : vector<16xi32>
    %select_n3A_84 = arith.select %and3A_80, %add3A_83, %select_n3A_64 : vector<16xi1>, vector<16xi32>
    %lt3A_85 = arith.cmpi slt, %gather3A_78, %add3A_12 : vector<16xi32>
    %not3A_86 = arith.constant dense<true> : vector<16xi1>
    %not3A_87 = arith.xori %lt3A_85, %not3A_86 : vector<16xi1>
    %and3A_88 = arith.andi %lt3A_70, %not3A_87 : vector<16xi1>
    %select_n3A_89 = arith.select %and3A_88, %div3A_74, %select_n3A_69 : vector<16xi1>, vector<16xi32>
    %lt3A_90 = arith.cmpi slt, %select_n3A_84, %select_n3A_89 : vector<16xi32>
    %add3A_91 = arith.addi %select_n3A_84, %select_n3A_89 : vector<16xi32>
    %div3A_92 = arith.constant 2 : i32
    %div3A_93 = vector.broadcast %div3A_92 : i32 to vector<16xi32>
    %div3A_94 = arith.divsi %add3A_91, %div3A_93 : vector<16xi32>
    %min3A_95 = arith.constant 16383 : i32
    %min3A_96 = vector.broadcast %min3A_95 : i32 to vector<16xi32>
    %min3A_97 = arith.minsi %div3A_94, %min3A_96 : vector<16xi32>
    %gather3A_98 = tpu.vector_load_idx %arg11[%min3A_97] : memref<16384xi32, #tpu.memory_space<vmem>>[vector<16xi32>], vector<16xi32>,
    %lt3A_99 = arith.cmpi slt, %gather3A_98, %add3A_12 : vector<16xi32>
    %and3A_100 = arith.andi %lt3A_90, %lt3A_99 : vector<16xi1>
    %add3A_101 = arith.constant 1 : i32
    %add3A_102 = vector.broadcast %add3A_101 : i32 to vector<16xi32>
    %add3A_103 = arith.addi %div3A_94, %add3A_102 : vector<16xi32>
    %select_n3A_104 = arith.select %and3A_100, %add3A_103, %select_n3A_84 : vector<16xi1>, vector<16xi32>
    %lt3A_105 = arith.cmpi slt, %gather3A_98, %add3A_12 : vector<16xi32>
    %not3A_106 = arith.constant dense<true> : vector<16xi1>
    %not3A_107 = arith.xori %lt3A_105, %not3A_106 : vector<16xi1>
    %and3A_108 = arith.andi %lt3A_90, %not3A_107 : vector<16xi1>
    %select_n3A_109 = arith.select %and3A_108, %div3A_94, %select_n3A_89 : vector<16xi1>, vector<16xi32>
    %lt3A_110 = arith.cmpi slt, %select_n3A_104, %select_n3A_109 : vector<16xi32>
    %add3A_111 = arith.addi %select_n3A_104, %select_n3A_109 : vector<16xi32>
    %div3A_112 = arith.constant 2 : i32
    %div3A_113 = vector.broadcast %div3A_112 : i32 to vector<16xi32>
    %div3A_114 = arith.divsi %add3A_111, %div3A_113 : vector<16xi32>
    %min3A_115 = arith.constant 16383 : i32
    %min3A_116 = vector.broadcast %min3A_115 : i32 to vector<16xi32>
    %min3A_117 = arith.minsi %div3A_114, %min3A_116 : vector<16xi32>
    %gather3A_118 = tpu.vector_load_idx %arg11[%min3A_117] : memref<16384xi32, #tpu.memory_space<vmem>>[vector<16xi32>], vector<16xi32>,
    %lt3A_119 = arith.cmpi slt, %gather3A_118, %add3A_12 : vector<16xi32>
    %and3A_120 = arith.andi %lt3A_110, %lt3A_119 : vector<16xi1>
    %add3A_121 = arith.constant 1 : i32
    %add3A_122 = vector.broadcast %add3A_121 : i32 to vector<16xi32>
    %add3A_123 = arith.addi %div3A_114, %add3A_122 : vector<16xi32>
    %select_n3A_124 = arith.select %and3A_120, %add3A_123, %select_n3A_104 : vector<16xi1>, vector<16xi32>
    %lt3A_125 = arith.cmpi slt, %gather3A_118, %add3A_12 : vector<16xi32>
    %not3A_126 = arith.constant dense<true> : vector<16xi1>
    %not3A_127 = arith.xori %lt3A_125, %not3A_126 : vector<16xi1>
    %and3A_128 = arith.andi %lt3A_110, %not3A_127 : vector<16xi1>
    %select_n3A_129 = arith.select %and3A_128, %div3A_114, %select_n3A_109 : vector<16xi1>, vector<16xi32>
    %lt3A_130 = arith.cmpi slt, %select_n3A_124, %select_n3A_129 : vector<16xi32>
    %add3A_131 = arith.addi %select_n3A_124, %select_n3A_129 : vector<16xi32>
    %div3A_132 = arith.constant 2 : i32
    %div3A_133 = vector.broadcast %div3A_132 : i32 to vector<16xi32>
    %div3A_134 = arith.divsi %add3A_131, %div3A_133 : vector<16xi32>
    %min3A_135 = arith.constant 16383 : i32
    %min3A_136 = vector.broadcast %min3A_135 : i32 to vector<16xi32>
    %min3A_137 = arith.minsi %div3A_134, %min3A_136 : vector<16xi32>
    %gather3A_138 = tpu.vector_load_idx %arg11[%min3A_137] : memref<16384xi32, #tpu.memory_space<vmem>>[vector<16xi32>], vector<16xi32>,
    %lt3A_139 = arith.cmpi slt, %gather3A_138, %add3A_12 : vector<16xi32>
    %and3A_140 = arith.andi %lt3A_130, %lt3A_139 : vector<16xi1>
    %add3A_141 = arith.constant 1 : i32
    %add3A_142 = vector.broadcast %add3A_141 : i32 to vector<16xi32>
    %add3A_143 = arith.addi %div3A_134, %add3A_142 : vector<16xi32>
    %select_n3A_144 = arith.select %and3A_140, %add3A_143, %select_n3A_124 : vector<16xi1>, vector<16xi32>
    %lt3A_145 = arith.cmpi slt, %gather3A_138, %add3A_12 : vector<16xi32>
    %not3A_146 = arith.constant dense<true> : vector<16xi1>
    %not3A_147 = arith.xori %lt3A_145, %not3A_146 : vector<16xi1>
    %and3A_148 = arith.andi %lt3A_130, %not3A_147 : vector<16xi1>
    %select_n3A_149 = arith.select %and3A_148, %div3A_134, %select_n3A_129 : vector<16xi1>, vector<16xi32>
    %lt3A_150 = arith.cmpi slt, %select_n3A_144, %select_n3A_149 : vector<16xi32>
    %add3A_151 = arith.addi %select_n3A_144, %select_n3A_149 : vector<16xi32>
    %div3A_152 = arith.constant 2 : i32
    %div3A_153 = vector.broadcast %div3A_152 : i32 to vector<16xi32>
    %div3A_154 = arith.divsi %add3A_151, %div3A_153 : vector<16xi32>
    %min3A_155 = arith.constant 16383 : i32
    %min3A_156 = vector.broadcast %min3A_155 : i32 to vector<16xi32>
    %min3A_157 = arith.minsi %div3A_154, %min3A_156 : vector<16xi32>
    %gather3A_158 = tpu.vector_load_idx %arg11[%min3A_157] : memref<16384xi32, #tpu.memory_space<vmem>>[vector<16xi32>], vector<16xi32>,
    %lt3A_159 = arith.cmpi slt, %gather3A_158, %add3A_12 : vector<16xi32>
    %and3A_160 = arith.andi %lt3A_150, %lt3A_159 : vector<16xi1>
    %add3A_161 = arith.constant 1 : i32
    %add3A_162 = vector.broadcast %add3A_161 : i32 to vector<16xi32>
    %add3A_163 = arith.addi %div3A_154, %add3A_162 : vector<16xi32>
    %select_n3A_164 = arith.select %and3A_160, %add3A_163, %select_n3A_144 : vector<16xi1>, vector<16xi32>
    %lt3A_165 = arith.cmpi slt, %gather3A_158, %add3A_12 : vector<16xi32>
    %not3A_166 = arith.constant dense<true> : vector<16xi1>
    %not3A_167 = arith.xori %lt3A_165, %not3A_166 : vector<16xi1>
    %and3A_168 = arith.andi %lt3A_150, %not3A_167 : vector<16xi1>
    %select_n3A_169 = arith.select %and3A_168, %div3A_154, %select_n3A_149 : vector<16xi1>, vector<16xi32>
    %lt3A_170 = arith.cmpi slt, %select_n3A_164, %select_n3A_169 : vector<16xi32>
    %add3A_171 = arith.addi %select_n3A_164, %select_n3A_169 : vector<16xi32>
    %div3A_172 = arith.constant 2 : i32
    %div3A_173 = vector.broadcast %div3A_172 : i32 to vector<16xi32>
    %div3A_174 = arith.divsi %add3A_171, %div3A_173 : vector<16xi32>
    %min3A_175 = arith.constant 16383 : i32
    %min3A_176 = vector.broadcast %min3A_175 : i32 to vector<16xi32>
    %min3A_177 = arith.minsi %div3A_174, %min3A_176 : vector<16xi32>
    %gather3A_178 = tpu.vector_load_idx %arg11[%min3A_177] : memref<16384xi32, #tpu.memory_space<vmem>>[vector<16xi32>], vector<16xi32>,
    %lt3A_179 = arith.cmpi slt, %gather3A_178, %add3A_12 : vector<16xi32>
    %and3A_180 = arith.andi %lt3A_170, %lt3A_179 : vector<16xi1>
    %add3A_181 = arith.constant 1 : i32
    %add3A_182 = vector.broadcast %add3A_181 : i32 to vector<16xi32>
    %add3A_183 = arith.addi %div3A_174, %add3A_182 : vector<16xi32>
    %select_n3A_184 = arith.select %and3A_180, %add3A_183, %select_n3A_164 : vector<16xi1>, vector<16xi32>
    %lt3A_185 = arith.cmpi slt, %gather3A_178, %add3A_12 : vector<16xi32>
    %not3A_186 = arith.constant dense<true> : vector<16xi1>
    %not3A_187 = arith.xori %lt3A_185, %not3A_186 : vector<16xi1>
    %and3A_188 = arith.andi %lt3A_170, %not3A_187 : vector<16xi1>
    %select_n3A_189 = arith.select %and3A_188, %div3A_174, %select_n3A_169 : vector<16xi1>, vector<16xi32>
    %lt3A_190 = arith.cmpi slt, %select_n3A_184, %select_n3A_189 : vector<16xi32>
    %add3A_191 = arith.addi %select_n3A_184, %select_n3A_189 : vector<16xi32>
    %div3A_192 = arith.constant 2 : i32
    %div3A_193 = vector.broadcast %div3A_192 : i32 to vector<16xi32>
    %div3A_194 = arith.divsi %add3A_191, %div3A_193 : vector<16xi32>
    %min3A_195 = arith.constant 16383 : i32
    %min3A_196 = vector.broadcast %min3A_195 : i32 to vector<16xi32>
    %min3A_197 = arith.minsi %div3A_194, %min3A_196 : vector<16xi32>
    %gather3A_198 = tpu.vector_load_idx %arg11[%min3A_197] : memref<16384xi32, #tpu.memory_space<vmem>>[vector<16xi32>], vector<16xi32>,
    %lt3A_199 = arith.cmpi slt, %gather3A_198, %add3A_12 : vector<16xi32>
    %and3A_200 = arith.andi %lt3A_190, %lt3A_199 : vector<16xi1>
    %add3A_201 = arith.constant 1 : i32
    %add3A_202 = vector.broadcast %add3A_201 : i32 to vector<16xi32>
    %add3A_203 = arith.addi %div3A_194, %add3A_202 : vector<16xi32>
    %select_n3A_204 = arith.select %and3A_200, %add3A_203, %select_n3A_184 : vector<16xi1>, vector<16xi32>
    %lt3A_205 = arith.cmpi slt, %gather3A_198, %add3A_12 : vector<16xi32>
    %not3A_206 = arith.constant dense<true> : vector<16xi1>
    %not3A_207 = arith.xori %lt3A_205, %not3A_206 : vector<16xi1>
    %and3A_208 = arith.andi %lt3A_190, %not3A_207 : vector<16xi1>
    %select_n3A_209 = arith.select %and3A_208, %div3A_194, %select_n3A_189 : vector<16xi1>, vector<16xi32>
    %lt3A_210 = arith.cmpi slt, %select_n3A_204, %select_n3A_209 : vector<16xi32>
    %add3A_211 = arith.addi %select_n3A_204, %select_n3A_209 : vector<16xi32>
    %div3A_212 = arith.constant 2 : i32
    %div3A_213 = vector.broadcast %div3A_212 : i32 to vector<16xi32>
    %div3A_214 = arith.divsi %add3A_211, %div3A_213 : vector<16xi32>
    %min3A_215 = arith.constant 16383 : i32
    %min3A_216 = vector.broadcast %min3A_215 : i32 to vector<16xi32>
    %min3A_217 = arith.minsi %div3A_214, %min3A_216 : vector<16xi32>
    %gather3A_218 = tpu.vector_load_idx %arg11[%min3A_217] : memref<16384xi32, #tpu.memory_space<vmem>>[vector<16xi32>], vector<16xi32>,
    %lt3A_219 = arith.cmpi slt, %gather3A_218, %add3A_12 : vector<16xi32>
    %and3A_220 = arith.andi %lt3A_210, %lt3A_219 : vector<16xi1>
    %add3A_221 = arith.constant 1 : i32
    %add3A_222 = vector.broadcast %add3A_221 : i32 to vector<16xi32>
    %add3A_223 = arith.addi %div3A_214, %add3A_222 : vector<16xi32>
    %select_n3A_224 = arith.select %and3A_220, %add3A_223, %select_n3A_204 : vector<16xi1>, vector<16xi32>
    %lt3A_225 = arith.cmpi slt, %gather3A_218, %add3A_12 : vector<16xi32>
    %not3A_226 = arith.constant dense<true> : vector<16xi1>
    %not3A_227 = arith.xori %lt3A_225, %not3A_226 : vector<16xi1>
    %and3A_228 = arith.andi %lt3A_210, %not3A_227 : vector<16xi1>
    %select_n3A_229 = arith.select %and3A_228, %div3A_214, %select_n3A_209 : vector<16xi1>, vector<16xi32>
    %lt3A_230 = arith.cmpi slt, %select_n3A_224, %select_n3A_229 : vector<16xi32>
    %add3A_231 = arith.addi %select_n3A_224, %select_n3A_229 : vector<16xi32>
    %div3A_232 = arith.constant 2 : i32
    %div3A_233 = vector.broadcast %div3A_232 : i32 to vector<16xi32>
    %div3A_234 = arith.divsi %add3A_231, %div3A_233 : vector<16xi32>
    %min3A_235 = arith.constant 16383 : i32
    %min3A_236 = vector.broadcast %min3A_235 : i32 to vector<16xi32>
    %min3A_237 = arith.minsi %div3A_234, %min3A_236 : vector<16xi32>
    %gather3A_238 = tpu.vector_load_idx %arg11[%min3A_237] : memref<16384xi32, #tpu.memory_space<vmem>>[vector<16xi32>], vector<16xi32>,
    %lt3A_239 = arith.cmpi slt, %gather3A_238, %add3A_12 : vector<16xi32>
    %and3A_240 = arith.andi %lt3A_230, %lt3A_239 : vector<16xi1>
    %add3A_241 = arith.constant 1 : i32
    %add3A_242 = vector.broadcast %add3A_241 : i32 to vector<16xi32>
    %add3A_243 = arith.addi %div3A_234, %add3A_242 : vector<16xi32>
    %select_n3A_244 = arith.select %and3A_240, %add3A_243, %select_n3A_224 : vector<16xi1>, vector<16xi32>
    %lt3A_245 = arith.cmpi slt, %gather3A_238, %add3A_12 : vector<16xi32>
    %not3A_246 = arith.constant dense<true> : vector<16xi1>
    %not3A_247 = arith.xori %lt3A_245, %not3A_246 : vector<16xi1>
    %and3A_248 = arith.andi %lt3A_230, %not3A_247 : vector<16xi1>
    %select_n3A_249 = arith.select %and3A_248, %div3A_234, %select_n3A_229 : vector<16xi1>, vector<16xi32>
    %lt3A_250 = arith.cmpi slt, %select_n3A_244, %select_n3A_249 : vector<16xi32>
    %add3A_251 = arith.addi %select_n3A_244, %select_n3A_249 : vector<16xi32>
    %div3A_252 = arith.constant 2 : i32
    %div3A_253 = vector.broadcast %div3A_252 : i32 to vector<16xi32>
    %div3A_254 = arith.divsi %add3A_251, %div3A_253 : vector<16xi32>
    %min3A_255 = arith.constant 16383 : i32
    %min3A_256 = vector.broadcast %min3A_255 : i32 to vector<16xi32>
    %min3A_257 = arith.minsi %div3A_254, %min3A_256 : vector<16xi32>
    %gather3A_258 = tpu.vector_load_idx %arg11[%min3A_257] : memref<16384xi32, #tpu.memory_space<vmem>>[vector<16xi32>], vector<16xi32>,
    %lt3A_259 = arith.cmpi slt, %gather3A_258, %add3A_12 : vector<16xi32>
    %and3A_260 = arith.andi %lt3A_250, %lt3A_259 : vector<16xi1>
    %add3A_261 = arith.constant 1 : i32
    %add3A_262 = vector.broadcast %add3A_261 : i32 to vector<16xi32>
    %add3A_263 = arith.addi %div3A_254, %add3A_262 : vector<16xi32>
    %select_n3A_264 = arith.select %and3A_260, %add3A_263, %select_n3A_244 : vector<16xi1>, vector<16xi32>
    %lt3A_265 = arith.cmpi slt, %gather3A_258, %add3A_12 : vector<16xi32>
    %not3A_266 = arith.constant dense<true> : vector<16xi1>
    %not3A_267 = arith.xori %lt3A_265, %not3A_266 : vector<16xi1>
    %and3A_268 = arith.andi %lt3A_250, %not3A_267 : vector<16xi1>
    %select_n3A_269 = arith.select %and3A_268, %div3A_254, %select_n3A_249 : vector<16xi1>, vector<16xi32>
    %lt3A_270 = arith.cmpi slt, %select_n3A_264, %select_n3A_269 : vector<16xi32>
    %add3A_271 = arith.addi %select_n3A_264, %select_n3A_269 : vector<16xi32>
    %div3A_272 = arith.constant 2 : i32
    %div3A_273 = vector.broadcast %div3A_272 : i32 to vector<16xi32>
    %div3A_274 = arith.divsi %add3A_271, %div3A_273 : vector<16xi32>
    %min3A_275 = arith.constant 16383 : i32
    %min3A_276 = vector.broadcast %min3A_275 : i32 to vector<16xi32>
    %min3A_277 = arith.minsi %div3A_274, %min3A_276 : vector<16xi32>
    %gather3A_278 = tpu.vector_load_idx %arg11[%min3A_277] : memref<16384xi32, #tpu.memory_space<vmem>>[vector<16xi32>], vector<16xi32>,
    %lt3A_279 = arith.cmpi slt, %gather3A_278, %add3A_12 : vector<16xi32>
    %and3A_280 = arith.andi %lt3A_270, %lt3A_279 : vector<16xi1>
    %add3A_281 = arith.constant 1 : i32
    %add3A_282 = vector.broadcast %add3A_281 : i32 to vector<16xi32>
    %add3A_283 = arith.addi %div3A_274, %add3A_282 : vector<16xi32>
    %select_n3A_284 = arith.select %and3A_280, %add3A_283, %select_n3A_264 : vector<16xi1>, vector<16xi32>
    %lt3A_285 = arith.cmpi slt, %gather3A_278, %add3A_12 : vector<16xi32>
    %not3A_286 = arith.constant dense<true> : vector<16xi1>
    %not3A_287 = arith.xori %lt3A_285, %not3A_286 : vector<16xi1>
    %and3A_288 = arith.andi %lt3A_270, %not3A_287 : vector<16xi1>
    %select_n3A_289 = arith.select %and3A_288, %div3A_274, %select_n3A_269 : vector<16xi1>, vector<16xi32>
    %lt3A_290 = arith.cmpi slt, %select_n3A_284, %select_n3A_289 : vector<16xi32>
    %add3A_291 = arith.addi %select_n3A_284, %select_n3A_289 : vector<16xi32>
    %div3A_292 = arith.constant 2 : i32
    %div3A_293 = vector.broadcast %div3A_292 : i32 to vector<16xi32>
    %div3A_294 = arith.divsi %add3A_291, %div3A_293 : vector<16xi32>
    %min3A_295 = arith.constant 16383 : i32
    %min3A_296 = vector.broadcast %min3A_295 : i32 to vector<16xi32>
    %min3A_297 = arith.minsi %div3A_294, %min3A_296 : vector<16xi32>
    %gather3A_298 = tpu.vector_load_idx %arg11[%min3A_297] : memref<16384xi32, #tpu.memory_space<vmem>>[vector<16xi32>], vector<16xi32>,
    %lt3A_299 = arith.cmpi slt, %gather3A_298, %add3A_12 : vector<16xi32>
    %and3A_300 = arith.andi %lt3A_290, %lt3A_299 : vector<16xi1>
    %add3A_301 = arith.constant 1 : i32
    %add3A_302 = vector.broadcast %add3A_301 : i32 to vector<16xi32>
    %add3A_303 = arith.addi %div3A_294, %add3A_302 : vector<16xi32>
    %select_n3A_304 = arith.select %and3A_300, %add3A_303, %select_n3A_284 : vector<16xi1>, vector<16xi32>
    %lt3A_305 = arith.cmpi slt, %gather3A_298, %add3A_12 : vector<16xi32>
    %not3A_306 = arith.constant dense<true> : vector<16xi1>
    %not3A_307 = arith.xori %lt3A_305, %not3A_306 : vector<16xi1>
    %and3A_308 = arith.andi %lt3A_290, %not3A_307 : vector<16xi1>
    %select_n3A_309 = arith.select %and3A_308, %div3A_294, %select_n3A_289 : vector<16xi1>, vector<16xi32>
    %add3A_310 = arith.constant 16 : i32
    %add3A_311 = vector.broadcast %add3A_310 : i32 to vector<16xi32>
    %add3A_312 = arith.addi %add3A_311, %iota3A : vector<16xi32>
    %mul3A_313 = arith.constant 160 : i32
    %mul3A_314 = vector.broadcast %mul3A_313 : i32 to vector<16xi32>
    %mul3A_315 = arith.muli %add3A_312, %mul3A_314 : vector<16xi32>
    %add3A_316 = vector.broadcast %multiple_of3A : i32 to vector<16xi32>
    %add3A_317 = arith.addi %add3A_316, %mul3A_315 : vector<16xi32>
    %broadcast_in_dim3A_318 = arith.constant 0 : i32
    %broadcast_in_dim3A_319 = vector.broadcast %broadcast_in_dim3A_318 : i32 to vector<16xi32>
    %broadcast_in_dim3A_320 = arith.constant 16384 : i32
    %broadcast_in_dim3A_321 = vector.broadcast %broadcast_in_dim3A_320 : i32 to vector<16xi32>
    %lt3A_322 = arith.cmpi slt, %broadcast_in_dim3A_319, %broadcast_in_dim3A_321 : vector<16xi32>
    %add3A_323 = arith.addi %broadcast_in_dim3A_319, %broadcast_in_dim3A_321 : vector<16xi32>
    %div3A_324 = arith.constant 2 : i32
    %div3A_325 = vector.broadcast %div3A_324 : i32 to vector<16xi32>
    %div3A_326 = arith.divsi %add3A_323, %div3A_325 : vector<16xi32>
    %min3A_327 = arith.constant 16383 : i32
    %min3A_328 = vector.broadcast %min3A_327 : i32 to vector<16xi32>
    %min3A_329 = arith.minsi %div3A_326, %min3A_328 : vector<16xi32>
    %gather3A_330 = tpu.vector_load_idx %arg11[%min3A_329] : memref<16384xi32, #tpu.memory_space<vmem>>[vector<16xi32>], vector<16xi32>,
    %lt3A_331 = arith.cmpi slt, %gather3A_330, %add3A_317 : vector<16xi32>
    %and3A_332 = arith.andi %lt3A_322, %lt3A_331 : vector<16xi1>
    %add3A_333 = arith.constant 1 : i32
    %add3A_334 = vector.broadcast %add3A_333 : i32 to vector<16xi32>
    %add3A_335 = arith.addi %div3A_326, %add3A_334 : vector<16xi32>
    %select_n3A_336 = arith.select %and3A_332, %add3A_335, %broadcast_in_dim3A_319 : vector<16xi1>, vector<16xi32>
    %lt3A_337 = arith.cmpi slt, %gather3A_330, %add3A_317 : vector<16xi32>
    %not3A_338 = arith.constant dense<true> : vector<16xi1>
    %not3A_339 = arith.xori %lt3A_337, %not3A_338 : vector<16xi1>
    %and3A_340 = arith.andi %lt3A_322, %not3A_339 : vector<16xi1>
    %select_n3A_341 = arith.select %and3A_340, %div3A_326, %broadcast_in_dim3A_321 : vector<16xi1>, vector<16xi32>
    %lt3A_342 = arith.cmpi slt, %select_n3A_336, %select_n3A_341 : vector<16xi32>
    %add3A_343 = arith.addi %select_n3A_336, %select_n3A_341 : vector<16xi32>
    %div3A_344 = arith.constant 2 : i32
    %div3A_345 = vector.broadcast %div3A_344 : i32 to vector<16xi32>
    %div3A_346 = arith.divsi %add3A_343, %div3A_345 : vector<16xi32>
    %min3A_347 = arith.constant 16383 : i32
    %min3A_348 = vector.broadcast %min3A_347 : i32 to vector<16xi32>
    %min3A_349 = arith.minsi %div3A_346, %min3A_348 : vector<16xi32>
    %gather3A_350 = tpu.vector_load_idx %arg11[%min3A_349] : memref<16384xi32, #tpu.memory_space<vmem>>[vector<16xi32>], vector<16xi32>,
    %lt3A_351 = arith.cmpi slt, %gather3A_350, %add3A_317 : vector<16xi32>
    %and3A_352 = arith.andi %lt3A_342, %lt3A_351 : vector<16xi1>
    %add3A_353 = arith.constant 1 : i32
    %add3A_354 = vector.broadcast %add3A_353 : i32 to vector<16xi32>
    %add3A_355 = arith.addi %div3A_346, %add3A_354 : vector<16xi32>
    %select_n3A_356 = arith.select %and3A_352, %add3A_355, %select_n3A_336 : vector<16xi1>, vector<16xi32>
    %lt3A_357 = arith.cmpi slt, %gather3A_350, %add3A_317 : vector<16xi32>
    %not3A_358 = arith.constant dense<true> : vector<16xi1>
    %not3A_359 = arith.xori %lt3A_357, %not3A_358 : vector<16xi1>
    %and3A_360 = arith.andi %lt3A_342, %not3A_359 : vector<16xi1>
    %select_n3A_361 = arith.select %and3A_360, %div3A_346, %select_n3A_341 : vector<16xi1>, vector<16xi32>
    %lt3A_362 = arith.cmpi slt, %select_n3A_356, %select_n3A_361 : vector<16xi32>
    %add3A_363 = arith.addi %select_n3A_356, %select_n3A_361 : vector<16xi32>
    %div3A_364 = arith.constant 2 : i32
    %div3A_365 = vector.broadcast %div3A_364 : i32 to vector<16xi32>
    %div3A_366 = arith.divsi %add3A_363, %div3A_365 : vector<16xi32>
    %min3A_367 = arith.constant 16383 : i32
    %min3A_368 = vector.broadcast %min3A_367 : i32 to vector<16xi32>
    %min3A_369 = arith.minsi %div3A_366, %min3A_368 : vector<16xi32>
    %gather3A_370 = tpu.vector_load_idx %arg11[%min3A_369] : memref<16384xi32, #tpu.memory_space<vmem>>[vector<16xi32>], vector<16xi32>,
    %lt3A_371 = arith.cmpi slt, %gather3A_370, %add3A_317 : vector<16xi32>
    %and3A_372 = arith.andi %lt3A_362, %lt3A_371 : vector<16xi1>
    %add3A_373 = arith.constant 1 : i32
    %add3A_374 = vector.broadcast %add3A_373 : i32 to vector<16xi32>
    %add3A_375 = arith.addi %div3A_366, %add3A_374 : vector<16xi32>
    %select_n3A_376 = arith.select %and3A_372, %add3A_375, %select_n3A_356 : vector<16xi1>, vector<16xi32>
    %lt3A_377 = arith.cmpi slt, %gather3A_370, %add3A_317 : vector<16xi32>
    %not3A_378 = arith.constant dense<true> : vector<16xi1>
    %not3A_379 = arith.xori %lt3A_377, %not3A_378 : vector<16xi1>
    %and3A_380 = arith.andi %lt3A_362, %not3A_379 : vector<16xi1>
    %select_n3A_381 = arith.select %and3A_380, %div3A_366, %select_n3A_361 : vector<16xi1>, vector<16xi32>
    %lt3A_382 = arith.cmpi slt, %select_n3A_376, %select_n3A_381 : vector<16xi32>
    %add3A_383 = arith.addi %select_n3A_376, %select_n3A_381 : vector<16xi32>
    %div3A_384 = arith.constant 2 : i32
    %div3A_385 = vector.broadcast %div3A_384 : i32 to vector<16xi32>
    %div3A_386 = arith.divsi %add3A_383, %div3A_385 : vector<16xi32>
    %min3A_387 = arith.constant 16383 : i32
    %min3A_388 = vector.broadcast %min3A_387 : i32 to vector<16xi32>
    %min3A_389 = arith.minsi %div3A_386, %min3A_388 : vector<16xi32>
    %gather3A_390 = tpu.vector_load_idx %arg11[%min3A_389] : memref<16384xi32, #tpu.memory_space<vmem>>[vector<16xi32>], vector<16xi32>,
    %lt3A_391 = arith.cmpi slt, %gather3A_390, %add3A_317 : vector<16xi32>
    %and3A_392 = arith.andi %lt3A_382, %lt3A_391 : vector<16xi1>
    %add3A_393 = arith.constant 1 : i32
    %add3A_394 = vector.broadcast %add3A_393 : i32 to vector<16xi32>
    %add3A_395 = arith.addi %div3A_386, %add3A_394 : vector<16xi32>
    %select_n3A_396 = arith.select %and3A_392, %add3A_395, %select_n3A_376 : vector<16xi1>, vector<16xi32>
    %lt3A_397 = arith.cmpi slt, %gather3A_390, %add3A_317 : vector<16xi32>
    %not3A_398 = arith.constant dense<true> : vector<16xi1>
    %not3A_399 = arith.xori %lt3A_397, %not3A_398 : vector<16xi1>
    %and3A_400 = arith.andi %lt3A_382, %not3A_399 : vector<16xi1>
    %select_n3A_401 = arith.select %and3A_400, %div3A_386, %select_n3A_381 : vector<16xi1>, vector<16xi32>
    %lt3A_402 = arith.cmpi slt, %select_n3A_396, %select_n3A_401 : vector<16xi32>
    %add3A_403 = arith.addi %select_n3A_396, %select_n3A_401 : vector<16xi32>
    %div3A_404 = arith.constant 2 : i32
    %div3A_405 = vector.broadcast %div3A_404 : i32 to vector<16xi32>
    %div3A_406 = arith.divsi %add3A_403, %div3A_405 : vector<16xi32>
    %min3A_407 = arith.constant 16383 : i32
    %min3A_408 = vector.broadcast %min3A_407 : i32 to vector<16xi32>
    %min3A_409 = arith.minsi %div3A_406, %min3A_408 : vector<16xi32>
    %gather3A_410 = tpu.vector_load_idx %arg11[%min3A_409] : memref<16384xi32, #tpu.memory_space<vmem>>[vector<16xi32>], vector<16xi32>,
    %lt3A_411 = arith.cmpi slt, %gather3A_410, %add3A_317 : vector<16xi32>
    %and3A_412 = arith.andi %lt3A_402, %lt3A_411 : vector<16xi1>
    %add3A_413 = arith.constant 1 : i32
    %add3A_414 = vector.broadcast %add3A_413 : i32 to vector<16xi32>
    %add3A_415 = arith.addi %div3A_406, %add3A_414 : vector<16xi32>
    %select_n3A_416 = arith.select %and3A_412, %add3A_415, %select_n3A_396 : vector<16xi1>, vector<16xi32>
    %lt3A_417 = arith.cmpi slt, %gather3A_410, %add3A_317 : vector<16xi32>
    %not3A_418 = arith.constant dense<true> : vector<16xi1>
    %not3A_419 = arith.xori %lt3A_417, %not3A_418 : vector<16xi1>
    %and3A_420 = arith.andi %lt3A_402, %not3A_419 : vector<16xi1>
    %select_n3A_421 = arith.select %and3A_420, %div3A_406, %select_n3A_401 : vector<16xi1>, vector<16xi32>
    %lt3A_422 = arith.cmpi slt, %select_n3A_416, %select_n3A_421 : vector<16xi32>
    %add3A_423 = arith.addi %select_n3A_416, %select_n3A_421 : vector<16xi32>
    %div3A_424 = arith.constant 2 : i32
    %div3A_425 = vector.broadcast %div3A_424 : i32 to vector<16xi32>
    %div3A_426 = arith.divsi %add3A_423, %div3A_425 : vector<16xi32>
    %min3A_427 = arith.constant 16383 : i32
    %min3A_428 = vector.broadcast %min3A_427 : i32 to vector<16xi32>
    %min3A_429 = arith.minsi %div3A_426, %min3A_428 : vector<16xi32>
    %gather3A_430 = tpu.vector_load_idx %arg11[%min3A_429] : memref<16384xi32, #tpu.memory_space<vmem>>[vector<16xi32>], vector<16xi32>,
    %lt3A_431 = arith.cmpi slt, %gather3A_430, %add3A_317 : vector<16xi32>
    %and3A_432 = arith.andi %lt3A_422, %lt3A_431 : vector<16xi1>
    %add3A_433 = arith.constant 1 : i32
    %add3A_434 = vector.broadcast %add3A_433 : i32 to vector<16xi32>
    %add3A_435 = arith.addi %div3A_426, %add3A_434 : vector<16xi32>
    %select_n3A_436 = arith.select %and3A_432, %add3A_435, %select_n3A_416 : vector<16xi1>, vector<16xi32>
    %lt3A_437 = arith.cmpi slt, %gather3A_430, %add3A_317 : vector<16xi32>
    %not3A_438 = arith.constant dense<true> : vector<16xi1>
    %not3A_439 = arith.xori %lt3A_437, %not3A_438 : vector<16xi1>
    %and3A_440 = arith.andi %lt3A_422, %not3A_439 : vector<16xi1>
    %select_n3A_441 = arith.select %and3A_440, %div3A_426, %select_n3A_421 : vector<16xi1>, vector<16xi32>
    %lt3A_442 = arith.cmpi slt, %select_n3A_436, %select_n3A_441 : vector<16xi32>
    %add3A_443 = arith.addi %select_n3A_436, %select_n3A_441 : vector<16xi32>
    %div3A_444 = arith.constant 2 : i32
    %div3A_445 = vector.broadcast %div3A_444 : i32 to vector<16xi32>
    %div3A_446 = arith.divsi %add3A_443, %div3A_445 : vector<16xi32>
    %min3A_447 = arith.constant 16383 : i32
    %min3A_448 = vector.broadcast %min3A_447 : i32 to vector<16xi32>
    %min3A_449 = arith.minsi %div3A_446, %min3A_448 : vector<16xi32>
    %gather3A_450 = tpu.vector_load_idx %arg11[%min3A_449] : memref<16384xi32, #tpu.memory_space<vmem>>[vector<16xi32>], vector<16xi32>,
    %lt3A_451 = arith.cmpi slt, %gather3A_450, %add3A_317 : vector<16xi32>
    %and3A_452 = arith.andi %lt3A_442, %lt3A_451 : vector<16xi1>
    %add3A_453 = arith.constant 1 : i32
    %add3A_454 = vector.broadcast %add3A_453 : i32 to vector<16xi32>
    %add3A_455 = arith.addi %div3A_446, %add3A_454 : vector<16xi32>
    %select_n3A_456 = arith.select %and3A_452, %add3A_455, %select_n3A_436 : vector<16xi1>, vector<16xi32>
    %lt3A_457 = arith.cmpi slt, %gather3A_450, %add3A_317 : vector<16xi32>
    %not3A_458 = arith.constant dense<true> : vector<16xi1>
    %not3A_459 = arith.xori %lt3A_457, %not3A_458 : vector<16xi1>
    %and3A_460 = arith.andi %lt3A_442, %not3A_459 : vector<16xi1>
    %select_n3A_461 = arith.select %and3A_460, %div3A_446, %select_n3A_441 : vector<16xi1>, vector<16xi32>
    %lt3A_462 = arith.cmpi slt, %select_n3A_456, %select_n3A_461 : vector<16xi32>
    %add3A_463 = arith.addi %select_n3A_456, %select_n3A_461 : vector<16xi32>
    %div3A_464 = arith.constant 2 : i32
    %div3A_465 = vector.broadcast %div3A_464 : i32 to vector<16xi32>
    %div3A_466 = arith.divsi %add3A_463, %div3A_465 : vector<16xi32>
    %min3A_467 = arith.constant 16383 : i32
    %min3A_468 = vector.broadcast %min3A_467 : i32 to vector<16xi32>
    %min3A_469 = arith.minsi %div3A_466, %min3A_468 : vector<16xi32>
    %gather3A_470 = tpu.vector_load_idx %arg11[%min3A_469] : memref<16384xi32, #tpu.memory_space<vmem>>[vector<16xi32>], vector<16xi32>,
    %lt3A_471 = arith.cmpi slt, %gather3A_470, %add3A_317 : vector<16xi32>
    %and3A_472 = arith.andi %lt3A_462, %lt3A_471 : vector<16xi1>
    %add3A_473 = arith.constant 1 : i32
    %add3A_474 = vector.broadcast %add3A_473 : i32 to vector<16xi32>
    %add3A_475 = arith.addi %div3A_466, %add3A_474 : vector<16xi32>
    %select_n3A_476 = arith.select %and3A_472, %add3A_475, %select_n3A_456 : vector<16xi1>, vector<16xi32>
    %lt3A_477 = arith.cmpi slt, %gather3A_470, %add3A_317 : vector<16xi32>
    %not3A_478 = arith.constant dense<true> : vector<16xi1>
    %not3A_479 = arith.xori %lt3A_477, %not3A_478 : vector<16xi1>
    %and3A_480 = arith.andi %lt3A_462, %not3A_479 : vector<16xi1>
    %select_n3A_481 = arith.select %and3A_480, %div3A_466, %select_n3A_461 : vector<16xi1>, vector<16xi32>
    %lt3A_482 = arith.cmpi slt, %select_n3A_476, %select_n3A_481 : vector<16xi32>
    %add3A_483 = arith.addi %select_n3A_476, %select_n3A_481 : vector<16xi32>
    %div3A_484 = arith.constant 2 : i32
    %div3A_485 = vector.broadcast %div3A_484 : i32 to vector<16xi32>
    %div3A_486 = arith.divsi %add3A_483, %div3A_485 : vector<16xi32>
    %min3A_487 = arith.constant 16383 : i32
    %min3A_488 = vector.broadcast %min3A_487 : i32 to vector<16xi32>
    %min3A_489 = arith.minsi %div3A_486, %min3A_488 : vector<16xi32>
    %gather3A_490 = tpu.vector_load_idx %arg11[%min3A_489] : memref<16384xi32, #tpu.memory_space<vmem>>[vector<16xi32>], vector<16xi32>,
    %lt3A_491 = arith.cmpi slt, %gather3A_490, %add3A_317 : vector<16xi32>
    %and3A_492 = arith.andi %lt3A_482, %lt3A_491 : vector<16xi1>
    %add3A_493 = arith.constant 1 : i32
    %add3A_494 = vector.broadcast %add3A_493 : i32 to vector<16xi32>
    %add3A_495 = arith.addi %div3A_486, %add3A_494 : vector<16xi32>
    %select_n3A_496 = arith.select %and3A_492, %add3A_495, %select_n3A_476 : vector<16xi1>, vector<16xi32>
    %lt3A_497 = arith.cmpi slt, %gather3A_490, %add3A_317 : vector<16xi32>
    %not3A_498 = arith.constant dense<true> : vector<16xi1>
    %not3A_499 = arith.xori %lt3A_497, %not3A_498 : vector<16xi1>
    %and3A_500 = arith.andi %lt3A_482, %not3A_499 : vector<16xi1>
    %select_n3A_501 = arith.select %and3A_500, %div3A_486, %select_n3A_481 : vector<16xi1>, vector<16xi32>
    %lt3A_502 = arith.cmpi slt, %select_n3A_496, %select_n3A_501 : vector<16xi32>
    %add3A_503 = arith.addi %select_n3A_496, %select_n3A_501 : vector<16xi32>
    %div3A_504 = arith.constant 2 : i32
    %div3A_505 = vector.broadcast %div3A_504 : i32 to vector<16xi32>
    %div3A_506 = arith.divsi %add3A_503, %div3A_505 : vector<16xi32>
    %min3A_507 = arith.constant 16383 : i32
    %min3A_508 = vector.broadcast %min3A_507 : i32 to vector<16xi32>
    %min3A_509 = arith.minsi %div3A_506, %min3A_508 : vector<16xi32>
    %gather3A_510 = tpu.vector_load_idx %arg11[%min3A_509] : memref<16384xi32, #tpu.memory_space<vmem>>[vector<16xi32>], vector<16xi32>,
    %lt3A_511 = arith.cmpi slt, %gather3A_510, %add3A_317 : vector<16xi32>
    %and3A_512 = arith.andi %lt3A_502, %lt3A_511 : vector<16xi1>
    %add3A_513 = arith.constant 1 : i32
    %add3A_514 = vector.broadcast %add3A_513 : i32 to vector<16xi32>
    %add3A_515 = arith.addi %div3A_506, %add3A_514 : vector<16xi32>
    %select_n3A_516 = arith.select %and3A_512, %add3A_515, %select_n3A_496 : vector<16xi1>, vector<16xi32>
    %lt3A_517 = arith.cmpi slt, %gather3A_510, %add3A_317 : vector<16xi32>
    %not3A_518 = arith.constant dense<true> : vector<16xi1>
    %not3A_519 = arith.xori %lt3A_517, %not3A_518 : vector<16xi1>
    %and3A_520 = arith.andi %lt3A_502, %not3A_519 : vector<16xi1>
    %select_n3A_521 = arith.select %and3A_520, %div3A_506, %select_n3A_501 : vector<16xi1>, vector<16xi32>
    %lt3A_522 = arith.cmpi slt, %select_n3A_516, %select_n3A_521 : vector<16xi32>
    %add3A_523 = arith.addi %select_n3A_516, %select_n3A_521 : vector<16xi32>
    %div3A_524 = arith.constant 2 : i32
    %div3A_525 = vector.broadcast %div3A_524 : i32 to vector<16xi32>
    %div3A_526 = arith.divsi %add3A_523, %div3A_525 : vector<16xi32>
    %min3A_527 = arith.constant 16383 : i32
    %min3A_528 = vector.broadcast %min3A_527 : i32 to vector<16xi32>
    %min3A_529 = arith.minsi %div3A_526, %min3A_528 : vector<16xi32>
    %gather3A_530 = tpu.vector_load_idx %arg11[%min3A_529] : memref<16384xi32, #tpu.memory_space<vmem>>[vector<16xi32>], vector<16xi32>,
    %lt3A_531 = arith.cmpi slt, %gather3A_530, %add3A_317 : vector<16xi32>
    %and3A_532 = arith.andi %lt3A_522, %lt3A_531 : vector<16xi1>
    %add3A_533 = arith.constant 1 : i32
    %add3A_534 = vector.broadcast %add3A_533 : i32 to vector<16xi32>
    %add3A_535 = arith.addi %div3A_526, %add3A_534 : vector<16xi32>
    %select_n3A_536 = arith.select %and3A_532, %add3A_535, %select_n3A_516 : vector<16xi1>, vector<16xi32>
    %lt3A_537 = arith.cmpi slt, %gather3A_530, %add3A_317 : vector<16xi32>
    %not3A_538 = arith.constant dense<true> : vector<16xi1>
    %not3A_539 = arith.xori %lt3A_537, %not3A_538 : vector<16xi1>
    %and3A_540 = arith.andi %lt3A_522, %not3A_539 : vector<16xi1>
    %select_n3A_541 = arith.select %and3A_540, %div3A_526, %select_n3A_521 : vector<16xi1>, vector<16xi32>
    %lt3A_542 = arith.cmpi slt, %select_n3A_536, %select_n3A_541 : vector<16xi32>
    %add3A_543 = arith.addi %select_n3A_536, %select_n3A_541 : vector<16xi32>
    %div3A_544 = arith.constant 2 : i32
    %div3A_545 = vector.broadcast %div3A_544 : i32 to vector<16xi32>
    %div3A_546 = arith.divsi %add3A_543, %div3A_545 : vector<16xi32>
    %min3A_547 = arith.constant 16383 : i32
    %min3A_548 = vector.broadcast %min3A_547 : i32 to vector<16xi32>
    %min3A_549 = arith.minsi %div3A_546, %min3A_548 : vector<16xi32>
    %gather3A_550 = tpu.vector_load_idx %arg11[%min3A_549] : memref<16384xi32, #tpu.memory_space<vmem>>[vector<16xi32>], vector<16xi32>,
    %lt3A_551 = arith.cmpi slt, %gather3A_550, %add3A_317 : vector<16xi32>
    %and3A_552 = arith.andi %lt3A_542, %lt3A_551 : vector<16xi1>
    %add3A_553 = arith.constant 1 : i32
    %add3A_554 = vector.broadcast %add3A_553 : i32 to vector<16xi32>
    %add3A_555 = arith.addi %div3A_546, %add3A_554 : vector<16xi32>
    %select_n3A_556 = arith.select %and3A_552, %add3A_555, %select_n3A_536 : vector<16xi1>, vector<16xi32>
    %lt3A_557 = arith.cmpi slt, %gather3A_550, %add3A_317 : vector<16xi32>
    %not3A_558 = arith.constant dense<true> : vector<16xi1>
    %not3A_559 = arith.xori %lt3A_557, %not3A_558 : vector<16xi1>
    %and3A_560 = arith.andi %lt3A_542, %not3A_559 : vector<16xi1>
    %select_n3A_561 = arith.select %and3A_560, %div3A_546, %select_n3A_541 : vector<16xi1>, vector<16xi32>
    %lt3A_562 = arith.cmpi slt, %select_n3A_556, %select_n3A_561 : vector<16xi32>
    %add3A_563 = arith.addi %select_n3A_556, %select_n3A_561 : vector<16xi32>
    %div3A_564 = arith.constant 2 : i32
    %div3A_565 = vector.broadcast %div3A_564 : i32 to vector<16xi32>
    %div3A_566 = arith.divsi %add3A_563, %div3A_565 : vector<16xi32>
    %min3A_567 = arith.constant 16383 : i32
    %min3A_568 = vector.broadcast %min3A_567 : i32 to vector<16xi32>
    %min3A_569 = arith.minsi %div3A_566, %min3A_568 : vector<16xi32>
    %gather3A_570 = tpu.vector_load_idx %arg11[%min3A_569] : memref<16384xi32, #tpu.memory_space<vmem>>[vector<16xi32>], vector<16xi32>,
    %lt3A_571 = arith.cmpi slt, %gather3A_570, %add3A_317 : vector<16xi32>
    %and3A_572 = arith.andi %lt3A_562, %lt3A_571 : vector<16xi1>
    %add3A_573 = arith.constant 1 : i32
    %add3A_574 = vector.broadcast %add3A_573 : i32 to vector<16xi32>
    %add3A_575 = arith.addi %div3A_566, %add3A_574 : vector<16xi32>
    %select_n3A_576 = arith.select %and3A_572, %add3A_575, %select_n3A_556 : vector<16xi1>, vector<16xi32>
    %lt3A_577 = arith.cmpi slt, %gather3A_570, %add3A_317 : vector<16xi32>
    %not3A_578 = arith.constant dense<true> : vector<16xi1>
    %not3A_579 = arith.xori %lt3A_577, %not3A_578 : vector<16xi1>
    %and3A_580 = arith.andi %lt3A_562, %not3A_579 : vector<16xi1>
    %select_n3A_581 = arith.select %and3A_580, %div3A_566, %select_n3A_561 : vector<16xi1>, vector<16xi32>
    %lt3A_582 = arith.cmpi slt, %select_n3A_576, %select_n3A_581 : vector<16xi32>
    %add3A_583 = arith.addi %select_n3A_576, %select_n3A_581 : vector<16xi32>
    %div3A_584 = arith.constant 2 : i32
    %div3A_585 = vector.broadcast %div3A_584 : i32 to vector<16xi32>
    %div3A_586 = arith.divsi %add3A_583, %div3A_585 : vector<16xi32>
    %min3A_587 = arith.constant 16383 : i32
    %min3A_588 = vector.broadcast %min3A_587 : i32 to vector<16xi32>
    %min3A_589 = arith.minsi %div3A_586, %min3A_588 : vector<16xi32>
    %gather3A_590 = tpu.vector_load_idx %arg11[%min3A_589] : memref<16384xi32, #tpu.memory_space<vmem>>[vector<16xi32>], vector<16xi32>,
    %lt3A_591 = arith.cmpi slt, %gather3A_590, %add3A_317 : vector<16xi32>
    %and3A_592 = arith.andi %lt3A_582, %lt3A_591 : vector<16xi1>
    %add3A_593 = arith.constant 1 : i32
    %add3A_594 = vector.broadcast %add3A_593 : i32 to vector<16xi32>
    %add3A_595 = arith.addi %div3A_586, %add3A_594 : vector<16xi32>
    %select_n3A_596 = arith.select %and3A_592, %add3A_595, %select_n3A_576 : vector<16xi1>, vector<16xi32>
    %lt3A_597 = arith.cmpi slt, %gather3A_590, %add3A_317 : vector<16xi32>
    %not3A_598 = arith.constant dense<true> : vector<16xi1>
    %not3A_599 = arith.xori %lt3A_597, %not3A_598 : vector<16xi1>
    %and3A_600 = arith.andi %lt3A_582, %not3A_599 : vector<16xi1>
    %select_n3A_601 = arith.select %and3A_600, %div3A_586, %select_n3A_581 : vector<16xi1>, vector<16xi32>
    %lt3A_602 = arith.cmpi slt, %select_n3A_596, %select_n3A_601 : vector<16xi32>
    %add3A_603 = arith.addi %select_n3A_596, %select_n3A_601 : vector<16xi32>
    %div3A_604 = arith.constant 2 : i32
    %div3A_605 = vector.broadcast %div3A_604 : i32 to vector<16xi32>
    %div3A_606 = arith.divsi %add3A_603, %div3A_605 : vector<16xi32>
    %min3A_607 = arith.constant 16383 : i32
    %min3A_608 = vector.broadcast %min3A_607 : i32 to vector<16xi32>
    %min3A_609 = arith.minsi %div3A_606, %min3A_608 : vector<16xi32>
    %gather3A_610 = tpu.vector_load_idx %arg11[%min3A_609] : memref<16384xi32, #tpu.memory_space<vmem>>[vector<16xi32>], vector<16xi32>,
    %lt3A_611 = arith.cmpi slt, %gather3A_610, %add3A_317 : vector<16xi32>
    %and3A_612 = arith.andi %lt3A_602, %lt3A_611 : vector<16xi1>
    %add3A_613 = arith.constant 1 : i32
    %add3A_614 = vector.broadcast %add3A_613 : i32 to vector<16xi32>
    %add3A_615 = arith.addi %div3A_606, %add3A_614 : vector<16xi32>
    %select_n3A_616 = arith.select %and3A_612, %add3A_615, %select_n3A_596 : vector<16xi1>, vector<16xi32>
    %lt3A_617 = arith.cmpi slt, %gather3A_610, %add3A_317 : vector<16xi32>
    %not3A_618 = arith.constant dense<true> : vector<16xi1>
    %not3A_619 = arith.xori %lt3A_617, %not3A_618 : vector<16xi1>
    %and3A_620 = arith.andi %lt3A_602, %not3A_619 : vector<16xi1>
    %select_n3A_621 = arith.select %and3A_620, %div3A_606, %select_n3A_601 : vector<16xi1>, vector<16xi32>
    %add3A_622 = arith.constant 0 : i32
    %add3A_623 = vector.broadcast %add3A_622 : i32 to vector<16xi32>
    %add3A_624 = arith.addi %add3A_623, %iota3A : vector<16xi32>
    %add3A_625 = arith.constant 16 : i32
    %add3A_626 = vector.broadcast %add3A_625 : i32 to vector<16xi32>
    %add3A_627 = arith.addi %add3A_626, %iota3A : vector<16xi32>
    %add3A_628 = arith.constant 32 : i32
    %add3A_629 = vector.broadcast %add3A_628 : i32 to vector<16xi32>
    %add3A_630 = arith.addi %add3A_629, %iota3A : vector<16xi32>
    %add3A_631 = arith.constant 48 : i32
    %add3A_632 = vector.broadcast %add3A_631 : i32 to vector<16xi32>
    %add3A_633 = arith.addi %add3A_632, %iota3A : vector<16xi32>
    %add3A_634 = arith.constant 64 : i32
    %add3A_635 = vector.broadcast %add3A_634 : i32 to vector<16xi32>
    %add3A_636 = arith.addi %add3A_635, %iota3A : vector<16xi32>
    %add3A_637 = arith.constant 80 : i32
    %add3A_638 = vector.broadcast %add3A_637 : i32 to vector<16xi32>
    %add3A_639 = arith.addi %add3A_638, %iota3A : vector<16xi32>
    %add3A_640 = arith.constant 96 : i32
    %add3A_641 = vector.broadcast %add3A_640 : i32 to vector<16xi32>
    %add3A_642 = arith.addi %add3A_641, %iota3A : vector<16xi32>
    %add3A_643 = arith.constant 112 : i32
    %add3A_644 = vector.broadcast %add3A_643 : i32 to vector<16xi32>
    %add3A_645 = arith.addi %add3A_644, %iota3A : vector<16xi32>
    %add3A_646 = arith.constant 0 : i32
    %add3A_647 = arith.addi %multiple_of3A, %add3A_646 : i32
    %multiple_of3A_648 = tpu.assume_multiple %add3A_647, 8 : i32
    %dma_start3A = arith.constant 0 : i32
    %dma_start3A_649 = arith.constant 0 : i32
    %dma_start3A_650 = tpu.memref_slice %arg2[%multiple_of3A_648, %dma_start3A_649] : memref<100000x128xf32, #tpu.memory_space<hbm>> -> memref<160x128xf32, #tpu.memory_space<hbm>>
    %dma_start3A_651 = tpu.memref_slice %arg15[%dma_start3A] : memref<4x!tpu.dma_semaphore, #tpu.memory_space<semaphore_mem>> -> memref<1x!tpu.dma_semaphore, #tpu.memory_space<semaphore_mem>>
    %dma_start3A_652 = tpu.memref_squeeze %dma_start3A_651 : memref<1x!tpu.dma_semaphore, #tpu.memory_space<semaphore_mem>> -> memref<!tpu.dma_semaphore, #tpu.memory_space<semaphore_mem>>
    %dma_start3A_653 = arith.constant 0 : i32
    %dma_start3A_654 = tpu.memref_slice %arg2[%multiple_of3A_648, %dma_start3A_653] : memref<100000x128xf32, #tpu.memory_space<hbm>> -> memref<160x128xf32, #tpu.memory_space<hbm>>
    tpu.enqueue_dma source(%dma_start3A_654 : memref<160x128xf32, #tpu.memory_space<hbm>>) target(%arg7 : memref<160x128xf32, #tpu.memory_space<vmem>>) target_semaphore(%dma_start3A_652 : memref<!tpu.dma_semaphore, #tpu.memory_space<semaphore_mem>>)
    %add3A_655 = arith.constant 160 : i32
    %add3A_656 = arith.addi %multiple_of3A, %add3A_655 : i32
    %multiple_of3A_657 = tpu.assume_multiple %add3A_656, 8 : i32
    %dma_start3A_658 = arith.constant 1 : i32
    %dma_start3A_659 = arith.constant 0 : i32
    %dma_start3A_660 = tpu.memref_slice %arg2[%multiple_of3A_657, %dma_start3A_659] : memref<100000x128xf32, #tpu.memory_space<hbm>> -> memref<160x128xf32, #tpu.memory_space<hbm>>
    %dma_start3A_661 = tpu.memref_slice %arg15[%dma_start3A_658] : memref<4x!tpu.dma_semaphore, #tpu.memory_space<semaphore_mem>> -> memref<1x!tpu.dma_semaphore, #tpu.memory_space<semaphore_mem>>
    %dma_start3A_662 = tpu.memref_squeeze %dma_start3A_661 : memref<1x!tpu.dma_semaphore, #tpu.memory_space<semaphore_mem>> -> memref<!tpu.dma_semaphore, #tpu.memory_space<semaphore_mem>>
    %dma_start3A_663 = arith.constant 0 : i32
    %dma_start3A_664 = tpu.memref_slice %arg2[%multiple_of3A_657, %dma_start3A_663] : memref<100000x128xf32, #tpu.memory_space<hbm>> -> memref<160x128xf32, #tpu.memory_space<hbm>>
    tpu.enqueue_dma source(%dma_start3A_664 : memref<160x128xf32, #tpu.memory_space<hbm>>) target(%arg8 : memref<160x128xf32, #tpu.memory_space<vmem>>) target_semaphore(%dma_start3A_662 : memref<!tpu.dma_semaphore, #tpu.memory_space<semaphore_mem>>)
    %eq3A = arith.constant 0 : i32
    %eq3A_665 = vector.broadcast %eq3A : i32 to vector<16xi32>
    %eq3A_666 = arith.cmpi eq, %iota3A, %eq3A_665 : vector<16xi32>
    %jit3A = arith.constant 0 : i32
    %broadcast_in_dim3A_667 = vector.broadcast %jit3A : i32 to vector<16xi32>
    %select_n3A_668 = arith.select %eq3A_666, %select_n3A_304, %broadcast_in_dim3A_667 : vector<16xi1>, vector<16xi32>
    %reduce_max3A_669 = arith.constant true
    %reduce_max3A_670 = vector.broadcast %reduce_max3A_669 : i1 to vector<16xi1>
    %reduce_max3A_671 = arith.constant -2147483648 : i32
    %reduce_max3A_672 = vector.broadcast %reduce_max3A_671 : i32 to vector<16xi32>
    %reduce_max3A_673 = arith.xori %select_n3A_668, %reduce_max3A_672 : vector<16xi32>
    %reduce_max3A_674 = tpu.scan <max>, %reduce_max3A_673 masked %reduce_max3A_670 : vector<16xi32>, vector<16xi1> -> vector<16xi32>
    %reduce_max3A_675 = arith.xori %reduce_max3A_674, %reduce_max3A_672 : vector<16xi32>
    %reduce_max3A_676 = vector.extract %reduce_max3A_675[15] : i32 from vector<16xi32>
    %sub3A = arith.constant 0 : i32
    %sub3A_677 = arith.constant 16 : i32
    %sub3A_678 = arith.subi %sub3A, %sub3A_677 : i32
    %eq3A_679 = vector.broadcast %sub3A_678 : i32 to vector<16xi32>
    %eq3A_680 = arith.cmpi eq, %iota3A, %eq3A_679 : vector<16xi32>
    %jit3A_681 = arith.constant 0 : i32
    %broadcast_in_dim3A_682 = vector.broadcast %jit3A_681 : i32 to vector<16xi32>
    %select_n3A_683 = arith.select %eq3A_680, %select_n3A_616, %broadcast_in_dim3A_682 : vector<16xi1>, vector<16xi32>
    %reduce_max3A_684 = arith.constant true
    %reduce_max3A_685 = vector.broadcast %reduce_max3A_684 : i1 to vector<16xi1>
    %reduce_max3A_686 = arith.constant -2147483648 : i32
    %reduce_max3A_687 = vector.broadcast %reduce_max3A_686 : i32 to vector<16xi32>
    %reduce_max3A_688 = arith.xori %select_n3A_683, %reduce_max3A_687 : vector<16xi32>
    %reduce_max3A_689 = tpu.scan <max>, %reduce_max3A_688 masked %reduce_max3A_685 : vector<16xi32>, vector<16xi1> -> vector<16xi32>
    %reduce_max3A_690 = arith.xori %reduce_max3A_689, %reduce_max3A_687 : vector<16xi32>
    %reduce_max3A_691 = vector.extract %reduce_max3A_690[15] : i32 from vector<16xi32>
    %lt3A_692 = arith.constant 0 : i32
    %lt3A_693 = arith.constant 16 : i32
    %lt3A_694 = arith.cmpi slt, %lt3A_692, %lt3A_693 : i32
    %select_n3A_695 = arith.select %lt3A_694, %reduce_max3A_676, %reduce_max3A_691 : i32
    %div3A_696 = arith.constant 64 : i32
    %div3A_697 = arith.divsi %select_n3A_695, %div3A_696 : i32
    %mul3A_698 = arith.constant 64 : i32
    %mul3A_699 = arith.muli %div3A_697, %mul3A_698 : i32
    %min3A_700 = arith.constant 16320 : i32
    %min3A_701 = arith.minsi %mul3A_699, %min3A_700 : i32
    %multiple_of3A_702 = tpu.assume_multiple %min3A_701, 8 : i32
    %dma_start3A_703 = arith.constant 0 : i32
    %dma_start3A_704 = arith.constant 0 : i32
    %dma_start3A_705 = tpu.memref_slice %arg3[%multiple_of3A_702, %dma_start3A_704] : memref<16384x128xf32, #tpu.memory_space<hbm>> -> memref<64x128xf32, #tpu.memory_space<hbm>>
    %dma_start3A_706 = tpu.memref_slice %arg17[%dma_start3A_703] : memref<2x!tpu.dma_semaphore, #tpu.memory_space<semaphore_mem>> -> memref<1x!tpu.dma_semaphore, #tpu.memory_space<semaphore_mem>>
    %dma_start3A_707 = tpu.memref_squeeze %dma_start3A_706 : memref<1x!tpu.dma_semaphore, #tpu.memory_space<semaphore_mem>> -> memref<!tpu.dma_semaphore, #tpu.memory_space<semaphore_mem>>
    %dma_start3A_708 = arith.constant 0 : i32
    %dma_start3A_709 = tpu.memref_slice %arg3[%multiple_of3A_702, %dma_start3A_708] : memref<16384x128xf32, #tpu.memory_space<hbm>> -> memref<64x128xf32, #tpu.memory_space<hbm>>
    tpu.enqueue_dma source(%dma_start3A_709 : memref<64x128xf32, #tpu.memory_space<hbm>>) target(%arg12 : memref<64x128xf32, #tpu.memory_space<vmem>>) target_semaphore(%dma_start3A_707 : memref<!tpu.dma_semaphore, #tpu.memory_space<semaphore_mem>>)
    %scan3A = arith.constant 0 : i32
    %scan3A_710 = arith.constant 5 : i32
    %scan3A_711 = arith.addi %scan3A, %scan3A_710 : i32
    %scan3A_712 = arith.constant 1 : i32
    scf.for %scan3A_753 = %scan3A to %scan3A_711 step %scan3A_712  : i32 {
      %mul3A_754 = arith.constant 1 : i32
      %mul3A_755 = arith.muli %scan3A_753, %mul3A_754 : i32
      %add3A_756 = arith.constant 0 : i32
      %add3A_757 = arith.addi %add3A_756, %mul3A_755 : i32
      %mul3A_758 = arith.constant 4 : i32
      %mul3A_759 = arith.muli %add3A_757, %mul3A_758 : i32
      %add3A_760 = arith.constant 0 : i32
      %add3A_761 = arith.addi %mul3A_759, %add3A_760 : i32
      %mul3A_762 = arith.constant 160 : i32
      %mul3A_763 = arith.muli %add3A_761, %mul3A_762 : i32
      %add3A_764 = arith.addi %multiple_of3A, %mul3A_763 : i32
      %multiple_of3A_765 = tpu.assume_multiple %add3A_764, 8 : i32
      %add3A_766 = arith.constant 2 : i32
      %add3A_767 = arith.addi %add3A_761, %add3A_766 : i32
      %lt3A_768 = arith.constant 20 : i32
      %lt3A_769 = arith.cmpi slt, %add3A_767, %lt3A_768 : i32
      %convert_element_type3A = arith.extui %lt3A_769 : i1 to i32
      %cond3A = arith.constant 0 : i32
      %cond3A_770 = arith.cmpi ne, %convert_element_type3A, %cond3A : i32
      scf.if %cond3A_770 {
        %ge3A = arith.constant 2 : i32
        %ge3A_1228 = arith.cmpi sge, %add3A_761, %ge3A : i32
        %convert_element_type3A_1229 = arith.extui %ge3A_1228 : i1 to i32
        %cond3A_1230 = arith.constant 0 : i32
        %cond3A_1231 = arith.cmpi ne, %convert_element_type3A_1229, %cond3A_1230 : i32
        scf.if %cond3A_1231 {
          %sub3A_1245 = arith.constant 2 : i32
          %sub3A_1246 = arith.subi %add3A_761, %sub3A_1245 : i32
          %mul3A_1247 = arith.constant 160 : i32
          %mul3A_1248 = arith.muli %sub3A_1246, %mul3A_1247 : i32
          %add3A_1249 = arith.addi %multiple_of3A, %mul3A_1248 : i32
          %multiple_of3A_1250 = tpu.assume_multiple %add3A_1249, 8 : i32
          %dma_wait3A_1251 = arith.constant 2 : i32
          %dma_wait3A_1252 = arith.constant 0 : i32
          %dma_wait3A_1253 = tpu.memref_slice %arg6[%multiple_of3A_1250, %dma_wait3A_1252] : memref<100000x128xf32, #tpu.memory_space<hbm>> -> memref<160x128xf32, #tpu.memory_space<hbm>>
          %dma_wait3A_1254 = tpu.memref_slice %arg16[%dma_wait3A_1251] : memref<4x!tpu.dma_semaphore, #tpu.memory_space<semaphore_mem>> -> memref<1x!tpu.dma_semaphore, #tpu.memory_space<semaphore_mem>>
          %dma_wait3A_1255 = tpu.memref_squeeze %dma_wait3A_1254 : memref<1x!tpu.dma_semaphore, #tpu.memory_space<semaphore_mem>> -> memref<!tpu.dma_semaphore, #tpu.memory_space<semaphore_mem>>
          %dma_wait3A_1256 = arith.constant 0 : i32
          %dma_wait3A_1257 = tpu.memref_slice %arg6[%multiple_of3A_1250, %dma_wait3A_1256] : memref<100000x128xf32, #tpu.memory_space<hbm>> -> memref<160x128xf32, #tpu.memory_space<hbm>>
          tpu.wait_dma2 semaphore(%dma_wait3A_1255 : memref<!tpu.dma_semaphore, #tpu.memory_space<semaphore_mem>>) src(%arg9 : memref<160x128xf32, #tpu.memory_space<vmem>>) dst(%dma_wait3A_1257 : memref<160x128xf32, #tpu.memory_space<hbm>>)
        } else {
        }
        %add3A_1232 = arith.constant 2 : i32
        %add3A_1233 = arith.addi %add3A_761, %add3A_1232 : i32
        %mul3A_1234 = arith.constant 160 : i32
        %mul3A_1235 = arith.muli %add3A_1233, %mul3A_1234 : i32
        %add3A_1236 = arith.addi %multiple_of3A, %mul3A_1235 : i32
        %multiple_of3A_1237 = tpu.assume_multiple %add3A_1236, 8 : i32
        %dma_start3A_1238 = arith.constant 2 : i32
        %dma_start3A_1239 = arith.constant 0 : i32
        %dma_start3A_1240 = tpu.memref_slice %arg2[%multiple_of3A_1237, %dma_start3A_1239] : memref<100000x128xf32, #tpu.memory_space<hbm>> -> memref<160x128xf32, #tpu.memory_space<hbm>>
        %dma_start3A_1241 = tpu.memref_slice %arg15[%dma_start3A_1238] : memref<4x!tpu.dma_semaphore, #tpu.memory_space<semaphore_mem>> -> memref<1x!tpu.dma_semaphore, #tpu.memory_space<semaphore_mem>>
        %dma_start3A_1242 = tpu.memref_squeeze %dma_start3A_1241 : memref<1x!tpu.dma_semaphore, #tpu.memory_space<semaphore_mem>> -> memref<!tpu.dma_semaphore, #tpu.memory_space<semaphore_mem>>
        %dma_start3A_1243 = arith.constant 0 : i32
        %dma_start3A_1244 = tpu.memref_slice %arg2[%multiple_of3A_1237, %dma_start3A_1243] : memref<100000x128xf32, #tpu.memory_space<hbm>> -> memref<160x128xf32, #tpu.memory_space<hbm>>
        tpu.enqueue_dma source(%dma_start3A_1244 : memref<160x128xf32, #tpu.memory_space<hbm>>) target(%arg9 : memref<160x128xf32, #tpu.memory_space<vmem>>) target_semaphore(%dma_start3A_1242 : memref<!tpu.dma_semaphore, #tpu.memory_space<semaphore_mem>>)
      } else {
      }
      %eq3A_771 = vector.broadcast %add3A_761 : i32 to vector<16xi32>
      %eq3A_772 = arith.cmpi eq, %iota3A, %eq3A_771 : vector<16xi32>
      %jit3A_773 = arith.constant 0 : i32
      %broadcast_in_dim3A_774 = vector.broadcast %jit3A_773 : i32 to vector<16xi32>
      %select_n3A_775 = arith.select %eq3A_772, %select_n3A_304, %broadcast_in_dim3A_774 : vector<16xi1>, vector<16xi32>
      %reduce_max3A_776 = arith.constant true
      %reduce_max3A_777 = vector.broadcast %reduce_max3A_776 : i1 to vector<16xi1>
      %reduce_max3A_778 = arith.constant -2147483648 : i32
      %reduce_max3A_779 = vector.broadcast %reduce_max3A_778 : i32 to vector<16xi32>
      %reduce_max3A_780 = arith.xori %select_n3A_775, %reduce_max3A_779 : vector<16xi32>
      %reduce_max3A_781 = tpu.scan <max>, %reduce_max3A_780 masked %reduce_max3A_777 : vector<16xi32>, vector<16xi1> -> vector<16xi32>
      %reduce_max3A_782 = arith.xori %reduce_max3A_781, %reduce_max3A_779 : vector<16xi32>
      %reduce_max3A_783 = vector.extract %reduce_max3A_782[15] : i32 from vector<16xi32>
      %sub3A_784 = arith.constant 16 : i32
      %sub3A_785 = arith.subi %add3A_761, %sub3A_784 : i32
      %eq3A_786 = vector.broadcast %sub3A_785 : i32 to vector<16xi32>
      %eq3A_787 = arith.cmpi eq, %iota3A, %eq3A_786 : vector<16xi32>
      %jit3A_788 = arith.constant 0 : i32
      %broadcast_in_dim3A_789 = vector.broadcast %jit3A_788 : i32 to vector<16xi32>
      %select_n3A_790 = arith.select %eq3A_787, %select_n3A_616, %broadcast_in_dim3A_789 : vector<16xi1>, vector<16xi32>
      %reduce_max3A_791 = arith.constant true
      %reduce_max3A_792 = vector.broadcast %reduce_max3A_791 : i1 to vector<16xi1>
      %reduce_max3A_793 = arith.constant -2147483648 : i32
      %reduce_max3A_794 = vector.broadcast %reduce_max3A_793 : i32 to vector<16xi32>
      %reduce_max3A_795 = arith.xori %select_n3A_790, %reduce_max3A_794 : vector<16xi32>
      %reduce_max3A_796 = tpu.scan <max>, %reduce_max3A_795 masked %reduce_max3A_792 : vector<16xi32>, vector<16xi1> -> vector<16xi32>
      %reduce_max3A_797 = arith.xori %reduce_max3A_796, %reduce_max3A_794 : vector<16xi32>
      %reduce_max3A_798 = vector.extract %reduce_max3A_797[15] : i32 from vector<16xi32>
      %lt3A_799 = arith.constant 16 : i32
      %lt3A_800 = arith.cmpi slt, %add3A_761, %lt3A_799 : i32
      %select_n3A_801 = arith.select %lt3A_800, %reduce_max3A_783, %reduce_max3A_798 : i32
      %add3A_802 = arith.constant 1 : i32
      %add3A_803 = arith.addi %add3A_761, %add3A_802 : i32
      %eq3A_804 = vector.broadcast %add3A_803 : i32 to vector<16xi32>
      %eq3A_805 = arith.cmpi eq, %iota3A, %eq3A_804 : vector<16xi32>
      %jit3A_806 = arith.constant 0 : i32
      %broadcast_in_dim3A_807 = vector.broadcast %jit3A_806 : i32 to vector<16xi32>
      %select_n3A_808 = arith.select %eq3A_805, %select_n3A_304, %broadcast_in_dim3A_807 : vector<16xi1>, vector<16xi32>
      %reduce_max3A_809 = arith.constant true
      %reduce_max3A_810 = vector.broadcast %reduce_max3A_809 : i1 to vector<16xi1>
      %reduce_max3A_811 = arith.constant -2147483648 : i32
      %reduce_max3A_812 = vector.broadcast %reduce_max3A_811 : i32 to vector<16xi32>
      %reduce_max3A_813 = arith.xori %select_n3A_808, %reduce_max3A_812 : vector<16xi32>
      %reduce_max3A_814 = tpu.scan <max>, %reduce_max3A_813 masked %reduce_max3A_810 : vector<16xi32>, vector<16xi1> -> vector<16xi32>
      %reduce_max3A_815 = arith.xori %reduce_max3A_814, %reduce_max3A_812 : vector<16xi32>
      %reduce_max3A_816 = vector.extract %reduce_max3A_815[15] : i32 from vector<16xi32>
      %sub3A_817 = arith.constant 16 : i32
      %sub3A_818 = arith.subi %add3A_803, %sub3A_817 : i32
      %eq3A_819 = vector.broadcast %sub3A_818 : i32 to vector<16xi32>
      %eq3A_820 = arith.cmpi eq, %iota3A, %eq3A_819 : vector<16xi32>
      %jit3A_821 = arith.constant 0 : i32
      %broadcast_in_dim3A_822 = vector.broadcast %jit3A_821 : i32 to vector<16xi32>
      %select_n3A_823 = arith.select %eq3A_820, %select_n3A_616, %broadcast_in_dim3A_822 : vector<16xi1>, vector<16xi32>
      %reduce_max3A_824 = arith.constant true
      %reduce_max3A_825 = vector.broadcast %reduce_max3A_824 : i1 to vector<16xi1>
      %reduce_max3A_826 = arith.constant -2147483648 : i32
      %reduce_max3A_827 = vector.broadcast %reduce_max3A_826 : i32 to vector<16xi32>
      %reduce_max3A_828 = arith.xori %select_n3A_823, %reduce_max3A_827 : vector<16xi32>
      %reduce_max3A_829 = tpu.scan <max>, %reduce_max3A_828 masked %reduce_max3A_825 : vector<16xi32>, vector<16xi1> -> vector<16xi32>
      %reduce_max3A_830 = arith.xori %reduce_max3A_829, %reduce_max3A_827 : vector<16xi32>
      %reduce_max3A_831 = vector.extract %reduce_max3A_830[15] : i32 from vector<16xi32>
      %lt3A_832 = arith.constant 16 : i32
      %lt3A_833 = arith.cmpi slt, %add3A_803, %lt3A_832 : i32
      %select_n3A_834 = arith.select %lt3A_833, %reduce_max3A_816, %reduce_max3A_831 : i32
      %div3A_835 = arith.constant 64 : i32
      %div3A_836 = arith.divsi %select_n3A_801, %div3A_835 : i32
      %mul3A_837 = arith.constant 64 : i32
      %mul3A_838 = arith.muli %div3A_836, %mul3A_837 : i32
      %min3A_839 = arith.constant 16320 : i32
      %min3A_840 = arith.minsi %mul3A_838, %min3A_839 : i32
      %multiple_of3A_841 = tpu.assume_multiple %min3A_840, 8 : i32
      %add3A_842 = arith.constant 1 : i32
      %add3A_843 = arith.addi %add3A_761, %add3A_842 : i32
      %lt3A_844 = arith.constant 20 : i32
      %lt3A_845 = arith.cmpi slt, %add3A_843, %lt3A_844 : i32
      %convert_element_type3A_846 = arith.extui %lt3A_845 : i1 to i32
      %cond3A_847 = arith.constant 0 : i32
      %cond3A_848 = arith.cmpi ne, %convert_element_type3A_846, %cond3A_847 : i32
      scf.if %cond3A_848 {
        %div3A_1228 = arith.constant 64 : i32
        %div3A_1229 = arith.divsi %select_n3A_834, %div3A_1228 : i32
        %mul3A_1230 = arith.constant 64 : i32
        %mul3A_1231 = arith.muli %div3A_1229, %mul3A_1230 : i32
        %min3A_1232 = arith.constant 16320 : i32
        %min3A_1233 = arith.minsi %mul3A_1231, %min3A_1232 : i32
        %multiple_of3A_1234 = tpu.assume_multiple %min3A_1233, 8 : i32
        %dma_start3A_1235 = arith.constant 1 : i32
        %dma_start3A_1236 = arith.constant 0 : i32
        %dma_start3A_1237 = tpu.memref_slice %arg3[%multiple_of3A_1234, %dma_start3A_1236] : memref<16384x128xf32, #tpu.memory_space<hbm>> -> memref<64x128xf32, #tpu.memory_space<hbm>>
        %dma_start3A_1238 = tpu.memref_slice %arg17[%dma_start3A_1235] : memref<2x!tpu.dma_semaphore, #tpu.memory_space<semaphore_mem>> -> memref<1x!tpu.dma_semaphore, #tpu.memory_space<semaphore_mem>>
        %dma_start3A_1239 = tpu.memref_squeeze %dma_start3A_1238 : memref<1x!tpu.dma_semaphore, #tpu.memory_space<semaphore_mem>> -> memref<!tpu.dma_semaphore, #tpu.memory_space<semaphore_mem>>
        %dma_start3A_1240 = arith.constant 0 : i32
        %dma_start3A_1241 = tpu.memref_slice %arg3[%multiple_of3A_1234, %dma_start3A_1240] : memref<16384x128xf32, #tpu.memory_space<hbm>> -> memref<64x128xf32, #tpu.memory_space<hbm>>
        tpu.enqueue_dma source(%dma_start3A_1241 : memref<64x128xf32, #tpu.memory_space<hbm>>) target(%arg13 : memref<64x128xf32, #tpu.memory_space<vmem>>) target_semaphore(%dma_start3A_1239 : memref<!tpu.dma_semaphore, #tpu.memory_space<semaphore_mem>>)
      } else {
      }
      %dma_wait3A_849 = arith.constant 0 : i32
      %dma_wait3A_850 = arith.constant 0 : i32
      %dma_wait3A_851 = tpu.memref_slice %arg2[%multiple_of3A_765, %dma_wait3A_850] : memref<100000x128xf32, #tpu.memory_space<hbm>> -> memref<160x128xf32, #tpu.memory_space<hbm>>
      %dma_wait3A_852 = tpu.memref_slice %arg15[%dma_wait3A_849] : memref<4x!tpu.dma_semaphore, #tpu.memory_space<semaphore_mem>> -> memref<1x!tpu.dma_semaphore, #tpu.memory_space<semaphore_mem>>
      %dma_wait3A_853 = tpu.memref_squeeze %dma_wait3A_852 : memref<1x!tpu.dma_semaphore, #tpu.memory_space<semaphore_mem>> -> memref<!tpu.dma_semaphore, #tpu.memory_space<semaphore_mem>>
      %dma_wait3A_854 = arith.constant 0 : i32
      %dma_wait3A_855 = tpu.memref_slice %arg2[%multiple_of3A_765, %dma_wait3A_854] : memref<100000x128xf32, #tpu.memory_space<hbm>> -> memref<160x128xf32, #tpu.memory_space<hbm>>
      tpu.wait_dma2 semaphore(%dma_wait3A_853 : memref<!tpu.dma_semaphore, #tpu.memory_space<semaphore_mem>>) src(%dma_wait3A_855 : memref<160x128xf32, #tpu.memory_space<hbm>>) dst(%arg7 : memref<160x128xf32, #tpu.memory_space<vmem>>)
      %dma_wait3A_856 = arith.constant 0 : i32
      %dma_wait3A_857 = arith.constant 0 : i32
      %dma_wait3A_858 = tpu.memref_slice %arg3[%multiple_of3A_841, %dma_wait3A_857] : memref<16384x128xf32, #tpu.memory_space<hbm>> -> memref<64x128xf32, #tpu.memory_space<hbm>>
      %dma_wait3A_859 = tpu.memref_slice %arg17[%dma_wait3A_856] : memref<2x!tpu.dma_semaphore, #tpu.memory_space<semaphore_mem>> -> memref<1x!tpu.dma_semaphore, #tpu.memory_space<semaphore_mem>>
      %dma_wait3A_860 = tpu.memref_squeeze %dma_wait3A_859 : memref<1x!tpu.dma_semaphore, #tpu.memory_space<semaphore_mem>> -> memref<!tpu.dma_semaphore, #tpu.memory_space<semaphore_mem>>
      %dma_wait3A_861 = arith.constant 0 : i32
      %dma_wait3A_862 = tpu.memref_slice %arg3[%multiple_of3A_841, %dma_wait3A_861] : memref<16384x128xf32, #tpu.memory_space<hbm>> -> memref<64x128xf32, #tpu.memory_space<hbm>>
      tpu.wait_dma2 semaphore(%dma_wait3A_860 : memref<!tpu.dma_semaphore, #tpu.memory_space<semaphore_mem>>) src(%dma_wait3A_862 : memref<64x128xf32, #tpu.memory_space<hbm>>) dst(%arg12 : memref<64x128xf32, #tpu.memory_space<vmem>>)
      %lt3A_863 = arith.cmpi slt, %select_n3A_801, %select_n3A_834 : i32
      %convert_element_type3A_864 = arith.extui %lt3A_863 : i1 to i32
      %cond3A_865 = arith.constant 0 : i32
      %cond3A_866 = arith.cmpi ne, %convert_element_type3A_864, %cond3A_865 : i32
      scf.if %cond3A_866 {
        %ne3A = arith.constant 1.000000e+00 : f32
        %ne3A_1228 = arith.cmpf one, %reduce_max3A_4, %ne3A : f32
        %convert_element_type3A_1229 = arith.extui %ne3A_1228 : i1 to i32
        %cond3A_1230 = arith.constant 0 : i32
        %cond3A_1231 = arith.cmpi ne, %convert_element_type3A_1229, %cond3A_1230 : i32
        scf.if %cond3A_1231 {
          %scan3A_1248 = arith.constant 0 : i32
          %scan3A_1249 = arith.constant 64 : i32
          %scan3A_1250 = arith.addi %scan3A_1248, %scan3A_1249 : i32
          %scan3A_1251 = arith.constant 1 : i32
          scf.for %scan3A_1253 = %scan3A_1248 to %scan3A_1250 step %scan3A_1251  : i32 {
            %mul3A_1254 = arith.constant 1 : i32
            %mul3A_1255 = arith.muli %scan3A_1253, %mul3A_1254 : i32
            %add3A_1256 = arith.constant 0 : i32
            %add3A_1257 = arith.addi %add3A_1256, %mul3A_1255 : i32
            %get3A_1258 = arith.index_cast %add3A_1257 : i32 to index
            %get3A_1259 = arith.constant 0 : index
            %get3A_1260 = tpu.vector_load %arg12[%get3A_1258, %get3A_1259] {strides = array<i32>} : memref<64x128xf32, #tpu.memory_space<vmem>>, vector<16xf32>,
            %mul3A_1261 = arith.mulf %get3A_1260, %get3A_1 : vector<16xf32>
            %swap3A = arith.index_cast %add3A_1257 : i32 to index
            %swap3A_1262 = arith.constant 0 : index
            %swap3A_1263 = tpu.vector_load %arg12[%swap3A, %swap3A_1262] {strides = array<i32>} : memref<64x128xf32, #tpu.memory_space<vmem>>, vector<16xf32>,
            tpu.vector_store %arg12[%swap3A, %swap3A_1262], %mul3A_1261 {strides = array<i32>} : memref<64x128xf32, #tpu.memory_space<vmem>>, vector<16xf32>,
            %get3A_1264 = arith.index_cast %add3A_1257 : i32 to index
            %get3A_1265 = arith.constant 16 : index
            %get3A_1266 = tpu.vector_load %arg12[%get3A_1264, %get3A_1265] {strides = array<i32>} : memref<64x128xf32, #tpu.memory_space<vmem>>, vector<16xf32>,
            %mul3A_1267 = arith.mulf %get3A_1266, %get3A_1 : vector<16xf32>
            %swap3A_1268 = arith.index_cast %add3A_1257 : i32 to index
            %swap3A_1269 = arith.constant 16 : index
            %swap3A_1270 = tpu.vector_load %arg12[%swap3A_1268, %swap3A_1269] {strides = array<i32>} : memref<64x128xf32, #tpu.memory_space<vmem>>, vector<16xf32>,
            tpu.vector_store %arg12[%swap3A_1268, %swap3A_1269], %mul3A_1267 {strides = array<i32>} : memref<64x128xf32, #tpu.memory_space<vmem>>, vector<16xf32>,
            %get3A_1271 = arith.index_cast %add3A_1257 : i32 to index
            %get3A_1272 = arith.constant 32 : index
            %get3A_1273 = tpu.vector_load %arg12[%get3A_1271, %get3A_1272] {strides = array<i32>} : memref<64x128xf32, #tpu.memory_space<vmem>>, vector<16xf32>,
            %mul3A_1274 = arith.mulf %get3A_1273, %get3A_1 : vector<16xf32>
            %swap3A_1275 = arith.index_cast %add3A_1257 : i32 to index
            %swap3A_1276 = arith.constant 32 : index
            %swap3A_1277 = tpu.vector_load %arg12[%swap3A_1275, %swap3A_1276] {strides = array<i32>} : memref<64x128xf32, #tpu.memory_space<vmem>>, vector<16xf32>,
            tpu.vector_store %arg12[%swap3A_1275, %swap3A_1276], %mul3A_1274 {strides = array<i32>} : memref<64x128xf32, #tpu.memory_space<vmem>>, vector<16xf32>,
            %get3A_1278 = arith.index_cast %add3A_1257 : i32 to index
            %get3A_1279 = arith.constant 48 : index
            %get3A_1280 = tpu.vector_load %arg12[%get3A_1278, %get3A_1279] {strides = array<i32>} : memref<64x128xf32, #tpu.memory_space<vmem>>, vector<16xf32>,
            %mul3A_1281 = arith.mulf %get3A_1280, %get3A_1 : vector<16xf32>
            %swap3A_1282 = arith.index_cast %add3A_1257 : i32 to index
            %swap3A_1283 = arith.constant 48 : index
            %swap3A_1284 = tpu.vector_load %arg12[%swap3A_1282, %swap3A_1283] {strides = array<i32>} : memref<64x128xf32, #tpu.memory_space<vmem>>, vector<16xf32>,
            tpu.vector_store %arg12[%swap3A_1282, %swap3A_1283], %mul3A_1281 {strides = array<i32>} : memref<64x128xf32, #tpu.memory_space<vmem>>, vector<16xf32>,
            %get3A_1285 = arith.index_cast %add3A_1257 : i32 to index
            %get3A_1286 = arith.constant 64 : index
            %get3A_1287 = tpu.vector_load %arg12[%get3A_1285, %get3A_1286] {strides = array<i32>} : memref<64x128xf32, #tpu.memory_space<vmem>>, vector<16xf32>,
            %mul3A_1288 = arith.mulf %get3A_1287, %get3A_1 : vector<16xf32>
            %swap3A_1289 = arith.index_cast %add3A_1257 : i32 to index
            %swap3A_1290 = arith.constant 64 : index
            %swap3A_1291 = tpu.vector_load %arg12[%swap3A_1289, %swap3A_1290] {strides = array<i32>} : memref<64x128xf32, #tpu.memory_space<vmem>>, vector<16xf32>,
            tpu.vector_store %arg12[%swap3A_1289, %swap3A_1290], %mul3A_1288 {strides = array<i32>} : memref<64x128xf32, #tpu.memory_space<vmem>>, vector<16xf32>,
            %get3A_1292 = arith.index_cast %add3A_1257 : i32 to index
            %get3A_1293 = arith.constant 80 : index
            %get3A_1294 = tpu.vector_load %arg12[%get3A_1292, %get3A_1293] {strides = array<i32>} : memref<64x128xf32, #tpu.memory_space<vmem>>, vector<16xf32>,
            %mul3A_1295 = arith.mulf %get3A_1294, %get3A_1 : vector<16xf32>
            %swap3A_1296 = arith.index_cast %add3A_1257 : i32 to index
            %swap3A_1297 = arith.constant 80 : index
            %swap3A_1298 = tpu.vector_load %arg12[%swap3A_1296, %swap3A_1297] {strides = array<i32>} : memref<64x128xf32, #tpu.memory_space<vmem>>, vector<16xf32>,
            tpu.vector_store %arg12[%swap3A_1296, %swap3A_1297], %mul3A_1295 {strides = array<i32>} : memref<64x128xf32, #tpu.memory_space<vmem>>, vector<16xf32>,
            %get3A_1299 = arith.index_cast %add3A_1257 : i32 to index
            %get3A_1300 = arith.constant 96 : index
            %get3A_1301 = tpu.vector_load %arg12[%get3A_1299, %get3A_1300] {strides = array<i32>} : memref<64x128xf32, #tpu.memory_space<vmem>>, vector<16xf32>,
            %mul3A_1302 = arith.mulf %get3A_1301, %get3A_1 : vector<16xf32>
            %swap3A_1303 = arith.index_cast %add3A_1257 : i32 to index
            %swap3A_1304 = arith.constant 96 : index
            %swap3A_1305 = tpu.vector_load %arg12[%swap3A_1303, %swap3A_1304] {strides = array<i32>} : memref<64x128xf32, #tpu.memory_space<vmem>>, vector<16xf32>,
            tpu.vector_store %arg12[%swap3A_1303, %swap3A_1304], %mul3A_1302 {strides = array<i32>} : memref<64x128xf32, #tpu.memory_space<vmem>>, vector<16xf32>,
            %get3A_1306 = arith.index_cast %add3A_1257 : i32 to index
            %get3A_1307 = arith.constant 112 : index
            %get3A_1308 = tpu.vector_load %arg12[%get3A_1306, %get3A_1307] {strides = array<i32>} : memref<64x128xf32, #tpu.memory_space<vmem>>, vector<16xf32>,
            %mul3A_1309 = arith.mulf %get3A_1308, %get3A_1 : vector<16xf32>
            %swap3A_1310 = arith.index_cast %add3A_1257 : i32 to index
            %swap3A_1311 = arith.constant 112 : index
            %swap3A_1312 = tpu.vector_load %arg12[%swap3A_1310, %swap3A_1311] {strides = array<i32>} : memref<64x128xf32, #tpu.memory_space<vmem>>, vector<16xf32>,
            tpu.vector_store %arg12[%swap3A_1310, %swap3A_1311], %mul3A_1309 {strides = array<i32>} : memref<64x128xf32, #tpu.memory_space<vmem>>, vector<16xf32>,
          }
          %scan3A_1252 = arith.constant 64 : i32
        } else {
        }
        %max3A = arith.maxsi %select_n3A_801, %multiple_of3A_841 : i32
        %add3A_1232 = arith.constant 64 : i32
        %add3A_1233 = arith.addi %multiple_of3A_841, %add3A_1232 : i32
        %min3A_1234 = arith.minsi %select_n3A_834, %add3A_1233 : i32
        %while3A = arith.constant 0 : i32
        %while3A_1235 = arith.subi %min3A_1234, %max3A : i32
        %while3A_1236 = arith.addi %max3A, %while3A_1235 : i32
        %while3A_1237 = arith.constant 1 : i32
        %while3A_1238 = arith.divsi %while3A_1235, %while3A_1237 : i32
        %while3A_1239 = arith.muli %while3A_1238, %while3A_1237 : i32
        %while3A_1240 = arith.addi %max3A, %while3A_1239 : i32
        %while3A_1241 = arith.constant 1 : i32
        %while3A_1242 = scf.for %while3A_1248 = %max3A to %while3A_1240 step %while3A_1241 iter_args(%while3A_1249 = %while3A) -> (i32)  : i32 {
          %sub3A_1250 = arith.subi %while3A_1248, %multiple_of3A_841 : i32
          %div3A_1251 = arith.constant 16 : i32
          %div3A_1252 = arith.divsi %sub3A_1250, %div3A_1251 : i32
          %mul3A_1253 = arith.constant 16 : i32
          %mul3A_1254 = arith.muli %div3A_1252, %mul3A_1253 : i32
          %add3A_1255 = arith.addi %multiple_of3A_841, %mul3A_1254 : i32
          %get3A_1256 = arith.index_cast %add3A_1255 : i32 to index
          %get3A_1257 = tpu.vector_load %arg11[%get3A_1256] {strides = array<i32>} : memref<16384xi32, #tpu.memory_space<vmem>>, vector<16xi32>,
          %sub3A_1258 = arith.subi %sub3A_1250, %mul3A_1254 : i32
          %broadcast_in_dim3A_1259 = vector.broadcast %sub3A_1258 : i32 to vector<16xi32>
          %broadcast_in_dim3A_1260 = vector.shape_cast %broadcast_in_dim3A_1259 : vector<16xi32> to vector<16x1xi32>
          %gather3A_1261 = vector.shape_cast %broadcast_in_dim3A_1260 : vector<16x1xi32> to vector<16xi32>
          %gather3A_1262 = tpu.dynamic_gather %get3A_1257[%gather3A_1261] in [0] : vector<16xi32>, vector<16xi32> -> vector<16xi32>
          %sub3A_1263 = vector.broadcast %multiple_of3A_765 : i32 to vector<16xi32>
          %sub3A_1264 = arith.subi %gather3A_1262, %sub3A_1263 : vector<16xi32>
          %ge3A = arith.constant 0 : i32
          %ge3A_1265 = vector.broadcast %ge3A : i32 to vector<16xi32>
          %ge3A_1266 = arith.cmpi sge, %sub3A_1264, %ge3A_1265 : vector<16xi32>
          %lt3A_1267 = arith.constant 160 : i32
          %lt3A_1268 = vector.broadcast %lt3A_1267 : i32 to vector<16xi32>
          %lt3A_1269 = arith.cmpi slt, %sub3A_1264, %lt3A_1268 : vector<16xi32>
          %and3A_1270 = arith.andi %ge3A_1266, %lt3A_1269 : vector<16xi1>
          %jit3A_1271 = arith.constant 0 : i32
          %jit3A_1272 = arith.constant 159 : i32
          %max3A_1273 = vector.broadcast %jit3A_1271 : i32 to vector<16xi32>
          %max3A_1274 = arith.maxsi %max3A_1273, %sub3A_1264 : vector<16xi32>
          %min3A_1275 = vector.broadcast %jit3A_1272 : i32 to vector<16xi32>
          %min3A_1276 = arith.minsi %min3A_1275, %max3A_1274 : vector<16xi32>
          %get3A_1277 = arith.index_cast %sub3A_1250 : i32 to index
          %get3A_1278 = arith.constant 0 : index
          %get3A_1279 = tpu.vector_load %arg12[%get3A_1277, %get3A_1278] {strides = array<i32>} : memref<64x128xf32, #tpu.memory_space<vmem>>, vector<16xf32>,
          tpu.vector_store_idx %arg7[%min3A_1276, %add3A_624], %get3A_1279 masked %and3A_1270 {add = true} : memref<160x128xf32, #tpu.memory_space<vmem>>[vector<16xi32>, vector<16xi32>], vector<16xf32>, vector<16xi1>
          %get3A_1280 = arith.index_cast %sub3A_1250 : i32 to index
          %get3A_1281 = arith.constant 16 : index
          %get3A_1282 = tpu.vector_load %arg12[%get3A_1280, %get3A_1281] {strides = array<i32>} : memref<64x128xf32, #tpu.memory_space<vmem>>, vector<16xf32>,
          tpu.vector_store_idx %arg7[%min3A_1276, %add3A_627], %get3A_1282 masked %and3A_1270 {add = true} : memref<160x128xf32, #tpu.memory_space<vmem>>[vector<16xi32>, vector<16xi32>], vector<16xf32>, vector<16xi1>
          %get3A_1283 = arith.index_cast %sub3A_1250 : i32 to index
          %get3A_1284 = arith.constant 32 : index
          %get3A_1285 = tpu.vector_load %arg12[%get3A_1283, %get3A_1284] {strides = array<i32>} : memref<64x128xf32, #tpu.memory_space<vmem>>, vector<16xf32>,
          tpu.vector_store_idx %arg7[%min3A_1276, %add3A_630], %get3A_1285 masked %and3A_1270 {add = true} : memref<160x128xf32, #tpu.memory_space<vmem>>[vector<16xi32>, vector<16xi32>], vector<16xf32>, vector<16xi1>
          %get3A_1286 = arith.index_cast %sub3A_1250 : i32 to index
          %get3A_1287 = arith.constant 48 : index
          %get3A_1288 = tpu.vector_load %arg12[%get3A_1286, %get3A_1287] {strides = array<i32>} : memref<64x128xf32, #tpu.memory_space<vmem>>, vector<16xf32>,
          tpu.vector_store_idx %arg7[%min3A_1276, %add3A_633], %get3A_1288 masked %and3A_1270 {add = true} : memref<160x128xf32, #tpu.memory_space<vmem>>[vector<16xi32>, vector<16xi32>], vector<16xf32>, vector<16xi1>
          %get3A_1289 = arith.index_cast %sub3A_1250 : i32 to index
          %get3A_1290 = arith.constant 64 : index
          %get3A_1291 = tpu.vector_load %arg12[%get3A_1289, %get3A_1290] {strides = array<i32>} : memref<64x128xf32, #tpu.memory_space<vmem>>, vector<16xf32>,
          tpu.vector_store_idx %arg7[%min3A_1276, %add3A_636], %get3A_1291 masked %and3A_1270 {add = true} : memref<160x128xf32, #tpu.memory_space<vmem>>[vector<16xi32>, vector<16xi32>], vector<16xf32>, vector<16xi1>
          %get3A_1292 = arith.index_cast %sub3A_1250 : i32 to index
          %get3A_1293 = arith.constant 80 : index
          %get3A_1294 = tpu.vector_load %arg12[%get3A_1292, %get3A_1293] {strides = array<i32>} : memref<64x128xf32, #tpu.memory_space<vmem>>, vector<16xf32>,
          tpu.vector_store_idx %arg7[%min3A_1276, %add3A_639], %get3A_1294 masked %and3A_1270 {add = true} : memref<160x128xf32, #tpu.memory_space<vmem>>[vector<16xi32>, vector<16xi32>], vector<16xf32>, vector<16xi1>
          %get3A_1295 = arith.index_cast %sub3A_1250 : i32 to index
          %get3A_1296 = arith.constant 96 : index
          %get3A_1297 = tpu.vector_load %arg12[%get3A_1295, %get3A_1296] {strides = array<i32>} : memref<64x128xf32, #tpu.memory_space<vmem>>, vector<16xf32>,
          tpu.vector_store_idx %arg7[%min3A_1276, %add3A_642], %get3A_1297 masked %and3A_1270 {add = true} : memref<160x128xf32, #tpu.memory_space<vmem>>[vector<16xi32>, vector<16xi32>], vector<16xf32>, vector<16xi1>
          %get3A_1298 = arith.index_cast %sub3A_1250 : i32 to index
          %get3A_1299 = arith.constant 112 : index
          %get3A_1300 = tpu.vector_load %arg12[%get3A_1298, %get3A_1299] {strides = array<i32>} : memref<64x128xf32, #tpu.memory_space<vmem>>, vector<16xf32>,
          tpu.vector_store_idx %arg7[%min3A_1276, %add3A_645], %get3A_1300 masked %and3A_1270 {add = true} : memref<160x128xf32, #tpu.memory_space<vmem>>[vector<16xi32>, vector<16xi32>], vector<16xf32>, vector<16xi1>
          %while3A_1301 = arith.constant 0 : i32
          scf.yield %while3A_1301 : i32
        }
        %while3A_1243 = arith.constant 1 : i32
        %while3A_1244 = scf.for %while3A_1248 = %while3A_1240 to %while3A_1236 step %while3A_1243 iter_args(%while3A_1249 = %while3A_1242) -> (i32)  : i32 {
          %sub3A_1250 = arith.subi %while3A_1248, %multiple_of3A_841 : i32
          %div3A_1251 = arith.constant 16 : i32
          %div3A_1252 = arith.divsi %sub3A_1250, %div3A_1251 : i32
          %mul3A_1253 = arith.constant 16 : i32
          %mul3A_1254 = arith.muli %div3A_1252, %mul3A_1253 : i32
          %add3A_1255 = arith.addi %multiple_of3A_841, %mul3A_1254 : i32
          %get3A_1256 = arith.index_cast %add3A_1255 : i32 to index
          %get3A_1257 = tpu.vector_load %arg11[%get3A_1256] {strides = array<i32>} : memref<16384xi32, #tpu.memory_space<vmem>>, vector<16xi32>,
          %sub3A_1258 = arith.subi %sub3A_1250, %mul3A_1254 : i32
          %broadcast_in_dim3A_1259 = vector.broadcast %sub3A_1258 : i32 to vector<16xi32>
          %broadcast_in_dim3A_1260 = vector.shape_cast %broadcast_in_dim3A_1259 : vector<16xi32> to vector<16x1xi32>
          %gather3A_1261 = vector.shape_cast %broadcast_in_dim3A_1260 : vector<16x1xi32> to vector<16xi32>
          %gather3A_1262 = tpu.dynamic_gather %get3A_1257[%gather3A_1261] in [0] : vector<16xi32>, vector<16xi32> -> vector<16xi32>
          %sub3A_1263 = vector.broadcast %multiple_of3A_765 : i32 to vector<16xi32>
          %sub3A_1264 = arith.subi %gather3A_1262, %sub3A_1263 : vector<16xi32>
          %ge3A = arith.constant 0 : i32
          %ge3A_1265 = vector.broadcast %ge3A : i32 to vector<16xi32>
          %ge3A_1266 = arith.cmpi sge, %sub3A_1264, %ge3A_1265 : vector<16xi32>
          %lt3A_1267 = arith.constant 160 : i32
          %lt3A_1268 = vector.broadcast %lt3A_1267 : i32 to vector<16xi32>
          %lt3A_1269 = arith.cmpi slt, %sub3A_1264, %lt3A_1268 : vector<16xi32>
          %and3A_1270 = arith.andi %ge3A_1266, %lt3A_1269 : vector<16xi1>
          %jit3A_1271 = arith.constant 0 : i32
          %jit3A_1272 = arith.constant 159 : i32
          %max3A_1273 = vector.broadcast %jit3A_1271 : i32 to vector<16xi32>
          %max3A_1274 = arith.maxsi %max3A_1273, %sub3A_1264 : vector<16xi32>
          %min3A_1275 = vector.broadcast %jit3A_1272 : i32 to vector<16xi32>
          %min3A_1276 = arith.minsi %min3A_1275, %max3A_1274 : vector<16xi32>
          %get3A_1277 = arith.index_cast %sub3A_1250 : i32 to index
          %get3A_1278 = arith.constant 0 : index
          %get3A_1279 = tpu.vector_load %arg12[%get3A_1277, %get3A_1278] {strides = array<i32>} : memref<64x128xf32, #tpu.memory_space<vmem>>, vector<16xf32>,
          tpu.vector_store_idx %arg7[%min3A_1276, %add3A_624], %get3A_1279 masked %and3A_1270 {add = true} : memref<160x128xf32, #tpu.memory_space<vmem>>[vector<16xi32>, vector<16xi32>], vector<16xf32>, vector<16xi1>
          %get3A_1280 = arith.index_cast %sub3A_1250 : i32 to index
          %get3A_1281 = arith.constant 16 : index
          %get3A_1282 = tpu.vector_load %arg12[%get3A_1280, %get3A_1281] {strides = array<i32>} : memref<64x128xf32, #tpu.memory_space<vmem>>, vector<16xf32>,
          tpu.vector_store_idx %arg7[%min3A_1276, %add3A_627], %get3A_1282 masked %and3A_1270 {add = true} : memref<160x128xf32, #tpu.memory_space<vmem>>[vector<16xi32>, vector<16xi32>], vector<16xf32>, vector<16xi1>
          %get3A_1283 = arith.index_cast %sub3A_1250 : i32 to index
          %get3A_1284 = arith.constant 32 : index
          %get3A_1285 = tpu.vector_load %arg12[%get3A_1283, %get3A_1284] {strides = array<i32>} : memref<64x128xf32, #tpu.memory_space<vmem>>, vector<16xf32>,
          tpu.vector_store_idx %arg7[%min3A_1276, %add3A_630], %get3A_1285 masked %and3A_1270 {add = true} : memref<160x128xf32, #tpu.memory_space<vmem>>[vector<16xi32>, vector<16xi32>], vector<16xf32>, vector<16xi1>
          %get3A_1286 = arith.index_cast %sub3A_1250 : i32 to index
          %get3A_1287 = arith.constant 48 : index
          %get3A_1288 = tpu.vector_load %arg12[%get3A_1286, %get3A_1287] {strides = array<i32>} : memref<64x128xf32, #tpu.memory_space<vmem>>, vector<16xf32>,
          tpu.vector_store_idx %arg7[%min3A_1276, %add3A_633], %get3A_1288 masked %and3A_1270 {add = true} : memref<160x128xf32, #tpu.memory_space<vmem>>[vector<16xi32>, vector<16xi32>], vector<16xf32>, vector<16xi1>
          %get3A_1289 = arith.index_cast %sub3A_1250 : i32 to index
          %get3A_1290 = arith.constant 64 : index
          %get3A_1291 = tpu.vector_load %arg12[%get3A_1289, %get3A_1290] {strides = array<i32>} : memref<64x128xf32, #tpu.memory_space<vmem>>, vector<16xf32>,
          tpu.vector_store_idx %arg7[%min3A_1276, %add3A_636], %get3A_1291 masked %and3A_1270 {add = true} : memref<160x128xf32, #tpu.memory_space<vmem>>[vector<16xi32>, vector<16xi32>], vector<16xf32>, vector<16xi1>
          %get3A_1292 = arith.index_cast %sub3A_1250 : i32 to index
          %get3A_1293 = arith.constant 80 : index
          %get3A_1294 = tpu.vector_load %arg12[%get3A_1292, %get3A_1293] {strides = array<i32>} : memref<64x128xf32, #tpu.memory_space<vmem>>, vector<16xf32>,
          tpu.vector_store_idx %arg7[%min3A_1276, %add3A_639], %get3A_1294 masked %and3A_1270 {add = true} : memref<160x128xf32, #tpu.memory_space<vmem>>[vector<16xi32>, vector<16xi32>], vector<16xf32>, vector<16xi1>
          %get3A_1295 = arith.index_cast %sub3A_1250 : i32 to index
          %get3A_1296 = arith.constant 96 : index
          %get3A_1297 = tpu.vector_load %arg12[%get3A_1295, %get3A_1296] {strides = array<i32>} : memref<64x128xf32, #tpu.memory_space<vmem>>, vector<16xf32>,
          tpu.vector_store_idx %arg7[%min3A_1276, %add3A_642], %get3A_1297 masked %and3A_1270 {add = true} : memref<160x128xf32, #tpu.memory_space<vmem>>[vector<16xi32>, vector<16xi32>], vector<16xf32>, vector<16xi1>
          %get3A_1298 = arith.index_cast %sub3A_1250 : i32 to index
          %get3A_1299 = arith.constant 112 : index
          %get3A_1300 = tpu.vector_load %arg12[%get3A_1298, %get3A_1299] {strides = array<i32>} : memref<64x128xf32, #tpu.memory_space<vmem>>, vector<16xf32>,
          tpu.vector_store_idx %arg7[%min3A_1276, %add3A_645], %get3A_1300 masked %and3A_1270 {add = true} : memref<160x128xf32, #tpu.memory_space<vmem>>[vector<16xi32>, vector<16xi32>], vector<16xf32>, vector<16xi1>
          %while3A_1301 = arith.constant 0 : i32
          scf.yield %while3A_1301 : i32
        }
        %add3A_1245 = arith.constant 64 : i32
        %add3A_1246 = arith.addi %multiple_of3A_841, %add3A_1245 : i32
        %while3A_1247 = scf.while (%while3A_1248 = %add3A_1246) : (i32) -> i32 {
          %lt3A_1249 = arith.cmpi slt, %while3A_1248, %select_n3A_834 : i32
          scf.condition(%lt3A_1249) %while3A_1248 : i32
        } do {
        ^bb0(%while3A_1248: i32):
          %multiple_of3A_1249 = tpu.assume_multiple %while3A_1248, 8 : i32
          "tpu.region"() ({
            %run_scoped3A = tpu.sem_alloc : memref<!tpu.dma_semaphore, #tpu.memory_space<semaphore_mem>>
            %dma_start3A_1272 = arith.constant 0 : i32
            %dma_start3A_1273 = tpu.memref_slice %arg3[%multiple_of3A_1249, %dma_start3A_1272] : memref<16384x128xf32, #tpu.memory_space<hbm>> -> memref<64x128xf32, #tpu.memory_space<hbm>>
            %dma_start3A_1274 = arith.constant 0 : i32
            %dma_start3A_1275 = tpu.memref_slice %arg3[%multiple_of3A_1249, %dma_start3A_1274] : memref<16384x128xf32, #tpu.memory_space<hbm>> -> memref<64x128xf32, #tpu.memory_space<hbm>>
            tpu.enqueue_dma source(%dma_start3A_1275 : memref<64x128xf32, #tpu.memory_space<hbm>>) target(%arg12 : memref<64x128xf32, #tpu.memory_space<vmem>>) target_semaphore(%run_scoped3A : memref<!tpu.dma_semaphore, #tpu.memory_space<semaphore_mem>>)
            %dma_wait3A_1276 = arith.constant 0 : i32
            %dma_wait3A_1277 = tpu.memref_slice %arg3[%multiple_of3A_1249, %dma_wait3A_1276] : memref<16384x128xf32, #tpu.memory_space<hbm>> -> memref<64x128xf32, #tpu.memory_space<hbm>>
            %dma_wait3A_1278 = arith.constant 0 : i32
            %dma_wait3A_1279 = tpu.memref_slice %arg3[%multiple_of3A_1249, %dma_wait3A_1278] : memref<16384x128xf32, #tpu.memory_space<hbm>> -> memref<64x128xf32, #tpu.memory_space<hbm>>
            tpu.wait_dma2 semaphore(%run_scoped3A : memref<!tpu.dma_semaphore, #tpu.memory_space<semaphore_mem>>) src(%dma_wait3A_1279 : memref<64x128xf32, #tpu.memory_space<hbm>>) dst(%arg12 : memref<64x128xf32, #tpu.memory_space<vmem>>)
            tpu.yield
          }) : () -> ()
          %ne3A_1250 = arith.constant 1.000000e+00 : f32
          %ne3A_1251 = arith.cmpf one, %reduce_max3A_4, %ne3A_1250 : f32
          %convert_element_type3A_1252 = arith.extui %ne3A_1251 : i1 to i32
          %cond3A_1253 = arith.constant 0 : i32
          %cond3A_1254 = arith.cmpi ne, %convert_element_type3A_1252, %cond3A_1253 : i32
          scf.if %cond3A_1254 {
            %scan3A_1272 = arith.constant 0 : i32
            %scan3A_1273 = arith.constant 64 : i32
            %scan3A_1274 = arith.addi %scan3A_1272, %scan3A_1273 : i32
            %scan3A_1275 = arith.constant 1 : i32
            scf.for %scan3A_1277 = %scan3A_1272 to %scan3A_1274 step %scan3A_1275  : i32 {
              %mul3A_1278 = arith.constant 1 : i32
              %mul3A_1279 = arith.muli %scan3A_1277, %mul3A_1278 : i32
              %add3A_1280 = arith.constant 0 : i32
              %add3A_1281 = arith.addi %add3A_1280, %mul3A_1279 : i32
              %get3A_1282 = arith.index_cast %add3A_1281 : i32 to index
              %get3A_1283 = arith.constant 0 : index
              %get3A_1284 = tpu.vector_load %arg12[%get3A_1282, %get3A_1283] {strides = array<i32>} : memref<64x128xf32, #tpu.memory_space<vmem>>, vector<16xf32>,
              %mul3A_1285 = arith.mulf %get3A_1284, %get3A_1 : vector<16xf32>
              %swap3A = arith.index_cast %add3A_1281 : i32 to index
              %swap3A_1286 = arith.constant 0 : index
              %swap3A_1287 = tpu.vector_load %arg12[%swap3A, %swap3A_1286] {strides = array<i32>} : memref<64x128xf32, #tpu.memory_space<vmem>>, vector<16xf32>,
              tpu.vector_store %arg12[%swap3A, %swap3A_1286], %mul3A_1285 {strides = array<i32>} : memref<64x128xf32, #tpu.memory_space<vmem>>, vector<16xf32>,
              %get3A_1288 = arith.index_cast %add3A_1281 : i32 to index
              %get3A_1289 = arith.constant 16 : index
              %get3A_1290 = tpu.vector_load %arg12[%get3A_1288, %get3A_1289] {strides = array<i32>} : memref<64x128xf32, #tpu.memory_space<vmem>>, vector<16xf32>,
              %mul3A_1291 = arith.mulf %get3A_1290, %get3A_1 : vector<16xf32>
              %swap3A_1292 = arith.index_cast %add3A_1281 : i32 to index
              %swap3A_1293 = arith.constant 16 : index
              %swap3A_1294 = tpu.vector_load %arg12[%swap3A_1292, %swap3A_1293] {strides = array<i32>} : memref<64x128xf32, #tpu.memory_space<vmem>>, vector<16xf32>,
              tpu.vector_store %arg12[%swap3A_1292, %swap3A_1293], %mul3A_1291 {strides = array<i32>} : memref<64x128xf32, #tpu.memory_space<vmem>>, vector<16xf32>,
              %get3A_1295 = arith.index_cast %add3A_1281 : i32 to index
              %get3A_1296 = arith.constant 32 : index
              %get3A_1297 = tpu.vector_load %arg12[%get3A_1295, %get3A_1296] {strides = array<i32>} : memref<64x128xf32, #tpu.memory_space<vmem>>, vector<16xf32>,
              %mul3A_1298 = arith.mulf %get3A_1297, %get3A_1 : vector<16xf32>
              %swap3A_1299 = arith.index_cast %add3A_1281 : i32 to index
              %swap3A_1300 = arith.constant 32 : index
              %swap3A_1301 = tpu.vector_load %arg12[%swap3A_1299, %swap3A_1300] {strides = array<i32>} : memref<64x128xf32, #tpu.memory_space<vmem>>, vector<16xf32>,
              tpu.vector_store %arg12[%swap3A_1299, %swap3A_1300], %mul3A_1298 {strides = array<i32>} : memref<64x128xf32, #tpu.memory_space<vmem>>, vector<16xf32>,
              %get3A_1302 = arith.index_cast %add3A_1281 : i32 to index
              %get3A_1303 = arith.constant 48 : index
              %get3A_1304 = tpu.vector_load %arg12[%get3A_1302, %get3A_1303] {strides = array<i32>} : memref<64x128xf32, #tpu.memory_space<vmem>>, vector<16xf32>,
              %mul3A_1305 = arith.mulf %get3A_1304, %get3A_1 : vector<16xf32>
              %swap3A_1306 = arith.index_cast %add3A_1281 : i32 to index
              %swap3A_1307 = arith.constant 48 : index
              %swap3A_1308 = tpu.vector_load %arg12[%swap3A_1306, %swap3A_1307] {strides = array<i32>} : memref<64x128xf32, #tpu.memory_space<vmem>>, vector<16xf32>,
              tpu.vector_store %arg12[%swap3A_1306, %swap3A_1307], %mul3A_1305 {strides = array<i32>} : memref<64x128xf32, #tpu.memory_space<vmem>>, vector<16xf32>,
              %get3A_1309 = arith.index_cast %add3A_1281 : i32 to index
              %get3A_1310 = arith.constant 64 : index
              %get3A_1311 = tpu.vector_load %arg12[%get3A_1309, %get3A_1310] {strides = array<i32>} : memref<64x128xf32, #tpu.memory_space<vmem>>, vector<16xf32>,
              %mul3A_1312 = arith.mulf %get3A_1311, %get3A_1 : vector<16xf32>
              %swap3A_1313 = arith.index_cast %add3A_1281 : i32 to index
              %swap3A_1314 = arith.constant 64 : index
              %swap3A_1315 = tpu.vector_load %arg12[%swap3A_1313, %swap3A_1314] {strides = array<i32>} : memref<64x128xf32, #tpu.memory_space<vmem>>, vector<16xf32>,
              tpu.vector_store %arg12[%swap3A_1313, %swap3A_1314], %mul3A_1312 {strides = array<i32>} : memref<64x128xf32, #tpu.memory_space<vmem>>, vector<16xf32>,
              %get3A_1316 = arith.index_cast %add3A_1281 : i32 to index
              %get3A_1317 = arith.constant 80 : index
              %get3A_1318 = tpu.vector_load %arg12[%get3A_1316, %get3A_1317] {strides = array<i32>} : memref<64x128xf32, #tpu.memory_space<vmem>>, vector<16xf32>,
              %mul3A_1319 = arith.mulf %get3A_1318, %get3A_1 : vector<16xf32>
              %swap3A_1320 = arith.index_cast %add3A_1281 : i32 to index
              %swap3A_1321 = arith.constant 80 : index
              %swap3A_1322 = tpu.vector_load %arg12[%swap3A_1320, %swap3A_1321] {strides = array<i32>} : memref<64x128xf32, #tpu.memory_space<vmem>>, vector<16xf32>,
              tpu.vector_store %arg12[%swap3A_1320, %swap3A_1321], %mul3A_1319 {strides = array<i32>} : memref<64x128xf32, #tpu.memory_space<vmem>>, vector<16xf32>,
              %get3A_1323 = arith.index_cast %add3A_1281 : i32 to index
              %get3A_1324 = arith.constant 96 : index
              %get3A_1325 = tpu.vector_load %arg12[%get3A_1323, %get3A_1324] {strides = array<i32>} : memref<64x128xf32, #tpu.memory_space<vmem>>, vector<16xf32>,
              %mul3A_1326 = arith.mulf %get3A_1325, %get3A_1 : vector<16xf32>
              %swap3A_1327 = arith.index_cast %add3A_1281 : i32 to index
              %swap3A_1328 = arith.constant 96 : index
              %swap3A_1329 = tpu.vector_load %arg12[%swap3A_1327, %swap3A_1328] {strides = array<i32>} : memref<64x128xf32, #tpu.memory_space<vmem>>, vector<16xf32>,
              tpu.vector_store %arg12[%swap3A_1327, %swap3A_1328], %mul3A_1326 {strides = array<i32>} : memref<64x128xf32, #tpu.memory_space<vmem>>, vector<16xf32>,
              %get3A_1330 = arith.index_cast %add3A_1281 : i32 to index
              %get3A_1331 = arith.constant 112 : index
              %get3A_1332 = tpu.vector_load %arg12[%get3A_1330, %get3A_1331] {strides = array<i32>} : memref<64x128xf32, #tpu.memory_space<vmem>>, vector<16xf32>,
              %mul3A_1333 = arith.mulf %get3A_1332, %get3A_1 : vector<16xf32>
              %swap3A_1334 = arith.index_cast %add3A_1281 : i32 to index
              %swap3A_1335 = arith.constant 112 : index
              %swap3A_1336 = tpu.vector_load %arg12[%swap3A_1334, %swap3A_1335] {strides = array<i32>} : memref<64x128xf32, #tpu.memory_space<vmem>>, vector<16xf32>,
              tpu.vector_store %arg12[%swap3A_1334, %swap3A_1335], %mul3A_1333 {strides = array<i32>} : memref<64x128xf32, #tpu.memory_space<vmem>>, vector<16xf32>,
            }
            %scan3A_1276 = arith.constant 64 : i32
          } else {
          }
          %max3A_1255 = arith.maxsi %select_n3A_801, %multiple_of3A_1249 : i32
          %add3A_1256 = arith.constant 64 : i32
          %add3A_1257 = arith.addi %multiple_of3A_1249, %add3A_1256 : i32
          %min3A_1258 = arith.minsi %select_n3A_834, %add3A_1257 : i32
          %while3A_1259 = arith.constant 0 : i32
          %while3A_1260 = arith.subi %min3A_1258, %max3A_1255 : i32
          %while3A_1261 = arith.addi %max3A_1255, %while3A_1260 : i32
          %while3A_1262 = arith.constant 1 : i32
          %while3A_1263 = arith.divsi %while3A_1260, %while3A_1262 : i32
          %while3A_1264 = arith.muli %while3A_1263, %while3A_1262 : i32
          %while3A_1265 = arith.addi %max3A_1255, %while3A_1264 : i32
          %while3A_1266 = arith.constant 1 : i32
          %while3A_1267 = scf.for %while3A_1272 = %max3A_1255 to %while3A_1265 step %while3A_1266 iter_args(%while3A_1273 = %while3A_1259) -> (i32)  : i32 {
            %sub3A_1274 = arith.subi %while3A_1272, %multiple_of3A_1249 : i32
            %div3A_1275 = arith.constant 16 : i32
            %div3A_1276 = arith.divsi %sub3A_1274, %div3A_1275 : i32
            %mul3A_1277 = arith.constant 16 : i32
            %mul3A_1278 = arith.muli %div3A_1276, %mul3A_1277 : i32
            %add3A_1279 = arith.addi %multiple_of3A_1249, %mul3A_1278 : i32
            %get3A_1280 = arith.index_cast %add3A_1279 : i32 to index
            %get3A_1281 = tpu.vector_load %arg11[%get3A_1280] {strides = array<i32>} : memref<16384xi32, #tpu.memory_space<vmem>>, vector<16xi32>,
            %sub3A_1282 = arith.subi %sub3A_1274, %mul3A_1278 : i32
            %broadcast_in_dim3A_1283 = vector.broadcast %sub3A_1282 : i32 to vector<16xi32>
            %broadcast_in_dim3A_1284 = vector.shape_cast %broadcast_in_dim3A_1283 : vector<16xi32> to vector<16x1xi32>
            %gather3A_1285 = vector.shape_cast %broadcast_in_dim3A_1284 : vector<16x1xi32> to vector<16xi32>
            %gather3A_1286 = tpu.dynamic_gather %get3A_1281[%gather3A_1285] in [0] : vector<16xi32>, vector<16xi32> -> vector<16xi32>
            %sub3A_1287 = vector.broadcast %multiple_of3A_765 : i32 to vector<16xi32>
            %sub3A_1288 = arith.subi %gather3A_1286, %sub3A_1287 : vector<16xi32>
            %ge3A = arith.constant 0 : i32
            %ge3A_1289 = vector.broadcast %ge3A : i32 to vector<16xi32>
            %ge3A_1290 = arith.cmpi sge, %sub3A_1288, %ge3A_1289 : vector<16xi32>
            %lt3A_1291 = arith.constant 160 : i32
            %lt3A_1292 = vector.broadcast %lt3A_1291 : i32 to vector<16xi32>
            %lt3A_1293 = arith.cmpi slt, %sub3A_1288, %lt3A_1292 : vector<16xi32>
            %and3A_1294 = arith.andi %ge3A_1290, %lt3A_1293 : vector<16xi1>
            %jit3A_1295 = arith.constant 0 : i32
            %jit3A_1296 = arith.constant 159 : i32
            %max3A_1297 = vector.broadcast %jit3A_1295 : i32 to vector<16xi32>
            %max3A_1298 = arith.maxsi %max3A_1297, %sub3A_1288 : vector<16xi32>
            %min3A_1299 = vector.broadcast %jit3A_1296 : i32 to vector<16xi32>
            %min3A_1300 = arith.minsi %min3A_1299, %max3A_1298 : vector<16xi32>
            %get3A_1301 = arith.index_cast %sub3A_1274 : i32 to index
            %get3A_1302 = arith.constant 0 : index
            %get3A_1303 = tpu.vector_load %arg12[%get3A_1301, %get3A_1302] {strides = array<i32>} : memref<64x128xf32, #tpu.memory_space<vmem>>, vector<16xf32>,
            tpu.vector_store_idx %arg7[%min3A_1300, %add3A_624], %get3A_1303 masked %and3A_1294 {add = true} : memref<160x128xf32, #tpu.memory_space<vmem>>[vector<16xi32>, vector<16xi32>], vector<16xf32>, vector<16xi1>
            %get3A_1304 = arith.index_cast %sub3A_1274 : i32 to index
            %get3A_1305 = arith.constant 16 : index
            %get3A_1306 = tpu.vector_load %arg12[%get3A_1304, %get3A_1305] {strides = array<i32>} : memref<64x128xf32, #tpu.memory_space<vmem>>, vector<16xf32>,
            tpu.vector_store_idx %arg7[%min3A_1300, %add3A_627], %get3A_1306 masked %and3A_1294 {add = true} : memref<160x128xf32, #tpu.memory_space<vmem>>[vector<16xi32>, vector<16xi32>], vector<16xf32>, vector<16xi1>
            %get3A_1307 = arith.index_cast %sub3A_1274 : i32 to index
            %get3A_1308 = arith.constant 32 : index
            %get3A_1309 = tpu.vector_load %arg12[%get3A_1307, %get3A_1308] {strides = array<i32>} : memref<64x128xf32, #tpu.memory_space<vmem>>, vector<16xf32>,
            tpu.vector_store_idx %arg7[%min3A_1300, %add3A_630], %get3A_1309 masked %and3A_1294 {add = true} : memref<160x128xf32, #tpu.memory_space<vmem>>[vector<16xi32>, vector<16xi32>], vector<16xf32>, vector<16xi1>
            %get3A_1310 = arith.index_cast %sub3A_1274 : i32 to index
            %get3A_1311 = arith.constant 48 : index
            %get3A_1312 = tpu.vector_load %arg12[%get3A_1310, %get3A_1311] {strides = array<i32>} : memref<64x128xf32, #tpu.memory_space<vmem>>, vector<16xf32>,
            tpu.vector_store_idx %arg7[%min3A_1300, %add3A_633], %get3A_1312 masked %and3A_1294 {add = true} : memref<160x128xf32, #tpu.memory_space<vmem>>[vector<16xi32>, vector<16xi32>], vector<16xf32>, vector<16xi1>
            %get3A_1313 = arith.index_cast %sub3A_1274 : i32 to index
            %get3A_1314 = arith.constant 64 : index
            %get3A_1315 = tpu.vector_load %arg12[%get3A_1313, %get3A_1314] {strides = array<i32>} : memref<64x128xf32, #tpu.memory_space<vmem>>, vector<16xf32>,
            tpu.vector_store_idx %arg7[%min3A_1300, %add3A_636], %get3A_1315 masked %and3A_1294 {add = true} : memref<160x128xf32, #tpu.memory_space<vmem>>[vector<16xi32>, vector<16xi32>], vector<16xf32>, vector<16xi1>
            %get3A_1316 = arith.index_cast %sub3A_1274 : i32 to index
            %get3A_1317 = arith.constant 80 : index
            %get3A_1318 = tpu.vector_load %arg12[%get3A_1316, %get3A_1317] {strides = array<i32>} : memref<64x128xf32, #tpu.memory_space<vmem>>, vector<16xf32>,
            tpu.vector_store_idx %arg7[%min3A_1300, %add3A_639], %get3A_1318 masked %and3A_1294 {add = true} : memref<160x128xf32, #tpu.memory_space<vmem>>[vector<16xi32>, vector<16xi32>], vector<16xf32>, vector<16xi1>
            %get3A_1319 = arith.index_cast %sub3A_1274 : i32 to index
            %get3A_1320 = arith.constant 96 : index
            %get3A_1321 = tpu.vector_load %arg12[%get3A_1319, %get3A_1320] {strides = array<i32>} : memref<64x128xf32, #tpu.memory_space<vmem>>, vector<16xf32>,
            tpu.vector_store_idx %arg7[%min3A_1300, %add3A_642], %get3A_1321 masked %and3A_1294 {add = true} : memref<160x128xf32, #tpu.memory_space<vmem>>[vector<16xi32>, vector<16xi32>], vector<16xf32>, vector<16xi1>
            %get3A_1322 = arith.index_cast %sub3A_1274 : i32 to index
            %get3A_1323 = arith.constant 112 : index
            %get3A_1324 = tpu.vector_load %arg12[%get3A_1322, %get3A_1323] {strides = array<i32>} : memref<64x128xf32, #tpu.memory_space<vmem>>, vector<16xf32>,
            tpu.vector_store_idx %arg7[%min3A_1300, %add3A_645], %get3A_1324 masked %and3A_1294 {add = true} : memref<160x128xf32, #tpu.memory_space<vmem>>[vector<16xi32>, vector<16xi32>], vector<16xf32>, vector<16xi1>
            %while3A_1325 = arith.constant 0 : i32
            scf.yield %while3A_1325 : i32
          }
          %while3A_1268 = arith.constant 1 : i32
          %while3A_1269 = scf.for %while3A_1272 = %while3A_1265 to %while3A_1261 step %while3A_1268 iter_args(%while3A_1273 = %while3A_1267) -> (i32)  : i32 {
            %sub3A_1274 = arith.subi %while3A_1272, %multiple_of3A_1249 : i32
            %div3A_1275 = arith.constant 16 : i32
            %div3A_1276 = arith.divsi %sub3A_1274, %div3A_1275 : i32
            %mul3A_1277 = arith.constant 16 : i32
            %mul3A_1278 = arith.muli %div3A_1276, %mul3A_1277 : i32
            %add3A_1279 = arith.addi %multiple_of3A_1249, %mul3A_1278 : i32
            %get3A_1280 = arith.index_cast %add3A_1279 : i32 to index
            %get3A_1281 = tpu.vector_load %arg11[%get3A_1280] {strides = array<i32>} : memref<16384xi32, #tpu.memory_space<vmem>>, vector<16xi32>,
            %sub3A_1282 = arith.subi %sub3A_1274, %mul3A_1278 : i32
            %broadcast_in_dim3A_1283 = vector.broadcast %sub3A_1282 : i32 to vector<16xi32>
            %broadcast_in_dim3A_1284 = vector.shape_cast %broadcast_in_dim3A_1283 : vector<16xi32> to vector<16x1xi32>
            %gather3A_1285 = vector.shape_cast %broadcast_in_dim3A_1284 : vector<16x1xi32> to vector<16xi32>
            %gather3A_1286 = tpu.dynamic_gather %get3A_1281[%gather3A_1285] in [0] : vector<16xi32>, vector<16xi32> -> vector<16xi32>
            %sub3A_1287 = vector.broadcast %multiple_of3A_765 : i32 to vector<16xi32>
            %sub3A_1288 = arith.subi %gather3A_1286, %sub3A_1287 : vector<16xi32>
            %ge3A = arith.constant 0 : i32
            %ge3A_1289 = vector.broadcast %ge3A : i32 to vector<16xi32>
            %ge3A_1290 = arith.cmpi sge, %sub3A_1288, %ge3A_1289 : vector<16xi32>
            %lt3A_1291 = arith.constant 160 : i32
            %lt3A_1292 = vector.broadcast %lt3A_1291 : i32 to vector<16xi32>
            %lt3A_1293 = arith.cmpi slt, %sub3A_1288, %lt3A_1292 : vector<16xi32>
            %and3A_1294 = arith.andi %ge3A_1290, %lt3A_1293 : vector<16xi1>
            %jit3A_1295 = arith.constant 0 : i32
            %jit3A_1296 = arith.constant 159 : i32
            %max3A_1297 = vector.broadcast %jit3A_1295 : i32 to vector<16xi32>
            %max3A_1298 = arith.maxsi %max3A_1297, %sub3A_1288 : vector<16xi32>
            %min3A_1299 = vector.broadcast %jit3A_1296 : i32 to vector<16xi32>
            %min3A_1300 = arith.minsi %min3A_1299, %max3A_1298 : vector<16xi32>
            %get3A_1301 = arith.index_cast %sub3A_1274 : i32 to index
            %get3A_1302 = arith.constant 0 : index
            %get3A_1303 = tpu.vector_load %arg12[%get3A_1301, %get3A_1302] {strides = array<i32>} : memref<64x128xf32, #tpu.memory_space<vmem>>, vector<16xf32>,
            tpu.vector_store_idx %arg7[%min3A_1300, %add3A_624], %get3A_1303 masked %and3A_1294 {add = true} : memref<160x128xf32, #tpu.memory_space<vmem>>[vector<16xi32>, vector<16xi32>], vector<16xf32>, vector<16xi1>
            %get3A_1304 = arith.index_cast %sub3A_1274 : i32 to index
            %get3A_1305 = arith.constant 16 : index
            %get3A_1306 = tpu.vector_load %arg12[%get3A_1304, %get3A_1305] {strides = array<i32>} : memref<64x128xf32, #tpu.memory_space<vmem>>, vector<16xf32>,
            tpu.vector_store_idx %arg7[%min3A_1300, %add3A_627], %get3A_1306 masked %and3A_1294 {add = true} : memref<160x128xf32, #tpu.memory_space<vmem>>[vector<16xi32>, vector<16xi32>], vector<16xf32>, vector<16xi1>
            %get3A_1307 = arith.index_cast %sub3A_1274 : i32 to index
            %get3A_1308 = arith.constant 32 : index
            %get3A_1309 = tpu.vector_load %arg12[%get3A_1307, %get3A_1308] {strides = array<i32>} : memref<64x128xf32, #tpu.memory_space<vmem>>, vector<16xf32>,
            tpu.vector_store_idx %arg7[%min3A_1300, %add3A_630], %get3A_1309 masked %and3A_1294 {add = true} : memref<160x128xf32, #tpu.memory_space<vmem>>[vector<16xi32>, vector<16xi32>], vector<16xf32>, vector<16xi1>
            %get3A_1310 = arith.index_cast %sub3A_1274 : i32 to index
            %get3A_1311 = arith.constant 48 : index
            %get3A_1312 = tpu.vector_load %arg12[%get3A_1310, %get3A_1311] {strides = array<i32>} : memref<64x128xf32, #tpu.memory_space<vmem>>, vector<16xf32>,
            tpu.vector_store_idx %arg7[%min3A_1300, %add3A_633], %get3A_1312 masked %and3A_1294 {add = true} : memref<160x128xf32, #tpu.memory_space<vmem>>[vector<16xi32>, vector<16xi32>], vector<16xf32>, vector<16xi1>
            %get3A_1313 = arith.index_cast %sub3A_1274 : i32 to index
            %get3A_1314 = arith.constant 64 : index
            %get3A_1315 = tpu.vector_load %arg12[%get3A_1313, %get3A_1314] {strides = array<i32>} : memref<64x128xf32, #tpu.memory_space<vmem>>, vector<16xf32>,
            tpu.vector_store_idx %arg7[%min3A_1300, %add3A_636], %get3A_1315 masked %and3A_1294 {add = true} : memref<160x128xf32, #tpu.memory_space<vmem>>[vector<16xi32>, vector<16xi32>], vector<16xf32>, vector<16xi1>
            %get3A_1316 = arith.index_cast %sub3A_1274 : i32 to index
            %get3A_1317 = arith.constant 80 : index
            %get3A_1318 = tpu.vector_load %arg12[%get3A_1316, %get3A_1317] {strides = array<i32>} : memref<64x128xf32, #tpu.memory_space<vmem>>, vector<16xf32>,
            tpu.vector_store_idx %arg7[%min3A_1300, %add3A_639], %get3A_1318 masked %and3A_1294 {add = true} : memref<160x128xf32, #tpu.memory_space<vmem>>[vector<16xi32>, vector<16xi32>], vector<16xf32>, vector<16xi1>
            %get3A_1319 = arith.index_cast %sub3A_1274 : i32 to index
            %get3A_1320 = arith.constant 96 : index
            %get3A_1321 = tpu.vector_load %arg12[%get3A_1319, %get3A_1320] {strides = array<i32>} : memref<64x128xf32, #tpu.memory_space<vmem>>, vector<16xf32>,
            tpu.vector_store_idx %arg7[%min3A_1300, %add3A_642], %get3A_1321 masked %and3A_1294 {add = true} : memref<160x128xf32, #tpu.memory_space<vmem>>[vector<16xi32>, vector<16xi32>], vector<16xf32>, vector<16xi1>
            %get3A_1322 = arith.index_cast %sub3A_1274 : i32 to index
            %get3A_1323 = arith.constant 112 : index
            %get3A_1324 = tpu.vector_load %arg12[%get3A_1322, %get3A_1323] {strides = array<i32>} : memref<64x128xf32, #tpu.memory_space<vmem>>, vector<16xf32>,
            tpu.vector_store_idx %arg7[%min3A_1300, %add3A_645], %get3A_1324 masked %and3A_1294 {add = true} : memref<160x128xf32, #tpu.memory_space<vmem>>[vector<16xi32>, vector<16xi32>], vector<16xf32>, vector<16xi1>
            %while3A_1325 = arith.constant 0 : i32
            scf.yield %while3A_1325 : i32
          }
          %add3A_1270 = arith.constant 64 : i32
          %add3A_1271 = arith.addi %multiple_of3A_1249, %add3A_1270 : i32
          scf.yield %add3A_1271 : i32
        }
      } else {
      }
      %dma_start3A_867 = arith.constant 0 : i32
      %dma_start3A_868 = arith.constant 0 : i32
      %dma_start3A_869 = tpu.memref_slice %arg6[%multiple_of3A_765, %dma_start3A_868] : memref<100000x128xf32, #tpu.memory_space<hbm>> -> memref<160x128xf32, #tpu.memory_space<hbm>>
      %dma_start3A_870 = tpu.memref_slice %arg16[%dma_start3A_867] : memref<4x!tpu.dma_semaphore, #tpu.memory_space<semaphore_mem>> -> memref<1x!tpu.dma_semaphore, #tpu.memory_space<semaphore_mem>>
      %dma_start3A_871 = tpu.memref_squeeze %dma_start3A_870 : memref<1x!tpu.dma_semaphore, #tpu.memory_space<semaphore_mem>> -> memref<!tpu.dma_semaphore, #tpu.memory_space<semaphore_mem>>
      %dma_start3A_872 = arith.constant 0 : i32
      %dma_start3A_873 = tpu.memref_slice %arg6[%multiple_of3A_765, %dma_start3A_872] : memref<100000x128xf32, #tpu.memory_space<hbm>> -> memref<160x128xf32, #tpu.memory_space<hbm>>
      tpu.enqueue_dma source(%arg7 : memref<160x128xf32, #tpu.memory_space<vmem>>) target(%dma_start3A_873 : memref<160x128xf32, #tpu.memory_space<hbm>>) target_semaphore(%dma_start3A_871 : memref<!tpu.dma_semaphore, #tpu.memory_space<semaphore_mem>>)
      %mul3A_874 = arith.constant 4 : i32
      %mul3A_875 = arith.muli %add3A_757, %mul3A_874 : i32
      %add3A_876 = arith.constant 1 : i32
      %add3A_877 = arith.addi %mul3A_875, %add3A_876 : i32
      %mul3A_878 = arith.constant 160 : i32
      %mul3A_879 = arith.muli %add3A_877, %mul3A_878 : i32
      %add3A_880 = arith.addi %multiple_of3A, %mul3A_879 : i32
      %multiple_of3A_881 = tpu.assume_multiple %add3A_880, 8 : i32
      %add3A_882 = arith.constant 2 : i32
      %add3A_883 = arith.addi %add3A_877, %add3A_882 : i32
      %lt3A_884 = arith.constant 20 : i32
      %lt3A_885 = arith.cmpi slt, %add3A_883, %lt3A_884 : i32
      %convert_element_type3A_886 = arith.extui %lt3A_885 : i1 to i32
      %cond3A_887 = arith.constant 0 : i32
      %cond3A_888 = arith.cmpi ne, %convert_element_type3A_886, %cond3A_887 : i32
      scf.if %cond3A_888 {
        %ge3A = arith.constant 2 : i32
        %ge3A_1228 = arith.cmpi sge, %add3A_877, %ge3A : i32
        %convert_element_type3A_1229 = arith.extui %ge3A_1228 : i1 to i32
        %cond3A_1230 = arith.constant 0 : i32
        %cond3A_1231 = arith.cmpi ne, %convert_element_type3A_1229, %cond3A_1230 : i32
        scf.if %cond3A_1231 {
          %sub3A_1245 = arith.constant 2 : i32
          %sub3A_1246 = arith.subi %add3A_877, %sub3A_1245 : i32
          %mul3A_1247 = arith.constant 160 : i32
          %mul3A_1248 = arith.muli %sub3A_1246, %mul3A_1247 : i32
          %add3A_1249 = arith.addi %multiple_of3A, %mul3A_1248 : i32
          %multiple_of3A_1250 = tpu.assume_multiple %add3A_1249, 8 : i32
          %dma_wait3A_1251 = arith.constant 3 : i32
          %dma_wait3A_1252 = arith.constant 0 : i32
          %dma_wait3A_1253 = tpu.memref_slice %arg6[%multiple_of3A_1250, %dma_wait3A_1252] : memref<100000x128xf32, #tpu.memory_space<hbm>> -> memref<160x128xf32, #tpu.memory_space<hbm>>
          %dma_wait3A_1254 = tpu.memref_slice %arg16[%dma_wait3A_1251] : memref<4x!tpu.dma_semaphore, #tpu.memory_space<semaphore_mem>> -> memref<1x!tpu.dma_semaphore, #tpu.memory_space<semaphore_mem>>
          %dma_wait3A_1255 = tpu.memref_squeeze %dma_wait3A_1254 : memref<1x!tpu.dma_semaphore, #tpu.memory_space<semaphore_mem>> -> memref<!tpu.dma_semaphore, #tpu.memory_space<semaphore_mem>>
          %dma_wait3A_1256 = arith.constant 0 : i32
          %dma_wait3A_1257 = tpu.memref_slice %arg6[%multiple_of3A_1250, %dma_wait3A_1256] : memref<100000x128xf32, #tpu.memory_space<hbm>> -> memref<160x128xf32, #tpu.memory_space<hbm>>
          tpu.wait_dma2 semaphore(%dma_wait3A_1255 : memref<!tpu.dma_semaphore, #tpu.memory_space<semaphore_mem>>) src(%arg10 : memref<160x128xf32, #tpu.memory_space<vmem>>) dst(%dma_wait3A_1257 : memref<160x128xf32, #tpu.memory_space<hbm>>)
        } else {
        }
        %add3A_1232 = arith.constant 2 : i32
        %add3A_1233 = arith.addi %add3A_877, %add3A_1232 : i32
        %mul3A_1234 = arith.constant 160 : i32
        %mul3A_1235 = arith.muli %add3A_1233, %mul3A_1234 : i32
        %add3A_1236 = arith.addi %multiple_of3A, %mul3A_1235 : i32
        %multiple_of3A_1237 = tpu.assume_multiple %add3A_1236, 8 : i32
        %dma_start3A_1238 = arith.constant 3 : i32
        %dma_start3A_1239 = arith.constant 0 : i32
        %dma_start3A_1240 = tpu.memref_slice %arg2[%multiple_of3A_1237, %dma_start3A_1239] : memref<100000x128xf32, #tpu.memory_space<hbm>> -> memref<160x128xf32, #tpu.memory_space<hbm>>
        %dma_start3A_1241 = tpu.memref_slice %arg15[%dma_start3A_1238] : memref<4x!tpu.dma_semaphore, #tpu.memory_space<semaphore_mem>> -> memref<1x!tpu.dma_semaphore, #tpu.memory_space<semaphore_mem>>
        %dma_start3A_1242 = tpu.memref_squeeze %dma_start3A_1241 : memref<1x!tpu.dma_semaphore, #tpu.memory_space<semaphore_mem>> -> memref<!tpu.dma_semaphore, #tpu.memory_space<semaphore_mem>>
        %dma_start3A_1243 = arith.constant 0 : i32
        %dma_start3A_1244 = tpu.memref_slice %arg2[%multiple_of3A_1237, %dma_start3A_1243] : memref<100000x128xf32, #tpu.memory_space<hbm>> -> memref<160x128xf32, #tpu.memory_space<hbm>>
        tpu.enqueue_dma source(%dma_start3A_1244 : memref<160x128xf32, #tpu.memory_space<hbm>>) target(%arg10 : memref<160x128xf32, #tpu.memory_space<vmem>>) target_semaphore(%dma_start3A_1242 : memref<!tpu.dma_semaphore, #tpu.memory_space<semaphore_mem>>)
      } else {
      }
      %eq3A_889 = vector.broadcast %add3A_877 : i32 to vector<16xi32>
      %eq3A_890 = arith.cmpi eq, %iota3A, %eq3A_889 : vector<16xi32>
      %jit3A_891 = arith.constant 0 : i32
      %broadcast_in_dim3A_892 = vector.broadcast %jit3A_891 : i32 to vector<16xi32>
      %select_n3A_893 = arith.select %eq3A_890, %select_n3A_304, %broadcast_in_dim3A_892 : vector<16xi1>, vector<16xi32>
      %reduce_max3A_894 = arith.constant true
      %reduce_max3A_895 = vector.broadcast %reduce_max3A_894 : i1 to vector<16xi1>
      %reduce_max3A_896 = arith.constant -2147483648 : i32
      %reduce_max3A_897 = vector.broadcast %reduce_max3A_896 : i32 to vector<16xi32>
      %reduce_max3A_898 = arith.xori %select_n3A_893, %reduce_max3A_897 : vector<16xi32>
      %reduce_max3A_899 = tpu.scan <max>, %reduce_max3A_898 masked %reduce_max3A_895 : vector<16xi32>, vector<16xi1> -> vector<16xi32>
      %reduce_max3A_900 = arith.xori %reduce_max3A_899, %reduce_max3A_897 : vector<16xi32>
      %reduce_max3A_901 = vector.extract %reduce_max3A_900[15] : i32 from vector<16xi32>
      %sub3A_902 = arith.constant 16 : i32
      %sub3A_903 = arith.subi %add3A_877, %sub3A_902 : i32
      %eq3A_904 = vector.broadcast %sub3A_903 : i32 to vector<16xi32>
      %eq3A_905 = arith.cmpi eq, %iota3A, %eq3A_904 : vector<16xi32>
      %jit3A_906 = arith.constant 0 : i32
      %broadcast_in_dim3A_907 = vector.broadcast %jit3A_906 : i32 to vector<16xi32>
      %select_n3A_908 = arith.select %eq3A_905, %select_n3A_616, %broadcast_in_dim3A_907 : vector<16xi1>, vector<16xi32>
      %reduce_max3A_909 = arith.constant true
      %reduce_max3A_910 = vector.broadcast %reduce_max3A_909 : i1 to vector<16xi1>
      %reduce_max3A_911 = arith.constant -2147483648 : i32
      %reduce_max3A_912 = vector.broadcast %reduce_max3A_911 : i32 to vector<16xi32>
      %reduce_max3A_913 = arith.xori %select_n3A_908, %reduce_max3A_912 : vector<16xi32>
      %reduce_max3A_914 = tpu.scan <max>, %reduce_max3A_913 masked %reduce_max3A_910 : vector<16xi32>, vector<16xi1> -> vector<16xi32>
      %reduce_max3A_915 = arith.xori %reduce_max3A_914, %reduce_max3A_912 : vector<16xi32>
      %reduce_max3A_916 = vector.extract %reduce_max3A_915[15] : i32 from vector<16xi32>
      %lt3A_917 = arith.constant 16 : i32
      %lt3A_918 = arith.cmpi slt, %add3A_877, %lt3A_917 : i32
      %select_n3A_919 = arith.select %lt3A_918, %reduce_max3A_901, %reduce_max3A_916 : i32
      %add3A_920 = arith.constant 1 : i32
      %add3A_921 = arith.addi %add3A_877, %add3A_920 : i32
      %eq3A_922 = vector.broadcast %add3A_921 : i32 to vector<16xi32>
      %eq3A_923 = arith.cmpi eq, %iota3A, %eq3A_922 : vector<16xi32>
      %jit3A_924 = arith.constant 0 : i32
      %broadcast_in_dim3A_925 = vector.broadcast %jit3A_924 : i32 to vector<16xi32>
      %select_n3A_926 = arith.select %eq3A_923, %select_n3A_304, %broadcast_in_dim3A_925 : vector<16xi1>, vector<16xi32>
      %reduce_max3A_927 = arith.constant true
      %reduce_max3A_928 = vector.broadcast %reduce_max3A_927 : i1 to vector<16xi1>
      %reduce_max3A_929 = arith.constant -2147483648 : i32
      %reduce_max3A_930 = vector.broadcast %reduce_max3A_929 : i32 to vector<16xi32>
      %reduce_max3A_931 = arith.xori %select_n3A_926, %reduce_max3A_930 : vector<16xi32>
      %reduce_max3A_932 = tpu.scan <max>, %reduce_max3A_931 masked %reduce_max3A_928 : vector<16xi32>, vector<16xi1> -> vector<16xi32>
      %reduce_max3A_933 = arith.xori %reduce_max3A_932, %reduce_max3A_930 : vector<16xi32>
      %reduce_max3A_934 = vector.extract %reduce_max3A_933[15] : i32 from vector<16xi32>
      %sub3A_935 = arith.constant 16 : i32
      %sub3A_936 = arith.subi %add3A_921, %sub3A_935 : i32
      %eq3A_937 = vector.broadcast %sub3A_936 : i32 to vector<16xi32>
      %eq3A_938 = arith.cmpi eq, %iota3A, %eq3A_937 : vector<16xi32>
      %jit3A_939 = arith.constant 0 : i32
      %broadcast_in_dim3A_940 = vector.broadcast %jit3A_939 : i32 to vector<16xi32>
      %select_n3A_941 = arith.select %eq3A_938, %select_n3A_616, %broadcast_in_dim3A_940 : vector<16xi1>, vector<16xi32>
      %reduce_max3A_942 = arith.constant true
      %reduce_max3A_943 = vector.broadcast %reduce_max3A_942 : i1 to vector<16xi1>
      %reduce_max3A_944 = arith.constant -2147483648 : i32
      %reduce_max3A_945 = vector.broadcast %reduce_max3A_944 : i32 to vector<16xi32>
      %reduce_max3A_946 = arith.xori %select_n3A_941, %reduce_max3A_945 : vector<16xi32>
      %reduce_max3A_947 = tpu.scan <max>, %reduce_max3A_946 masked %reduce_max3A_943 : vector<16xi32>, vector<16xi1> -> vector<16xi32>
      %reduce_max3A_948 = arith.xori %reduce_max3A_947, %reduce_max3A_945 : vector<16xi32>
      %reduce_max3A_949 = vector.extract %reduce_max3A_948[15] : i32 from vector<16xi32>
      %lt3A_950 = arith.constant 16 : i32
      %lt3A_951 = arith.cmpi slt, %add3A_921, %lt3A_950 : i32
      %select_n3A_952 = arith.select %lt3A_951, %reduce_max3A_934, %reduce_max3A_949 : i32
      %div3A_953 = arith.constant 64 : i32
      %div3A_954 = arith.divsi %select_n3A_919, %div3A_953 : i32
      %mul3A_955 = arith.constant 64 : i32
      %mul3A_956 = arith.muli %div3A_954, %mul3A_955 : i32
      %min3A_957 = arith.constant 16320 : i32
      %min3A_958 = arith.minsi %mul3A_956, %min3A_957 : i32
      %multiple_of3A_959 = tpu.assume_multiple %min3A_958, 8 : i32
      %add3A_960 = arith.constant 1 : i32
      %add3A_961 = arith.addi %add3A_877, %add3A_960 : i32
      %lt3A_962 = arith.constant 20 : i32
      %lt3A_963 = arith.cmpi slt, %add3A_961, %lt3A_962 : i32
      %convert_element_type3A_964 = arith.extui %lt3A_963 : i1 to i32
      %cond3A_965 = arith.constant 0 : i32
      %cond3A_966 = arith.cmpi ne, %convert_element_type3A_964, %cond3A_965 : i32
      scf.if %cond3A_966 {
        %div3A_1228 = arith.constant 64 : i32
        %div3A_1229 = arith.divsi %select_n3A_952, %div3A_1228 : i32
        %mul3A_1230 = arith.constant 64 : i32
        %mul3A_1231 = arith.muli %div3A_1229, %mul3A_1230 : i32
        %min3A_1232 = arith.constant 16320 : i32
        %min3A_1233 = arith.minsi %mul3A_1231, %min3A_1232 : i32
        %multiple_of3A_1234 = tpu.assume_multiple %min3A_1233, 8 : i32
        %dma_start3A_1235 = arith.constant 0 : i32
        %dma_start3A_1236 = arith.constant 0 : i32
        %dma_start3A_1237 = tpu.memref_slice %arg3[%multiple_of3A_1234, %dma_start3A_1236] : memref<16384x128xf32, #tpu.memory_space<hbm>> -> memref<64x128xf32, #tpu.memory_space<hbm>>
        %dma_start3A_1238 = tpu.memref_slice %arg17[%dma_start3A_1235] : memref<2x!tpu.dma_semaphore, #tpu.memory_space<semaphore_mem>> -> memref<1x!tpu.dma_semaphore, #tpu.memory_space<semaphore_mem>>
        %dma_start3A_1239 = tpu.memref_squeeze %dma_start3A_1238 : memref<1x!tpu.dma_semaphore, #tpu.memory_space<semaphore_mem>> -> memref<!tpu.dma_semaphore, #tpu.memory_space<semaphore_mem>>
        %dma_start3A_1240 = arith.constant 0 : i32
        %dma_start3A_1241 = tpu.memref_slice %arg3[%multiple_of3A_1234, %dma_start3A_1240] : memref<16384x128xf32, #tpu.memory_space<hbm>> -> memref<64x128xf32, #tpu.memory_space<hbm>>
        tpu.enqueue_dma source(%dma_start3A_1241 : memref<64x128xf32, #tpu.memory_space<hbm>>) target(%arg12 : memref<64x128xf32, #tpu.memory_space<vmem>>) target_semaphore(%dma_start3A_1239 : memref<!tpu.dma_semaphore, #tpu.memory_space<semaphore_mem>>)
      } else {
      }
      %dma_wait3A_967 = arith.constant 1 : i32
      %dma_wait3A_968 = arith.constant 0 : i32
      %dma_wait3A_969 = tpu.memref_slice %arg2[%multiple_of3A_881, %dma_wait3A_968] : memref<100000x128xf32, #tpu.memory_space<hbm>> -> memref<160x128xf32, #tpu.memory_space<hbm>>
      %dma_wait3A_970 = tpu.memref_slice %arg15[%dma_wait3A_967] : memref<4x!tpu.dma_semaphore, #tpu.memory_space<semaphore_mem>> -> memref<1x!tpu.dma_semaphore, #tpu.memory_space<semaphore_mem>>
      %dma_wait3A_971 = tpu.memref_squeeze %dma_wait3A_970 : memref<1x!tpu.dma_semaphore, #tpu.memory_space<semaphore_mem>> -> memref<!tpu.dma_semaphore, #tpu.memory_space<semaphore_mem>>
      %dma_wait3A_972 = arith.constant 0 : i32
      %dma_wait3A_973 = tpu.memref_slice %arg2[%multiple_of3A_881, %dma_wait3A_972] : memref<100000x128xf32, #tpu.memory_space<hbm>> -> memref<160x128xf32, #tpu.memory_space<hbm>>
      tpu.wait_dma2 semaphore(%dma_wait3A_971 : memref<!tpu.dma_semaphore, #tpu.memory_space<semaphore_mem>>) src(%dma_wait3A_973 : memref<160x128xf32, #tpu.memory_space<hbm>>) dst(%arg8 : memref<160x128xf32, #tpu.memory_space<vmem>>)
      %dma_wait3A_974 = arith.constant 1 : i32
      %dma_wait3A_975 = arith.constant 0 : i32
      %dma_wait3A_976 = tpu.memref_slice %arg3[%multiple_of3A_959, %dma_wait3A_975] : memref<16384x128xf32, #tpu.memory_space<hbm>> -> memref<64x128xf32, #tpu.memory_space<hbm>>
      %dma_wait3A_977 = tpu.memref_slice %arg17[%dma_wait3A_974] : memref<2x!tpu.dma_semaphore, #tpu.memory_space<semaphore_mem>> -> memref<1x!tpu.dma_semaphore, #tpu.memory_space<semaphore_mem>>
      %dma_wait3A_978 = tpu.memref_squeeze %dma_wait3A_977 : memref<1x!tpu.dma_semaphore, #tpu.memory_space<semaphore_mem>> -> memref<!tpu.dma_semaphore, #tpu.memory_space<semaphore_mem>>
      %dma_wait3A_979 = arith.constant 0 : i32
      %dma_wait3A_980 = tpu.memref_slice %arg3[%multiple_of3A_959, %dma_wait3A_979] : memref<16384x128xf32, #tpu.memory_space<hbm>> -> memref<64x128xf32, #tpu.memory_space<hbm>>
      tpu.wait_dma2 semaphore(%dma_wait3A_978 : memref<!tpu.dma_semaphore, #tpu.memory_space<semaphore_mem>>) src(%dma_wait3A_980 : memref<64x128xf32, #tpu.memory_space<hbm>>) dst(%arg13 : memref<64x128xf32, #tpu.memory_space<vmem>>)
      %lt3A_981 = arith.cmpi slt, %select_n3A_919, %select_n3A_952 : i32
      %convert_element_type3A_982 = arith.extui %lt3A_981 : i1 to i32
      %cond3A_983 = arith.constant 0 : i32
      %cond3A_984 = arith.cmpi ne, %convert_element_type3A_982, %cond3A_983 : i32
      scf.if %cond3A_984 {
        %ne3A = arith.constant 1.000000e+00 : f32
        %ne3A_1228 = arith.cmpf one, %reduce_max3A_4, %ne3A : f32
        %convert_element_type3A_1229 = arith.extui %ne3A_1228 : i1 to i32
        %cond3A_1230 = arith.constant 0 : i32
        %cond3A_1231 = arith.cmpi ne, %convert_element_type3A_1229, %cond3A_1230 : i32
        scf.if %cond3A_1231 {
          %scan3A_1248 = arith.constant 0 : i32
          %scan3A_1249 = arith.constant 64 : i32
          %scan3A_1250 = arith.addi %scan3A_1248, %scan3A_1249 : i32
          %scan3A_1251 = arith.constant 1 : i32
          scf.for %scan3A_1253 = %scan3A_1248 to %scan3A_1250 step %scan3A_1251  : i32 {
            %mul3A_1254 = arith.constant 1 : i32
            %mul3A_1255 = arith.muli %scan3A_1253, %mul3A_1254 : i32
            %add3A_1256 = arith.constant 0 : i32
            %add3A_1257 = arith.addi %add3A_1256, %mul3A_1255 : i32
            %get3A_1258 = arith.index_cast %add3A_1257 : i32 to index
            %get3A_1259 = arith.constant 0 : index
            %get3A_1260 = tpu.vector_load %arg13[%get3A_1258, %get3A_1259] {strides = array<i32>} : memref<64x128xf32, #tpu.memory_space<vmem>>, vector<16xf32>,
            %mul3A_1261 = arith.mulf %get3A_1260, %get3A_1 : vector<16xf32>
            %swap3A = arith.index_cast %add3A_1257 : i32 to index
            %swap3A_1262 = arith.constant 0 : index
            %swap3A_1263 = tpu.vector_load %arg13[%swap3A, %swap3A_1262] {strides = array<i32>} : memref<64x128xf32, #tpu.memory_space<vmem>>, vector<16xf32>,
            tpu.vector_store %arg13[%swap3A, %swap3A_1262], %mul3A_1261 {strides = array<i32>} : memref<64x128xf32, #tpu.memory_space<vmem>>, vector<16xf32>,
            %get3A_1264 = arith.index_cast %add3A_1257 : i32 to index
            %get3A_1265 = arith.constant 16 : index
            %get3A_1266 = tpu.vector_load %arg13[%get3A_1264, %get3A_1265] {strides = array<i32>} : memref<64x128xf32, #tpu.memory_space<vmem>>, vector<16xf32>,
            %mul3A_1267 = arith.mulf %get3A_1266, %get3A_1 : vector<16xf32>
            %swap3A_1268 = arith.index_cast %add3A_1257 : i32 to index
            %swap3A_1269 = arith.constant 16 : index
            %swap3A_1270 = tpu.vector_load %arg13[%swap3A_1268, %swap3A_1269] {strides = array<i32>} : memref<64x128xf32, #tpu.memory_space<vmem>>, vector<16xf32>,
            tpu.vector_store %arg13[%swap3A_1268, %swap3A_1269], %mul3A_1267 {strides = array<i32>} : memref<64x128xf32, #tpu.memory_space<vmem>>, vector<16xf32>,
            %get3A_1271 = arith.index_cast %add3A_1257 : i32 to index
            %get3A_1272 = arith.constant 32 : index
            %get3A_1273 = tpu.vector_load %arg13[%get3A_1271, %get3A_1272] {strides = array<i32>} : memref<64x128xf32, #tpu.memory_space<vmem>>, vector<16xf32>,
            %mul3A_1274 = arith.mulf %get3A_1273, %get3A_1 : vector<16xf32>
            %swap3A_1275 = arith.index_cast %add3A_1257 : i32 to index
            %swap3A_1276 = arith.constant 32 : index
            %swap3A_1277 = tpu.vector_load %arg13[%swap3A_1275, %swap3A_1276] {strides = array<i32>} : memref<64x128xf32, #tpu.memory_space<vmem>>, vector<16xf32>,
            tpu.vector_store %arg13[%swap3A_1275, %swap3A_1276], %mul3A_1274 {strides = array<i32>} : memref<64x128xf32, #tpu.memory_space<vmem>>, vector<16xf32>,
            %get3A_1278 = arith.index_cast %add3A_1257 : i32 to index
            %get3A_1279 = arith.constant 48 : index
            %get3A_1280 = tpu.vector_load %arg13[%get3A_1278, %get3A_1279] {strides = array<i32>} : memref<64x128xf32, #tpu.memory_space<vmem>>, vector<16xf32>,
            %mul3A_1281 = arith.mulf %get3A_1280, %get3A_1 : vector<16xf32>
            %swap3A_1282 = arith.index_cast %add3A_1257 : i32 to index
            %swap3A_1283 = arith.constant 48 : index
            %swap3A_1284 = tpu.vector_load %arg13[%swap3A_1282, %swap3A_1283] {strides = array<i32>} : memref<64x128xf32, #tpu.memory_space<vmem>>, vector<16xf32>,
            tpu.vector_store %arg13[%swap3A_1282, %swap3A_1283], %mul3A_1281 {strides = array<i32>} : memref<64x128xf32, #tpu.memory_space<vmem>>, vector<16xf32>,
            %get3A_1285 = arith.index_cast %add3A_1257 : i32 to index
            %get3A_1286 = arith.constant 64 : index
            %get3A_1287 = tpu.vector_load %arg13[%get3A_1285, %get3A_1286] {strides = array<i32>} : memref<64x128xf32, #tpu.memory_space<vmem>>, vector<16xf32>,
            %mul3A_1288 = arith.mulf %get3A_1287, %get3A_1 : vector<16xf32>
            %swap3A_1289 = arith.index_cast %add3A_1257 : i32 to index
            %swap3A_1290 = arith.constant 64 : index
            %swap3A_1291 = tpu.vector_load %arg13[%swap3A_1289, %swap3A_1290] {strides = array<i32>} : memref<64x128xf32, #tpu.memory_space<vmem>>, vector<16xf32>,
            tpu.vector_store %arg13[%swap3A_1289, %swap3A_1290], %mul3A_1288 {strides = array<i32>} : memref<64x128xf32, #tpu.memory_space<vmem>>, vector<16xf32>,
            %get3A_1292 = arith.index_cast %add3A_1257 : i32 to index
            %get3A_1293 = arith.constant 80 : index
            %get3A_1294 = tpu.vector_load %arg13[%get3A_1292, %get3A_1293] {strides = array<i32>} : memref<64x128xf32, #tpu.memory_space<vmem>>, vector<16xf32>,
            %mul3A_1295 = arith.mulf %get3A_1294, %get3A_1 : vector<16xf32>
            %swap3A_1296 = arith.index_cast %add3A_1257 : i32 to index
            %swap3A_1297 = arith.constant 80 : index
            %swap3A_1298 = tpu.vector_load %arg13[%swap3A_1296, %swap3A_1297] {strides = array<i32>} : memref<64x128xf32, #tpu.memory_space<vmem>>, vector<16xf32>,
            tpu.vector_store %arg13[%swap3A_1296, %swap3A_1297], %mul3A_1295 {strides = array<i32>} : memref<64x128xf32, #tpu.memory_space<vmem>>, vector<16xf32>,
            %get3A_1299 = arith.index_cast %add3A_1257 : i32 to index
            %get3A_1300 = arith.constant 96 : index
            %get3A_1301 = tpu.vector_load %arg13[%get3A_1299, %get3A_1300] {strides = array<i32>} : memref<64x128xf32, #tpu.memory_space<vmem>>, vector<16xf32>,
            %mul3A_1302 = arith.mulf %get3A_1301, %get3A_1 : vector<16xf32>
            %swap3A_1303 = arith.index_cast %add3A_1257 : i32 to index
            %swap3A_1304 = arith.constant 96 : index
            %swap3A_1305 = tpu.vector_load %arg13[%swap3A_1303, %swap3A_1304] {strides = array<i32>} : memref<64x128xf32, #tpu.memory_space<vmem>>, vector<16xf32>,
            tpu.vector_store %arg13[%swap3A_1303, %swap3A_1304], %mul3A_1302 {strides = array<i32>} : memref<64x128xf32, #tpu.memory_space<vmem>>, vector<16xf32>,
            %get3A_1306 = arith.index_cast %add3A_1257 : i32 to index
            %get3A_1307 = arith.constant 112 : index
            %get3A_1308 = tpu.vector_load %arg13[%get3A_1306, %get3A_1307] {strides = array<i32>} : memref<64x128xf32, #tpu.memory_space<vmem>>, vector<16xf32>,
            %mul3A_1309 = arith.mulf %get3A_1308, %get3A_1 : vector<16xf32>
            %swap3A_1310 = arith.index_cast %add3A_1257 : i32 to index
            %swap3A_1311 = arith.constant 112 : index
            %swap3A_1312 = tpu.vector_load %arg13[%swap3A_1310, %swap3A_1311] {strides = array<i32>} : memref<64x128xf32, #tpu.memory_space<vmem>>, vector<16xf32>,
            tpu.vector_store %arg13[%swap3A_1310, %swap3A_1311], %mul3A_1309 {strides = array<i32>} : memref<64x128xf32, #tpu.memory_space<vmem>>, vector<16xf32>,
          }
          %scan3A_1252 = arith.constant 64 : i32
        } else {
        }
        %max3A = arith.maxsi %select_n3A_919, %multiple_of3A_959 : i32
        %add3A_1232 = arith.constant 64 : i32
        %add3A_1233 = arith.addi %multiple_of3A_959, %add3A_1232 : i32
        %min3A_1234 = arith.minsi %select_n3A_952, %add3A_1233 : i32
        %while3A = arith.constant 0 : i32
        %while3A_1235 = arith.subi %min3A_1234, %max3A : i32
        %while3A_1236 = arith.addi %max3A, %while3A_1235 : i32
        %while3A_1237 = arith.constant 1 : i32
        %while3A_1238 = arith.divsi %while3A_1235, %while3A_1237 : i32
        %while3A_1239 = arith.muli %while3A_1238, %while3A_1237 : i32
        %while3A_1240 = arith.addi %max3A, %while3A_1239 : i32
        %while3A_1241 = arith.constant 1 : i32
        %while3A_1242 = scf.for %while3A_1248 = %max3A to %while3A_1240 step %while3A_1241 iter_args(%while3A_1249 = %while3A) -> (i32)  : i32 {
          %sub3A_1250 = arith.subi %while3A_1248, %multiple_of3A_959 : i32
          %div3A_1251 = arith.constant 16 : i32
          %div3A_1252 = arith.divsi %sub3A_1250, %div3A_1251 : i32
          %mul3A_1253 = arith.constant 16 : i32
          %mul3A_1254 = arith.muli %div3A_1252, %mul3A_1253 : i32
          %add3A_1255 = arith.addi %multiple_of3A_959, %mul3A_1254 : i32
          %get3A_1256 = arith.index_cast %add3A_1255 : i32 to index
          %get3A_1257 = tpu.vector_load %arg11[%get3A_1256] {strides = array<i32>} : memref<16384xi32, #tpu.memory_space<vmem>>, vector<16xi32>,
          %sub3A_1258 = arith.subi %sub3A_1250, %mul3A_1254 : i32
          %broadcast_in_dim3A_1259 = vector.broadcast %sub3A_1258 : i32 to vector<16xi32>
          %broadcast_in_dim3A_1260 = vector.shape_cast %broadcast_in_dim3A_1259 : vector<16xi32> to vector<16x1xi32>
          %gather3A_1261 = vector.shape_cast %broadcast_in_dim3A_1260 : vector<16x1xi32> to vector<16xi32>
          %gather3A_1262 = tpu.dynamic_gather %get3A_1257[%gather3A_1261] in [0] : vector<16xi32>, vector<16xi32> -> vector<16xi32>
          %sub3A_1263 = vector.broadcast %multiple_of3A_881 : i32 to vector<16xi32>
          %sub3A_1264 = arith.subi %gather3A_1262, %sub3A_1263 : vector<16xi32>
          %ge3A = arith.constant 0 : i32
          %ge3A_1265 = vector.broadcast %ge3A : i32 to vector<16xi32>
          %ge3A_1266 = arith.cmpi sge, %sub3A_1264, %ge3A_1265 : vector<16xi32>
          %lt3A_1267 = arith.constant 160 : i32
          %lt3A_1268 = vector.broadcast %lt3A_1267 : i32 to vector<16xi32>
          %lt3A_1269 = arith.cmpi slt, %sub3A_1264, %lt3A_1268 : vector<16xi32>
          %and3A_1270 = arith.andi %ge3A_1266, %lt3A_1269 : vector<16xi1>
          %jit3A_1271 = arith.constant 0 : i32
          %jit3A_1272 = arith.constant 159 : i32
          %max3A_1273 = vector.broadcast %jit3A_1271 : i32 to vector<16xi32>
          %max3A_1274 = arith.maxsi %max3A_1273, %sub3A_1264 : vector<16xi32>
          %min3A_1275 = vector.broadcast %jit3A_1272 : i32 to vector<16xi32>
          %min3A_1276 = arith.minsi %min3A_1275, %max3A_1274 : vector<16xi32>
          %get3A_1277 = arith.index_cast %sub3A_1250 : i32 to index
          %get3A_1278 = arith.constant 0 : index
          %get3A_1279 = tpu.vector_load %arg13[%get3A_1277, %get3A_1278] {strides = array<i32>} : memref<64x128xf32, #tpu.memory_space<vmem>>, vector<16xf32>,
          tpu.vector_store_idx %arg8[%min3A_1276, %add3A_624], %get3A_1279 masked %and3A_1270 {add = true} : memref<160x128xf32, #tpu.memory_space<vmem>>[vector<16xi32>, vector<16xi32>], vector<16xf32>, vector<16xi1>
          %get3A_1280 = arith.index_cast %sub3A_1250 : i32 to index
          %get3A_1281 = arith.constant 16 : index
          %get3A_1282 = tpu.vector_load %arg13[%get3A_1280, %get3A_1281] {strides = array<i32>} : memref<64x128xf32, #tpu.memory_space<vmem>>, vector<16xf32>,
          tpu.vector_store_idx %arg8[%min3A_1276, %add3A_627], %get3A_1282 masked %and3A_1270 {add = true} : memref<160x128xf32, #tpu.memory_space<vmem>>[vector<16xi32>, vector<16xi32>], vector<16xf32>, vector<16xi1>
          %get3A_1283 = arith.index_cast %sub3A_1250 : i32 to index
          %get3A_1284 = arith.constant 32 : index
          %get3A_1285 = tpu.vector_load %arg13[%get3A_1283, %get3A_1284] {strides = array<i32>} : memref<64x128xf32, #tpu.memory_space<vmem>>, vector<16xf32>,
          tpu.vector_store_idx %arg8[%min3A_1276, %add3A_630], %get3A_1285 masked %and3A_1270 {add = true} : memref<160x128xf32, #tpu.memory_space<vmem>>[vector<16xi32>, vector<16xi32>], vector<16xf32>, vector<16xi1>
          %get3A_1286 = arith.index_cast %sub3A_1250 : i32 to index
          %get3A_1287 = arith.constant 48 : index
          %get3A_1288 = tpu.vector_load %arg13[%get3A_1286, %get3A_1287] {strides = array<i32>} : memref<64x128xf32, #tpu.memory_space<vmem>>, vector<16xf32>,
          tpu.vector_store_idx %arg8[%min3A_1276, %add3A_633], %get3A_1288 masked %and3A_1270 {add = true} : memref<160x128xf32, #tpu.memory_space<vmem>>[vector<16xi32>, vector<16xi32>], vector<16xf32>, vector<16xi1>
          %get3A_1289 = arith.index_cast %sub3A_1250 : i32 to index
          %get3A_1290 = arith.constant 64 : index
          %get3A_1291 = tpu.vector_load %arg13[%get3A_1289, %get3A_1290] {strides = array<i32>} : memref<64x128xf32, #tpu.memory_space<vmem>>, vector<16xf32>,
          tpu.vector_store_idx %arg8[%min3A_1276, %add3A_636], %get3A_1291 masked %and3A_1270 {add = true} : memref<160x128xf32, #tpu.memory_space<vmem>>[vector<16xi32>, vector<16xi32>], vector<16xf32>, vector<16xi1>
          %get3A_1292 = arith.index_cast %sub3A_1250 : i32 to index
          %get3A_1293 = arith.constant 80 : index
          %get3A_1294 = tpu.vector_load %arg13[%get3A_1292, %get3A_1293] {strides = array<i32>} : memref<64x128xf32, #tpu.memory_space<vmem>>, vector<16xf32>,
          tpu.vector_store_idx %arg8[%min3A_1276, %add3A_639], %get3A_1294 masked %and3A_1270 {add = true} : memref<160x128xf32, #tpu.memory_space<vmem>>[vector<16xi32>, vector<16xi32>], vector<16xf32>, vector<16xi1>
          %get3A_1295 = arith.index_cast %sub3A_1250 : i32 to index
          %get3A_1296 = arith.constant 96 : index
          %get3A_1297 = tpu.vector_load %arg13[%get3A_1295, %get3A_1296] {strides = array<i32>} : memref<64x128xf32, #tpu.memory_space<vmem>>, vector<16xf32>,
          tpu.vector_store_idx %arg8[%min3A_1276, %add3A_642], %get3A_1297 masked %and3A_1270 {add = true} : memref<160x128xf32, #tpu.memory_space<vmem>>[vector<16xi32>, vector<16xi32>], vector<16xf32>, vector<16xi1>
          %get3A_1298 = arith.index_cast %sub3A_1250 : i32 to index
          %get3A_1299 = arith.constant 112 : index
          %get3A_1300 = tpu.vector_load %arg13[%get3A_1298, %get3A_1299] {strides = array<i32>} : memref<64x128xf32, #tpu.memory_space<vmem>>, vector<16xf32>,
          tpu.vector_store_idx %arg8[%min3A_1276, %add3A_645], %get3A_1300 masked %and3A_1270 {add = true} : memref<160x128xf32, #tpu.memory_space<vmem>>[vector<16xi32>, vector<16xi32>], vector<16xf32>, vector<16xi1>
          %while3A_1301 = arith.constant 0 : i32
          scf.yield %while3A_1301 : i32
        }
        %while3A_1243 = arith.constant 1 : i32
        %while3A_1244 = scf.for %while3A_1248 = %while3A_1240 to %while3A_1236 step %while3A_1243 iter_args(%while3A_1249 = %while3A_1242) -> (i32)  : i32 {
          %sub3A_1250 = arith.subi %while3A_1248, %multiple_of3A_959 : i32
          %div3A_1251 = arith.constant 16 : i32
          %div3A_1252 = arith.divsi %sub3A_1250, %div3A_1251 : i32
          %mul3A_1253 = arith.constant 16 : i32
          %mul3A_1254 = arith.muli %div3A_1252, %mul3A_1253 : i32
          %add3A_1255 = arith.addi %multiple_of3A_959, %mul3A_1254 : i32
          %get3A_1256 = arith.index_cast %add3A_1255 : i32 to index
          %get3A_1257 = tpu.vector_load %arg11[%get3A_1256] {strides = array<i32>} : memref<16384xi32, #tpu.memory_space<vmem>>, vector<16xi32>,
          %sub3A_1258 = arith.subi %sub3A_1250, %mul3A_1254 : i32
          %broadcast_in_dim3A_1259 = vector.broadcast %sub3A_1258 : i32 to vector<16xi32>
          %broadcast_in_dim3A_1260 = vector.shape_cast %broadcast_in_dim3A_1259 : vector<16xi32> to vector<16x1xi32>
          %gather3A_1261 = vector.shape_cast %broadcast_in_dim3A_1260 : vector<16x1xi32> to vector<16xi32>
          %gather3A_1262 = tpu.dynamic_gather %get3A_1257[%gather3A_1261] in [0] : vector<16xi32>, vector<16xi32> -> vector<16xi32>
          %sub3A_1263 = vector.broadcast %multiple_of3A_881 : i32 to vector<16xi32>
          %sub3A_1264 = arith.subi %gather3A_1262, %sub3A_1263 : vector<16xi32>
          %ge3A = arith.constant 0 : i32
          %ge3A_1265 = vector.broadcast %ge3A : i32 to vector<16xi32>
          %ge3A_1266 = arith.cmpi sge, %sub3A_1264, %ge3A_1265 : vector<16xi32>
          %lt3A_1267 = arith.constant 160 : i32
          %lt3A_1268 = vector.broadcast %lt3A_1267 : i32 to vector<16xi32>
          %lt3A_1269 = arith.cmpi slt, %sub3A_1264, %lt3A_1268 : vector<16xi32>
          %and3A_1270 = arith.andi %ge3A_1266, %lt3A_1269 : vector<16xi1>
          %jit3A_1271 = arith.constant 0 : i32
          %jit3A_1272 = arith.constant 159 : i32
          %max3A_1273 = vector.broadcast %jit3A_1271 : i32 to vector<16xi32>
          %max3A_1274 = arith.maxsi %max3A_1273, %sub3A_1264 : vector<16xi32>
          %min3A_1275 = vector.broadcast %jit3A_1272 : i32 to vector<16xi32>
          %min3A_1276 = arith.minsi %min3A_1275, %max3A_1274 : vector<16xi32>
          %get3A_1277 = arith.index_cast %sub3A_1250 : i32 to index
          %get3A_1278 = arith.constant 0 : index
          %get3A_1279 = tpu.vector_load %arg13[%get3A_1277, %get3A_1278] {strides = array<i32>} : memref<64x128xf32, #tpu.memory_space<vmem>>, vector<16xf32>,
          tpu.vector_store_idx %arg8[%min3A_1276, %add3A_624], %get3A_1279 masked %and3A_1270 {add = true} : memref<160x128xf32, #tpu.memory_space<vmem>>[vector<16xi32>, vector<16xi32>], vector<16xf32>, vector<16xi1>
          %get3A_1280 = arith.index_cast %sub3A_1250 : i32 to index
          %get3A_1281 = arith.constant 16 : index
          %get3A_1282 = tpu.vector_load %arg13[%get3A_1280, %get3A_1281] {strides = array<i32>} : memref<64x128xf32, #tpu.memory_space<vmem>>, vector<16xf32>,
          tpu.vector_store_idx %arg8[%min3A_1276, %add3A_627], %get3A_1282 masked %and3A_1270 {add = true} : memref<160x128xf32, #tpu.memory_space<vmem>>[vector<16xi32>, vector<16xi32>], vector<16xf32>, vector<16xi1>
          %get3A_1283 = arith.index_cast %sub3A_1250 : i32 to index
          %get3A_1284 = arith.constant 32 : index
          %get3A_1285 = tpu.vector_load %arg13[%get3A_1283, %get3A_1284] {strides = array<i32>} : memref<64x128xf32, #tpu.memory_space<vmem>>, vector<16xf32>,
          tpu.vector_store_idx %arg8[%min3A_1276, %add3A_630], %get3A_1285 masked %and3A_1270 {add = true} : memref<160x128xf32, #tpu.memory_space<vmem>>[vector<16xi32>, vector<16xi32>], vector<16xf32>, vector<16xi1>
          %get3A_1286 = arith.index_cast %sub3A_1250 : i32 to index
          %get3A_1287 = arith.constant 48 : index
          %get3A_1288 = tpu.vector_load %arg13[%get3A_1286, %get3A_1287] {strides = array<i32>} : memref<64x128xf32, #tpu.memory_space<vmem>>, vector<16xf32>,
          tpu.vector_store_idx %arg8[%min3A_1276, %add3A_633], %get3A_1288 masked %and3A_1270 {add = true} : memref<160x128xf32, #tpu.memory_space<vmem>>[vector<16xi32>, vector<16xi32>], vector<16xf32>, vector<16xi1>
          %get3A_1289 = arith.index_cast %sub3A_1250 : i32 to index
          %get3A_1290 = arith.constant 64 : index
          %get3A_1291 = tpu.vector_load %arg13[%get3A_1289, %get3A_1290] {strides = array<i32>} : memref<64x128xf32, #tpu.memory_space<vmem>>, vector<16xf32>,
          tpu.vector_store_idx %arg8[%min3A_1276, %add3A_636], %get3A_1291 masked %and3A_1270 {add = true} : memref<160x128xf32, #tpu.memory_space<vmem>>[vector<16xi32>, vector<16xi32>], vector<16xf32>, vector<16xi1>
          %get3A_1292 = arith.index_cast %sub3A_1250 : i32 to index
          %get3A_1293 = arith.constant 80 : index
          %get3A_1294 = tpu.vector_load %arg13[%get3A_1292, %get3A_1293] {strides = array<i32>} : memref<64x128xf32, #tpu.memory_space<vmem>>, vector<16xf32>,
          tpu.vector_store_idx %arg8[%min3A_1276, %add3A_639], %get3A_1294 masked %and3A_1270 {add = true} : memref<160x128xf32, #tpu.memory_space<vmem>>[vector<16xi32>, vector<16xi32>], vector<16xf32>, vector<16xi1>
          %get3A_1295 = arith.index_cast %sub3A_1250 : i32 to index
          %get3A_1296 = arith.constant 96 : index
          %get3A_1297 = tpu.vector_load %arg13[%get3A_1295, %get3A_1296] {strides = array<i32>} : memref<64x128xf32, #tpu.memory_space<vmem>>, vector<16xf32>,
          tpu.vector_store_idx %arg8[%min3A_1276, %add3A_642], %get3A_1297 masked %and3A_1270 {add = true} : memref<160x128xf32, #tpu.memory_space<vmem>>[vector<16xi32>, vector<16xi32>], vector<16xf32>, vector<16xi1>
          %get3A_1298 = arith.index_cast %sub3A_1250 : i32 to index
          %get3A_1299 = arith.constant 112 : index
          %get3A_1300 = tpu.vector_load %arg13[%get3A_1298, %get3A_1299] {strides = array<i32>} : memref<64x128xf32, #tpu.memory_space<vmem>>, vector<16xf32>,
          tpu.vector_store_idx %arg8[%min3A_1276, %add3A_645], %get3A_1300 masked %and3A_1270 {add = true} : memref<160x128xf32, #tpu.memory_space<vmem>>[vector<16xi32>, vector<16xi32>], vector<16xf32>, vector<16xi1>
          %while3A_1301 = arith.constant 0 : i32
          scf.yield %while3A_1301 : i32
        }
        %add3A_1245 = arith.constant 64 : i32
        %add3A_1246 = arith.addi %multiple_of3A_959, %add3A_1245 : i32
        %while3A_1247 = scf.while (%while3A_1248 = %add3A_1246) : (i32) -> i32 {
          %lt3A_1249 = arith.cmpi slt, %while3A_1248, %select_n3A_952 : i32
          scf.condition(%lt3A_1249) %while3A_1248 : i32
        } do {
        ^bb0(%while3A_1248: i32):
          %multiple_of3A_1249 = tpu.assume_multiple %while3A_1248, 8 : i32
          "tpu.region"() ({
            %run_scoped3A = tpu.sem_alloc : memref<!tpu.dma_semaphore, #tpu.memory_space<semaphore_mem>>
            %dma_start3A_1272 = arith.constant 0 : i32
            %dma_start3A_1273 = tpu.memref_slice %arg3[%multiple_of3A_1249, %dma_start3A_1272] : memref<16384x128xf32, #tpu.memory_space<hbm>> -> memref<64x128xf32, #tpu.memory_space<hbm>>
            %dma_start3A_1274 = arith.constant 0 : i32
            %dma_start3A_1275 = tpu.memref_slice %arg3[%multiple_of3A_1249, %dma_start3A_1274] : memref<16384x128xf32, #tpu.memory_space<hbm>> -> memref<64x128xf32, #tpu.memory_space<hbm>>
            tpu.enqueue_dma source(%dma_start3A_1275 : memref<64x128xf32, #tpu.memory_space<hbm>>) target(%arg13 : memref<64x128xf32, #tpu.memory_space<vmem>>) target_semaphore(%run_scoped3A : memref<!tpu.dma_semaphore, #tpu.memory_space<semaphore_mem>>)
            %dma_wait3A_1276 = arith.constant 0 : i32
            %dma_wait3A_1277 = tpu.memref_slice %arg3[%multiple_of3A_1249, %dma_wait3A_1276] : memref<16384x128xf32, #tpu.memory_space<hbm>> -> memref<64x128xf32, #tpu.memory_space<hbm>>
            %dma_wait3A_1278 = arith.constant 0 : i32
            %dma_wait3A_1279 = tpu.memref_slice %arg3[%multiple_of3A_1249, %dma_wait3A_1278] : memref<16384x128xf32, #tpu.memory_space<hbm>> -> memref<64x128xf32, #tpu.memory_space<hbm>>
            tpu.wait_dma2 semaphore(%run_scoped3A : memref<!tpu.dma_semaphore, #tpu.memory_space<semaphore_mem>>) src(%dma_wait3A_1279 : memref<64x128xf32, #tpu.memory_space<hbm>>) dst(%arg13 : memref<64x128xf32, #tpu.memory_space<vmem>>)
            tpu.yield
          }) : () -> ()
          %ne3A_1250 = arith.constant 1.000000e+00 : f32
          %ne3A_1251 = arith.cmpf one, %reduce_max3A_4, %ne3A_1250 : f32
          %convert_element_type3A_1252 = arith.extui %ne3A_1251 : i1 to i32
          %cond3A_1253 = arith.constant 0 : i32
          %cond3A_1254 = arith.cmpi ne, %convert_element_type3A_1252, %cond3A_1253 : i32
          scf.if %cond3A_1254 {
            %scan3A_1272 = arith.constant 0 : i32
            %scan3A_1273 = arith.constant 64 : i32
            %scan3A_1274 = arith.addi %scan3A_1272, %scan3A_1273 : i32
            %scan3A_1275 = arith.constant 1 : i32
            scf.for %scan3A_1277 = %scan3A_1272 to %scan3A_1274 step %scan3A_1275  : i32 {
              %mul3A_1278 = arith.constant 1 : i32
              %mul3A_1279 = arith.muli %scan3A_1277, %mul3A_1278 : i32
              %add3A_1280 = arith.constant 0 : i32
              %add3A_1281 = arith.addi %add3A_1280, %mul3A_1279 : i32
              %get3A_1282 = arith.index_cast %add3A_1281 : i32 to index
              %get3A_1283 = arith.constant 0 : index
              %get3A_1284 = tpu.vector_load %arg13[%get3A_1282, %get3A_1283] {strides = array<i32>} : memref<64x128xf32, #tpu.memory_space<vmem>>, vector<16xf32>,
              %mul3A_1285 = arith.mulf %get3A_1284, %get3A_1 : vector<16xf32>
              %swap3A = arith.index_cast %add3A_1281 : i32 to index
              %swap3A_1286 = arith.constant 0 : index
              %swap3A_1287 = tpu.vector_load %arg13[%swap3A, %swap3A_1286] {strides = array<i32>} : memref<64x128xf32, #tpu.memory_space<vmem>>, vector<16xf32>,
              tpu.vector_store %arg13[%swap3A, %swap3A_1286], %mul3A_1285 {strides = array<i32>} : memref<64x128xf32, #tpu.memory_space<vmem>>, vector<16xf32>,
              %get3A_1288 = arith.index_cast %add3A_1281 : i32 to index
              %get3A_1289 = arith.constant 16 : index
              %get3A_1290 = tpu.vector_load %arg13[%get3A_1288, %get3A_1289] {strides = array<i32>} : memref<64x128xf32, #tpu.memory_space<vmem>>, vector<16xf32>,
              %mul3A_1291 = arith.mulf %get3A_1290, %get3A_1 : vector<16xf32>
              %swap3A_1292 = arith.index_cast %add3A_1281 : i32 to index
              %swap3A_1293 = arith.constant 16 : index
              %swap3A_1294 = tpu.vector_load %arg13[%swap3A_1292, %swap3A_1293] {strides = array<i32>} : memref<64x128xf32, #tpu.memory_space<vmem>>, vector<16xf32>,
              tpu.vector_store %arg13[%swap3A_1292, %swap3A_1293], %mul3A_1291 {strides = array<i32>} : memref<64x128xf32, #tpu.memory_space<vmem>>, vector<16xf32>,
              %get3A_1295 = arith.index_cast %add3A_1281 : i32 to index
              %get3A_1296 = arith.constant 32 : index
              %get3A_1297 = tpu.vector_load %arg13[%get3A_1295, %get3A_1296] {strides = array<i32>} : memref<64x128xf32, #tpu.memory_space<vmem>>, vector<16xf32>,
              %mul3A_1298 = arith.mulf %get3A_1297, %get3A_1 : vector<16xf32>
              %swap3A_1299 = arith.index_cast %add3A_1281 : i32 to index
              %swap3A_1300 = arith.constant 32 : index
              %swap3A_1301 = tpu.vector_load %arg13[%swap3A_1299, %swap3A_1300] {strides = array<i32>} : memref<64x128xf32, #tpu.memory_space<vmem>>, vector<16xf32>,
              tpu.vector_store %arg13[%swap3A_1299, %swap3A_1300], %mul3A_1298 {strides = array<i32>} : memref<64x128xf32, #tpu.memory_space<vmem>>, vector<16xf32>,
              %get3A_1302 = arith.index_cast %add3A_1281 : i32 to index
              %get3A_1303 = arith.constant 48 : index
              %get3A_1304 = tpu.vector_load %arg13[%get3A_1302, %get3A_1303] {strides = array<i32>} : memref<64x128xf32, #tpu.memory_space<vmem>>, vector<16xf32>,
              %mul3A_1305 = arith.mulf %get3A_1304, %get3A_1 : vector<16xf32>
              %swap3A_1306 = arith.index_cast %add3A_1281 : i32 to index
              %swap3A_1307 = arith.constant 48 : index
              %swap3A_1308 = tpu.vector_load %arg13[%swap3A_1306, %swap3A_1307] {strides = array<i32>} : memref<64x128xf32, #tpu.memory_space<vmem>>, vector<16xf32>,
              tpu.vector_store %arg13[%swap3A_1306, %swap3A_1307], %mul3A_1305 {strides = array<i32>} : memref<64x128xf32, #tpu.memory_space<vmem>>, vector<16xf32>,
              %get3A_1309 = arith.index_cast %add3A_1281 : i32 to index
              %get3A_1310 = arith.constant 64 : index
              %get3A_1311 = tpu.vector_load %arg13[%get3A_1309, %get3A_1310] {strides = array<i32>} : memref<64x128xf32, #tpu.memory_space<vmem>>, vector<16xf32>,
              %mul3A_1312 = arith.mulf %get3A_1311, %get3A_1 : vector<16xf32>
              %swap3A_1313 = arith.index_cast %add3A_1281 : i32 to index
              %swap3A_1314 = arith.constant 64 : index
              %swap3A_1315 = tpu.vector_load %arg13[%swap3A_1313, %swap3A_1314] {strides = array<i32>} : memref<64x128xf32, #tpu.memory_space<vmem>>, vector<16xf32>,
              tpu.vector_store %arg13[%swap3A_1313, %swap3A_1314], %mul3A_1312 {strides = array<i32>} : memref<64x128xf32, #tpu.memory_space<vmem>>, vector<16xf32>,
              %get3A_1316 = arith.index_cast %add3A_1281 : i32 to index
              %get3A_1317 = arith.constant 80 : index
              %get3A_1318 = tpu.vector_load %arg13[%get3A_1316, %get3A_1317] {strides = array<i32>} : memref<64x128xf32, #tpu.memory_space<vmem>>, vector<16xf32>,
              %mul3A_1319 = arith.mulf %get3A_1318, %get3A_1 : vector<16xf32>
              %swap3A_1320 = arith.index_cast %add3A_1281 : i32 to index
              %swap3A_1321 = arith.constant 80 : index
              %swap3A_1322 = tpu.vector_load %arg13[%swap3A_1320, %swap3A_1321] {strides = array<i32>} : memref<64x128xf32, #tpu.memory_space<vmem>>, vector<16xf32>,
              tpu.vector_store %arg13[%swap3A_1320, %swap3A_1321], %mul3A_1319 {strides = array<i32>} : memref<64x128xf32, #tpu.memory_space<vmem>>, vector<16xf32>,
              %get3A_1323 = arith.index_cast %add3A_1281 : i32 to index
              %get3A_1324 = arith.constant 96 : index
              %get3A_1325 = tpu.vector_load %arg13[%get3A_1323, %get3A_1324] {strides = array<i32>} : memref<64x128xf32, #tpu.memory_space<vmem>>, vector<16xf32>,
              %mul3A_1326 = arith.mulf %get3A_1325, %get3A_1 : vector<16xf32>
              %swap3A_1327 = arith.index_cast %add3A_1281 : i32 to index
              %swap3A_1328 = arith.constant 96 : index
              %swap3A_1329 = tpu.vector_load %arg13[%swap3A_1327, %swap3A_1328] {strides = array<i32>} : memref<64x128xf32, #tpu.memory_space<vmem>>, vector<16xf32>,
              tpu.vector_store %arg13[%swap3A_1327, %swap3A_1328], %mul3A_1326 {strides = array<i32>} : memref<64x128xf32, #tpu.memory_space<vmem>>, vector<16xf32>,
              %get3A_1330 = arith.index_cast %add3A_1281 : i32 to index
              %get3A_1331 = arith.constant 112 : index
              %get3A_1332 = tpu.vector_load %arg13[%get3A_1330, %get3A_1331] {strides = array<i32>} : memref<64x128xf32, #tpu.memory_space<vmem>>, vector<16xf32>,
              %mul3A_1333 = arith.mulf %get3A_1332, %get3A_1 : vector<16xf32>
              %swap3A_1334 = arith.index_cast %add3A_1281 : i32 to index
              %swap3A_1335 = arith.constant 112 : index
              %swap3A_1336 = tpu.vector_load %arg13[%swap3A_1334, %swap3A_1335] {strides = array<i32>} : memref<64x128xf32, #tpu.memory_space<vmem>>, vector<16xf32>,
              tpu.vector_store %arg13[%swap3A_1334, %swap3A_1335], %mul3A_1333 {strides = array<i32>} : memref<64x128xf32, #tpu.memory_space<vmem>>, vector<16xf32>,
            }
            %scan3A_1276 = arith.constant 64 : i32
          } else {
          }
          %max3A_1255 = arith.maxsi %select_n3A_919, %multiple_of3A_1249 : i32
          %add3A_1256 = arith.constant 64 : i32
          %add3A_1257 = arith.addi %multiple_of3A_1249, %add3A_1256 : i32
          %min3A_1258 = arith.minsi %select_n3A_952, %add3A_1257 : i32
          %while3A_1259 = arith.constant 0 : i32
          %while3A_1260 = arith.subi %min3A_1258, %max3A_1255 : i32
          %while3A_1261 = arith.addi %max3A_1255, %while3A_1260 : i32
          %while3A_1262 = arith.constant 1 : i32
          %while3A_1263 = arith.divsi %while3A_1260, %while3A_1262 : i32
          %while3A_1264 = arith.muli %while3A_1263, %while3A_1262 : i32
          %while3A_1265 = arith.addi %max3A_1255, %while3A_1264 : i32
          %while3A_1266 = arith.constant 1 : i32
          %while3A_1267 = scf.for %while3A_1272 = %max3A_1255 to %while3A_1265 step %while3A_1266 iter_args(%while3A_1273 = %while3A_1259) -> (i32)  : i32 {
            %sub3A_1274 = arith.subi %while3A_1272, %multiple_of3A_1249 : i32
            %div3A_1275 = arith.constant 16 : i32
            %div3A_1276 = arith.divsi %sub3A_1274, %div3A_1275 : i32
            %mul3A_1277 = arith.constant 16 : i32
            %mul3A_1278 = arith.muli %div3A_1276, %mul3A_1277 : i32
            %add3A_1279 = arith.addi %multiple_of3A_1249, %mul3A_1278 : i32
            %get3A_1280 = arith.index_cast %add3A_1279 : i32 to index
            %get3A_1281 = tpu.vector_load %arg11[%get3A_1280] {strides = array<i32>} : memref<16384xi32, #tpu.memory_space<vmem>>, vector<16xi32>,
            %sub3A_1282 = arith.subi %sub3A_1274, %mul3A_1278 : i32
            %broadcast_in_dim3A_1283 = vector.broadcast %sub3A_1282 : i32 to vector<16xi32>
            %broadcast_in_dim3A_1284 = vector.shape_cast %broadcast_in_dim3A_1283 : vector<16xi32> to vector<16x1xi32>
            %gather3A_1285 = vector.shape_cast %broadcast_in_dim3A_1284 : vector<16x1xi32> to vector<16xi32>
            %gather3A_1286 = tpu.dynamic_gather %get3A_1281[%gather3A_1285] in [0] : vector<16xi32>, vector<16xi32> -> vector<16xi32>
            %sub3A_1287 = vector.broadcast %multiple_of3A_881 : i32 to vector<16xi32>
            %sub3A_1288 = arith.subi %gather3A_1286, %sub3A_1287 : vector<16xi32>
            %ge3A = arith.constant 0 : i32
            %ge3A_1289 = vector.broadcast %ge3A : i32 to vector<16xi32>
            %ge3A_1290 = arith.cmpi sge, %sub3A_1288, %ge3A_1289 : vector<16xi32>
            %lt3A_1291 = arith.constant 160 : i32
            %lt3A_1292 = vector.broadcast %lt3A_1291 : i32 to vector<16xi32>
            %lt3A_1293 = arith.cmpi slt, %sub3A_1288, %lt3A_1292 : vector<16xi32>
            %and3A_1294 = arith.andi %ge3A_1290, %lt3A_1293 : vector<16xi1>
            %jit3A_1295 = arith.constant 0 : i32
            %jit3A_1296 = arith.constant 159 : i32
            %max3A_1297 = vector.broadcast %jit3A_1295 : i32 to vector<16xi32>
            %max3A_1298 = arith.maxsi %max3A_1297, %sub3A_1288 : vector<16xi32>
            %min3A_1299 = vector.broadcast %jit3A_1296 : i32 to vector<16xi32>
            %min3A_1300 = arith.minsi %min3A_1299, %max3A_1298 : vector<16xi32>
            %get3A_1301 = arith.index_cast %sub3A_1274 : i32 to index
            %get3A_1302 = arith.constant 0 : index
            %get3A_1303 = tpu.vector_load %arg13[%get3A_1301, %get3A_1302] {strides = array<i32>} : memref<64x128xf32, #tpu.memory_space<vmem>>, vector<16xf32>,
            tpu.vector_store_idx %arg8[%min3A_1300, %add3A_624], %get3A_1303 masked %and3A_1294 {add = true} : memref<160x128xf32, #tpu.memory_space<vmem>>[vector<16xi32>, vector<16xi32>], vector<16xf32>, vector<16xi1>
            %get3A_1304 = arith.index_cast %sub3A_1274 : i32 to index
            %get3A_1305 = arith.constant 16 : index
            %get3A_1306 = tpu.vector_load %arg13[%get3A_1304, %get3A_1305] {strides = array<i32>} : memref<64x128xf32, #tpu.memory_space<vmem>>, vector<16xf32>,
            tpu.vector_store_idx %arg8[%min3A_1300, %add3A_627], %get3A_1306 masked %and3A_1294 {add = true} : memref<160x128xf32, #tpu.memory_space<vmem>>[vector<16xi32>, vector<16xi32>], vector<16xf32>, vector<16xi1>
            %get3A_1307 = arith.index_cast %sub3A_1274 : i32 to index
            %get3A_1308 = arith.constant 32 : index
            %get3A_1309 = tpu.vector_load %arg13[%get3A_1307, %get3A_1308] {strides = array<i32>} : memref<64x128xf32, #tpu.memory_space<vmem>>, vector<16xf32>,
            tpu.vector_store_idx %arg8[%min3A_1300, %add3A_630], %get3A_1309 masked %and3A_1294 {add = true} : memref<160x128xf32, #tpu.memory_space<vmem>>[vector<16xi32>, vector<16xi32>], vector<16xf32>, vector<16xi1>
            %get3A_1310 = arith.index_cast %sub3A_1274 : i32 to index
            %get3A_1311 = arith.constant 48 : index
            %get3A_1312 = tpu.vector_load %arg13[%get3A_1310, %get3A_1311] {strides = array<i32>} : memref<64x128xf32, #tpu.memory_space<vmem>>, vector<16xf32>,
            tpu.vector_store_idx %arg8[%min3A_1300, %add3A_633], %get3A_1312 masked %and3A_1294 {add = true} : memref<160x128xf32, #tpu.memory_space<vmem>>[vector<16xi32>, vector<16xi32>], vector<16xf32>, vector<16xi1>
            %get3A_1313 = arith.index_cast %sub3A_1274 : i32 to index
            %get3A_1314 = arith.constant 64 : index
            %get3A_1315 = tpu.vector_load %arg13[%get3A_1313, %get3A_1314] {strides = array<i32>} : memref<64x128xf32, #tpu.memory_space<vmem>>, vector<16xf32>,
            tpu.vector_store_idx %arg8[%min3A_1300, %add3A_636], %get3A_1315 masked %and3A_1294 {add = true} : memref<160x128xf32, #tpu.memory_space<vmem>>[vector<16xi32>, vector<16xi32>], vector<16xf32>, vector<16xi1>
            %get3A_1316 = arith.index_cast %sub3A_1274 : i32 to index
            %get3A_1317 = arith.constant 80 : index
            %get3A_1318 = tpu.vector_load %arg13[%get3A_1316, %get3A_1317] {strides = array<i32>} : memref<64x128xf32, #tpu.memory_space<vmem>>, vector<16xf32>,
            tpu.vector_store_idx %arg8[%min3A_1300, %add3A_639], %get3A_1318 masked %and3A_1294 {add = true} : memref<160x128xf32, #tpu.memory_space<vmem>>[vector<16xi32>, vector<16xi32>], vector<16xf32>, vector<16xi1>
            %get3A_1319 = arith.index_cast %sub3A_1274 : i32 to index
            %get3A_1320 = arith.constant 96 : index
            %get3A_1321 = tpu.vector_load %arg13[%get3A_1319, %get3A_1320] {strides = array<i32>} : memref<64x128xf32, #tpu.memory_space<vmem>>, vector<16xf32>,
            tpu.vector_store_idx %arg8[%min3A_1300, %add3A_642], %get3A_1321 masked %and3A_1294 {add = true} : memref<160x128xf32, #tpu.memory_space<vmem>>[vector<16xi32>, vector<16xi32>], vector<16xf32>, vector<16xi1>
            %get3A_1322 = arith.index_cast %sub3A_1274 : i32 to index
            %get3A_1323 = arith.constant 112 : index
            %get3A_1324 = tpu.vector_load %arg13[%get3A_1322, %get3A_1323] {strides = array<i32>} : memref<64x128xf32, #tpu.memory_space<vmem>>, vector<16xf32>,
            tpu.vector_store_idx %arg8[%min3A_1300, %add3A_645], %get3A_1324 masked %and3A_1294 {add = true} : memref<160x128xf32, #tpu.memory_space<vmem>>[vector<16xi32>, vector<16xi32>], vector<16xf32>, vector<16xi1>
            %while3A_1325 = arith.constant 0 : i32
            scf.yield %while3A_1325 : i32
          }
          %while3A_1268 = arith.constant 1 : i32
          %while3A_1269 = scf.for %while3A_1272 = %while3A_1265 to %while3A_1261 step %while3A_1268 iter_args(%while3A_1273 = %while3A_1267) -> (i32)  : i32 {
            %sub3A_1274 = arith.subi %while3A_1272, %multiple_of3A_1249 : i32
            %div3A_1275 = arith.constant 16 : i32
            %div3A_1276 = arith.divsi %sub3A_1274, %div3A_1275 : i32
            %mul3A_1277 = arith.constant 16 : i32
            %mul3A_1278 = arith.muli %div3A_1276, %mul3A_1277 : i32
            %add3A_1279 = arith.addi %multiple_of3A_1249, %mul3A_1278 : i32
            %get3A_1280 = arith.index_cast %add3A_1279 : i32 to index
            %get3A_1281 = tpu.vector_load %arg11[%get3A_1280] {strides = array<i32>} : memref<16384xi32, #tpu.memory_space<vmem>>, vector<16xi32>,
            %sub3A_1282 = arith.subi %sub3A_1274, %mul3A_1278 : i32
            %broadcast_in_dim3A_1283 = vector.broadcast %sub3A_1282 : i32 to vector<16xi32>
            %broadcast_in_dim3A_1284 = vector.shape_cast %broadcast_in_dim3A_1283 : vector<16xi32> to vector<16x1xi32>
            %gather3A_1285 = vector.shape_cast %broadcast_in_dim3A_1284 : vector<16x1xi32> to vector<16xi32>
            %gather3A_1286 = tpu.dynamic_gather %get3A_1281[%gather3A_1285] in [0] : vector<16xi32>, vector<16xi32> -> vector<16xi32>
            %sub3A_1287 = vector.broadcast %multiple_of3A_881 : i32 to vector<16xi32>
            %sub3A_1288 = arith.subi %gather3A_1286, %sub3A_1287 : vector<16xi32>
            %ge3A = arith.constant 0 : i32
            %ge3A_1289 = vector.broadcast %ge3A : i32 to vector<16xi32>
            %ge3A_1290 = arith.cmpi sge, %sub3A_1288, %ge3A_1289 : vector<16xi32>
            %lt3A_1291 = arith.constant 160 : i32
            %lt3A_1292 = vector.broadcast %lt3A_1291 : i32 to vector<16xi32>
            %lt3A_1293 = arith.cmpi slt, %sub3A_1288, %lt3A_1292 : vector<16xi32>
            %and3A_1294 = arith.andi %ge3A_1290, %lt3A_1293 : vector<16xi1>
            %jit3A_1295 = arith.constant 0 : i32
            %jit3A_1296 = arith.constant 159 : i32
            %max3A_1297 = vector.broadcast %jit3A_1295 : i32 to vector<16xi32>
            %max3A_1298 = arith.maxsi %max3A_1297, %sub3A_1288 : vector<16xi32>
            %min3A_1299 = vector.broadcast %jit3A_1296 : i32 to vector<16xi32>
            %min3A_1300 = arith.minsi %min3A_1299, %max3A_1298 : vector<16xi32>
            %get3A_1301 = arith.index_cast %sub3A_1274 : i32 to index
            %get3A_1302 = arith.constant 0 : index
            %get3A_1303 = tpu.vector_load %arg13[%get3A_1301, %get3A_1302] {strides = array<i32>} : memref<64x128xf32, #tpu.memory_space<vmem>>, vector<16xf32>,
            tpu.vector_store_idx %arg8[%min3A_1300, %add3A_624], %get3A_1303 masked %and3A_1294 {add = true} : memref<160x128xf32, #tpu.memory_space<vmem>>[vector<16xi32>, vector<16xi32>], vector<16xf32>, vector<16xi1>
            %get3A_1304 = arith.index_cast %sub3A_1274 : i32 to index
            %get3A_1305 = arith.constant 16 : index
            %get3A_1306 = tpu.vector_load %arg13[%get3A_1304, %get3A_1305] {strides = array<i32>} : memref<64x128xf32, #tpu.memory_space<vmem>>, vector<16xf32>,
            tpu.vector_store_idx %arg8[%min3A_1300, %add3A_627], %get3A_1306 masked %and3A_1294 {add = true} : memref<160x128xf32, #tpu.memory_space<vmem>>[vector<16xi32>, vector<16xi32>], vector<16xf32>, vector<16xi1>
            %get3A_1307 = arith.index_cast %sub3A_1274 : i32 to index
            %get3A_1308 = arith.constant 32 : index
            %get3A_1309 = tpu.vector_load %arg13[%get3A_1307, %get3A_1308] {strides = array<i32>} : memref<64x128xf32, #tpu.memory_space<vmem>>, vector<16xf32>,
            tpu.vector_store_idx %arg8[%min3A_1300, %add3A_630], %get3A_1309 masked %and3A_1294 {add = true} : memref<160x128xf32, #tpu.memory_space<vmem>>[vector<16xi32>, vector<16xi32>], vector<16xf32>, vector<16xi1>
            %get3A_1310 = arith.index_cast %sub3A_1274 : i32 to index
            %get3A_1311 = arith.constant 48 : index
            %get3A_1312 = tpu.vector_load %arg13[%get3A_1310, %get3A_1311] {strides = array<i32>} : memref<64x128xf32, #tpu.memory_space<vmem>>, vector<16xf32>,
            tpu.vector_store_idx %arg8[%min3A_1300, %add3A_633], %get3A_1312 masked %and3A_1294 {add = true} : memref<160x128xf32, #tpu.memory_space<vmem>>[vector<16xi32>, vector<16xi32>], vector<16xf32>, vector<16xi1>
            %get3A_1313 = arith.index_cast %sub3A_1274 : i32 to index
            %get3A_1314 = arith.constant 64 : index
            %get3A_1315 = tpu.vector_load %arg13[%get3A_1313, %get3A_1314] {strides = array<i32>} : memref<64x128xf32, #tpu.memory_space<vmem>>, vector<16xf32>,
            tpu.vector_store_idx %arg8[%min3A_1300, %add3A_636], %get3A_1315 masked %and3A_1294 {add = true} : memref<160x128xf32, #tpu.memory_space<vmem>>[vector<16xi32>, vector<16xi32>], vector<16xf32>, vector<16xi1>
            %get3A_1316 = arith.index_cast %sub3A_1274 : i32 to index
            %get3A_1317 = arith.constant 80 : index
            %get3A_1318 = tpu.vector_load %arg13[%get3A_1316, %get3A_1317] {strides = array<i32>} : memref<64x128xf32, #tpu.memory_space<vmem>>, vector<16xf32>,
            tpu.vector_store_idx %arg8[%min3A_1300, %add3A_639], %get3A_1318 masked %and3A_1294 {add = true} : memref<160x128xf32, #tpu.memory_space<vmem>>[vector<16xi32>, vector<16xi32>], vector<16xf32>, vector<16xi1>
            %get3A_1319 = arith.index_cast %sub3A_1274 : i32 to index
            %get3A_1320 = arith.constant 96 : index
            %get3A_1321 = tpu.vector_load %arg13[%get3A_1319, %get3A_1320] {strides = array<i32>} : memref<64x128xf32, #tpu.memory_space<vmem>>, vector<16xf32>,
            tpu.vector_store_idx %arg8[%min3A_1300, %add3A_642], %get3A_1321 masked %and3A_1294 {add = true} : memref<160x128xf32, #tpu.memory_space<vmem>>[vector<16xi32>, vector<16xi32>], vector<16xf32>, vector<16xi1>
            %get3A_1322 = arith.index_cast %sub3A_1274 : i32 to index
            %get3A_1323 = arith.constant 112 : index
            %get3A_1324 = tpu.vector_load %arg13[%get3A_1322, %get3A_1323] {strides = array<i32>} : memref<64x128xf32, #tpu.memory_space<vmem>>, vector<16xf32>,
            tpu.vector_store_idx %arg8[%min3A_1300, %add3A_645], %get3A_1324 masked %and3A_1294 {add = true} : memref<160x128xf32, #tpu.memory_space<vmem>>[vector<16xi32>, vector<16xi32>], vector<16xf32>, vector<16xi1>
            %while3A_1325 = arith.constant 0 : i32
            scf.yield %while3A_1325 : i32
          }
          %add3A_1270 = arith.constant 64 : i32
          %add3A_1271 = arith.addi %multiple_of3A_1249, %add3A_1270 : i32
          scf.yield %add3A_1271 : i32
        }
      } else {
      }
      %dma_start3A_985 = arith.constant 1 : i32
      %dma_start3A_986 = arith.constant 0 : i32
      %dma_start3A_987 = tpu.memref_slice %arg6[%multiple_of3A_881, %dma_start3A_986] : memref<100000x128xf32, #tpu.memory_space<hbm>> -> memref<160x128xf32, #tpu.memory_space<hbm>>
      %dma_start3A_988 = tpu.memref_slice %arg16[%dma_start3A_985] : memref<4x!tpu.dma_semaphore, #tpu.memory_space<semaphore_mem>> -> memref<1x!tpu.dma_semaphore, #tpu.memory_space<semaphore_mem>>
      %dma_start3A_989 = tpu.memref_squeeze %dma_start3A_988 : memref<1x!tpu.dma_semaphore, #tpu.memory_space<semaphore_mem>> -> memref<!tpu.dma_semaphore, #tpu.memory_space<semaphore_mem>>
      %dma_start3A_990 = arith.constant 0 : i32
      %dma_start3A_991 = tpu.memref_slice %arg6[%multiple_of3A_881, %dma_start3A_990] : memref<100000x128xf32, #tpu.memory_space<hbm>> -> memref<160x128xf32, #tpu.memory_space<hbm>>
      tpu.enqueue_dma source(%arg8 : memref<160x128xf32, #tpu.memory_space<vmem>>) target(%dma_start3A_991 : memref<160x128xf32, #tpu.memory_space<hbm>>) target_semaphore(%dma_start3A_989 : memref<!tpu.dma_semaphore, #tpu.memory_space<semaphore_mem>>)
      %mul3A_992 = arith.constant 4 : i32
      %mul3A_993 = arith.muli %add3A_757, %mul3A_992 : i32
      %add3A_994 = arith.constant 2 : i32
      %add3A_995 = arith.addi %mul3A_993, %add3A_994 : i32
      %mul3A_996 = arith.constant 160 : i32
      %mul3A_997 = arith.muli %add3A_995, %mul3A_996 : i32
      %add3A_998 = arith.addi %multiple_of3A, %mul3A_997 : i32
      %multiple_of3A_999 = tpu.assume_multiple %add3A_998, 8 : i32
      %add3A_1000 = arith.constant 2 : i32
      %add3A_1001 = arith.addi %add3A_995, %add3A_1000 : i32
      %lt3A_1002 = arith.constant 20 : i32
      %lt3A_1003 = arith.cmpi slt, %add3A_1001, %lt3A_1002 : i32
      %convert_element_type3A_1004 = arith.extui %lt3A_1003 : i1 to i32
      %cond3A_1005 = arith.constant 0 : i32
      %cond3A_1006 = arith.cmpi ne, %convert_element_type3A_1004, %cond3A_1005 : i32
      scf.if %cond3A_1006 {
        %ge3A = arith.constant 2 : i32
        %ge3A_1228 = arith.cmpi sge, %add3A_995, %ge3A : i32
        %convert_element_type3A_1229 = arith.extui %ge3A_1228 : i1 to i32
        %cond3A_1230 = arith.constant 0 : i32
        %cond3A_1231 = arith.cmpi ne, %convert_element_type3A_1229, %cond3A_1230 : i32
        scf.if %cond3A_1231 {
          %sub3A_1245 = arith.constant 2 : i32
          %sub3A_1246 = arith.subi %add3A_995, %sub3A_1245 : i32
          %mul3A_1247 = arith.constant 160 : i32
          %mul3A_1248 = arith.muli %sub3A_1246, %mul3A_1247 : i32
          %add3A_1249 = arith.addi %multiple_of3A, %mul3A_1248 : i32
          %multiple_of3A_1250 = tpu.assume_multiple %add3A_1249, 8 : i32
          %dma_wait3A_1251 = arith.constant 0 : i32
          %dma_wait3A_1252 = arith.constant 0 : i32
          %dma_wait3A_1253 = tpu.memref_slice %arg6[%multiple_of3A_1250, %dma_wait3A_1252] : memref<100000x128xf32, #tpu.memory_space<hbm>> -> memref<160x128xf32, #tpu.memory_space<hbm>>
          %dma_wait3A_1254 = tpu.memref_slice %arg16[%dma_wait3A_1251] : memref<4x!tpu.dma_semaphore, #tpu.memory_space<semaphore_mem>> -> memref<1x!tpu.dma_semaphore, #tpu.memory_space<semaphore_mem>>
          %dma_wait3A_1255 = tpu.memref_squeeze %dma_wait3A_1254 : memref<1x!tpu.dma_semaphore, #tpu.memory_space<semaphore_mem>> -> memref<!tpu.dma_semaphore, #tpu.memory_space<semaphore_mem>>
          %dma_wait3A_1256 = arith.constant 0 : i32
          %dma_wait3A_1257 = tpu.memref_slice %arg6[%multiple_of3A_1250, %dma_wait3A_1256] : memref<100000x128xf32, #tpu.memory_space<hbm>> -> memref<160x128xf32, #tpu.memory_space<hbm>>
          tpu.wait_dma2 semaphore(%dma_wait3A_1255 : memref<!tpu.dma_semaphore, #tpu.memory_space<semaphore_mem>>) src(%arg7 : memref<160x128xf32, #tpu.memory_space<vmem>>) dst(%dma_wait3A_1257 : memref<160x128xf32, #tpu.memory_space<hbm>>)
        } else {
        }
        %add3A_1232 = arith.constant 2 : i32
        %add3A_1233 = arith.addi %add3A_995, %add3A_1232 : i32
        %mul3A_1234 = arith.constant 160 : i32
        %mul3A_1235 = arith.muli %add3A_1233, %mul3A_1234 : i32
        %add3A_1236 = arith.addi %multiple_of3A, %mul3A_1235 : i32
        %multiple_of3A_1237 = tpu.assume_multiple %add3A_1236, 8 : i32
        %dma_start3A_1238 = arith.constant 0 : i32
        %dma_start3A_1239 = arith.constant 0 : i32
        %dma_start3A_1240 = tpu.memref_slice %arg2[%multiple_of3A_1237, %dma_start3A_1239] : memref<100000x128xf32, #tpu.memory_space<hbm>> -> memref<160x128xf32, #tpu.memory_space<hbm>>
        %dma_start3A_1241 = tpu.memref_slice %arg15[%dma_start3A_1238] : memref<4x!tpu.dma_semaphore, #tpu.memory_space<semaphore_mem>> -> memref<1x!tpu.dma_semaphore, #tpu.memory_space<semaphore_mem>>
        %dma_start3A_1242 = tpu.memref_squeeze %dma_start3A_1241 : memref<1x!tpu.dma_semaphore, #tpu.memory_space<semaphore_mem>> -> memref<!tpu.dma_semaphore, #tpu.memory_space<semaphore_mem>>
        %dma_start3A_1243 = arith.constant 0 : i32
        %dma_start3A_1244 = tpu.memref_slice %arg2[%multiple_of3A_1237, %dma_start3A_1243] : memref<100000x128xf32, #tpu.memory_space<hbm>> -> memref<160x128xf32, #tpu.memory_space<hbm>>
        tpu.enqueue_dma source(%dma_start3A_1244 : memref<160x128xf32, #tpu.memory_space<hbm>>) target(%arg7 : memref<160x128xf32, #tpu.memory_space<vmem>>) target_semaphore(%dma_start3A_1242 : memref<!tpu.dma_semaphore, #tpu.memory_space<semaphore_mem>>)
      } else {
      }
      %eq3A_1007 = vector.broadcast %add3A_995 : i32 to vector<16xi32>
      %eq3A_1008 = arith.cmpi eq, %iota3A, %eq3A_1007 : vector<16xi32>
      %jit3A_1009 = arith.constant 0 : i32
      %broadcast_in_dim3A_1010 = vector.broadcast %jit3A_1009 : i32 to vector<16xi32>
      %select_n3A_1011 = arith.select %eq3A_1008, %select_n3A_304, %broadcast_in_dim3A_1010 : vector<16xi1>, vector<16xi32>
      %reduce_max3A_1012 = arith.constant true
      %reduce_max3A_1013 = vector.broadcast %reduce_max3A_1012 : i1 to vector<16xi1>
      %reduce_max3A_1014 = arith.constant -2147483648 : i32
      %reduce_max3A_1015 = vector.broadcast %reduce_max3A_1014 : i32 to vector<16xi32>
      %reduce_max3A_1016 = arith.xori %select_n3A_1011, %reduce_max3A_1015 : vector<16xi32>
      %reduce_max3A_1017 = tpu.scan <max>, %reduce_max3A_1016 masked %reduce_max3A_1013 : vector<16xi32>, vector<16xi1> -> vector<16xi32>
      %reduce_max3A_1018 = arith.xori %reduce_max3A_1017, %reduce_max3A_1015 : vector<16xi32>
      %reduce_max3A_1019 = vector.extract %reduce_max3A_1018[15] : i32 from vector<16xi32>
      %sub3A_1020 = arith.constant 16 : i32
      %sub3A_1021 = arith.subi %add3A_995, %sub3A_1020 : i32
      %eq3A_1022 = vector.broadcast %sub3A_1021 : i32 to vector<16xi32>
      %eq3A_1023 = arith.cmpi eq, %iota3A, %eq3A_1022 : vector<16xi32>
      %jit3A_1024 = arith.constant 0 : i32
      %broadcast_in_dim3A_1025 = vector.broadcast %jit3A_1024 : i32 to vector<16xi32>
      %select_n3A_1026 = arith.select %eq3A_1023, %select_n3A_616, %broadcast_in_dim3A_1025 : vector<16xi1>, vector<16xi32>
      %reduce_max3A_1027 = arith.constant true
      %reduce_max3A_1028 = vector.broadcast %reduce_max3A_1027 : i1 to vector<16xi1>
      %reduce_max3A_1029 = arith.constant -2147483648 : i32
      %reduce_max3A_1030 = vector.broadcast %reduce_max3A_1029 : i32 to vector<16xi32>
      %reduce_max3A_1031 = arith.xori %select_n3A_1026, %reduce_max3A_1030 : vector<16xi32>
      %reduce_max3A_1032 = tpu.scan <max>, %reduce_max3A_1031 masked %reduce_max3A_1028 : vector<16xi32>, vector<16xi1> -> vector<16xi32>
      %reduce_max3A_1033 = arith.xori %reduce_max3A_1032, %reduce_max3A_1030 : vector<16xi32>
      %reduce_max3A_1034 = vector.extract %reduce_max3A_1033[15] : i32 from vector<16xi32>
      %lt3A_1035 = arith.constant 16 : i32
      %lt3A_1036 = arith.cmpi slt, %add3A_995, %lt3A_1035 : i32
      %select_n3A_1037 = arith.select %lt3A_1036, %reduce_max3A_1019, %reduce_max3A_1034 : i32
      %add3A_1038 = arith.constant 1 : i32
      %add3A_1039 = arith.addi %add3A_995, %add3A_1038 : i32
      %eq3A_1040 = vector.broadcast %add3A_1039 : i32 to vector<16xi32>
      %eq3A_1041 = arith.cmpi eq, %iota3A, %eq3A_1040 : vector<16xi32>
      %jit3A_1042 = arith.constant 0 : i32
      %broadcast_in_dim3A_1043 = vector.broadcast %jit3A_1042 : i32 to vector<16xi32>
      %select_n3A_1044 = arith.select %eq3A_1041, %select_n3A_304, %broadcast_in_dim3A_1043 : vector<16xi1>, vector<16xi32>
      %reduce_max3A_1045 = arith.constant true
      %reduce_max3A_1046 = vector.broadcast %reduce_max3A_1045 : i1 to vector<16xi1>
      %reduce_max3A_1047 = arith.constant -2147483648 : i32
      %reduce_max3A_1048 = vector.broadcast %reduce_max3A_1047 : i32 to vector<16xi32>
      %reduce_max3A_1049 = arith.xori %select_n3A_1044, %reduce_max3A_1048 : vector<16xi32>
      %reduce_max3A_1050 = tpu.scan <max>, %reduce_max3A_1049 masked %reduce_max3A_1046 : vector<16xi32>, vector<16xi1> -> vector<16xi32>
      %reduce_max3A_1051 = arith.xori %reduce_max3A_1050, %reduce_max3A_1048 : vector<16xi32>
      %reduce_max3A_1052 = vector.extract %reduce_max3A_1051[15] : i32 from vector<16xi32>
      %sub3A_1053 = arith.constant 16 : i32
      %sub3A_1054 = arith.subi %add3A_1039, %sub3A_1053 : i32
      %eq3A_1055 = vector.broadcast %sub3A_1054 : i32 to vector<16xi32>
      %eq3A_1056 = arith.cmpi eq, %iota3A, %eq3A_1055 : vector<16xi32>
      %jit3A_1057 = arith.constant 0 : i32
      %broadcast_in_dim3A_1058 = vector.broadcast %jit3A_1057 : i32 to vector<16xi32>
      %select_n3A_1059 = arith.select %eq3A_1056, %select_n3A_616, %broadcast_in_dim3A_1058 : vector<16xi1>, vector<16xi32>
      %reduce_max3A_1060 = arith.constant true
      %reduce_max3A_1061 = vector.broadcast %reduce_max3A_1060 : i1 to vector<16xi1>
      %reduce_max3A_1062 = arith.constant -2147483648 : i32
      %reduce_max3A_1063 = vector.broadcast %reduce_max3A_1062 : i32 to vector<16xi32>
      %reduce_max3A_1064 = arith.xori %select_n3A_1059, %reduce_max3A_1063 : vector<16xi32>
      %reduce_max3A_1065 = tpu.scan <max>, %reduce_max3A_1064 masked %reduce_max3A_1061 : vector<16xi32>, vector<16xi1> -> vector<16xi32>
      %reduce_max3A_1066 = arith.xori %reduce_max3A_1065, %reduce_max3A_1063 : vector<16xi32>
      %reduce_max3A_1067 = vector.extract %reduce_max3A_1066[15] : i32 from vector<16xi32>
      %lt3A_1068 = arith.constant 16 : i32
      %lt3A_1069 = arith.cmpi slt, %add3A_1039, %lt3A_1068 : i32
      %select_n3A_1070 = arith.select %lt3A_1069, %reduce_max3A_1052, %reduce_max3A_1067 : i32
      %div3A_1071 = arith.constant 64 : i32
      %div3A_1072 = arith.divsi %select_n3A_1037, %div3A_1071 : i32
      %mul3A_1073 = arith.constant 64 : i32
      %mul3A_1074 = arith.muli %div3A_1072, %mul3A_1073 : i32
      %min3A_1075 = arith.constant 16320 : i32
      %min3A_1076 = arith.minsi %mul3A_1074, %min3A_1075 : i32
      %multiple_of3A_1077 = tpu.assume_multiple %min3A_1076, 8 : i32
      %add3A_1078 = arith.constant 1 : i32
      %add3A_1079 = arith.addi %add3A_995, %add3A_1078 : i32
      %lt3A_1080 = arith.constant 20 : i32
      %lt3A_1081 = arith.cmpi slt, %add3A_1079, %lt3A_1080 : i32
      %convert_element_type3A_1082 = arith.extui %lt3A_1081 : i1 to i32
      %cond3A_1083 = arith.constant 0 : i32
      %cond3A_1084 = arith.cmpi ne, %convert_element_type3A_1082, %cond3A_1083 : i32
      scf.if %cond3A_1084 {
        %div3A_1228 = arith.constant 64 : i32
        %div3A_1229 = arith.divsi %select_n3A_1070, %div3A_1228 : i32
        %mul3A_1230 = arith.constant 64 : i32
        %mul3A_1231 = arith.muli %div3A_1229, %mul3A_1230 : i32
        %min3A_1232 = arith.constant 16320 : i32
        %min3A_1233 = arith.minsi %mul3A_1231, %min3A_1232 : i32
        %multiple_of3A_1234 = tpu.assume_multiple %min3A_1233, 8 : i32
        %dma_start3A_1235 = arith.constant 1 : i32
        %dma_start3A_1236 = arith.constant 0 : i32
        %dma_start3A_1237 = tpu.memref_slice %arg3[%multiple_of3A_1234, %dma_start3A_1236] : memref<16384x128xf32, #tpu.memory_space<hbm>> -> memref<64x128xf32, #tpu.memory_space<hbm>>
        %dma_start3A_1238 = tpu.memref_slice %arg17[%dma_start3A_1235] : memref<2x!tpu.dma_semaphore, #tpu.memory_space<semaphore_mem>> -> memref<1x!tpu.dma_semaphore, #tpu.memory_space<semaphore_mem>>
        %dma_start3A_1239 = tpu.memref_squeeze %dma_start3A_1238 : memref<1x!tpu.dma_semaphore, #tpu.memory_space<semaphore_mem>> -> memref<!tpu.dma_semaphore, #tpu.memory_space<semaphore_mem>>
        %dma_start3A_1240 = arith.constant 0 : i32
        %dma_start3A_1241 = tpu.memref_slice %arg3[%multiple_of3A_1234, %dma_start3A_1240] : memref<16384x128xf32, #tpu.memory_space<hbm>> -> memref<64x128xf32, #tpu.memory_space<hbm>>
        tpu.enqueue_dma source(%dma_start3A_1241 : memref<64x128xf32, #tpu.memory_space<hbm>>) target(%arg13 : memref<64x128xf32, #tpu.memory_space<vmem>>) target_semaphore(%dma_start3A_1239 : memref<!tpu.dma_semaphore, #tpu.memory_space<semaphore_mem>>)
      } else {
      }
      %dma_wait3A_1085 = arith.constant 2 : i32
      %dma_wait3A_1086 = arith.constant 0 : i32
      %dma_wait3A_1087 = tpu.memref_slice %arg2[%multiple_of3A_999, %dma_wait3A_1086] : memref<100000x128xf32, #tpu.memory_space<hbm>> -> memref<160x128xf32, #tpu.memory_space<hbm>>
      %dma_wait3A_1088 = tpu.memref_slice %arg15[%dma_wait3A_1085] : memref<4x!tpu.dma_semaphore, #tpu.memory_space<semaphore_mem>> -> memref<1x!tpu.dma_semaphore, #tpu.memory_space<semaphore_mem>>
      %dma_wait3A_1089 = tpu.memref_squeeze %dma_wait3A_1088 : memref<1x!tpu.dma_semaphore, #tpu.memory_space<semaphore_mem>> -> memref<!tpu.dma_semaphore, #tpu.memory_space<semaphore_mem>>
      %dma_wait3A_1090 = arith.constant 0 : i32
      %dma_wait3A_1091 = tpu.memref_slice %arg2[%multiple_of3A_999, %dma_wait3A_1090] : memref<100000x128xf32, #tpu.memory_space<hbm>> -> memref<160x128xf32, #tpu.memory_space<hbm>>
      tpu.wait_dma2 semaphore(%dma_wait3A_1089 : memref<!tpu.dma_semaphore, #tpu.memory_space<semaphore_mem>>) src(%dma_wait3A_1091 : memref<160x128xf32, #tpu.memory_space<hbm>>) dst(%arg9 : memref<160x128xf32, #tpu.memory_space<vmem>>)
      %dma_wait3A_1092 = arith.constant 0 : i32
      %dma_wait3A_1093 = arith.constant 0 : i32
      %dma_wait3A_1094 = tpu.memref_slice %arg3[%multiple_of3A_1077, %dma_wait3A_1093] : memref<16384x128xf32, #tpu.memory_space<hbm>> -> memref<64x128xf32, #tpu.memory_space<hbm>>
      %dma_wait3A_1095 = tpu.memref_slice %arg17[%dma_wait3A_1092] : memref<2x!tpu.dma_semaphore, #tpu.memory_space<semaphore_mem>> -> memref<1x!tpu.dma_semaphore, #tpu.memory_space<semaphore_mem>>
      %dma_wait3A_1096 = tpu.memref_squeeze %dma_wait3A_1095 : memref<1x!tpu.dma_semaphore, #tpu.memory_space<semaphore_mem>> -> memref<!tpu.dma_semaphore, #tpu.memory_space<semaphore_mem>>
      %dma_wait3A_1097 = arith.constant 0 : i32
      %dma_wait3A_1098 = tpu.memref_slice %arg3[%multiple_of3A_1077, %dma_wait3A_1097] : memref<16384x128xf32, #tpu.memory_space<hbm>> -> memref<64x128xf32, #tpu.memory_space<hbm>>
      tpu.wait_dma2 semaphore(%dma_wait3A_1096 : memref<!tpu.dma_semaphore, #tpu.memory_space<semaphore_mem>>) src(%dma_wait3A_1098 : memref<64x128xf32, #tpu.memory_space<hbm>>) dst(%arg12 : memref<64x128xf32, #tpu.memory_space<vmem>>)
      %lt3A_1099 = arith.cmpi slt, %select_n3A_1037, %select_n3A_1070 : i32
      %convert_element_type3A_1100 = arith.extui %lt3A_1099 : i1 to i32
      %cond3A_1101 = arith.constant 0 : i32
      %cond3A_1102 = arith.cmpi ne, %convert_element_type3A_1100, %cond3A_1101 : i32
      scf.if %cond3A_1102 {
        %ne3A = arith.constant 1.000000e+00 : f32
        %ne3A_1228 = arith.cmpf one, %reduce_max3A_4, %ne3A : f32
        %convert_element_type3A_1229 = arith.extui %ne3A_1228 : i1 to i32
        %cond3A_1230 = arith.constant 0 : i32
        %cond3A_1231 = arith.cmpi ne, %convert_element_type3A_1229, %cond3A_1230 : i32
        scf.if %cond3A_1231 {
          %scan3A_1248 = arith.constant 0 : i32
          %scan3A_1249 = arith.constant 64 : i32
          %scan3A_1250 = arith.addi %scan3A_1248, %scan3A_1249 : i32
          %scan3A_1251 = arith.constant 1 : i32
          scf.for %scan3A_1253 = %scan3A_1248 to %scan3A_1250 step %scan3A_1251  : i32 {
            %mul3A_1254 = arith.constant 1 : i32
            %mul3A_1255 = arith.muli %scan3A_1253, %mul3A_1254 : i32
            %add3A_1256 = arith.constant 0 : i32
            %add3A_1257 = arith.addi %add3A_1256, %mul3A_1255 : i32
            %get3A_1258 = arith.index_cast %add3A_1257 : i32 to index
            %get3A_1259 = arith.constant 0 : index
            %get3A_1260 = tpu.vector_load %arg12[%get3A_1258, %get3A_1259] {strides = array<i32>} : memref<64x128xf32, #tpu.memory_space<vmem>>, vector<16xf32>,
            %mul3A_1261 = arith.mulf %get3A_1260, %get3A_1 : vector<16xf32>
            %swap3A = arith.index_cast %add3A_1257 : i32 to index
            %swap3A_1262 = arith.constant 0 : index
            %swap3A_1263 = tpu.vector_load %arg12[%swap3A, %swap3A_1262] {strides = array<i32>} : memref<64x128xf32, #tpu.memory_space<vmem>>, vector<16xf32>,
            tpu.vector_store %arg12[%swap3A, %swap3A_1262], %mul3A_1261 {strides = array<i32>} : memref<64x128xf32, #tpu.memory_space<vmem>>, vector<16xf32>,
            %get3A_1264 = arith.index_cast %add3A_1257 : i32 to index
            %get3A_1265 = arith.constant 16 : index
            %get3A_1266 = tpu.vector_load %arg12[%get3A_1264, %get3A_1265] {strides = array<i32>} : memref<64x128xf32, #tpu.memory_space<vmem>>, vector<16xf32>,
            %mul3A_1267 = arith.mulf %get3A_1266, %get3A_1 : vector<16xf32>
            %swap3A_1268 = arith.index_cast %add3A_1257 : i32 to index
            %swap3A_1269 = arith.constant 16 : index
            %swap3A_1270 = tpu.vector_load %arg12[%swap3A_1268, %swap3A_1269] {strides = array<i32>} : memref<64x128xf32, #tpu.memory_space<vmem>>, vector<16xf32>,
            tpu.vector_store %arg12[%swap3A_1268, %swap3A_1269], %mul3A_1267 {strides = array<i32>} : memref<64x128xf32, #tpu.memory_space<vmem>>, vector<16xf32>,
            %get3A_1271 = arith.index_cast %add3A_1257 : i32 to index
            %get3A_1272 = arith.constant 32 : index
            %get3A_1273 = tpu.vector_load %arg12[%get3A_1271, %get3A_1272] {strides = array<i32>} : memref<64x128xf32, #tpu.memory_space<vmem>>, vector<16xf32>,
            %mul3A_1274 = arith.mulf %get3A_1273, %get3A_1 : vector<16xf32>
            %swap3A_1275 = arith.index_cast %add3A_1257 : i32 to index
            %swap3A_1276 = arith.constant 32 : index
            %swap3A_1277 = tpu.vector_load %arg12[%swap3A_1275, %swap3A_1276] {strides = array<i32>} : memref<64x128xf32, #tpu.memory_space<vmem>>, vector<16xf32>,
            tpu.vector_store %arg12[%swap3A_1275, %swap3A_1276], %mul3A_1274 {strides = array<i32>} : memref<64x128xf32, #tpu.memory_space<vmem>>, vector<16xf32>,
            %get3A_1278 = arith.index_cast %add3A_1257 : i32 to index
            %get3A_1279 = arith.constant 48 : index
            %get3A_1280 = tpu.vector_load %arg12[%get3A_1278, %get3A_1279] {strides = array<i32>} : memref<64x128xf32, #tpu.memory_space<vmem>>, vector<16xf32>,
            %mul3A_1281 = arith.mulf %get3A_1280, %get3A_1 : vector<16xf32>
            %swap3A_1282 = arith.index_cast %add3A_1257 : i32 to index
            %swap3A_1283 = arith.constant 48 : index
            %swap3A_1284 = tpu.vector_load %arg12[%swap3A_1282, %swap3A_1283] {strides = array<i32>} : memref<64x128xf32, #tpu.memory_space<vmem>>, vector<16xf32>,
            tpu.vector_store %arg12[%swap3A_1282, %swap3A_1283], %mul3A_1281 {strides = array<i32>} : memref<64x128xf32, #tpu.memory_space<vmem>>, vector<16xf32>,
            %get3A_1285 = arith.index_cast %add3A_1257 : i32 to index
            %get3A_1286 = arith.constant 64 : index
            %get3A_1287 = tpu.vector_load %arg12[%get3A_1285, %get3A_1286] {strides = array<i32>} : memref<64x128xf32, #tpu.memory_space<vmem>>, vector<16xf32>,
            %mul3A_1288 = arith.mulf %get3A_1287, %get3A_1 : vector<16xf32>
            %swap3A_1289 = arith.index_cast %add3A_1257 : i32 to index
            %swap3A_1290 = arith.constant 64 : index
            %swap3A_1291 = tpu.vector_load %arg12[%swap3A_1289, %swap3A_1290] {strides = array<i32>} : memref<64x128xf32, #tpu.memory_space<vmem>>, vector<16xf32>,
            tpu.vector_store %arg12[%swap3A_1289, %swap3A_1290], %mul3A_1288 {strides = array<i32>} : memref<64x128xf32, #tpu.memory_space<vmem>>, vector<16xf32>,
            %get3A_1292 = arith.index_cast %add3A_1257 : i32 to index
            %get3A_1293 = arith.constant 80 : index
            %get3A_1294 = tpu.vector_load %arg12[%get3A_1292, %get3A_1293] {strides = array<i32>} : memref<64x128xf32, #tpu.memory_space<vmem>>, vector<16xf32>,
            %mul3A_1295 = arith.mulf %get3A_1294, %get3A_1 : vector<16xf32>
            %swap3A_1296 = arith.index_cast %add3A_1257 : i32 to index
            %swap3A_1297 = arith.constant 80 : index
            %swap3A_1298 = tpu.vector_load %arg12[%swap3A_1296, %swap3A_1297] {strides = array<i32>} : memref<64x128xf32, #tpu.memory_space<vmem>>, vector<16xf32>,
            tpu.vector_store %arg12[%swap3A_1296, %swap3A_1297], %mul3A_1295 {strides = array<i32>} : memref<64x128xf32, #tpu.memory_space<vmem>>, vector<16xf32>,
            %get3A_1299 = arith.index_cast %add3A_1257 : i32 to index
            %get3A_1300 = arith.constant 96 : index
            %get3A_1301 = tpu.vector_load %arg12[%get3A_1299, %get3A_1300] {strides = array<i32>} : memref<64x128xf32, #tpu.memory_space<vmem>>, vector<16xf32>,
            %mul3A_1302 = arith.mulf %get3A_1301, %get3A_1 : vector<16xf32>
            %swap3A_1303 = arith.index_cast %add3A_1257 : i32 to index
            %swap3A_1304 = arith.constant 96 : index
            %swap3A_1305 = tpu.vector_load %arg12[%swap3A_1303, %swap3A_1304] {strides = array<i32>} : memref<64x128xf32, #tpu.memory_space<vmem>>, vector<16xf32>,
            tpu.vector_store %arg12[%swap3A_1303, %swap3A_1304], %mul3A_1302 {strides = array<i32>} : memref<64x128xf32, #tpu.memory_space<vmem>>, vector<16xf32>,
            %get3A_1306 = arith.index_cast %add3A_1257 : i32 to index
            %get3A_1307 = arith.constant 112 : index
            %get3A_1308 = tpu.vector_load %arg12[%get3A_1306, %get3A_1307] {strides = array<i32>} : memref<64x128xf32, #tpu.memory_space<vmem>>, vector<16xf32>,
            %mul3A_1309 = arith.mulf %get3A_1308, %get3A_1 : vector<16xf32>
            %swap3A_1310 = arith.index_cast %add3A_1257 : i32 to index
            %swap3A_1311 = arith.constant 112 : index
            %swap3A_1312 = tpu.vector_load %arg12[%swap3A_1310, %swap3A_1311] {strides = array<i32>} : memref<64x128xf32, #tpu.memory_space<vmem>>, vector<16xf32>,
            tpu.vector_store %arg12[%swap3A_1310, %swap3A_1311], %mul3A_1309 {strides = array<i32>} : memref<64x128xf32, #tpu.memory_space<vmem>>, vector<16xf32>,
          }
          %scan3A_1252 = arith.constant 64 : i32
        } else {
        }
        %max3A = arith.maxsi %select_n3A_1037, %multiple_of3A_1077 : i32
        %add3A_1232 = arith.constant 64 : i32
        %add3A_1233 = arith.addi %multiple_of3A_1077, %add3A_1232 : i32
        %min3A_1234 = arith.minsi %select_n3A_1070, %add3A_1233 : i32
        %while3A = arith.constant 0 : i32
        %while3A_1235 = arith.subi %min3A_1234, %max3A : i32
        %while3A_1236 = arith.addi %max3A, %while3A_1235 : i32
        %while3A_1237 = arith.constant 1 : i32
        %while3A_1238 = arith.divsi %while3A_1235, %while3A_1237 : i32
        %while3A_1239 = arith.muli %while3A_1238, %while3A_1237 : i32
        %while3A_1240 = arith.addi %max3A, %while3A_1239 : i32
        %while3A_1241 = arith.constant 1 : i32
        %while3A_1242 = scf.for %while3A_1248 = %max3A to %while3A_1240 step %while3A_1241 iter_args(%while3A_1249 = %while3A) -> (i32)  : i32 {
          %sub3A_1250 = arith.subi %while3A_1248, %multiple_of3A_1077 : i32
          %div3A_1251 = arith.constant 16 : i32
          %div3A_1252 = arith.divsi %sub3A_1250, %div3A_1251 : i32
          %mul3A_1253 = arith.constant 16 : i32
          %mul3A_1254 = arith.muli %div3A_1252, %mul3A_1253 : i32
          %add3A_1255 = arith.addi %multiple_of3A_1077, %mul3A_1254 : i32
          %get3A_1256 = arith.index_cast %add3A_1255 : i32 to index
          %get3A_1257 = tpu.vector_load %arg11[%get3A_1256] {strides = array<i32>} : memref<16384xi32, #tpu.memory_space<vmem>>, vector<16xi32>,
          %sub3A_1258 = arith.subi %sub3A_1250, %mul3A_1254 : i32
          %broadcast_in_dim3A_1259 = vector.broadcast %sub3A_1258 : i32 to vector<16xi32>
          %broadcast_in_dim3A_1260 = vector.shape_cast %broadcast_in_dim3A_1259 : vector<16xi32> to vector<16x1xi32>
          %gather3A_1261 = vector.shape_cast %broadcast_in_dim3A_1260 : vector<16x1xi32> to vector<16xi32>
          %gather3A_1262 = tpu.dynamic_gather %get3A_1257[%gather3A_1261] in [0] : vector<16xi32>, vector<16xi32> -> vector<16xi32>
          %sub3A_1263 = vector.broadcast %multiple_of3A_999 : i32 to vector<16xi32>
          %sub3A_1264 = arith.subi %gather3A_1262, %sub3A_1263 : vector<16xi32>
          %ge3A = arith.constant 0 : i32
          %ge3A_1265 = vector.broadcast %ge3A : i32 to vector<16xi32>
          %ge3A_1266 = arith.cmpi sge, %sub3A_1264, %ge3A_1265 : vector<16xi32>
          %lt3A_1267 = arith.constant 160 : i32
          %lt3A_1268 = vector.broadcast %lt3A_1267 : i32 to vector<16xi32>
          %lt3A_1269 = arith.cmpi slt, %sub3A_1264, %lt3A_1268 : vector<16xi32>
          %and3A_1270 = arith.andi %ge3A_1266, %lt3A_1269 : vector<16xi1>
          %jit3A_1271 = arith.constant 0 : i32
          %jit3A_1272 = arith.constant 159 : i32
          %max3A_1273 = vector.broadcast %jit3A_1271 : i32 to vector<16xi32>
          %max3A_1274 = arith.maxsi %max3A_1273, %sub3A_1264 : vector<16xi32>
          %min3A_1275 = vector.broadcast %jit3A_1272 : i32 to vector<16xi32>
          %min3A_1276 = arith.minsi %min3A_1275, %max3A_1274 : vector<16xi32>
          %get3A_1277 = arith.index_cast %sub3A_1250 : i32 to index
          %get3A_1278 = arith.constant 0 : index
          %get3A_1279 = tpu.vector_load %arg12[%get3A_1277, %get3A_1278] {strides = array<i32>} : memref<64x128xf32, #tpu.memory_space<vmem>>, vector<16xf32>,
          tpu.vector_store_idx %arg9[%min3A_1276, %add3A_624], %get3A_1279 masked %and3A_1270 {add = true} : memref<160x128xf32, #tpu.memory_space<vmem>>[vector<16xi32>, vector<16xi32>], vector<16xf32>, vector<16xi1>
          %get3A_1280 = arith.index_cast %sub3A_1250 : i32 to index
          %get3A_1281 = arith.constant 16 : index
          %get3A_1282 = tpu.vector_load %arg12[%get3A_1280, %get3A_1281] {strides = array<i32>} : memref<64x128xf32, #tpu.memory_space<vmem>>, vector<16xf32>,
          tpu.vector_store_idx %arg9[%min3A_1276, %add3A_627], %get3A_1282 masked %and3A_1270 {add = true} : memref<160x128xf32, #tpu.memory_space<vmem>>[vector<16xi32>, vector<16xi32>], vector<16xf32>, vector<16xi1>
          %get3A_1283 = arith.index_cast %sub3A_1250 : i32 to index
          %get3A_1284 = arith.constant 32 : index
          %get3A_1285 = tpu.vector_load %arg12[%get3A_1283, %get3A_1284] {strides = array<i32>} : memref<64x128xf32, #tpu.memory_space<vmem>>, vector<16xf32>,
          tpu.vector_store_idx %arg9[%min3A_1276, %add3A_630], %get3A_1285 masked %and3A_1270 {add = true} : memref<160x128xf32, #tpu.memory_space<vmem>>[vector<16xi32>, vector<16xi32>], vector<16xf32>, vector<16xi1>
          %get3A_1286 = arith.index_cast %sub3A_1250 : i32 to index
          %get3A_1287 = arith.constant 48 : index
          %get3A_1288 = tpu.vector_load %arg12[%get3A_1286, %get3A_1287] {strides = array<i32>} : memref<64x128xf32, #tpu.memory_space<vmem>>, vector<16xf32>,
          tpu.vector_store_idx %arg9[%min3A_1276, %add3A_633], %get3A_1288 masked %and3A_1270 {add = true} : memref<160x128xf32, #tpu.memory_space<vmem>>[vector<16xi32>, vector<16xi32>], vector<16xf32>, vector<16xi1>
          %get3A_1289 = arith.index_cast %sub3A_1250 : i32 to index
          %get3A_1290 = arith.constant 64 : index
          %get3A_1291 = tpu.vector_load %arg12[%get3A_1289, %get3A_1290] {strides = array<i32>} : memref<64x128xf32, #tpu.memory_space<vmem>>, vector<16xf32>,
          tpu.vector_store_idx %arg9[%min3A_1276, %add3A_636], %get3A_1291 masked %and3A_1270 {add = true} : memref<160x128xf32, #tpu.memory_space<vmem>>[vector<16xi32>, vector<16xi32>], vector<16xf32>, vector<16xi1>
          %get3A_1292 = arith.index_cast %sub3A_1250 : i32 to index
          %get3A_1293 = arith.constant 80 : index
          %get3A_1294 = tpu.vector_load %arg12[%get3A_1292, %get3A_1293] {strides = array<i32>} : memref<64x128xf32, #tpu.memory_space<vmem>>, vector<16xf32>,
          tpu.vector_store_idx %arg9[%min3A_1276, %add3A_639], %get3A_1294 masked %and3A_1270 {add = true} : memref<160x128xf32, #tpu.memory_space<vmem>>[vector<16xi32>, vector<16xi32>], vector<16xf32>, vector<16xi1>
          %get3A_1295 = arith.index_cast %sub3A_1250 : i32 to index
          %get3A_1296 = arith.constant 96 : index
          %get3A_1297 = tpu.vector_load %arg12[%get3A_1295, %get3A_1296] {strides = array<i32>} : memref<64x128xf32, #tpu.memory_space<vmem>>, vector<16xf32>,
          tpu.vector_store_idx %arg9[%min3A_1276, %add3A_642], %get3A_1297 masked %and3A_1270 {add = true} : memref<160x128xf32, #tpu.memory_space<vmem>>[vector<16xi32>, vector<16xi32>], vector<16xf32>, vector<16xi1>
          %get3A_1298 = arith.index_cast %sub3A_1250 : i32 to index
          %get3A_1299 = arith.constant 112 : index
          %get3A_1300 = tpu.vector_load %arg12[%get3A_1298, %get3A_1299] {strides = array<i32>} : memref<64x128xf32, #tpu.memory_space<vmem>>, vector<16xf32>,
          tpu.vector_store_idx %arg9[%min3A_1276, %add3A_645], %get3A_1300 masked %and3A_1270 {add = true} : memref<160x128xf32, #tpu.memory_space<vmem>>[vector<16xi32>, vector<16xi32>], vector<16xf32>, vector<16xi1>
          %while3A_1301 = arith.constant 0 : i32
          scf.yield %while3A_1301 : i32
        }
        %while3A_1243 = arith.constant 1 : i32
        %while3A_1244 = scf.for %while3A_1248 = %while3A_1240 to %while3A_1236 step %while3A_1243 iter_args(%while3A_1249 = %while3A_1242) -> (i32)  : i32 {
          %sub3A_1250 = arith.subi %while3A_1248, %multiple_of3A_1077 : i32
          %div3A_1251 = arith.constant 16 : i32
          %div3A_1252 = arith.divsi %sub3A_1250, %div3A_1251 : i32
          %mul3A_1253 = arith.constant 16 : i32
          %mul3A_1254 = arith.muli %div3A_1252, %mul3A_1253 : i32
          %add3A_1255 = arith.addi %multiple_of3A_1077, %mul3A_1254 : i32
          %get3A_1256 = arith.index_cast %add3A_1255 : i32 to index
          %get3A_1257 = tpu.vector_load %arg11[%get3A_1256] {strides = array<i32>} : memref<16384xi32, #tpu.memory_space<vmem>>, vector<16xi32>,
          %sub3A_1258 = arith.subi %sub3A_1250, %mul3A_1254 : i32
          %broadcast_in_dim3A_1259 = vector.broadcast %sub3A_1258 : i32 to vector<16xi32>
          %broadcast_in_dim3A_1260 = vector.shape_cast %broadcast_in_dim3A_1259 : vector<16xi32> to vector<16x1xi32>
          %gather3A_1261 = vector.shape_cast %broadcast_in_dim3A_1260 : vector<16x1xi32> to vector<16xi32>
          %gather3A_1262 = tpu.dynamic_gather %get3A_1257[%gather3A_1261] in [0] : vector<16xi32>, vector<16xi32> -> vector<16xi32>
          %sub3A_1263 = vector.broadcast %multiple_of3A_999 : i32 to vector<16xi32>
          %sub3A_1264 = arith.subi %gather3A_1262, %sub3A_1263 : vector<16xi32>
          %ge3A = arith.constant 0 : i32
          %ge3A_1265 = vector.broadcast %ge3A : i32 to vector<16xi32>
          %ge3A_1266 = arith.cmpi sge, %sub3A_1264, %ge3A_1265 : vector<16xi32>
          %lt3A_1267 = arith.constant 160 : i32
          %lt3A_1268 = vector.broadcast %lt3A_1267 : i32 to vector<16xi32>
          %lt3A_1269 = arith.cmpi slt, %sub3A_1264, %lt3A_1268 : vector<16xi32>
          %and3A_1270 = arith.andi %ge3A_1266, %lt3A_1269 : vector<16xi1>
          %jit3A_1271 = arith.constant 0 : i32
          %jit3A_1272 = arith.constant 159 : i32
          %max3A_1273 = vector.broadcast %jit3A_1271 : i32 to vector<16xi32>
          %max3A_1274 = arith.maxsi %max3A_1273, %sub3A_1264 : vector<16xi32>
          %min3A_1275 = vector.broadcast %jit3A_1272 : i32 to vector<16xi32>
          %min3A_1276 = arith.minsi %min3A_1275, %max3A_1274 : vector<16xi32>
          %get3A_1277 = arith.index_cast %sub3A_1250 : i32 to index
          %get3A_1278 = arith.constant 0 : index
          %get3A_1279 = tpu.vector_load %arg12[%get3A_1277, %get3A_1278] {strides = array<i32>} : memref<64x128xf32, #tpu.memory_space<vmem>>, vector<16xf32>,
          tpu.vector_store_idx %arg9[%min3A_1276, %add3A_624], %get3A_1279 masked %and3A_1270 {add = true} : memref<160x128xf32, #tpu.memory_space<vmem>>[vector<16xi32>, vector<16xi32>], vector<16xf32>, vector<16xi1>
          %get3A_1280 = arith.index_cast %sub3A_1250 : i32 to index
          %get3A_1281 = arith.constant 16 : index
          %get3A_1282 = tpu.vector_load %arg12[%get3A_1280, %get3A_1281] {strides = array<i32>} : memref<64x128xf32, #tpu.memory_space<vmem>>, vector<16xf32>,
          tpu.vector_store_idx %arg9[%min3A_1276, %add3A_627], %get3A_1282 masked %and3A_1270 {add = true} : memref<160x128xf32, #tpu.memory_space<vmem>>[vector<16xi32>, vector<16xi32>], vector<16xf32>, vector<16xi1>
          %get3A_1283 = arith.index_cast %sub3A_1250 : i32 to index
          %get3A_1284 = arith.constant 32 : index
          %get3A_1285 = tpu.vector_load %arg12[%get3A_1283, %get3A_1284] {strides = array<i32>} : memref<64x128xf32, #tpu.memory_space<vmem>>, vector<16xf32>,
          tpu.vector_store_idx %arg9[%min3A_1276, %add3A_630], %get3A_1285 masked %and3A_1270 {add = true} : memref<160x128xf32, #tpu.memory_space<vmem>>[vector<16xi32>, vector<16xi32>], vector<16xf32>, vector<16xi1>
          %get3A_1286 = arith.index_cast %sub3A_1250 : i32 to index
          %get3A_1287 = arith.constant 48 : index
          %get3A_1288 = tpu.vector_load %arg12[%get3A_1286, %get3A_1287] {strides = array<i32>} : memref<64x128xf32, #tpu.memory_space<vmem>>, vector<16xf32>,
          tpu.vector_store_idx %arg9[%min3A_1276, %add3A_633], %get3A_1288 masked %and3A_1270 {add = true} : memref<160x128xf32, #tpu.memory_space<vmem>>[vector<16xi32>, vector<16xi32>], vector<16xf32>, vector<16xi1>
          %get3A_1289 = arith.index_cast %sub3A_1250 : i32 to index
          %get3A_1290 = arith.constant 64 : index
          %get3A_1291 = tpu.vector_load %arg12[%get3A_1289, %get3A_1290] {strides = array<i32>} : memref<64x128xf32, #tpu.memory_space<vmem>>, vector<16xf32>,
          tpu.vector_store_idx %arg9[%min3A_1276, %add3A_636], %get3A_1291 masked %and3A_1270 {add = true} : memref<160x128xf32, #tpu.memory_space<vmem>>[vector<16xi32>, vector<16xi32>], vector<16xf32>, vector<16xi1>
          %get3A_1292 = arith.index_cast %sub3A_1250 : i32 to index
          %get3A_1293 = arith.constant 80 : index
          %get3A_1294 = tpu.vector_load %arg12[%get3A_1292, %get3A_1293] {strides = array<i32>} : memref<64x128xf32, #tpu.memory_space<vmem>>, vector<16xf32>,
          tpu.vector_store_idx %arg9[%min3A_1276, %add3A_639], %get3A_1294 masked %and3A_1270 {add = true} : memref<160x128xf32, #tpu.memory_space<vmem>>[vector<16xi32>, vector<16xi32>], vector<16xf32>, vector<16xi1>
          %get3A_1295 = arith.index_cast %sub3A_1250 : i32 to index
          %get3A_1296 = arith.constant 96 : index
          %get3A_1297 = tpu.vector_load %arg12[%get3A_1295, %get3A_1296] {strides = array<i32>} : memref<64x128xf32, #tpu.memory_space<vmem>>, vector<16xf32>,
          tpu.vector_store_idx %arg9[%min3A_1276, %add3A_642], %get3A_1297 masked %and3A_1270 {add = true} : memref<160x128xf32, #tpu.memory_space<vmem>>[vector<16xi32>, vector<16xi32>], vector<16xf32>, vector<16xi1>
          %get3A_1298 = arith.index_cast %sub3A_1250 : i32 to index
          %get3A_1299 = arith.constant 112 : index
          %get3A_1300 = tpu.vector_load %arg12[%get3A_1298, %get3A_1299] {strides = array<i32>} : memref<64x128xf32, #tpu.memory_space<vmem>>, vector<16xf32>,
          tpu.vector_store_idx %arg9[%min3A_1276, %add3A_645], %get3A_1300 masked %and3A_1270 {add = true} : memref<160x128xf32, #tpu.memory_space<vmem>>[vector<16xi32>, vector<16xi32>], vector<16xf32>, vector<16xi1>
          %while3A_1301 = arith.constant 0 : i32
          scf.yield %while3A_1301 : i32
        }
        %add3A_1245 = arith.constant 64 : i32
        %add3A_1246 = arith.addi %multiple_of3A_1077, %add3A_1245 : i32
        %while3A_1247 = scf.while (%while3A_1248 = %add3A_1246) : (i32) -> i32 {
          %lt3A_1249 = arith.cmpi slt, %while3A_1248, %select_n3A_1070 : i32
          scf.condition(%lt3A_1249) %while3A_1248 : i32
        } do {
        ^bb0(%while3A_1248: i32):
          %multiple_of3A_1249 = tpu.assume_multiple %while3A_1248, 8 : i32
          "tpu.region"() ({
            %run_scoped3A = tpu.sem_alloc : memref<!tpu.dma_semaphore, #tpu.memory_space<semaphore_mem>>
            %dma_start3A_1272 = arith.constant 0 : i32
            %dma_start3A_1273 = tpu.memref_slice %arg3[%multiple_of3A_1249, %dma_start3A_1272] : memref<16384x128xf32, #tpu.memory_space<hbm>> -> memref<64x128xf32, #tpu.memory_space<hbm>>
            %dma_start3A_1274 = arith.constant 0 : i32
            %dma_start3A_1275 = tpu.memref_slice %arg3[%multiple_of3A_1249, %dma_start3A_1274] : memref<16384x128xf32, #tpu.memory_space<hbm>> -> memref<64x128xf32, #tpu.memory_space<hbm>>
            tpu.enqueue_dma source(%dma_start3A_1275 : memref<64x128xf32, #tpu.memory_space<hbm>>) target(%arg12 : memref<64x128xf32, #tpu.memory_space<vmem>>) target_semaphore(%run_scoped3A : memref<!tpu.dma_semaphore, #tpu.memory_space<semaphore_mem>>)
            %dma_wait3A_1276 = arith.constant 0 : i32
            %dma_wait3A_1277 = tpu.memref_slice %arg3[%multiple_of3A_1249, %dma_wait3A_1276] : memref<16384x128xf32, #tpu.memory_space<hbm>> -> memref<64x128xf32, #tpu.memory_space<hbm>>
            %dma_wait3A_1278 = arith.constant 0 : i32
            %dma_wait3A_1279 = tpu.memref_slice %arg3[%multiple_of3A_1249, %dma_wait3A_1278] : memref<16384x128xf32, #tpu.memory_space<hbm>> -> memref<64x128xf32, #tpu.memory_space<hbm>>
            tpu.wait_dma2 semaphore(%run_scoped3A : memref<!tpu.dma_semaphore, #tpu.memory_space<semaphore_mem>>) src(%dma_wait3A_1279 : memref<64x128xf32, #tpu.memory_space<hbm>>) dst(%arg12 : memref<64x128xf32, #tpu.memory_space<vmem>>)
            tpu.yield
          }) : () -> ()
          %ne3A_1250 = arith.constant 1.000000e+00 : f32
          %ne3A_1251 = arith.cmpf one, %reduce_max3A_4, %ne3A_1250 : f32
          %convert_element_type3A_1252 = arith.extui %ne3A_1251 : i1 to i32
          %cond3A_1253 = arith.constant 0 : i32
          %cond3A_1254 = arith.cmpi ne, %convert_element_type3A_1252, %cond3A_1253 : i32
          scf.if %cond3A_1254 {
            %scan3A_1272 = arith.constant 0 : i32
            %scan3A_1273 = arith.constant 64 : i32
            %scan3A_1274 = arith.addi %scan3A_1272, %scan3A_1273 : i32
            %scan3A_1275 = arith.constant 1 : i32
            scf.for %scan3A_1277 = %scan3A_1272 to %scan3A_1274 step %scan3A_1275  : i32 {
              %mul3A_1278 = arith.constant 1 : i32
              %mul3A_1279 = arith.muli %scan3A_1277, %mul3A_1278 : i32
              %add3A_1280 = arith.constant 0 : i32
              %add3A_1281 = arith.addi %add3A_1280, %mul3A_1279 : i32
              %get3A_1282 = arith.index_cast %add3A_1281 : i32 to index
              %get3A_1283 = arith.constant 0 : index
              %get3A_1284 = tpu.vector_load %arg12[%get3A_1282, %get3A_1283] {strides = array<i32>} : memref<64x128xf32, #tpu.memory_space<vmem>>, vector<16xf32>,
              %mul3A_1285 = arith.mulf %get3A_1284, %get3A_1 : vector<16xf32>
              %swap3A = arith.index_cast %add3A_1281 : i32 to index
              %swap3A_1286 = arith.constant 0 : index
              %swap3A_1287 = tpu.vector_load %arg12[%swap3A, %swap3A_1286] {strides = array<i32>} : memref<64x128xf32, #tpu.memory_space<vmem>>, vector<16xf32>,
              tpu.vector_store %arg12[%swap3A, %swap3A_1286], %mul3A_1285 {strides = array<i32>} : memref<64x128xf32, #tpu.memory_space<vmem>>, vector<16xf32>,
              %get3A_1288 = arith.index_cast %add3A_1281 : i32 to index
              %get3A_1289 = arith.constant 16 : index
              %get3A_1290 = tpu.vector_load %arg12[%get3A_1288, %get3A_1289] {strides = array<i32>} : memref<64x128xf32, #tpu.memory_space<vmem>>, vector<16xf32>,
              %mul3A_1291 = arith.mulf %get3A_1290, %get3A_1 : vector<16xf32>
              %swap3A_1292 = arith.index_cast %add3A_1281 : i32 to index
              %swap3A_1293 = arith.constant 16 : index
              %swap3A_1294 = tpu.vector_load %arg12[%swap3A_1292, %swap3A_1293] {strides = array<i32>} : memref<64x128xf32, #tpu.memory_space<vmem>>, vector<16xf32>,
              tpu.vector_store %arg12[%swap3A_1292, %swap3A_1293], %mul3A_1291 {strides = array<i32>} : memref<64x128xf32, #tpu.memory_space<vmem>>, vector<16xf32>,
              %get3A_1295 = arith.index_cast %add3A_1281 : i32 to index
              %get3A_1296 = arith.constant 32 : index
              %get3A_1297 = tpu.vector_load %arg12[%get3A_1295, %get3A_1296] {strides = array<i32>} : memref<64x128xf32, #tpu.memory_space<vmem>>, vector<16xf32>,
              %mul3A_1298 = arith.mulf %get3A_1297, %get3A_1 : vector<16xf32>
              %swap3A_1299 = arith.index_cast %add3A_1281 : i32 to index
              %swap3A_1300 = arith.constant 32 : index
              %swap3A_1301 = tpu.vector_load %arg12[%swap3A_1299, %swap3A_1300] {strides = array<i32>} : memref<64x128xf32, #tpu.memory_space<vmem>>, vector<16xf32>,
              tpu.vector_store %arg12[%swap3A_1299, %swap3A_1300], %mul3A_1298 {strides = array<i32>} : memref<64x128xf32, #tpu.memory_space<vmem>>, vector<16xf32>,
              %get3A_1302 = arith.index_cast %add3A_1281 : i32 to index
              %get3A_1303 = arith.constant 48 : index
              %get3A_1304 = tpu.vector_load %arg12[%get3A_1302, %get3A_1303] {strides = array<i32>} : memref<64x128xf32, #tpu.memory_space<vmem>>, vector<16xf32>,
              %mul3A_1305 = arith.mulf %get3A_1304, %get3A_1 : vector<16xf32>
              %swap3A_1306 = arith.index_cast %add3A_1281 : i32 to index
              %swap3A_1307 = arith.constant 48 : index
              %swap3A_1308 = tpu.vector_load %arg12[%swap3A_1306, %swap3A_1307] {strides = array<i32>} : memref<64x128xf32, #tpu.memory_space<vmem>>, vector<16xf32>,
              tpu.vector_store %arg12[%swap3A_1306, %swap3A_1307], %mul3A_1305 {strides = array<i32>} : memref<64x128xf32, #tpu.memory_space<vmem>>, vector<16xf32>,
              %get3A_1309 = arith.index_cast %add3A_1281 : i32 to index
              %get3A_1310 = arith.constant 64 : index
              %get3A_1311 = tpu.vector_load %arg12[%get3A_1309, %get3A_1310] {strides = array<i32>} : memref<64x128xf32, #tpu.memory_space<vmem>>, vector<16xf32>,
              %mul3A_1312 = arith.mulf %get3A_1311, %get3A_1 : vector<16xf32>
              %swap3A_1313 = arith.index_cast %add3A_1281 : i32 to index
              %swap3A_1314 = arith.constant 64 : index
              %swap3A_1315 = tpu.vector_load %arg12[%swap3A_1313, %swap3A_1314] {strides = array<i32>} : memref<64x128xf32, #tpu.memory_space<vmem>>, vector<16xf32>,
              tpu.vector_store %arg12[%swap3A_1313, %swap3A_1314], %mul3A_1312 {strides = array<i32>} : memref<64x128xf32, #tpu.memory_space<vmem>>, vector<16xf32>,
              %get3A_1316 = arith.index_cast %add3A_1281 : i32 to index
              %get3A_1317 = arith.constant 80 : index
              %get3A_1318 = tpu.vector_load %arg12[%get3A_1316, %get3A_1317] {strides = array<i32>} : memref<64x128xf32, #tpu.memory_space<vmem>>, vector<16xf32>,
              %mul3A_1319 = arith.mulf %get3A_1318, %get3A_1 : vector<16xf32>
              %swap3A_1320 = arith.index_cast %add3A_1281 : i32 to index
              %swap3A_1321 = arith.constant 80 : index
              %swap3A_1322 = tpu.vector_load %arg12[%swap3A_1320, %swap3A_1321] {strides = array<i32>} : memref<64x128xf32, #tpu.memory_space<vmem>>, vector<16xf32>,
              tpu.vector_store %arg12[%swap3A_1320, %swap3A_1321], %mul3A_1319 {strides = array<i32>} : memref<64x128xf32, #tpu.memory_space<vmem>>, vector<16xf32>,
              %get3A_1323 = arith.index_cast %add3A_1281 : i32 to index
              %get3A_1324 = arith.constant 96 : index
              %get3A_1325 = tpu.vector_load %arg12[%get3A_1323, %get3A_1324] {strides = array<i32>} : memref<64x128xf32, #tpu.memory_space<vmem>>, vector<16xf32>,
              %mul3A_1326 = arith.mulf %get3A_1325, %get3A_1 : vector<16xf32>
              %swap3A_1327 = arith.index_cast %add3A_1281 : i32 to index
              %swap3A_1328 = arith.constant 96 : index
              %swap3A_1329 = tpu.vector_load %arg12[%swap3A_1327, %swap3A_1328] {strides = array<i32>} : memref<64x128xf32, #tpu.memory_space<vmem>>, vector<16xf32>,
              tpu.vector_store %arg12[%swap3A_1327, %swap3A_1328], %mul3A_1326 {strides = array<i32>} : memref<64x128xf32, #tpu.memory_space<vmem>>, vector<16xf32>,
              %get3A_1330 = arith.index_cast %add3A_1281 : i32 to index
              %get3A_1331 = arith.constant 112 : index
              %get3A_1332 = tpu.vector_load %arg12[%get3A_1330, %get3A_1331] {strides = array<i32>} : memref<64x128xf32, #tpu.memory_space<vmem>>, vector<16xf32>,
              %mul3A_1333 = arith.mulf %get3A_1332, %get3A_1 : vector<16xf32>
              %swap3A_1334 = arith.index_cast %add3A_1281 : i32 to index
              %swap3A_1335 = arith.constant 112 : index
              %swap3A_1336 = tpu.vector_load %arg12[%swap3A_1334, %swap3A_1335] {strides = array<i32>} : memref<64x128xf32, #tpu.memory_space<vmem>>, vector<16xf32>,
              tpu.vector_store %arg12[%swap3A_1334, %swap3A_1335], %mul3A_1333 {strides = array<i32>} : memref<64x128xf32, #tpu.memory_space<vmem>>, vector<16xf32>,
            }
            %scan3A_1276 = arith.constant 64 : i32
          } else {
          }
          %max3A_1255 = arith.maxsi %select_n3A_1037, %multiple_of3A_1249 : i32
          %add3A_1256 = arith.constant 64 : i32
          %add3A_1257 = arith.addi %multiple_of3A_1249, %add3A_1256 : i32
          %min3A_1258 = arith.minsi %select_n3A_1070, %add3A_1257 : i32
          %while3A_1259 = arith.constant 0 : i32
          %while3A_1260 = arith.subi %min3A_1258, %max3A_1255 : i32
          %while3A_1261 = arith.addi %max3A_1255, %while3A_1260 : i32
          %while3A_1262 = arith.constant 1 : i32
          %while3A_1263 = arith.divsi %while3A_1260, %while3A_1262 : i32
          %while3A_1264 = arith.muli %while3A_1263, %while3A_1262 : i32
          %while3A_1265 = arith.addi %max3A_1255, %while3A_1264 : i32
          %while3A_1266 = arith.constant 1 : i32
          %while3A_1267 = scf.for %while3A_1272 = %max3A_1255 to %while3A_1265 step %while3A_1266 iter_args(%while3A_1273 = %while3A_1259) -> (i32)  : i32 {
            %sub3A_1274 = arith.subi %while3A_1272, %multiple_of3A_1249 : i32
            %div3A_1275 = arith.constant 16 : i32
            %div3A_1276 = arith.divsi %sub3A_1274, %div3A_1275 : i32
            %mul3A_1277 = arith.constant 16 : i32
            %mul3A_1278 = arith.muli %div3A_1276, %mul3A_1277 : i32
            %add3A_1279 = arith.addi %multiple_of3A_1249, %mul3A_1278 : i32
            %get3A_1280 = arith.index_cast %add3A_1279 : i32 to index
            %get3A_1281 = tpu.vector_load %arg11[%get3A_1280] {strides = array<i32>} : memref<16384xi32, #tpu.memory_space<vmem>>, vector<16xi32>,
            %sub3A_1282 = arith.subi %sub3A_1274, %mul3A_1278 : i32
            %broadcast_in_dim3A_1283 = vector.broadcast %sub3A_1282 : i32 to vector<16xi32>
            %broadcast_in_dim3A_1284 = vector.shape_cast %broadcast_in_dim3A_1283 : vector<16xi32> to vector<16x1xi32>
            %gather3A_1285 = vector.shape_cast %broadcast_in_dim3A_1284 : vector<16x1xi32> to vector<16xi32>
            %gather3A_1286 = tpu.dynamic_gather %get3A_1281[%gather3A_1285] in [0] : vector<16xi32>, vector<16xi32> -> vector<16xi32>
            %sub3A_1287 = vector.broadcast %multiple_of3A_999 : i32 to vector<16xi32>
            %sub3A_1288 = arith.subi %gather3A_1286, %sub3A_1287 : vector<16xi32>
            %ge3A = arith.constant 0 : i32
            %ge3A_1289 = vector.broadcast %ge3A : i32 to vector<16xi32>
            %ge3A_1290 = arith.cmpi sge, %sub3A_1288, %ge3A_1289 : vector<16xi32>
            %lt3A_1291 = arith.constant 160 : i32
            %lt3A_1292 = vector.broadcast %lt3A_1291 : i32 to vector<16xi32>
            %lt3A_1293 = arith.cmpi slt, %sub3A_1288, %lt3A_1292 : vector<16xi32>
            %and3A_1294 = arith.andi %ge3A_1290, %lt3A_1293 : vector<16xi1>
            %jit3A_1295 = arith.constant 0 : i32
            %jit3A_1296 = arith.constant 159 : i32
            %max3A_1297 = vector.broadcast %jit3A_1295 : i32 to vector<16xi32>
            %max3A_1298 = arith.maxsi %max3A_1297, %sub3A_1288 : vector<16xi32>
            %min3A_1299 = vector.broadcast %jit3A_1296 : i32 to vector<16xi32>
            %min3A_1300 = arith.minsi %min3A_1299, %max3A_1298 : vector<16xi32>
            %get3A_1301 = arith.index_cast %sub3A_1274 : i32 to index
            %get3A_1302 = arith.constant 0 : index
            %get3A_1303 = tpu.vector_load %arg12[%get3A_1301, %get3A_1302] {strides = array<i32>} : memref<64x128xf32, #tpu.memory_space<vmem>>, vector<16xf32>,
            tpu.vector_store_idx %arg9[%min3A_1300, %add3A_624], %get3A_1303 masked %and3A_1294 {add = true} : memref<160x128xf32, #tpu.memory_space<vmem>>[vector<16xi32>, vector<16xi32>], vector<16xf32>, vector<16xi1>
            %get3A_1304 = arith.index_cast %sub3A_1274 : i32 to index
            %get3A_1305 = arith.constant 16 : index
            %get3A_1306 = tpu.vector_load %arg12[%get3A_1304, %get3A_1305] {strides = array<i32>} : memref<64x128xf32, #tpu.memory_space<vmem>>, vector<16xf32>,
            tpu.vector_store_idx %arg9[%min3A_1300, %add3A_627], %get3A_1306 masked %and3A_1294 {add = true} : memref<160x128xf32, #tpu.memory_space<vmem>>[vector<16xi32>, vector<16xi32>], vector<16xf32>, vector<16xi1>
            %get3A_1307 = arith.index_cast %sub3A_1274 : i32 to index
            %get3A_1308 = arith.constant 32 : index
            %get3A_1309 = tpu.vector_load %arg12[%get3A_1307, %get3A_1308] {strides = array<i32>} : memref<64x128xf32, #tpu.memory_space<vmem>>, vector<16xf32>,
            tpu.vector_store_idx %arg9[%min3A_1300, %add3A_630], %get3A_1309 masked %and3A_1294 {add = true} : memref<160x128xf32, #tpu.memory_space<vmem>>[vector<16xi32>, vector<16xi32>], vector<16xf32>, vector<16xi1>
            %get3A_1310 = arith.index_cast %sub3A_1274 : i32 to index
            %get3A_1311 = arith.constant 48 : index
            %get3A_1312 = tpu.vector_load %arg12[%get3A_1310, %get3A_1311] {strides = array<i32>} : memref<64x128xf32, #tpu.memory_space<vmem>>, vector<16xf32>,
            tpu.vector_store_idx %arg9[%min3A_1300, %add3A_633], %get3A_1312 masked %and3A_1294 {add = true} : memref<160x128xf32, #tpu.memory_space<vmem>>[vector<16xi32>, vector<16xi32>], vector<16xf32>, vector<16xi1>
            %get3A_1313 = arith.index_cast %sub3A_1274 : i32 to index
            %get3A_1314 = arith.constant 64 : index
            %get3A_1315 = tpu.vector_load %arg12[%get3A_1313, %get3A_1314] {strides = array<i32>} : memref<64x128xf32, #tpu.memory_space<vmem>>, vector<16xf32>,
            tpu.vector_store_idx %arg9[%min3A_1300, %add3A_636], %get3A_1315 masked %and3A_1294 {add = true} : memref<160x128xf32, #tpu.memory_space<vmem>>[vector<16xi32>, vector<16xi32>], vector<16xf32>, vector<16xi1>
            %get3A_1316 = arith.index_cast %sub3A_1274 : i32 to index
            %get3A_1317 = arith.constant 80 : index
            %get3A_1318 = tpu.vector_load %arg12[%get3A_1316, %get3A_1317] {strides = array<i32>} : memref<64x128xf32, #tpu.memory_space<vmem>>, vector<16xf32>,
            tpu.vector_store_idx %arg9[%min3A_1300, %add3A_639], %get3A_1318 masked %and3A_1294 {add = true} : memref<160x128xf32, #tpu.memory_space<vmem>>[vector<16xi32>, vector<16xi32>], vector<16xf32>, vector<16xi1>
            %get3A_1319 = arith.index_cast %sub3A_1274 : i32 to index
            %get3A_1320 = arith.constant 96 : index
            %get3A_1321 = tpu.vector_load %arg12[%get3A_1319, %get3A_1320] {strides = array<i32>} : memref<64x128xf32, #tpu.memory_space<vmem>>, vector<16xf32>,
            tpu.vector_store_idx %arg9[%min3A_1300, %add3A_642], %get3A_1321 masked %and3A_1294 {add = true} : memref<160x128xf32, #tpu.memory_space<vmem>>[vector<16xi32>, vector<16xi32>], vector<16xf32>, vector<16xi1>
            %get3A_1322 = arith.index_cast %sub3A_1274 : i32 to index
            %get3A_1323 = arith.constant 112 : index
            %get3A_1324 = tpu.vector_load %arg12[%get3A_1322, %get3A_1323] {strides = array<i32>} : memref<64x128xf32, #tpu.memory_space<vmem>>, vector<16xf32>,
            tpu.vector_store_idx %arg9[%min3A_1300, %add3A_645], %get3A_1324 masked %and3A_1294 {add = true} : memref<160x128xf32, #tpu.memory_space<vmem>>[vector<16xi32>, vector<16xi32>], vector<16xf32>, vector<16xi1>
            %while3A_1325 = arith.constant 0 : i32
            scf.yield %while3A_1325 : i32
          }
          %while3A_1268 = arith.constant 1 : i32
          %while3A_1269 = scf.for %while3A_1272 = %while3A_1265 to %while3A_1261 step %while3A_1268 iter_args(%while3A_1273 = %while3A_1267) -> (i32)  : i32 {
            %sub3A_1274 = arith.subi %while3A_1272, %multiple_of3A_1249 : i32
            %div3A_1275 = arith.constant 16 : i32
            %div3A_1276 = arith.divsi %sub3A_1274, %div3A_1275 : i32
            %mul3A_1277 = arith.constant 16 : i32
            %mul3A_1278 = arith.muli %div3A_1276, %mul3A_1277 : i32
            %add3A_1279 = arith.addi %multiple_of3A_1249, %mul3A_1278 : i32
            %get3A_1280 = arith.index_cast %add3A_1279 : i32 to index
            %get3A_1281 = tpu.vector_load %arg11[%get3A_1280] {strides = array<i32>} : memref<16384xi32, #tpu.memory_space<vmem>>, vector<16xi32>,
            %sub3A_1282 = arith.subi %sub3A_1274, %mul3A_1278 : i32
            %broadcast_in_dim3A_1283 = vector.broadcast %sub3A_1282 : i32 to vector<16xi32>
            %broadcast_in_dim3A_1284 = vector.shape_cast %broadcast_in_dim3A_1283 : vector<16xi32> to vector<16x1xi32>
            %gather3A_1285 = vector.shape_cast %broadcast_in_dim3A_1284 : vector<16x1xi32> to vector<16xi32>
            %gather3A_1286 = tpu.dynamic_gather %get3A_1281[%gather3A_1285] in [0] : vector<16xi32>, vector<16xi32> -> vector<16xi32>
            %sub3A_1287 = vector.broadcast %multiple_of3A_999 : i32 to vector<16xi32>
            %sub3A_1288 = arith.subi %gather3A_1286, %sub3A_1287 : vector<16xi32>
            %ge3A = arith.constant 0 : i32
            %ge3A_1289 = vector.broadcast %ge3A : i32 to vector<16xi32>
            %ge3A_1290 = arith.cmpi sge, %sub3A_1288, %ge3A_1289 : vector<16xi32>
            %lt3A_1291 = arith.constant 160 : i32
            %lt3A_1292 = vector.broadcast %lt3A_1291 : i32 to vector<16xi32>
            %lt3A_1293 = arith.cmpi slt, %sub3A_1288, %lt3A_1292 : vector<16xi32>
            %and3A_1294 = arith.andi %ge3A_1290, %lt3A_1293 : vector<16xi1>
            %jit3A_1295 = arith.constant 0 : i32
            %jit3A_1296 = arith.constant 159 : i32
            %max3A_1297 = vector.broadcast %jit3A_1295 : i32 to vector<16xi32>
            %max3A_1298 = arith.maxsi %max3A_1297, %sub3A_1288 : vector<16xi32>
            %min3A_1299 = vector.broadcast %jit3A_1296 : i32 to vector<16xi32>
            %min3A_1300 = arith.minsi %min3A_1299, %max3A_1298 : vector<16xi32>
            %get3A_1301 = arith.index_cast %sub3A_1274 : i32 to index
            %get3A_1302 = arith.constant 0 : index
            %get3A_1303 = tpu.vector_load %arg12[%get3A_1301, %get3A_1302] {strides = array<i32>} : memref<64x128xf32, #tpu.memory_space<vmem>>, vector<16xf32>,
            tpu.vector_store_idx %arg9[%min3A_1300, %add3A_624], %get3A_1303 masked %and3A_1294 {add = true} : memref<160x128xf32, #tpu.memory_space<vmem>>[vector<16xi32>, vector<16xi32>], vector<16xf32>, vector<16xi1>
            %get3A_1304 = arith.index_cast %sub3A_1274 : i32 to index
            %get3A_1305 = arith.constant 16 : index
            %get3A_1306 = tpu.vector_load %arg12[%get3A_1304, %get3A_1305] {strides = array<i32>} : memref<64x128xf32, #tpu.memory_space<vmem>>, vector<16xf32>,
            tpu.vector_store_idx %arg9[%min3A_1300, %add3A_627], %get3A_1306 masked %and3A_1294 {add = true} : memref<160x128xf32, #tpu.memory_space<vmem>>[vector<16xi32>, vector<16xi32>], vector<16xf32>, vector<16xi1>
            %get3A_1307 = arith.index_cast %sub3A_1274 : i32 to index
            %get3A_1308 = arith.constant 32 : index
            %get3A_1309 = tpu.vector_load %arg12[%get3A_1307, %get3A_1308] {strides = array<i32>} : memref<64x128xf32, #tpu.memory_space<vmem>>, vector<16xf32>,
            tpu.vector_store_idx %arg9[%min3A_1300, %add3A_630], %get3A_1309 masked %and3A_1294 {add = true} : memref<160x128xf32, #tpu.memory_space<vmem>>[vector<16xi32>, vector<16xi32>], vector<16xf32>, vector<16xi1>
            %get3A_1310 = arith.index_cast %sub3A_1274 : i32 to index
            %get3A_1311 = arith.constant 48 : index
            %get3A_1312 = tpu.vector_load %arg12[%get3A_1310, %get3A_1311] {strides = array<i32>} : memref<64x128xf32, #tpu.memory_space<vmem>>, vector<16xf32>,
            tpu.vector_store_idx %arg9[%min3A_1300, %add3A_633], %get3A_1312 masked %and3A_1294 {add = true} : memref<160x128xf32, #tpu.memory_space<vmem>>[vector<16xi32>, vector<16xi32>], vector<16xf32>, vector<16xi1>
            %get3A_1313 = arith.index_cast %sub3A_1274 : i32 to index
            %get3A_1314 = arith.constant 64 : index
            %get3A_1315 = tpu.vector_load %arg12[%get3A_1313, %get3A_1314] {strides = array<i32>} : memref<64x128xf32, #tpu.memory_space<vmem>>, vector<16xf32>,
            tpu.vector_store_idx %arg9[%min3A_1300, %add3A_636], %get3A_1315 masked %and3A_1294 {add = true} : memref<160x128xf32, #tpu.memory_space<vmem>>[vector<16xi32>, vector<16xi32>], vector<16xf32>, vector<16xi1>
            %get3A_1316 = arith.index_cast %sub3A_1274 : i32 to index
            %get3A_1317 = arith.constant 80 : index
            %get3A_1318 = tpu.vector_load %arg12[%get3A_1316, %get3A_1317] {strides = array<i32>} : memref<64x128xf32, #tpu.memory_space<vmem>>, vector<16xf32>,
            tpu.vector_store_idx %arg9[%min3A_1300, %add3A_639], %get3A_1318 masked %and3A_1294 {add = true} : memref<160x128xf32, #tpu.memory_space<vmem>>[vector<16xi32>, vector<16xi32>], vector<16xf32>, vector<16xi1>
            %get3A_1319 = arith.index_cast %sub3A_1274 : i32 to index
            %get3A_1320 = arith.constant 96 : index
            %get3A_1321 = tpu.vector_load %arg12[%get3A_1319, %get3A_1320] {strides = array<i32>} : memref<64x128xf32, #tpu.memory_space<vmem>>, vector<16xf32>,
            tpu.vector_store_idx %arg9[%min3A_1300, %add3A_642], %get3A_1321 masked %and3A_1294 {add = true} : memref<160x128xf32, #tpu.memory_space<vmem>>[vector<16xi32>, vector<16xi32>], vector<16xf32>, vector<16xi1>
            %get3A_1322 = arith.index_cast %sub3A_1274 : i32 to index
            %get3A_1323 = arith.constant 112 : index
            %get3A_1324 = tpu.vector_load %arg12[%get3A_1322, %get3A_1323] {strides = array<i32>} : memref<64x128xf32, #tpu.memory_space<vmem>>, vector<16xf32>,
            tpu.vector_store_idx %arg9[%min3A_1300, %add3A_645], %get3A_1324 masked %and3A_1294 {add = true} : memref<160x128xf32, #tpu.memory_space<vmem>>[vector<16xi32>, vector<16xi32>], vector<16xf32>, vector<16xi1>
            %while3A_1325 = arith.constant 0 : i32
            scf.yield %while3A_1325 : i32
          }
          %add3A_1270 = arith.constant 64 : i32
          %add3A_1271 = arith.addi %multiple_of3A_1249, %add3A_1270 : i32
          scf.yield %add3A_1271 : i32
        }
      } else {
      }
      %dma_start3A_1103 = arith.constant 2 : i32
      %dma_start3A_1104 = arith.constant 0 : i32
      %dma_start3A_1105 = tpu.memref_slice %arg6[%multiple_of3A_999, %dma_start3A_1104] : memref<100000x128xf32, #tpu.memory_space<hbm>> -> memref<160x128xf32, #tpu.memory_space<hbm>>
      %dma_start3A_1106 = tpu.memref_slice %arg16[%dma_start3A_1103] : memref<4x!tpu.dma_semaphore, #tpu.memory_space<semaphore_mem>> -> memref<1x!tpu.dma_semaphore, #tpu.memory_space<semaphore_mem>>
      %dma_start3A_1107 = tpu.memref_squeeze %dma_start3A_1106 : memref<1x!tpu.dma_semaphore, #tpu.memory_space<semaphore_mem>> -> memref<!tpu.dma_semaphore, #tpu.memory_space<semaphore_mem>>
      %dma_start3A_1108 = arith.constant 0 : i32
      %dma_start3A_1109 = tpu.memref_slice %arg6[%multiple_of3A_999, %dma_start3A_1108] : memref<100000x128xf32, #tpu.memory_space<hbm>> -> memref<160x128xf32, #tpu.memory_space<hbm>>
      tpu.enqueue_dma source(%arg9 : memref<160x128xf32, #tpu.memory_space<vmem>>) target(%dma_start3A_1109 : memref<160x128xf32, #tpu.memory_space<hbm>>) target_semaphore(%dma_start3A_1107 : memref<!tpu.dma_semaphore, #tpu.memory_space<semaphore_mem>>)
      %mul3A_1110 = arith.constant 4 : i32
      %mul3A_1111 = arith.muli %add3A_757, %mul3A_1110 : i32
      %add3A_1112 = arith.constant 3 : i32
      %add3A_1113 = arith.addi %mul3A_1111, %add3A_1112 : i32
      %mul3A_1114 = arith.constant 160 : i32
      %mul3A_1115 = arith.muli %add3A_1113, %mul3A_1114 : i32
      %add3A_1116 = arith.addi %multiple_of3A, %mul3A_1115 : i32
      %multiple_of3A_1117 = tpu.assume_multiple %add3A_1116, 8 : i32
      %add3A_1118 = arith.constant 2 : i32
      %add3A_1119 = arith.addi %add3A_1113, %add3A_1118 : i32
      %lt3A_1120 = arith.constant 20 : i32
      %lt3A_1121 = arith.cmpi slt, %add3A_1119, %lt3A_1120 : i32
      %convert_element_type3A_1122 = arith.extui %lt3A_1121 : i1 to i32
      %cond3A_1123 = arith.constant 0 : i32
      %cond3A_1124 = arith.cmpi ne, %convert_element_type3A_1122, %cond3A_1123 : i32
      scf.if %cond3A_1124 {
        %ge3A = arith.constant 2 : i32
        %ge3A_1228 = arith.cmpi sge, %add3A_1113, %ge3A : i32
        %convert_element_type3A_1229 = arith.extui %ge3A_1228 : i1 to i32
        %cond3A_1230 = arith.constant 0 : i32
        %cond3A_1231 = arith.cmpi ne, %convert_element_type3A_1229, %cond3A_1230 : i32
        scf.if %cond3A_1231 {
          %sub3A_1245 = arith.constant 2 : i32
          %sub3A_1246 = arith.subi %add3A_1113, %sub3A_1245 : i32
          %mul3A_1247 = arith.constant 160 : i32
          %mul3A_1248 = arith.muli %sub3A_1246, %mul3A_1247 : i32
          %add3A_1249 = arith.addi %multiple_of3A, %mul3A_1248 : i32
          %multiple_of3A_1250 = tpu.assume_multiple %add3A_1249, 8 : i32
          %dma_wait3A_1251 = arith.constant 1 : i32
          %dma_wait3A_1252 = arith.constant 0 : i32
          %dma_wait3A_1253 = tpu.memref_slice %arg6[%multiple_of3A_1250, %dma_wait3A_1252] : memref<100000x128xf32, #tpu.memory_space<hbm>> -> memref<160x128xf32, #tpu.memory_space<hbm>>
          %dma_wait3A_1254 = tpu.memref_slice %arg16[%dma_wait3A_1251] : memref<4x!tpu.dma_semaphore, #tpu.memory_space<semaphore_mem>> -> memref<1x!tpu.dma_semaphore, #tpu.memory_space<semaphore_mem>>
          %dma_wait3A_1255 = tpu.memref_squeeze %dma_wait3A_1254 : memref<1x!tpu.dma_semaphore, #tpu.memory_space<semaphore_mem>> -> memref<!tpu.dma_semaphore, #tpu.memory_space<semaphore_mem>>
          %dma_wait3A_1256 = arith.constant 0 : i32
          %dma_wait3A_1257 = tpu.memref_slice %arg6[%multiple_of3A_1250, %dma_wait3A_1256] : memref<100000x128xf32, #tpu.memory_space<hbm>> -> memref<160x128xf32, #tpu.memory_space<hbm>>
          tpu.wait_dma2 semaphore(%dma_wait3A_1255 : memref<!tpu.dma_semaphore, #tpu.memory_space<semaphore_mem>>) src(%arg8 : memref<160x128xf32, #tpu.memory_space<vmem>>) dst(%dma_wait3A_1257 : memref<160x128xf32, #tpu.memory_space<hbm>>)
        } else {
        }
        %add3A_1232 = arith.constant 2 : i32
        %add3A_1233 = arith.addi %add3A_1113, %add3A_1232 : i32
        %mul3A_1234 = arith.constant 160 : i32
        %mul3A_1235 = arith.muli %add3A_1233, %mul3A_1234 : i32
        %add3A_1236 = arith.addi %multiple_of3A, %mul3A_1235 : i32
        %multiple_of3A_1237 = tpu.assume_multiple %add3A_1236, 8 : i32
        %dma_start3A_1238 = arith.constant 1 : i32
        %dma_start3A_1239 = arith.constant 0 : i32
        %dma_start3A_1240 = tpu.memref_slice %arg2[%multiple_of3A_1237, %dma_start3A_1239] : memref<100000x128xf32, #tpu.memory_space<hbm>> -> memref<160x128xf32, #tpu.memory_space<hbm>>
        %dma_start3A_1241 = tpu.memref_slice %arg15[%dma_start3A_1238] : memref<4x!tpu.dma_semaphore, #tpu.memory_space<semaphore_mem>> -> memref<1x!tpu.dma_semaphore, #tpu.memory_space<semaphore_mem>>
        %dma_start3A_1242 = tpu.memref_squeeze %dma_start3A_1241 : memref<1x!tpu.dma_semaphore, #tpu.memory_space<semaphore_mem>> -> memref<!tpu.dma_semaphore, #tpu.memory_space<semaphore_mem>>
        %dma_start3A_1243 = arith.constant 0 : i32
        %dma_start3A_1244 = tpu.memref_slice %arg2[%multiple_of3A_1237, %dma_start3A_1243] : memref<100000x128xf32, #tpu.memory_space<hbm>> -> memref<160x128xf32, #tpu.memory_space<hbm>>
        tpu.enqueue_dma source(%dma_start3A_1244 : memref<160x128xf32, #tpu.memory_space<hbm>>) target(%arg8 : memref<160x128xf32, #tpu.memory_space<vmem>>) target_semaphore(%dma_start3A_1242 : memref<!tpu.dma_semaphore, #tpu.memory_space<semaphore_mem>>)
      } else {
      }
      %eq3A_1125 = vector.broadcast %add3A_1113 : i32 to vector<16xi32>
      %eq3A_1126 = arith.cmpi eq, %iota3A, %eq3A_1125 : vector<16xi32>
      %jit3A_1127 = arith.constant 0 : i32
      %broadcast_in_dim3A_1128 = vector.broadcast %jit3A_1127 : i32 to vector<16xi32>
      %select_n3A_1129 = arith.select %eq3A_1126, %select_n3A_304, %broadcast_in_dim3A_1128 : vector<16xi1>, vector<16xi32>
      %reduce_max3A_1130 = arith.constant true
      %reduce_max3A_1131 = vector.broadcast %reduce_max3A_1130 : i1 to vector<16xi1>
      %reduce_max3A_1132 = arith.constant -2147483648 : i32
      %reduce_max3A_1133 = vector.broadcast %reduce_max3A_1132 : i32 to vector<16xi32>
      %reduce_max3A_1134 = arith.xori %select_n3A_1129, %reduce_max3A_1133 : vector<16xi32>
      %reduce_max3A_1135 = tpu.scan <max>, %reduce_max3A_1134 masked %reduce_max3A_1131 : vector<16xi32>, vector<16xi1> -> vector<16xi32>
      %reduce_max3A_1136 = arith.xori %reduce_max3A_1135, %reduce_max3A_1133 : vector<16xi32>
      %reduce_max3A_1137 = vector.extract %reduce_max3A_1136[15] : i32 from vector<16xi32>
      %sub3A_1138 = arith.constant 16 : i32
      %sub3A_1139 = arith.subi %add3A_1113, %sub3A_1138 : i32
      %eq3A_1140 = vector.broadcast %sub3A_1139 : i32 to vector<16xi32>
      %eq3A_1141 = arith.cmpi eq, %iota3A, %eq3A_1140 : vector<16xi32>
      %jit3A_1142 = arith.constant 0 : i32
      %broadcast_in_dim3A_1143 = vector.broadcast %jit3A_1142 : i32 to vector<16xi32>
      %select_n3A_1144 = arith.select %eq3A_1141, %select_n3A_616, %broadcast_in_dim3A_1143 : vector<16xi1>, vector<16xi32>
      %reduce_max3A_1145 = arith.constant true
      %reduce_max3A_1146 = vector.broadcast %reduce_max3A_1145 : i1 to vector<16xi1>
      %reduce_max3A_1147 = arith.constant -2147483648 : i32
      %reduce_max3A_1148 = vector.broadcast %reduce_max3A_1147 : i32 to vector<16xi32>
      %reduce_max3A_1149 = arith.xori %select_n3A_1144, %reduce_max3A_1148 : vector<16xi32>
      %reduce_max3A_1150 = tpu.scan <max>, %reduce_max3A_1149 masked %reduce_max3A_1146 : vector<16xi32>, vector<16xi1> -> vector<16xi32>
      %reduce_max3A_1151 = arith.xori %reduce_max3A_1150, %reduce_max3A_1148 : vector<16xi32>
      %reduce_max3A_1152 = vector.extract %reduce_max3A_1151[15] : i32 from vector<16xi32>
      %lt3A_1153 = arith.constant 16 : i32
      %lt3A_1154 = arith.cmpi slt, %add3A_1113, %lt3A_1153 : i32
      %select_n3A_1155 = arith.select %lt3A_1154, %reduce_max3A_1137, %reduce_max3A_1152 : i32
      %add3A_1156 = arith.constant 1 : i32
      %add3A_1157 = arith.addi %add3A_1113, %add3A_1156 : i32
      %eq3A_1158 = vector.broadcast %add3A_1157 : i32 to vector<16xi32>
      %eq3A_1159 = arith.cmpi eq, %iota3A, %eq3A_1158 : vector<16xi32>
      %jit3A_1160 = arith.constant 0 : i32
      %broadcast_in_dim3A_1161 = vector.broadcast %jit3A_1160 : i32 to vector<16xi32>
      %select_n3A_1162 = arith.select %eq3A_1159, %select_n3A_304, %broadcast_in_dim3A_1161 : vector<16xi1>, vector<16xi32>
      %reduce_max3A_1163 = arith.constant true
      %reduce_max3A_1164 = vector.broadcast %reduce_max3A_1163 : i1 to vector<16xi1>
      %reduce_max3A_1165 = arith.constant -2147483648 : i32
      %reduce_max3A_1166 = vector.broadcast %reduce_max3A_1165 : i32 to vector<16xi32>
      %reduce_max3A_1167 = arith.xori %select_n3A_1162, %reduce_max3A_1166 : vector<16xi32>
      %reduce_max3A_1168 = tpu.scan <max>, %reduce_max3A_1167 masked %reduce_max3A_1164 : vector<16xi32>, vector<16xi1> -> vector<16xi32>
      %reduce_max3A_1169 = arith.xori %reduce_max3A_1168, %reduce_max3A_1166 : vector<16xi32>
      %reduce_max3A_1170 = vector.extract %reduce_max3A_1169[15] : i32 from vector<16xi32>
      %sub3A_1171 = arith.constant 16 : i32
      %sub3A_1172 = arith.subi %add3A_1157, %sub3A_1171 : i32
      %eq3A_1173 = vector.broadcast %sub3A_1172 : i32 to vector<16xi32>
      %eq3A_1174 = arith.cmpi eq, %iota3A, %eq3A_1173 : vector<16xi32>
      %jit3A_1175 = arith.constant 0 : i32
      %broadcast_in_dim3A_1176 = vector.broadcast %jit3A_1175 : i32 to vector<16xi32>
      %select_n3A_1177 = arith.select %eq3A_1174, %select_n3A_616, %broadcast_in_dim3A_1176 : vector<16xi1>, vector<16xi32>
      %reduce_max3A_1178 = arith.constant true
      %reduce_max3A_1179 = vector.broadcast %reduce_max3A_1178 : i1 to vector<16xi1>
      %reduce_max3A_1180 = arith.constant -2147483648 : i32
      %reduce_max3A_1181 = vector.broadcast %reduce_max3A_1180 : i32 to vector<16xi32>
      %reduce_max3A_1182 = arith.xori %select_n3A_1177, %reduce_max3A_1181 : vector<16xi32>
      %reduce_max3A_1183 = tpu.scan <max>, %reduce_max3A_1182 masked %reduce_max3A_1179 : vector<16xi32>, vector<16xi1> -> vector<16xi32>
      %reduce_max3A_1184 = arith.xori %reduce_max3A_1183, %reduce_max3A_1181 : vector<16xi32>
      %reduce_max3A_1185 = vector.extract %reduce_max3A_1184[15] : i32 from vector<16xi32>
      %lt3A_1186 = arith.constant 16 : i32
      %lt3A_1187 = arith.cmpi slt, %add3A_1157, %lt3A_1186 : i32
      %select_n3A_1188 = arith.select %lt3A_1187, %reduce_max3A_1170, %reduce_max3A_1185 : i32
      %div3A_1189 = arith.constant 64 : i32
      %div3A_1190 = arith.divsi %select_n3A_1155, %div3A_1189 : i32
      %mul3A_1191 = arith.constant 64 : i32
      %mul3A_1192 = arith.muli %div3A_1190, %mul3A_1191 : i32
      %min3A_1193 = arith.constant 16320 : i32
      %min3A_1194 = arith.minsi %mul3A_1192, %min3A_1193 : i32
      %multiple_of3A_1195 = tpu.assume_multiple %min3A_1194, 8 : i32
      %add3A_1196 = arith.constant 1 : i32
      %add3A_1197 = arith.addi %add3A_1113, %add3A_1196 : i32
      %lt3A_1198 = arith.constant 20 : i32
      %lt3A_1199 = arith.cmpi slt, %add3A_1197, %lt3A_1198 : i32
      %convert_element_type3A_1200 = arith.extui %lt3A_1199 : i1 to i32
      %cond3A_1201 = arith.constant 0 : i32
      %cond3A_1202 = arith.cmpi ne, %convert_element_type3A_1200, %cond3A_1201 : i32
      scf.if %cond3A_1202 {
        %div3A_1228 = arith.constant 64 : i32
        %div3A_1229 = arith.divsi %select_n3A_1188, %div3A_1228 : i32
        %mul3A_1230 = arith.constant 64 : i32
        %mul3A_1231 = arith.muli %div3A_1229, %mul3A_1230 : i32
        %min3A_1232 = arith.constant 16320 : i32
        %min3A_1233 = arith.minsi %mul3A_1231, %min3A_1232 : i32
        %multiple_of3A_1234 = tpu.assume_multiple %min3A_1233, 8 : i32
        %dma_start3A_1235 = arith.constant 0 : i32
        %dma_start3A_1236 = arith.constant 0 : i32
        %dma_start3A_1237 = tpu.memref_slice %arg3[%multiple_of3A_1234, %dma_start3A_1236] : memref<16384x128xf32, #tpu.memory_space<hbm>> -> memref<64x128xf32, #tpu.memory_space<hbm>>
        %dma_start3A_1238 = tpu.memref_slice %arg17[%dma_start3A_1235] : memref<2x!tpu.dma_semaphore, #tpu.memory_space<semaphore_mem>> -> memref<1x!tpu.dma_semaphore, #tpu.memory_space<semaphore_mem>>
        %dma_start3A_1239 = tpu.memref_squeeze %dma_start3A_1238 : memref<1x!tpu.dma_semaphore, #tpu.memory_space<semaphore_mem>> -> memref<!tpu.dma_semaphore, #tpu.memory_space<semaphore_mem>>
        %dma_start3A_1240 = arith.constant 0 : i32
        %dma_start3A_1241 = tpu.memref_slice %arg3[%multiple_of3A_1234, %dma_start3A_1240] : memref<16384x128xf32, #tpu.memory_space<hbm>> -> memref<64x128xf32, #tpu.memory_space<hbm>>
        tpu.enqueue_dma source(%dma_start3A_1241 : memref<64x128xf32, #tpu.memory_space<hbm>>) target(%arg12 : memref<64x128xf32, #tpu.memory_space<vmem>>) target_semaphore(%dma_start3A_1239 : memref<!tpu.dma_semaphore, #tpu.memory_space<semaphore_mem>>)
      } else {
      }
      %dma_wait3A_1203 = arith.constant 3 : i32
      %dma_wait3A_1204 = arith.constant 0 : i32
      %dma_wait3A_1205 = tpu.memref_slice %arg2[%multiple_of3A_1117, %dma_wait3A_1204] : memref<100000x128xf32, #tpu.memory_space<hbm>> -> memref<160x128xf32, #tpu.memory_space<hbm>>
      %dma_wait3A_1206 = tpu.memref_slice %arg15[%dma_wait3A_1203] : memref<4x!tpu.dma_semaphore, #tpu.memory_space<semaphore_mem>> -> memref<1x!tpu.dma_semaphore, #tpu.memory_space<semaphore_mem>>
      %dma_wait3A_1207 = tpu.memref_squeeze %dma_wait3A_1206 : memref<1x!tpu.dma_semaphore, #tpu.memory_space<semaphore_mem>> -> memref<!tpu.dma_semaphore, #tpu.memory_space<semaphore_mem>>
      %dma_wait3A_1208 = arith.constant 0 : i32
      %dma_wait3A_1209 = tpu.memref_slice %arg2[%multiple_of3A_1117, %dma_wait3A_1208] : memref<100000x128xf32, #tpu.memory_space<hbm>> -> memref<160x128xf32, #tpu.memory_space<hbm>>
      tpu.wait_dma2 semaphore(%dma_wait3A_1207 : memref<!tpu.dma_semaphore, #tpu.memory_space<semaphore_mem>>) src(%dma_wait3A_1209 : memref<160x128xf32, #tpu.memory_space<hbm>>) dst(%arg10 : memref<160x128xf32, #tpu.memory_space<vmem>>)
      %dma_wait3A_1210 = arith.constant 1 : i32
      %dma_wait3A_1211 = arith.constant 0 : i32
      %dma_wait3A_1212 = tpu.memref_slice %arg3[%multiple_of3A_1195, %dma_wait3A_1211] : memref<16384x128xf32, #tpu.memory_space<hbm>> -> memref<64x128xf32, #tpu.memory_space<hbm>>
      %dma_wait3A_1213 = tpu.memref_slice %arg17[%dma_wait3A_1210] : memref<2x!tpu.dma_semaphore, #tpu.memory_space<semaphore_mem>> -> memref<1x!tpu.dma_semaphore, #tpu.memory_space<semaphore_mem>>
      %dma_wait3A_1214 = tpu.memref_squeeze %dma_wait3A_1213 : memref<1x!tpu.dma_semaphore, #tpu.memory_space<semaphore_mem>> -> memref<!tpu.dma_semaphore, #tpu.memory_space<semaphore_mem>>
      %dma_wait3A_1215 = arith.constant 0 : i32
      %dma_wait3A_1216 = tpu.memref_slice %arg3[%multiple_of3A_1195, %dma_wait3A_1215] : memref<16384x128xf32, #tpu.memory_space<hbm>> -> memref<64x128xf32, #tpu.memory_space<hbm>>
      tpu.wait_dma2 semaphore(%dma_wait3A_1214 : memref<!tpu.dma_semaphore, #tpu.memory_space<semaphore_mem>>) src(%dma_wait3A_1216 : memref<64x128xf32, #tpu.memory_space<hbm>>) dst(%arg13 : memref<64x128xf32, #tpu.memory_space<vmem>>)
      %lt3A_1217 = arith.cmpi slt, %select_n3A_1155, %select_n3A_1188 : i32
      %convert_element_type3A_1218 = arith.extui %lt3A_1217 : i1 to i32
      %cond3A_1219 = arith.constant 0 : i32
      %cond3A_1220 = arith.cmpi ne, %convert_element_type3A_1218, %cond3A_1219 : i32
      scf.if %cond3A_1220 {
        %ne3A = arith.constant 1.000000e+00 : f32
        %ne3A_1228 = arith.cmpf one, %reduce_max3A_4, %ne3A : f32
        %convert_element_type3A_1229 = arith.extui %ne3A_1228 : i1 to i32
        %cond3A_1230 = arith.constant 0 : i32
        %cond3A_1231 = arith.cmpi ne, %convert_element_type3A_1229, %cond3A_1230 : i32
        scf.if %cond3A_1231 {
          %scan3A_1248 = arith.constant 0 : i32
          %scan3A_1249 = arith.constant 64 : i32
          %scan3A_1250 = arith.addi %scan3A_1248, %scan3A_1249 : i32
          %scan3A_1251 = arith.constant 1 : i32
          scf.for %scan3A_1253 = %scan3A_1248 to %scan3A_1250 step %scan3A_1251  : i32 {
            %mul3A_1254 = arith.constant 1 : i32
            %mul3A_1255 = arith.muli %scan3A_1253, %mul3A_1254 : i32
            %add3A_1256 = arith.constant 0 : i32
            %add3A_1257 = arith.addi %add3A_1256, %mul3A_1255 : i32
            %get3A_1258 = arith.index_cast %add3A_1257 : i32 to index
            %get3A_1259 = arith.constant 0 : index
            %get3A_1260 = tpu.vector_load %arg13[%get3A_1258, %get3A_1259] {strides = array<i32>} : memref<64x128xf32, #tpu.memory_space<vmem>>, vector<16xf32>,
            %mul3A_1261 = arith.mulf %get3A_1260, %get3A_1 : vector<16xf32>
            %swap3A = arith.index_cast %add3A_1257 : i32 to index
            %swap3A_1262 = arith.constant 0 : index
            %swap3A_1263 = tpu.vector_load %arg13[%swap3A, %swap3A_1262] {strides = array<i32>} : memref<64x128xf32, #tpu.memory_space<vmem>>, vector<16xf32>,
            tpu.vector_store %arg13[%swap3A, %swap3A_1262], %mul3A_1261 {strides = array<i32>} : memref<64x128xf32, #tpu.memory_space<vmem>>, vector<16xf32>,
            %get3A_1264 = arith.index_cast %add3A_1257 : i32 to index
            %get3A_1265 = arith.constant 16 : index
            %get3A_1266 = tpu.vector_load %arg13[%get3A_1264, %get3A_1265] {strides = array<i32>} : memref<64x128xf32, #tpu.memory_space<vmem>>, vector<16xf32>,
            %mul3A_1267 = arith.mulf %get3A_1266, %get3A_1 : vector<16xf32>
            %swap3A_1268 = arith.index_cast %add3A_1257 : i32 to index
            %swap3A_1269 = arith.constant 16 : index
            %swap3A_1270 = tpu.vector_load %arg13[%swap3A_1268, %swap3A_1269] {strides = array<i32>} : memref<64x128xf32, #tpu.memory_space<vmem>>, vector<16xf32>,
            tpu.vector_store %arg13[%swap3A_1268, %swap3A_1269], %mul3A_1267 {strides = array<i32>} : memref<64x128xf32, #tpu.memory_space<vmem>>, vector<16xf32>,
            %get3A_1271 = arith.index_cast %add3A_1257 : i32 to index
            %get3A_1272 = arith.constant 32 : index
            %get3A_1273 = tpu.vector_load %arg13[%get3A_1271, %get3A_1272] {strides = array<i32>} : memref<64x128xf32, #tpu.memory_space<vmem>>, vector<16xf32>,
            %mul3A_1274 = arith.mulf %get3A_1273, %get3A_1 : vector<16xf32>
            %swap3A_1275 = arith.index_cast %add3A_1257 : i32 to index
            %swap3A_1276 = arith.constant 32 : index
            %swap3A_1277 = tpu.vector_load %arg13[%swap3A_1275, %swap3A_1276] {strides = array<i32>} : memref<64x128xf32, #tpu.memory_space<vmem>>, vector<16xf32>,
            tpu.vector_store %arg13[%swap3A_1275, %swap3A_1276], %mul3A_1274 {strides = array<i32>} : memref<64x128xf32, #tpu.memory_space<vmem>>, vector<16xf32>,
            %get3A_1278 = arith.index_cast %add3A_1257 : i32 to index
            %get3A_1279 = arith.constant 48 : index
            %get3A_1280 = tpu.vector_load %arg13[%get3A_1278, %get3A_1279] {strides = array<i32>} : memref<64x128xf32, #tpu.memory_space<vmem>>, vector<16xf32>,
            %mul3A_1281 = arith.mulf %get3A_1280, %get3A_1 : vector<16xf32>
            %swap3A_1282 = arith.index_cast %add3A_1257 : i32 to index
            %swap3A_1283 = arith.constant 48 : index
            %swap3A_1284 = tpu.vector_load %arg13[%swap3A_1282, %swap3A_1283] {strides = array<i32>} : memref<64x128xf32, #tpu.memory_space<vmem>>, vector<16xf32>,
            tpu.vector_store %arg13[%swap3A_1282, %swap3A_1283], %mul3A_1281 {strides = array<i32>} : memref<64x128xf32, #tpu.memory_space<vmem>>, vector<16xf32>,
            %get3A_1285 = arith.index_cast %add3A_1257 : i32 to index
            %get3A_1286 = arith.constant 64 : index
            %get3A_1287 = tpu.vector_load %arg13[%get3A_1285, %get3A_1286] {strides = array<i32>} : memref<64x128xf32, #tpu.memory_space<vmem>>, vector<16xf32>,
            %mul3A_1288 = arith.mulf %get3A_1287, %get3A_1 : vector<16xf32>
            %swap3A_1289 = arith.index_cast %add3A_1257 : i32 to index
            %swap3A_1290 = arith.constant 64 : index
            %swap3A_1291 = tpu.vector_load %arg13[%swap3A_1289, %swap3A_1290] {strides = array<i32>} : memref<64x128xf32, #tpu.memory_space<vmem>>, vector<16xf32>,
            tpu.vector_store %arg13[%swap3A_1289, %swap3A_1290], %mul3A_1288 {strides = array<i32>} : memref<64x128xf32, #tpu.memory_space<vmem>>, vector<16xf32>,
            %get3A_1292 = arith.index_cast %add3A_1257 : i32 to index
            %get3A_1293 = arith.constant 80 : index
            %get3A_1294 = tpu.vector_load %arg13[%get3A_1292, %get3A_1293] {strides = array<i32>} : memref<64x128xf32, #tpu.memory_space<vmem>>, vector<16xf32>,
            %mul3A_1295 = arith.mulf %get3A_1294, %get3A_1 : vector<16xf32>
            %swap3A_1296 = arith.index_cast %add3A_1257 : i32 to index
            %swap3A_1297 = arith.constant 80 : index
            %swap3A_1298 = tpu.vector_load %arg13[%swap3A_1296, %swap3A_1297] {strides = array<i32>} : memref<64x128xf32, #tpu.memory_space<vmem>>, vector<16xf32>,
            tpu.vector_store %arg13[%swap3A_1296, %swap3A_1297], %mul3A_1295 {strides = array<i32>} : memref<64x128xf32, #tpu.memory_space<vmem>>, vector<16xf32>,
            %get3A_1299 = arith.index_cast %add3A_1257 : i32 to index
            %get3A_1300 = arith.constant 96 : index
            %get3A_1301 = tpu.vector_load %arg13[%get3A_1299, %get3A_1300] {strides = array<i32>} : memref<64x128xf32, #tpu.memory_space<vmem>>, vector<16xf32>,
            %mul3A_1302 = arith.mulf %get3A_1301, %get3A_1 : vector<16xf32>
            %swap3A_1303 = arith.index_cast %add3A_1257 : i32 to index
            %swap3A_1304 = arith.constant 96 : index
            %swap3A_1305 = tpu.vector_load %arg13[%swap3A_1303, %swap3A_1304] {strides = array<i32>} : memref<64x128xf32, #tpu.memory_space<vmem>>, vector<16xf32>,
            tpu.vector_store %arg13[%swap3A_1303, %swap3A_1304], %mul3A_1302 {strides = array<i32>} : memref<64x128xf32, #tpu.memory_space<vmem>>, vector<16xf32>,
            %get3A_1306 = arith.index_cast %add3A_1257 : i32 to index
            %get3A_1307 = arith.constant 112 : index
            %get3A_1308 = tpu.vector_load %arg13[%get3A_1306, %get3A_1307] {strides = array<i32>} : memref<64x128xf32, #tpu.memory_space<vmem>>, vector<16xf32>,
            %mul3A_1309 = arith.mulf %get3A_1308, %get3A_1 : vector<16xf32>
            %swap3A_1310 = arith.index_cast %add3A_1257 : i32 to index
            %swap3A_1311 = arith.constant 112 : index
            %swap3A_1312 = tpu.vector_load %arg13[%swap3A_1310, %swap3A_1311] {strides = array<i32>} : memref<64x128xf32, #tpu.memory_space<vmem>>, vector<16xf32>,
            tpu.vector_store %arg13[%swap3A_1310, %swap3A_1311], %mul3A_1309 {strides = array<i32>} : memref<64x128xf32, #tpu.memory_space<vmem>>, vector<16xf32>,
          }
          %scan3A_1252 = arith.constant 64 : i32
        } else {
        }
        %max3A = arith.maxsi %select_n3A_1155, %multiple_of3A_1195 : i32
        %add3A_1232 = arith.constant 64 : i32
        %add3A_1233 = arith.addi %multiple_of3A_1195, %add3A_1232 : i32
        %min3A_1234 = arith.minsi %select_n3A_1188, %add3A_1233 : i32
        %while3A = arith.constant 0 : i32
        %while3A_1235 = arith.subi %min3A_1234, %max3A : i32
        %while3A_1236 = arith.addi %max3A, %while3A_1235 : i32
        %while3A_1237 = arith.constant 1 : i32
        %while3A_1238 = arith.divsi %while3A_1235, %while3A_1237 : i32
        %while3A_1239 = arith.muli %while3A_1238, %while3A_1237 : i32
        %while3A_1240 = arith.addi %max3A, %while3A_1239 : i32
        %while3A_1241 = arith.constant 1 : i32
        %while3A_1242 = scf.for %while3A_1248 = %max3A to %while3A_1240 step %while3A_1241 iter_args(%while3A_1249 = %while3A) -> (i32)  : i32 {
          %sub3A_1250 = arith.subi %while3A_1248, %multiple_of3A_1195 : i32
          %div3A_1251 = arith.constant 16 : i32
          %div3A_1252 = arith.divsi %sub3A_1250, %div3A_1251 : i32
          %mul3A_1253 = arith.constant 16 : i32
          %mul3A_1254 = arith.muli %div3A_1252, %mul3A_1253 : i32
          %add3A_1255 = arith.addi %multiple_of3A_1195, %mul3A_1254 : i32
          %get3A_1256 = arith.index_cast %add3A_1255 : i32 to index
          %get3A_1257 = tpu.vector_load %arg11[%get3A_1256] {strides = array<i32>} : memref<16384xi32, #tpu.memory_space<vmem>>, vector<16xi32>,
          %sub3A_1258 = arith.subi %sub3A_1250, %mul3A_1254 : i32
          %broadcast_in_dim3A_1259 = vector.broadcast %sub3A_1258 : i32 to vector<16xi32>
          %broadcast_in_dim3A_1260 = vector.shape_cast %broadcast_in_dim3A_1259 : vector<16xi32> to vector<16x1xi32>
          %gather3A_1261 = vector.shape_cast %broadcast_in_dim3A_1260 : vector<16x1xi32> to vector<16xi32>
          %gather3A_1262 = tpu.dynamic_gather %get3A_1257[%gather3A_1261] in [0] : vector<16xi32>, vector<16xi32> -> vector<16xi32>
          %sub3A_1263 = vector.broadcast %multiple_of3A_1117 : i32 to vector<16xi32>
          %sub3A_1264 = arith.subi %gather3A_1262, %sub3A_1263 : vector<16xi32>
          %ge3A = arith.constant 0 : i32
          %ge3A_1265 = vector.broadcast %ge3A : i32 to vector<16xi32>
          %ge3A_1266 = arith.cmpi sge, %sub3A_1264, %ge3A_1265 : vector<16xi32>
          %lt3A_1267 = arith.constant 160 : i32
          %lt3A_1268 = vector.broadcast %lt3A_1267 : i32 to vector<16xi32>
          %lt3A_1269 = arith.cmpi slt, %sub3A_1264, %lt3A_1268 : vector<16xi32>
          %and3A_1270 = arith.andi %ge3A_1266, %lt3A_1269 : vector<16xi1>
          %jit3A_1271 = arith.constant 0 : i32
          %jit3A_1272 = arith.constant 159 : i32
          %max3A_1273 = vector.broadcast %jit3A_1271 : i32 to vector<16xi32>
          %max3A_1274 = arith.maxsi %max3A_1273, %sub3A_1264 : vector<16xi32>
          %min3A_1275 = vector.broadcast %jit3A_1272 : i32 to vector<16xi32>
          %min3A_1276 = arith.minsi %min3A_1275, %max3A_1274 : vector<16xi32>
          %get3A_1277 = arith.index_cast %sub3A_1250 : i32 to index
          %get3A_1278 = arith.constant 0 : index
          %get3A_1279 = tpu.vector_load %arg13[%get3A_1277, %get3A_1278] {strides = array<i32>} : memref<64x128xf32, #tpu.memory_space<vmem>>, vector<16xf32>,
          tpu.vector_store_idx %arg10[%min3A_1276, %add3A_624], %get3A_1279 masked %and3A_1270 {add = true} : memref<160x128xf32, #tpu.memory_space<vmem>>[vector<16xi32>, vector<16xi32>], vector<16xf32>, vector<16xi1>
          %get3A_1280 = arith.index_cast %sub3A_1250 : i32 to index
          %get3A_1281 = arith.constant 16 : index
          %get3A_1282 = tpu.vector_load %arg13[%get3A_1280, %get3A_1281] {strides = array<i32>} : memref<64x128xf32, #tpu.memory_space<vmem>>, vector<16xf32>,
          tpu.vector_store_idx %arg10[%min3A_1276, %add3A_627], %get3A_1282 masked %and3A_1270 {add = true} : memref<160x128xf32, #tpu.memory_space<vmem>>[vector<16xi32>, vector<16xi32>], vector<16xf32>, vector<16xi1>
          %get3A_1283 = arith.index_cast %sub3A_1250 : i32 to index
          %get3A_1284 = arith.constant 32 : index
          %get3A_1285 = tpu.vector_load %arg13[%get3A_1283, %get3A_1284] {strides = array<i32>} : memref<64x128xf32, #tpu.memory_space<vmem>>, vector<16xf32>,
          tpu.vector_store_idx %arg10[%min3A_1276, %add3A_630], %get3A_1285 masked %and3A_1270 {add = true} : memref<160x128xf32, #tpu.memory_space<vmem>>[vector<16xi32>, vector<16xi32>], vector<16xf32>, vector<16xi1>
          %get3A_1286 = arith.index_cast %sub3A_1250 : i32 to index
          %get3A_1287 = arith.constant 48 : index
          %get3A_1288 = tpu.vector_load %arg13[%get3A_1286, %get3A_1287] {strides = array<i32>} : memref<64x128xf32, #tpu.memory_space<vmem>>, vector<16xf32>,
          tpu.vector_store_idx %arg10[%min3A_1276, %add3A_633], %get3A_1288 masked %and3A_1270 {add = true} : memref<160x128xf32, #tpu.memory_space<vmem>>[vector<16xi32>, vector<16xi32>], vector<16xf32>, vector<16xi1>
          %get3A_1289 = arith.index_cast %sub3A_1250 : i32 to index
          %get3A_1290 = arith.constant 64 : index
          %get3A_1291 = tpu.vector_load %arg13[%get3A_1289, %get3A_1290] {strides = array<i32>} : memref<64x128xf32, #tpu.memory_space<vmem>>, vector<16xf32>,
          tpu.vector_store_idx %arg10[%min3A_1276, %add3A_636], %get3A_1291 masked %and3A_1270 {add = true} : memref<160x128xf32, #tpu.memory_space<vmem>>[vector<16xi32>, vector<16xi32>], vector<16xf32>, vector<16xi1>
          %get3A_1292 = arith.index_cast %sub3A_1250 : i32 to index
          %get3A_1293 = arith.constant 80 : index
          %get3A_1294 = tpu.vector_load %arg13[%get3A_1292, %get3A_1293] {strides = array<i32>} : memref<64x128xf32, #tpu.memory_space<vmem>>, vector<16xf32>,
          tpu.vector_store_idx %arg10[%min3A_1276, %add3A_639], %get3A_1294 masked %and3A_1270 {add = true} : memref<160x128xf32, #tpu.memory_space<vmem>>[vector<16xi32>, vector<16xi32>], vector<16xf32>, vector<16xi1>
          %get3A_1295 = arith.index_cast %sub3A_1250 : i32 to index
          %get3A_1296 = arith.constant 96 : index
          %get3A_1297 = tpu.vector_load %arg13[%get3A_1295, %get3A_1296] {strides = array<i32>} : memref<64x128xf32, #tpu.memory_space<vmem>>, vector<16xf32>,
          tpu.vector_store_idx %arg10[%min3A_1276, %add3A_642], %get3A_1297 masked %and3A_1270 {add = true} : memref<160x128xf32, #tpu.memory_space<vmem>>[vector<16xi32>, vector<16xi32>], vector<16xf32>, vector<16xi1>
          %get3A_1298 = arith.index_cast %sub3A_1250 : i32 to index
          %get3A_1299 = arith.constant 112 : index
          %get3A_1300 = tpu.vector_load %arg13[%get3A_1298, %get3A_1299] {strides = array<i32>} : memref<64x128xf32, #tpu.memory_space<vmem>>, vector<16xf32>,
          tpu.vector_store_idx %arg10[%min3A_1276, %add3A_645], %get3A_1300 masked %and3A_1270 {add = true} : memref<160x128xf32, #tpu.memory_space<vmem>>[vector<16xi32>, vector<16xi32>], vector<16xf32>, vector<16xi1>
          %while3A_1301 = arith.constant 0 : i32
          scf.yield %while3A_1301 : i32
        }
        %while3A_1243 = arith.constant 1 : i32
        %while3A_1244 = scf.for %while3A_1248 = %while3A_1240 to %while3A_1236 step %while3A_1243 iter_args(%while3A_1249 = %while3A_1242) -> (i32)  : i32 {
          %sub3A_1250 = arith.subi %while3A_1248, %multiple_of3A_1195 : i32
          %div3A_1251 = arith.constant 16 : i32
          %div3A_1252 = arith.divsi %sub3A_1250, %div3A_1251 : i32
          %mul3A_1253 = arith.constant 16 : i32
          %mul3A_1254 = arith.muli %div3A_1252, %mul3A_1253 : i32
          %add3A_1255 = arith.addi %multiple_of3A_1195, %mul3A_1254 : i32
          %get3A_1256 = arith.index_cast %add3A_1255 : i32 to index
          %get3A_1257 = tpu.vector_load %arg11[%get3A_1256] {strides = array<i32>} : memref<16384xi32, #tpu.memory_space<vmem>>, vector<16xi32>,
          %sub3A_1258 = arith.subi %sub3A_1250, %mul3A_1254 : i32
          %broadcast_in_dim3A_1259 = vector.broadcast %sub3A_1258 : i32 to vector<16xi32>
          %broadcast_in_dim3A_1260 = vector.shape_cast %broadcast_in_dim3A_1259 : vector<16xi32> to vector<16x1xi32>
          %gather3A_1261 = vector.shape_cast %broadcast_in_dim3A_1260 : vector<16x1xi32> to vector<16xi32>
          %gather3A_1262 = tpu.dynamic_gather %get3A_1257[%gather3A_1261] in [0] : vector<16xi32>, vector<16xi32> -> vector<16xi32>
          %sub3A_1263 = vector.broadcast %multiple_of3A_1117 : i32 to vector<16xi32>
          %sub3A_1264 = arith.subi %gather3A_1262, %sub3A_1263 : vector<16xi32>
          %ge3A = arith.constant 0 : i32
          %ge3A_1265 = vector.broadcast %ge3A : i32 to vector<16xi32>
          %ge3A_1266 = arith.cmpi sge, %sub3A_1264, %ge3A_1265 : vector<16xi32>
          %lt3A_1267 = arith.constant 160 : i32
          %lt3A_1268 = vector.broadcast %lt3A_1267 : i32 to vector<16xi32>
          %lt3A_1269 = arith.cmpi slt, %sub3A_1264, %lt3A_1268 : vector<16xi32>
          %and3A_1270 = arith.andi %ge3A_1266, %lt3A_1269 : vector<16xi1>
          %jit3A_1271 = arith.constant 0 : i32
          %jit3A_1272 = arith.constant 159 : i32
          %max3A_1273 = vector.broadcast %jit3A_1271 : i32 to vector<16xi32>
          %max3A_1274 = arith.maxsi %max3A_1273, %sub3A_1264 : vector<16xi32>
          %min3A_1275 = vector.broadcast %jit3A_1272 : i32 to vector<16xi32>
          %min3A_1276 = arith.minsi %min3A_1275, %max3A_1274 : vector<16xi32>
          %get3A_1277 = arith.index_cast %sub3A_1250 : i32 to index
          %get3A_1278 = arith.constant 0 : index
          %get3A_1279 = tpu.vector_load %arg13[%get3A_1277, %get3A_1278] {strides = array<i32>} : memref<64x128xf32, #tpu.memory_space<vmem>>, vector<16xf32>,
          tpu.vector_store_idx %arg10[%min3A_1276, %add3A_624], %get3A_1279 masked %and3A_1270 {add = true} : memref<160x128xf32, #tpu.memory_space<vmem>>[vector<16xi32>, vector<16xi32>], vector<16xf32>, vector<16xi1>
          %get3A_1280 = arith.index_cast %sub3A_1250 : i32 to index
          %get3A_1281 = arith.constant 16 : index
          %get3A_1282 = tpu.vector_load %arg13[%get3A_1280, %get3A_1281] {strides = array<i32>} : memref<64x128xf32, #tpu.memory_space<vmem>>, vector<16xf32>,
          tpu.vector_store_idx %arg10[%min3A_1276, %add3A_627], %get3A_1282 masked %and3A_1270 {add = true} : memref<160x128xf32, #tpu.memory_space<vmem>>[vector<16xi32>, vector<16xi32>], vector<16xf32>, vector<16xi1>
          %get3A_1283 = arith.index_cast %sub3A_1250 : i32 to index
          %get3A_1284 = arith.constant 32 : index
          %get3A_1285 = tpu.vector_load %arg13[%get3A_1283, %get3A_1284] {strides = array<i32>} : memref<64x128xf32, #tpu.memory_space<vmem>>, vector<16xf32>,
          tpu.vector_store_idx %arg10[%min3A_1276, %add3A_630], %get3A_1285 masked %and3A_1270 {add = true} : memref<160x128xf32, #tpu.memory_space<vmem>>[vector<16xi32>, vector<16xi32>], vector<16xf32>, vector<16xi1>
          %get3A_1286 = arith.index_cast %sub3A_1250 : i32 to index
          %get3A_1287 = arith.constant 48 : index
          %get3A_1288 = tpu.vector_load %arg13[%get3A_1286, %get3A_1287] {strides = array<i32>} : memref<64x128xf32, #tpu.memory_space<vmem>>, vector<16xf32>,
          tpu.vector_store_idx %arg10[%min3A_1276, %add3A_633], %get3A_1288 masked %and3A_1270 {add = true} : memref<160x128xf32, #tpu.memory_space<vmem>>[vector<16xi32>, vector<16xi32>], vector<16xf32>, vector<16xi1>
          %get3A_1289 = arith.index_cast %sub3A_1250 : i32 to index
          %get3A_1290 = arith.constant 64 : index
          %get3A_1291 = tpu.vector_load %arg13[%get3A_1289, %get3A_1290] {strides = array<i32>} : memref<64x128xf32, #tpu.memory_space<vmem>>, vector<16xf32>,
          tpu.vector_store_idx %arg10[%min3A_1276, %add3A_636], %get3A_1291 masked %and3A_1270 {add = true} : memref<160x128xf32, #tpu.memory_space<vmem>>[vector<16xi32>, vector<16xi32>], vector<16xf32>, vector<16xi1>
          %get3A_1292 = arith.index_cast %sub3A_1250 : i32 to index
          %get3A_1293 = arith.constant 80 : index
          %get3A_1294 = tpu.vector_load %arg13[%get3A_1292, %get3A_1293] {strides = array<i32>} : memref<64x128xf32, #tpu.memory_space<vmem>>, vector<16xf32>,
          tpu.vector_store_idx %arg10[%min3A_1276, %add3A_639], %get3A_1294 masked %and3A_1270 {add = true} : memref<160x128xf32, #tpu.memory_space<vmem>>[vector<16xi32>, vector<16xi32>], vector<16xf32>, vector<16xi1>
          %get3A_1295 = arith.index_cast %sub3A_1250 : i32 to index
          %get3A_1296 = arith.constant 96 : index
          %get3A_1297 = tpu.vector_load %arg13[%get3A_1295, %get3A_1296] {strides = array<i32>} : memref<64x128xf32, #tpu.memory_space<vmem>>, vector<16xf32>,
          tpu.vector_store_idx %arg10[%min3A_1276, %add3A_642], %get3A_1297 masked %and3A_1270 {add = true} : memref<160x128xf32, #tpu.memory_space<vmem>>[vector<16xi32>, vector<16xi32>], vector<16xf32>, vector<16xi1>
          %get3A_1298 = arith.index_cast %sub3A_1250 : i32 to index
          %get3A_1299 = arith.constant 112 : index
          %get3A_1300 = tpu.vector_load %arg13[%get3A_1298, %get3A_1299] {strides = array<i32>} : memref<64x128xf32, #tpu.memory_space<vmem>>, vector<16xf32>,
          tpu.vector_store_idx %arg10[%min3A_1276, %add3A_645], %get3A_1300 masked %and3A_1270 {add = true} : memref<160x128xf32, #tpu.memory_space<vmem>>[vector<16xi32>, vector<16xi32>], vector<16xf32>, vector<16xi1>
          %while3A_1301 = arith.constant 0 : i32
          scf.yield %while3A_1301 : i32
        }
        %add3A_1245 = arith.constant 64 : i32
        %add3A_1246 = arith.addi %multiple_of3A_1195, %add3A_1245 : i32
        %while3A_1247 = scf.while (%while3A_1248 = %add3A_1246) : (i32) -> i32 {
          %lt3A_1249 = arith.cmpi slt, %while3A_1248, %select_n3A_1188 : i32
          scf.condition(%lt3A_1249) %while3A_1248 : i32
        } do {
        ^bb0(%while3A_1248: i32):
          %multiple_of3A_1249 = tpu.assume_multiple %while3A_1248, 8 : i32
          "tpu.region"() ({
            %run_scoped3A = tpu.sem_alloc : memref<!tpu.dma_semaphore, #tpu.memory_space<semaphore_mem>>
            %dma_start3A_1272 = arith.constant 0 : i32
            %dma_start3A_1273 = tpu.memref_slice %arg3[%multiple_of3A_1249, %dma_start3A_1272] : memref<16384x128xf32, #tpu.memory_space<hbm>> -> memref<64x128xf32, #tpu.memory_space<hbm>>
            %dma_start3A_1274 = arith.constant 0 : i32
            %dma_start3A_1275 = tpu.memref_slice %arg3[%multiple_of3A_1249, %dma_start3A_1274] : memref<16384x128xf32, #tpu.memory_space<hbm>> -> memref<64x128xf32, #tpu.memory_space<hbm>>
            tpu.enqueue_dma source(%dma_start3A_1275 : memref<64x128xf32, #tpu.memory_space<hbm>>) target(%arg13 : memref<64x128xf32, #tpu.memory_space<vmem>>) target_semaphore(%run_scoped3A : memref<!tpu.dma_semaphore, #tpu.memory_space<semaphore_mem>>)
            %dma_wait3A_1276 = arith.constant 0 : i32
            %dma_wait3A_1277 = tpu.memref_slice %arg3[%multiple_of3A_1249, %dma_wait3A_1276] : memref<16384x128xf32, #tpu.memory_space<hbm>> -> memref<64x128xf32, #tpu.memory_space<hbm>>
            %dma_wait3A_1278 = arith.constant 0 : i32
            %dma_wait3A_1279 = tpu.memref_slice %arg3[%multiple_of3A_1249, %dma_wait3A_1278] : memref<16384x128xf32, #tpu.memory_space<hbm>> -> memref<64x128xf32, #tpu.memory_space<hbm>>
            tpu.wait_dma2 semaphore(%run_scoped3A : memref<!tpu.dma_semaphore, #tpu.memory_space<semaphore_mem>>) src(%dma_wait3A_1279 : memref<64x128xf32, #tpu.memory_space<hbm>>) dst(%arg13 : memref<64x128xf32, #tpu.memory_space<vmem>>)
            tpu.yield
          }) : () -> ()
          %ne3A_1250 = arith.constant 1.000000e+00 : f32
          %ne3A_1251 = arith.cmpf one, %reduce_max3A_4, %ne3A_1250 : f32
          %convert_element_type3A_1252 = arith.extui %ne3A_1251 : i1 to i32
          %cond3A_1253 = arith.constant 0 : i32
          %cond3A_1254 = arith.cmpi ne, %convert_element_type3A_1252, %cond3A_1253 : i32
          scf.if %cond3A_1254 {
            %scan3A_1272 = arith.constant 0 : i32
            %scan3A_1273 = arith.constant 64 : i32
            %scan3A_1274 = arith.addi %scan3A_1272, %scan3A_1273 : i32
            %scan3A_1275 = arith.constant 1 : i32
            scf.for %scan3A_1277 = %scan3A_1272 to %scan3A_1274 step %scan3A_1275  : i32 {
              %mul3A_1278 = arith.constant 1 : i32
              %mul3A_1279 = arith.muli %scan3A_1277, %mul3A_1278 : i32
              %add3A_1280 = arith.constant 0 : i32
              %add3A_1281 = arith.addi %add3A_1280, %mul3A_1279 : i32
              %get3A_1282 = arith.index_cast %add3A_1281 : i32 to index
              %get3A_1283 = arith.constant 0 : index
              %get3A_1284 = tpu.vector_load %arg13[%get3A_1282, %get3A_1283] {strides = array<i32>} : memref<64x128xf32, #tpu.memory_space<vmem>>, vector<16xf32>,
              %mul3A_1285 = arith.mulf %get3A_1284, %get3A_1 : vector<16xf32>
              %swap3A = arith.index_cast %add3A_1281 : i32 to index
              %swap3A_1286 = arith.constant 0 : index
              %swap3A_1287 = tpu.vector_load %arg13[%swap3A, %swap3A_1286] {strides = array<i32>} : memref<64x128xf32, #tpu.memory_space<vmem>>, vector<16xf32>,
              tpu.vector_store %arg13[%swap3A, %swap3A_1286], %mul3A_1285 {strides = array<i32>} : memref<64x128xf32, #tpu.memory_space<vmem>>, vector<16xf32>,
              %get3A_1288 = arith.index_cast %add3A_1281 : i32 to index
              %get3A_1289 = arith.constant 16 : index
              %get3A_1290 = tpu.vector_load %arg13[%get3A_1288, %get3A_1289] {strides = array<i32>} : memref<64x128xf32, #tpu.memory_space<vmem>>, vector<16xf32>,
              %mul3A_1291 = arith.mulf %get3A_1290, %get3A_1 : vector<16xf32>
              %swap3A_1292 = arith.index_cast %add3A_1281 : i32 to index
              %swap3A_1293 = arith.constant 16 : index
              %swap3A_1294 = tpu.vector_load %arg13[%swap3A_1292, %swap3A_1293] {strides = array<i32>} : memref<64x128xf32, #tpu.memory_space<vmem>>, vector<16xf32>,
              tpu.vector_store %arg13[%swap3A_1292, %swap3A_1293], %mul3A_1291 {strides = array<i32>} : memref<64x128xf32, #tpu.memory_space<vmem>>, vector<16xf32>,
              %get3A_1295 = arith.index_cast %add3A_1281 : i32 to index
              %get3A_1296 = arith.constant 32 : index
              %get3A_1297 = tpu.vector_load %arg13[%get3A_1295, %get3A_1296] {strides = array<i32>} : memref<64x128xf32, #tpu.memory_space<vmem>>, vector<16xf32>,
              %mul3A_1298 = arith.mulf %get3A_1297, %get3A_1 : vector<16xf32>
              %swap3A_1299 = arith.index_cast %add3A_1281 : i32 to index
              %swap3A_1300 = arith.constant 32 : index
              %swap3A_1301 = tpu.vector_load %arg13[%swap3A_1299, %swap3A_1300] {strides = array<i32>} : memref<64x128xf32, #tpu.memory_space<vmem>>, vector<16xf32>,
              tpu.vector_store %arg13[%swap3A_1299, %swap3A_1300], %mul3A_1298 {strides = array<i32>} : memref<64x128xf32, #tpu.memory_space<vmem>>, vector<16xf32>,
              %get3A_1302 = arith.index_cast %add3A_1281 : i32 to index
              %get3A_1303 = arith.constant 48 : index
              %get3A_1304 = tpu.vector_load %arg13[%get3A_1302, %get3A_1303] {strides = array<i32>} : memref<64x128xf32, #tpu.memory_space<vmem>>, vector<16xf32>,
              %mul3A_1305 = arith.mulf %get3A_1304, %get3A_1 : vector<16xf32>
              %swap3A_1306 = arith.index_cast %add3A_1281 : i32 to index
              %swap3A_1307 = arith.constant 48 : index
              %swap3A_1308 = tpu.vector_load %arg13[%swap3A_1306, %swap3A_1307] {strides = array<i32>} : memref<64x128xf32, #tpu.memory_space<vmem>>, vector<16xf32>,
              tpu.vector_store %arg13[%swap3A_1306, %swap3A_1307], %mul3A_1305 {strides = array<i32>} : memref<64x128xf32, #tpu.memory_space<vmem>>, vector<16xf32>,
              %get3A_1309 = arith.index_cast %add3A_1281 : i32 to index
              %get3A_1310 = arith.constant 64 : index
              %get3A_1311 = tpu.vector_load %arg13[%get3A_1309, %get3A_1310] {strides = array<i32>} : memref<64x128xf32, #tpu.memory_space<vmem>>, vector<16xf32>,
              %mul3A_1312 = arith.mulf %get3A_1311, %get3A_1 : vector<16xf32>
              %swap3A_1313 = arith.index_cast %add3A_1281 : i32 to index
              %swap3A_1314 = arith.constant 64 : index
              %swap3A_1315 = tpu.vector_load %arg13[%swap3A_1313, %swap3A_1314] {strides = array<i32>} : memref<64x128xf32, #tpu.memory_space<vmem>>, vector<16xf32>,
              tpu.vector_store %arg13[%swap3A_1313, %swap3A_1314], %mul3A_1312 {strides = array<i32>} : memref<64x128xf32, #tpu.memory_space<vmem>>, vector<16xf32>,
              %get3A_1316 = arith.index_cast %add3A_1281 : i32 to index
              %get3A_1317 = arith.constant 80 : index
              %get3A_1318 = tpu.vector_load %arg13[%get3A_1316, %get3A_1317] {strides = array<i32>} : memref<64x128xf32, #tpu.memory_space<vmem>>, vector<16xf32>,
              %mul3A_1319 = arith.mulf %get3A_1318, %get3A_1 : vector<16xf32>
              %swap3A_1320 = arith.index_cast %add3A_1281 : i32 to index
              %swap3A_1321 = arith.constant 80 : index
              %swap3A_1322 = tpu.vector_load %arg13[%swap3A_1320, %swap3A_1321] {strides = array<i32>} : memref<64x128xf32, #tpu.memory_space<vmem>>, vector<16xf32>,
              tpu.vector_store %arg13[%swap3A_1320, %swap3A_1321], %mul3A_1319 {strides = array<i32>} : memref<64x128xf32, #tpu.memory_space<vmem>>, vector<16xf32>,
              %get3A_1323 = arith.index_cast %add3A_1281 : i32 to index
              %get3A_1324 = arith.constant 96 : index
              %get3A_1325 = tpu.vector_load %arg13[%get3A_1323, %get3A_1324] {strides = array<i32>} : memref<64x128xf32, #tpu.memory_space<vmem>>, vector<16xf32>,
              %mul3A_1326 = arith.mulf %get3A_1325, %get3A_1 : vector<16xf32>
              %swap3A_1327 = arith.index_cast %add3A_1281 : i32 to index
              %swap3A_1328 = arith.constant 96 : index
              %swap3A_1329 = tpu.vector_load %arg13[%swap3A_1327, %swap3A_1328] {strides = array<i32>} : memref<64x128xf32, #tpu.memory_space<vmem>>, vector<16xf32>,
              tpu.vector_store %arg13[%swap3A_1327, %swap3A_1328], %mul3A_1326 {strides = array<i32>} : memref<64x128xf32, #tpu.memory_space<vmem>>, vector<16xf32>,
              %get3A_1330 = arith.index_cast %add3A_1281 : i32 to index
              %get3A_1331 = arith.constant 112 : index
              %get3A_1332 = tpu.vector_load %arg13[%get3A_1330, %get3A_1331] {strides = array<i32>} : memref<64x128xf32, #tpu.memory_space<vmem>>, vector<16xf32>,
              %mul3A_1333 = arith.mulf %get3A_1332, %get3A_1 : vector<16xf32>
              %swap3A_1334 = arith.index_cast %add3A_1281 : i32 to index
              %swap3A_1335 = arith.constant 112 : index
              %swap3A_1336 = tpu.vector_load %arg13[%swap3A_1334, %swap3A_1335] {strides = array<i32>} : memref<64x128xf32, #tpu.memory_space<vmem>>, vector<16xf32>,
              tpu.vector_store %arg13[%swap3A_1334, %swap3A_1335], %mul3A_1333 {strides = array<i32>} : memref<64x128xf32, #tpu.memory_space<vmem>>, vector<16xf32>,
            }
            %scan3A_1276 = arith.constant 64 : i32
          } else {
          }
          %max3A_1255 = arith.maxsi %select_n3A_1155, %multiple_of3A_1249 : i32
          %add3A_1256 = arith.constant 64 : i32
          %add3A_1257 = arith.addi %multiple_of3A_1249, %add3A_1256 : i32
          %min3A_1258 = arith.minsi %select_n3A_1188, %add3A_1257 : i32
          %while3A_1259 = arith.constant 0 : i32
          %while3A_1260 = arith.subi %min3A_1258, %max3A_1255 : i32
          %while3A_1261 = arith.addi %max3A_1255, %while3A_1260 : i32
          %while3A_1262 = arith.constant 1 : i32
          %while3A_1263 = arith.divsi %while3A_1260, %while3A_1262 : i32
          %while3A_1264 = arith.muli %while3A_1263, %while3A_1262 : i32
          %while3A_1265 = arith.addi %max3A_1255, %while3A_1264 : i32
          %while3A_1266 = arith.constant 1 : i32
          %while3A_1267 = scf.for %while3A_1272 = %max3A_1255 to %while3A_1265 step %while3A_1266 iter_args(%while3A_1273 = %while3A_1259) -> (i32)  : i32 {
            %sub3A_1274 = arith.subi %while3A_1272, %multiple_of3A_1249 : i32
            %div3A_1275 = arith.constant 16 : i32
            %div3A_1276 = arith.divsi %sub3A_1274, %div3A_1275 : i32
            %mul3A_1277 = arith.constant 16 : i32
            %mul3A_1278 = arith.muli %div3A_1276, %mul3A_1277 : i32
            %add3A_1279 = arith.addi %multiple_of3A_1249, %mul3A_1278 : i32
            %get3A_1280 = arith.index_cast %add3A_1279 : i32 to index
            %get3A_1281 = tpu.vector_load %arg11[%get3A_1280] {strides = array<i32>} : memref<16384xi32, #tpu.memory_space<vmem>>, vector<16xi32>,
            %sub3A_1282 = arith.subi %sub3A_1274, %mul3A_1278 : i32
            %broadcast_in_dim3A_1283 = vector.broadcast %sub3A_1282 : i32 to vector<16xi32>
            %broadcast_in_dim3A_1284 = vector.shape_cast %broadcast_in_dim3A_1283 : vector<16xi32> to vector<16x1xi32>
            %gather3A_1285 = vector.shape_cast %broadcast_in_dim3A_1284 : vector<16x1xi32> to vector<16xi32>
            %gather3A_1286 = tpu.dynamic_gather %get3A_1281[%gather3A_1285] in [0] : vector<16xi32>, vector<16xi32> -> vector<16xi32>
            %sub3A_1287 = vector.broadcast %multiple_of3A_1117 : i32 to vector<16xi32>
            %sub3A_1288 = arith.subi %gather3A_1286, %sub3A_1287 : vector<16xi32>
            %ge3A = arith.constant 0 : i32
            %ge3A_1289 = vector.broadcast %ge3A : i32 to vector<16xi32>
            %ge3A_1290 = arith.cmpi sge, %sub3A_1288, %ge3A_1289 : vector<16xi32>
            %lt3A_1291 = arith.constant 160 : i32
            %lt3A_1292 = vector.broadcast %lt3A_1291 : i32 to vector<16xi32>
            %lt3A_1293 = arith.cmpi slt, %sub3A_1288, %lt3A_1292 : vector<16xi32>
            %and3A_1294 = arith.andi %ge3A_1290, %lt3A_1293 : vector<16xi1>
            %jit3A_1295 = arith.constant 0 : i32
            %jit3A_1296 = arith.constant 159 : i32
            %max3A_1297 = vector.broadcast %jit3A_1295 : i32 to vector<16xi32>
            %max3A_1298 = arith.maxsi %max3A_1297, %sub3A_1288 : vector<16xi32>
            %min3A_1299 = vector.broadcast %jit3A_1296 : i32 to vector<16xi32>
            %min3A_1300 = arith.minsi %min3A_1299, %max3A_1298 : vector<16xi32>
            %get3A_1301 = arith.index_cast %sub3A_1274 : i32 to index
            %get3A_1302 = arith.constant 0 : index
            %get3A_1303 = tpu.vector_load %arg13[%get3A_1301, %get3A_1302] {strides = array<i32>} : memref<64x128xf32, #tpu.memory_space<vmem>>, vector<16xf32>,
            tpu.vector_store_idx %arg10[%min3A_1300, %add3A_624], %get3A_1303 masked %and3A_1294 {add = true} : memref<160x128xf32, #tpu.memory_space<vmem>>[vector<16xi32>, vector<16xi32>], vector<16xf32>, vector<16xi1>
            %get3A_1304 = arith.index_cast %sub3A_1274 : i32 to index
            %get3A_1305 = arith.constant 16 : index
            %get3A_1306 = tpu.vector_load %arg13[%get3A_1304, %get3A_1305] {strides = array<i32>} : memref<64x128xf32, #tpu.memory_space<vmem>>, vector<16xf32>,
            tpu.vector_store_idx %arg10[%min3A_1300, %add3A_627], %get3A_1306 masked %and3A_1294 {add = true} : memref<160x128xf32, #tpu.memory_space<vmem>>[vector<16xi32>, vector<16xi32>], vector<16xf32>, vector<16xi1>
            %get3A_1307 = arith.index_cast %sub3A_1274 : i32 to index
            %get3A_1308 = arith.constant 32 : index
            %get3A_1309 = tpu.vector_load %arg13[%get3A_1307, %get3A_1308] {strides = array<i32>} : memref<64x128xf32, #tpu.memory_space<vmem>>, vector<16xf32>,
            tpu.vector_store_idx %arg10[%min3A_1300, %add3A_630], %get3A_1309 masked %and3A_1294 {add = true} : memref<160x128xf32, #tpu.memory_space<vmem>>[vector<16xi32>, vector<16xi32>], vector<16xf32>, vector<16xi1>
            %get3A_1310 = arith.index_cast %sub3A_1274 : i32 to index
            %get3A_1311 = arith.constant 48 : index
            %get3A_1312 = tpu.vector_load %arg13[%get3A_1310, %get3A_1311] {strides = array<i32>} : memref<64x128xf32, #tpu.memory_space<vmem>>, vector<16xf32>,
            tpu.vector_store_idx %arg10[%min3A_1300, %add3A_633], %get3A_1312 masked %and3A_1294 {add = true} : memref<160x128xf32, #tpu.memory_space<vmem>>[vector<16xi32>, vector<16xi32>], vector<16xf32>, vector<16xi1>
            %get3A_1313 = arith.index_cast %sub3A_1274 : i32 to index
            %get3A_1314 = arith.constant 64 : index
            %get3A_1315 = tpu.vector_load %arg13[%get3A_1313, %get3A_1314] {strides = array<i32>} : memref<64x128xf32, #tpu.memory_space<vmem>>, vector<16xf32>,
            tpu.vector_store_idx %arg10[%min3A_1300, %add3A_636], %get3A_1315 masked %and3A_1294 {add = true} : memref<160x128xf32, #tpu.memory_space<vmem>>[vector<16xi32>, vector<16xi32>], vector<16xf32>, vector<16xi1>
            %get3A_1316 = arith.index_cast %sub3A_1274 : i32 to index
            %get3A_1317 = arith.constant 80 : index
            %get3A_1318 = tpu.vector_load %arg13[%get3A_1316, %get3A_1317] {strides = array<i32>} : memref<64x128xf32, #tpu.memory_space<vmem>>, vector<16xf32>,
            tpu.vector_store_idx %arg10[%min3A_1300, %add3A_639], %get3A_1318 masked %and3A_1294 {add = true} : memref<160x128xf32, #tpu.memory_space<vmem>>[vector<16xi32>, vector<16xi32>], vector<16xf32>, vector<16xi1>
            %get3A_1319 = arith.index_cast %sub3A_1274 : i32 to index
            %get3A_1320 = arith.constant 96 : index
            %get3A_1321 = tpu.vector_load %arg13[%get3A_1319, %get3A_1320] {strides = array<i32>} : memref<64x128xf32, #tpu.memory_space<vmem>>, vector<16xf32>,
            tpu.vector_store_idx %arg10[%min3A_1300, %add3A_642], %get3A_1321 masked %and3A_1294 {add = true} : memref<160x128xf32, #tpu.memory_space<vmem>>[vector<16xi32>, vector<16xi32>], vector<16xf32>, vector<16xi1>
            %get3A_1322 = arith.index_cast %sub3A_1274 : i32 to index
            %get3A_1323 = arith.constant 112 : index
            %get3A_1324 = tpu.vector_load %arg13[%get3A_1322, %get3A_1323] {strides = array<i32>} : memref<64x128xf32, #tpu.memory_space<vmem>>, vector<16xf32>,
            tpu.vector_store_idx %arg10[%min3A_1300, %add3A_645], %get3A_1324 masked %and3A_1294 {add = true} : memref<160x128xf32, #tpu.memory_space<vmem>>[vector<16xi32>, vector<16xi32>], vector<16xf32>, vector<16xi1>
            %while3A_1325 = arith.constant 0 : i32
            scf.yield %while3A_1325 : i32
          }
          %while3A_1268 = arith.constant 1 : i32
          %while3A_1269 = scf.for %while3A_1272 = %while3A_1265 to %while3A_1261 step %while3A_1268 iter_args(%while3A_1273 = %while3A_1267) -> (i32)  : i32 {
            %sub3A_1274 = arith.subi %while3A_1272, %multiple_of3A_1249 : i32
            %div3A_1275 = arith.constant 16 : i32
            %div3A_1276 = arith.divsi %sub3A_1274, %div3A_1275 : i32
            %mul3A_1277 = arith.constant 16 : i32
            %mul3A_1278 = arith.muli %div3A_1276, %mul3A_1277 : i32
            %add3A_1279 = arith.addi %multiple_of3A_1249, %mul3A_1278 : i32
            %get3A_1280 = arith.index_cast %add3A_1279 : i32 to index
            %get3A_1281 = tpu.vector_load %arg11[%get3A_1280] {strides = array<i32>} : memref<16384xi32, #tpu.memory_space<vmem>>, vector<16xi32>,
            %sub3A_1282 = arith.subi %sub3A_1274, %mul3A_1278 : i32
            %broadcast_in_dim3A_1283 = vector.broadcast %sub3A_1282 : i32 to vector<16xi32>
            %broadcast_in_dim3A_1284 = vector.shape_cast %broadcast_in_dim3A_1283 : vector<16xi32> to vector<16x1xi32>
            %gather3A_1285 = vector.shape_cast %broadcast_in_dim3A_1284 : vector<16x1xi32> to vector<16xi32>
            %gather3A_1286 = tpu.dynamic_gather %get3A_1281[%gather3A_1285] in [0] : vector<16xi32>, vector<16xi32> -> vector<16xi32>
            %sub3A_1287 = vector.broadcast %multiple_of3A_1117 : i32 to vector<16xi32>
            %sub3A_1288 = arith.subi %gather3A_1286, %sub3A_1287 : vector<16xi32>
            %ge3A = arith.constant 0 : i32
            %ge3A_1289 = vector.broadcast %ge3A : i32 to vector<16xi32>
            %ge3A_1290 = arith.cmpi sge, %sub3A_1288, %ge3A_1289 : vector<16xi32>
            %lt3A_1291 = arith.constant 160 : i32
            %lt3A_1292 = vector.broadcast %lt3A_1291 : i32 to vector<16xi32>
            %lt3A_1293 = arith.cmpi slt, %sub3A_1288, %lt3A_1292 : vector<16xi32>
            %and3A_1294 = arith.andi %ge3A_1290, %lt3A_1293 : vector<16xi1>
            %jit3A_1295 = arith.constant 0 : i32
            %jit3A_1296 = arith.constant 159 : i32
            %max3A_1297 = vector.broadcast %jit3A_1295 : i32 to vector<16xi32>
            %max3A_1298 = arith.maxsi %max3A_1297, %sub3A_1288 : vector<16xi32>
            %min3A_1299 = vector.broadcast %jit3A_1296 : i32 to vector<16xi32>
            %min3A_1300 = arith.minsi %min3A_1299, %max3A_1298 : vector<16xi32>
            %get3A_1301 = arith.index_cast %sub3A_1274 : i32 to index
            %get3A_1302 = arith.constant 0 : index
            %get3A_1303 = tpu.vector_load %arg13[%get3A_1301, %get3A_1302] {strides = array<i32>} : memref<64x128xf32, #tpu.memory_space<vmem>>, vector<16xf32>,
            tpu.vector_store_idx %arg10[%min3A_1300, %add3A_624], %get3A_1303 masked %and3A_1294 {add = true} : memref<160x128xf32, #tpu.memory_space<vmem>>[vector<16xi32>, vector<16xi32>], vector<16xf32>, vector<16xi1>
            %get3A_1304 = arith.index_cast %sub3A_1274 : i32 to index
            %get3A_1305 = arith.constant 16 : index
            %get3A_1306 = tpu.vector_load %arg13[%get3A_1304, %get3A_1305] {strides = array<i32>} : memref<64x128xf32, #tpu.memory_space<vmem>>, vector<16xf32>,
            tpu.vector_store_idx %arg10[%min3A_1300, %add3A_627], %get3A_1306 masked %and3A_1294 {add = true} : memref<160x128xf32, #tpu.memory_space<vmem>>[vector<16xi32>, vector<16xi32>], vector<16xf32>, vector<16xi1>
            %get3A_1307 = arith.index_cast %sub3A_1274 : i32 to index
            %get3A_1308 = arith.constant 32 : index
            %get3A_1309 = tpu.vector_load %arg13[%get3A_1307, %get3A_1308] {strides = array<i32>} : memref<64x128xf32, #tpu.memory_space<vmem>>, vector<16xf32>,
            tpu.vector_store_idx %arg10[%min3A_1300, %add3A_630], %get3A_1309 masked %and3A_1294 {add = true} : memref<160x128xf32, #tpu.memory_space<vmem>>[vector<16xi32>, vector<16xi32>], vector<16xf32>, vector<16xi1>
            %get3A_1310 = arith.index_cast %sub3A_1274 : i32 to index
            %get3A_1311 = arith.constant 48 : index
            %get3A_1312 = tpu.vector_load %arg13[%get3A_1310, %get3A_1311] {strides = array<i32>} : memref<64x128xf32, #tpu.memory_space<vmem>>, vector<16xf32>,
            tpu.vector_store_idx %arg10[%min3A_1300, %add3A_633], %get3A_1312 masked %and3A_1294 {add = true} : memref<160x128xf32, #tpu.memory_space<vmem>>[vector<16xi32>, vector<16xi32>], vector<16xf32>, vector<16xi1>
            %get3A_1313 = arith.index_cast %sub3A_1274 : i32 to index
            %get3A_1314 = arith.constant 64 : index
            %get3A_1315 = tpu.vector_load %arg13[%get3A_1313, %get3A_1314] {strides = array<i32>} : memref<64x128xf32, #tpu.memory_space<vmem>>, vector<16xf32>,
            tpu.vector_store_idx %arg10[%min3A_1300, %add3A_636], %get3A_1315 masked %and3A_1294 {add = true} : memref<160x128xf32, #tpu.memory_space<vmem>>[vector<16xi32>, vector<16xi32>], vector<16xf32>, vector<16xi1>
            %get3A_1316 = arith.index_cast %sub3A_1274 : i32 to index
            %get3A_1317 = arith.constant 80 : index
            %get3A_1318 = tpu.vector_load %arg13[%get3A_1316, %get3A_1317] {strides = array<i32>} : memref<64x128xf32, #tpu.memory_space<vmem>>, vector<16xf32>,
            tpu.vector_store_idx %arg10[%min3A_1300, %add3A_639], %get3A_1318 masked %and3A_1294 {add = true} : memref<160x128xf32, #tpu.memory_space<vmem>>[vector<16xi32>, vector<16xi32>], vector<16xf32>, vector<16xi1>
            %get3A_1319 = arith.index_cast %sub3A_1274 : i32 to index
            %get3A_1320 = arith.constant 96 : index
            %get3A_1321 = tpu.vector_load %arg13[%get3A_1319, %get3A_1320] {strides = array<i32>} : memref<64x128xf32, #tpu.memory_space<vmem>>, vector<16xf32>,
            tpu.vector_store_idx %arg10[%min3A_1300, %add3A_642], %get3A_1321 masked %and3A_1294 {add = true} : memref<160x128xf32, #tpu.memory_space<vmem>>[vector<16xi32>, vector<16xi32>], vector<16xf32>, vector<16xi1>
            %get3A_1322 = arith.index_cast %sub3A_1274 : i32 to index
            %get3A_1323 = arith.constant 112 : index
            %get3A_1324 = tpu.vector_load %arg13[%get3A_1322, %get3A_1323] {strides = array<i32>} : memref<64x128xf32, #tpu.memory_space<vmem>>, vector<16xf32>,
            tpu.vector_store_idx %arg10[%min3A_1300, %add3A_645], %get3A_1324 masked %and3A_1294 {add = true} : memref<160x128xf32, #tpu.memory_space<vmem>>[vector<16xi32>, vector<16xi32>], vector<16xf32>, vector<16xi1>
            %while3A_1325 = arith.constant 0 : i32
            scf.yield %while3A_1325 : i32
          }
          %add3A_1270 = arith.constant 64 : i32
          %add3A_1271 = arith.addi %multiple_of3A_1249, %add3A_1270 : i32
          scf.yield %add3A_1271 : i32
        }
      } else {
      }
      %dma_start3A_1221 = arith.constant 3 : i32
      %dma_start3A_1222 = arith.constant 0 : i32
      %dma_start3A_1223 = tpu.memref_slice %arg6[%multiple_of3A_1117, %dma_start3A_1222] : memref<100000x128xf32, #tpu.memory_space<hbm>> -> memref<160x128xf32, #tpu.memory_space<hbm>>
      %dma_start3A_1224 = tpu.memref_slice %arg16[%dma_start3A_1221] : memref<4x!tpu.dma_semaphore, #tpu.memory_space<semaphore_mem>> -> memref<1x!tpu.dma_semaphore, #tpu.memory_space<semaphore_mem>>
      %dma_start3A_1225 = tpu.memref_squeeze %dma_start3A_1224 : memref<1x!tpu.dma_semaphore, #tpu.memory_space<semaphore_mem>> -> memref<!tpu.dma_semaphore, #tpu.memory_space<semaphore_mem>>
      %dma_start3A_1226 = arith.constant 0 : i32
      %dma_start3A_1227 = tpu.memref_slice %arg6[%multiple_of3A_1117, %dma_start3A_1226] : memref<100000x128xf32, #tpu.memory_space<hbm>> -> memref<160x128xf32, #tpu.memory_space<hbm>>
      tpu.enqueue_dma source(%arg10 : memref<160x128xf32, #tpu.memory_space<vmem>>) target(%dma_start3A_1227 : memref<160x128xf32, #tpu.memory_space<hbm>>) target_semaphore(%dma_start3A_1225 : memref<!tpu.dma_semaphore, #tpu.memory_space<semaphore_mem>>)
    }
    %scan3A_713 = arith.constant 5 : i32
    %add3A_714 = arith.constant 2560 : i32
    %add3A_715 = arith.addi %multiple_of3A, %add3A_714 : i32
    %multiple_of3A_716 = tpu.assume_multiple %add3A_715, 8 : i32
    %dma_wait3A = arith.constant 0 : i32
    %dma_wait3A_717 = arith.constant 0 : i32
    %dma_wait3A_718 = tpu.memref_slice %arg6[%multiple_of3A_716, %dma_wait3A_717] : memref<100000x128xf32, #tpu.memory_space<hbm>> -> memref<160x128xf32, #tpu.memory_space<hbm>>
    %dma_wait3A_719 = tpu.memref_slice %arg16[%dma_wait3A] : memref<4x!tpu.dma_semaphore, #tpu.memory_space<semaphore_mem>> -> memref<1x!tpu.dma_semaphore, #tpu.memory_space<semaphore_mem>>
    %dma_wait3A_720 = tpu.memref_squeeze %dma_wait3A_719 : memref<1x!tpu.dma_semaphore, #tpu.memory_space<semaphore_mem>> -> memref<!tpu.dma_semaphore, #tpu.memory_space<semaphore_mem>>
    %dma_wait3A_721 = arith.constant 0 : i32
    %dma_wait3A_722 = tpu.memref_slice %arg6[%multiple_of3A_716, %dma_wait3A_721] : memref<100000x128xf32, #tpu.memory_space<hbm>> -> memref<160x128xf32, #tpu.memory_space<hbm>>
    tpu.wait_dma2 semaphore(%dma_wait3A_720 : memref<!tpu.dma_semaphore, #tpu.memory_space<semaphore_mem>>) src(%arg7 : memref<160x128xf32, #tpu.memory_space<vmem>>) dst(%dma_wait3A_722 : memref<160x128xf32, #tpu.memory_space<hbm>>)
    %add3A_723 = arith.constant 2720 : i32
    %add3A_724 = arith.addi %multiple_of3A, %add3A_723 : i32
    %multiple_of3A_725 = tpu.assume_multiple %add3A_724, 8 : i32
    %dma_wait3A_726 = arith.constant 1 : i32
    %dma_wait3A_727 = arith.constant 0 : i32
    %dma_wait3A_728 = tpu.memref_slice %arg6[%multiple_of3A_725, %dma_wait3A_727] : memref<100000x128xf32, #tpu.memory_space<hbm>> -> memref<160x128xf32, #tpu.memory_space<hbm>>
    %dma_wait3A_729 = tpu.memref_slice %arg16[%dma_wait3A_726] : memref<4x!tpu.dma_semaphore, #tpu.memory_space<semaphore_mem>> -> memref<1x!tpu.dma_semaphore, #tpu.memory_space<semaphore_mem>>
    %dma_wait3A_730 = tpu.memref_squeeze %dma_wait3A_729 : memref<1x!tpu.dma_semaphore, #tpu.memory_space<semaphore_mem>> -> memref<!tpu.dma_semaphore, #tpu.memory_space<semaphore_mem>>
    %dma_wait3A_731 = arith.constant 0 : i32
    %dma_wait3A_732 = tpu.memref_slice %arg6[%multiple_of3A_725, %dma_wait3A_731] : memref<100000x128xf32, #tpu.memory_space<hbm>> -> memref<160x128xf32, #tpu.memory_space<hbm>>
    tpu.wait_dma2 semaphore(%dma_wait3A_730 : memref<!tpu.dma_semaphore, #tpu.memory_space<semaphore_mem>>) src(%arg8 : memref<160x128xf32, #tpu.memory_space<vmem>>) dst(%dma_wait3A_732 : memref<160x128xf32, #tpu.memory_space<hbm>>)
    %add3A_733 = arith.constant 2880 : i32
    %add3A_734 = arith.addi %multiple_of3A, %add3A_733 : i32
    %multiple_of3A_735 = tpu.assume_multiple %add3A_734, 8 : i32
    %dma_wait3A_736 = arith.constant 2 : i32
    %dma_wait3A_737 = arith.constant 0 : i32
    %dma_wait3A_738 = tpu.memref_slice %arg6[%multiple_of3A_735, %dma_wait3A_737] : memref<100000x128xf32, #tpu.memory_space<hbm>> -> memref<160x128xf32, #tpu.memory_space<hbm>>
    %dma_wait3A_739 = tpu.memref_slice %arg16[%dma_wait3A_736] : memref<4x!tpu.dma_semaphore, #tpu.memory_space<semaphore_mem>> -> memref<1x!tpu.dma_semaphore, #tpu.memory_space<semaphore_mem>>
    %dma_wait3A_740 = tpu.memref_squeeze %dma_wait3A_739 : memref<1x!tpu.dma_semaphore, #tpu.memory_space<semaphore_mem>> -> memref<!tpu.dma_semaphore, #tpu.memory_space<semaphore_mem>>
    %dma_wait3A_741 = arith.constant 0 : i32
    %dma_wait3A_742 = tpu.memref_slice %arg6[%multiple_of3A_735, %dma_wait3A_741] : memref<100000x128xf32, #tpu.memory_space<hbm>> -> memref<160x128xf32, #tpu.memory_space<hbm>>
    tpu.wait_dma2 semaphore(%dma_wait3A_740 : memref<!tpu.dma_semaphore, #tpu.memory_space<semaphore_mem>>) src(%arg9 : memref<160x128xf32, #tpu.memory_space<vmem>>) dst(%dma_wait3A_742 : memref<160x128xf32, #tpu.memory_space<hbm>>)
    %add3A_743 = arith.constant 3040 : i32
    %add3A_744 = arith.addi %multiple_of3A, %add3A_743 : i32
    %multiple_of3A_745 = tpu.assume_multiple %add3A_744, 8 : i32
    %dma_wait3A_746 = arith.constant 3 : i32
    %dma_wait3A_747 = arith.constant 0 : i32
    %dma_wait3A_748 = tpu.memref_slice %arg6[%multiple_of3A_745, %dma_wait3A_747] : memref<100000x128xf32, #tpu.memory_space<hbm>> -> memref<160x128xf32, #tpu.memory_space<hbm>>
    %dma_wait3A_749 = tpu.memref_slice %arg16[%dma_wait3A_746] : memref<4x!tpu.dma_semaphore, #tpu.memory_space<semaphore_mem>> -> memref<1x!tpu.dma_semaphore, #tpu.memory_space<semaphore_mem>>
    %dma_wait3A_750 = tpu.memref_squeeze %dma_wait3A_749 : memref<1x!tpu.dma_semaphore, #tpu.memory_space<semaphore_mem>> -> memref<!tpu.dma_semaphore, #tpu.memory_space<semaphore_mem>>
    %dma_wait3A_751 = arith.constant 0 : i32
    %dma_wait3A_752 = tpu.memref_slice %arg6[%multiple_of3A_745, %dma_wait3A_751] : memref<100000x128xf32, #tpu.memory_space<hbm>> -> memref<160x128xf32, #tpu.memory_space<hbm>>
    tpu.wait_dma2 semaphore(%dma_wait3A_750 : memref<!tpu.dma_semaphore, #tpu.memory_space<semaphore_mem>>) src(%arg10 : memref<160x128xf32, #tpu.memory_space<vmem>>) dst(%dma_wait3A_752 : memref<160x128xf32, #tpu.memory_space<hbm>>)
    return
  }
}

</mosaic_0001>

<sc_bundles>
// kernel: kernel.3.cloned.1.call-start
scs
__scs_entry_jumppad:
0x0: {  	(pc) =	sbr.rel $0x88, $3  }
0x1: {  	(tag) =	ssettag $0x0;
	lr =	simm.s32 $0x1  }
0x2: {  	[smem:$0x3F9D] =	sst lr;
	_ =	strace $0xD0000000  }
0x3: {  	_ = 	snop  }
0x4: {  	_ = 	snop  }
0x5: {  	_ = 	snop  }
0x6: {  	_ = 	snop  }
0x7: {  	_ = 	snop  }
__scs_overlays_trampoline_lowered:
0x8: {  	[smem:$0x3FAC] =	sst s0  }
0x9: {  	[smem:$0x3FAD] =	sst s1  }
0xa: {  	[smem:$0x3FAE] =	sst s2  }
0xb: {  	[smem:$0x3FAF] =	sst s3  }
0xc: {  	[smem:$0x3FB0] =	sst s4  }
0xd: {  	[smem:$0x3FB1] =	sst s5  }
0xe: {  	[smem:$0x3FB2] =	sst s6  }
0xf: {  	[smem:$0x3FB3] =	sst s7  }
0x10: {  	[smem:$0x3FB4] =	sst s8  }
0x11: {  	[smem:$0x3FB5] =	sst s9;
	s0 =	simm.s32 @!p0 $0x0  }
0x12: {  	s1 =	sld [smem:$0x3F9B];
	s0 =	simm.s32 @p0 $0x1  }
0x13: {  	[smem:$0x3FB6] =	sst s0;
	s0 =	simm.s32 @!p1 $0x0  }
0x14: {  	s2 =	sld [smem:$0x3F9A];
	s0 =	simm.s32 @p1 $0x1  }
0x15: {  	[smem:$0x3FB7] =	sst s0;
	s0 =	simm.s32 @!p2 $0x0  }
0x16: {  	s3 =	sld [smem:$0x3FDB];
	s0 =	simm.s32 @p2 $0x1  }
0x17: {  	s4 =	simm.s32 $0x1BF5;
	[smem:$0x3FB9] =	sst s0  }
0x18: {  	s0 =	sld [smem:$0x3F9C];
	_ =	swait.ge [sflag:s4], $0x0  }
0x19: {  	s7 =	sld [smem:$0x3F9D]  }
0x1a: {  	s8 =	sadd.s32 $0xFFFFE003, lr  }
0x1b: {  	s9 =	sadd.s32 $0xFFFFFEF7, lr;
	s5 =	simm.s32 $0xFFFFFFFF;
	p2 =	slt.u32 s8, $0xFFFFF086  }
0x1c: {  	p1 =	slt.u32 s9, $0xF7A;
	s5 =	simm.s32 @!p2 $0x0  }
0x1d: {  	s5 =	simm.s32 @p1 $0x1;
	p0 =	seq.s32 s7, s2  }
0x1e: {  	s7 =	smul.u32 @!p0 $0xF7A, s2;
	p2 =	seq.s32 @!p0 s5, $0x0  }
0x1f: {  	s9 =	smul.u32 $0xF7A, s1;
	s8 =	simm.s32 @!p0 $0x1BF5;
	p2 =	por !p2, p0  }
0x20: {  	[sflag:s8] =	ssyncset.s32 @!p0 $0xFFFFF086;
	s6 =	sadd.s32 @!p0 s3, s7;
	s7 =	simm.s32 @!p0 $0x108  }
0x21: {  	s3 =	sadd.s32 s3, s9;
	s6 =	sadd.s32 @!p0 $0x88, s6;
	s7 =	simm.s32 @p2 $0x1082  }
0x22: {  	[simem:s7], [sflag:s8] =	dma.local @!p0 [hbm:s6], $0xF7A  }
0x23: {  	s9 =	sor.u32 $0xD0000000, s2;
	s6 =	simm.s32 $0x108;
	_ =	swait.ge @!p0 [sflag:s8], $0x0  }
0x24: {  	s3 =	sadd.s32 $0x88, s3;
	s6 =	simm.s32 @!p1 $0x1082;
	[sflag:s4] =	ssyncset.s32 $0xFFFFF086  }
0x25: {  	[simem:s6], [sflag:s4] =	dma.local [hbm:s3], $0xF7A  }
0x26: {  	[smem:$0x3F9D] =	sst s1;
	(tag) =	ssettag s2;
	_ =	strace s9  }
0x27: {  	s1 =	sld [smem:$0x3FAD]  }
0x28: {  	s2 =	sld [smem:$0x3FAE]  }
0x29: {  	s4 =	sld [smem:$0x3FB0]  }
0x2a: {  	p0 =	seq.s32 s5, $0x0;
	s5 =	sld [smem:$0x3FB1]  }
0x2b: {  	s6 =	sld [smem:$0x3FB2]  }
0x2c: {  	s7 =	sld [smem:$0x3FB3]  }
0x2d: {  	s3 =	simm.s32 $0x108;
	s8 =	sld [smem:$0x3FB4]  }
0x2e: {  	s3 =	simm.s32 @!p0 $0x1082;
	s9 =	sld [smem:$0x3FB5]  }
0x2f: {  	lr =	sadd.s32 s0, s3;
	s0 =	sld [smem:$0x3FAC]  }
0x30: {  	s3 =	sld [smem:$0x3FAF]  }
0x31: {  	[smem:$0x3FB8] =	sst s10  }
0x32: {  	s10 =	sld [smem:$0x3FB6];
	_ =	sdelay $0x3  }
0x33: {  	p0 =	seq.s32 s10, $0x1;
	s10 =	sld [smem:$0x3FB8];
	_ =	sdelay $0x3  }
0x34: {  	[smem:$0x3FB8] =	sst s10  }
0x35: {  	s10 =	sld [smem:$0x3FB7];
	_ =	sdelay $0x3  }
0x36: {  	p1 =	seq.s32 s10, $0x1;
	s10 =	sld [smem:$0x3FB8];
	_ =	sdelay $0x3  }
0x37: {  	[smem:$0x3FB8] =	sst s10  }
0x38: {  	s10 =	sld [smem:$0x3FB9]  }
0x39: {  	_ = 	snop;
	(pc) =	sbr.ind lr, $3  }
0x3a: {  	_ = 	snop  }
0x3b: {  	_ = 	snop  }
0x3c: {  	p2 =	seq.s32 s10, $0x1;
	s10 =	sld [smem:$0x3FB8]  }
0x3d: {  	_ =	shalt  }
0x3e: {  	_ =	shalt  }
0x3f: {  	_ =	shalt  }
0x40: {  	_ =	shalt  }
0x41: {  	_ =	shalt  }
0x42: {  	_ =	shalt  }
0x43: {  	_ =	shalt  }
0x44: {  	_ =	shalt  }
0x45: {  	_ =	shalt  }
0x46: {  	_ =	shalt  }
0x47: {  	_ =	shalt  }
0x48: {  	_ =	shalt  }
0x49: {  	_ =	shalt  }
0x4a: {  	_ =	shalt  }
0x4b: {  	_ =	shalt  }
0x4c: {  	_ =	shalt  }
0x4d: {  	_ =	shalt  }
0x4e: {  	_ =	shalt  }
0x4f: {  	_ =	shalt  }
0x50: {  	_ =	shalt  }
0x51: {  	_ =	shalt  }
0x52: {  	_ =	shalt  }
0x53: {  	_ =	shalt  }
0x54: {  	_ =	shalt  }
0x55: {  	_ =	shalt  }
0x56: {  	_ =	shalt  }
0x57: {  	_ =	shalt  }
0x58: {  	_ =	shalt  }
0x59: {  	_ =	shalt  }
0x5a: {  	_ =	shalt  }
0x5b: {  	_ =	shalt  }
0x5c: {  	_ =	shalt  }
0x5d: {  	_ =	shalt  }
0x5e: {  	_ =	shalt  }
0x5f: {  	_ =	shalt  }
0x60: {  	_ =	shalt  }
0x61: {  	_ =	shalt  }
0x62: {  	_ =	shalt  }
0x63: {  	_ =	shalt  }
0x64: {  	_ =	shalt  }
0x65: {  	_ =	shalt  }
0x66: {  	_ =	shalt  }
0x67: {  	_ =	shalt  }
0x68: {  	_ =	shalt  }
0x69: {  	_ =	shalt  }
0x6a: {  	_ =	shalt  }
0x6b: {  	_ =	shalt  }
0x6c: {  	_ =	shalt  }
0x6d: {  	_ =	shalt  }
0x6e: {  	_ =	shalt  }
0x6f: {  	_ =	shalt  }
0x70: {  	_ =	shalt  }
0x71: {  	_ =	shalt  }
0x72: {  	_ =	shalt  }
0x73: {  	_ =	shalt  }
0x74: {  	_ =	shalt  }
0x75: {  	_ =	shalt  }
0x76: {  	_ =	shalt  }
0x77: {  	_ =	shalt  }
0x78: {  	_ =	shalt  }
0x79: {  	_ =	shalt  }
0x7a: {  	_ =	shalt  }
0x7b: {  	_ =	shalt  }
0x7c: {  	_ =	shalt  }
0x7d: {  	_ =	shalt  }
0x7e: {  	_ =	shalt  }
0x7f: {  	_ =	shalt  }
0x80: {  	_ =	shalt  }
0x81: {  	_ =	shalt  }
0x82: {  	_ =	shalt  }
0x83: {  	_ =	shalt  }
0x84: {  	_ =	shalt  }
0x85: {  	_ =	shalt  }
0x86: {  	_ =	shalt  }
0x87: {  	_ =	shalt  }
.Lfunc_end0:
.L_simem_size_0:
called_computation_lowered:
.L_overlay_start_0:
0x88: {  	s2 =	sld [smem:$0x3FD9]  }
0x89: {  	s3 =	sld [smem:$0x3FFE];
	_ =	sdelay $0x1  }
0x8a: {  	s1 =	srdreg.scid  }
0x8b: {  	s0 =	sand.u32 $0x1, s1  }
0x8c: {  	s17 =	sshll.u32 s0, $0xA;
	s2 =	sadd.s32 s3, s2  }
0x8d: {  	s2 =	sadd.s32 s2, s17  }
0x8e: {  	[smem:$0x3FC4] =	sst s2  }
0x8f: {  	_ = 	snop  }
0x90: {  	s2 =	sld [smem:$0x3FC9]  }
0x91: {  	s18 =	sld [smem:$0x3FC8]  }
0x92: {  	s4 =	sld [smem:$0x3FC7]  }
0x93: {  	s5 =	sld [smem:$0x3FD0];
	(tm) =	ssettm $0x1  }
0x94: {  	s6 =	sld [smem:$0x3FFB];
	_ =	sdelay $0x3  }
0x95: {  	_ =	strace s6  }
0x96: {  	s6 =	sld [smem:$0x3FFC];
	_ =	sdelay $0x3  }
0x97: {  	_ =	strace s6  }
0x98: {  	s6 =	sld [smem:$0x3FFD];
	_ =	sdelay $0x3  }
0x99: {  	_ =	strace s6  }
0x9a: {  	_ =	strace $0x8FFFFFFF  }
0x9b: {  	s19 =	sld [smem:$0x3FDB];
	_ =	sdelay $0x1  }
0x9c: {  	s7 =	simm.s32 $_scs_section_size  }
0x9d: {  	s8 =	simm.s32 $_size__tile_overlayer_lowered;
	s9 =	simm.s32 $_tile_overlayer_lowered  }
0x9e: {  	s22 =	simm.s32 $0x1BFF;
	s21 =	sshll.u32 s9, $0x1;
	s6 =	sadd.s32 s7, s19  }
0x9f: {  	s10 =	simm.s32 $0x0;
	s20 =	sshll.u32 s8, $0x1;
	s8 =	sadd.s32 s21, s6  }
0xa0: {  	[timem:s10], [sflag:s22] =	dma.local [hbm:s8], s20  }
0xa1: {  	_ =	swait.ge [sflag:s22], s20  }
0xa2: {  	s7 =	ssub.s32 $0x0, s20;
	[sflag:s22] =	ssyncset.done $0x0  }
0xa3: {  	[sflag:s22] =	ssyncadd.s32 s7;
	_ =	sdelay $0x1  }
0xa4: {  	s23 =	simm.s32 $0x1B8B  }
0xa5: {  	_ =	swait.ge [sflag:s23], $0x1  }
0xa6: {  	[sflag:s23] =	ssyncset.done $0x0  }
0xa7: {  	s25 =	simm.s32 $0x1B8E;
	s24 =	sld [smem:$0x3FFE];
	[sflag:s23] =	ssyncadd.s32 $0xFFFFFFFF  }
0xa8: {  	s26 =	simm.s32 $execute0_lowered;
	[smem:$0x3FD2] =	sst s25  }
0xa9: {  	s8 =	sshll.u32 s26, $0x1;
	_ =	strace $0x80000046;
	[dreg:$0x1] =	wrdreg $0xFFFFFFFF  }
0xaa: {  	s28 =	simm.s32 $_size_execute0_lowered;
	s6 =	sadd.s32 s6, s8;
	[dreg:$0x0] =	wrdreg $0x0  }
0xab: {  	s8 =	sshll.u32 s28, $0x1;
	[dreg:$0x2] =	wrdreg s6  }
0xac: {  	[dreg:$0x3] =	wrdreg s8  }
0xad: {  	[dreg:$0x4] =	wrdreg $0xC0  }
0xae: {  	_ =	task [dreg:s10], $0x5FFFF  }
0xaf: {  	[dreg:$0x1] =	wrdreg $0xFFFFFFFF  }
0xb0: {  	[dreg:$0x0] =	wrdreg $0x60  }
0xb1: {  	[dreg:$0x2] =	wrdreg s2  }
0xb2: {  	[dreg:$0x3] =	wrdreg s18  }
0xb3: {  	[dreg:$0x4] =	wrdreg s4  }
0xb4: {  	[dreg:$0x5] =	wrdreg s24  }
0xb5: {  	[dreg:$0x6] =	wrdreg s5  }
0xb6: {  	[dreg:$0x7] =	wrdreg $0x9  }
0xb7: {  	_ =	task.clear_ibuf [dreg:s10], $0x8FFFF;
	_ =	strace $0x90000046  }
0xb8: {  	s29 =	simm.s32 $0x9;
	_ =	strace $0x80000048  }
0xb9: {  	_ =	swait.ge [sflag:s29], $0x1  }
0xba: {  	[sflag:s29] =	ssyncadd.s32 $0xFFFFFFFF  }
0xbb: {  	_ =	strace $0x90000048  }
0xbc: {  	_ =	sfence  }
0xbd: {  	s30 =	sld [smem:$0x0];
	_ =	sdelay $0x2  }
0xbe: {  	s31 =	sshll.u32 s1, $0xD;
	s1 =	sshrl.u32 s1, $0x2  }
0xbf: {  	s3 =	sand.u32 $0x4000, s31;
	s1 =	sadd.s32 s1, s30  }
0xc0: {  	s0 =	sor.u32 s3, s0;
	s1 =	sshll.u32 s1, $0x11  }
0xc1: {  	s0 =	sor.u32 s1, s0  }
0xc2: {  	s0 =	sadd.s32 $0x8F2B, s0  }
0xc3: {  	[sflag:s0] =	ssyncadd.remote.s32 $0x1  }
0xc4: {  	_ =	sfence.sel $0xFFFF  }
0xc5: {  	[dreg:$0x0] =	wrdreg $0xFFFFFFFF;
	(pc) =	sbr.abs _section_cstart, $3  }
0xc6: {  	[dreg:$0x1] =	wrdreg $0xFFFFFFFF  }
0xc7: {  	_ =	task.clear_ibuf [dreg:s10], $0x2FFFF;
	_ =	strace $0x9FFFFFFF  }
0xc8: {  	(tm) =	ssettm $0x7FFFFFFF  }
0xc9: {  	_ =	shalt  }
tec
execute0_lowered:
.L_overlay_start_1:
0x0: {  	(tag) =	ssettag $0x1  }
0x1: {  	s5 =	rddreg [dreg:$0x0]  }
0x2: {  	s0 =	srdreg.scid;
	s2 =	rddreg [dreg:$0x1]  }
0x3: {  	s1 =	stileid.u32;
	s3 =	rddreg [dreg:$0x3];
	s6 =	simm.s32 $0x0  }
0x4: {  	s14 =	simm.s32 $0xB;
	s16 =	simm.s32 $0x5000;
	s17 =	simm.s32 $0x18000  }
0x5: {  	s18 =	simm.s32 $0xA000;
	s0 =	sand.u32 $0x1, s0;
	s1 =	sshll.u32 s1, $0x1  }
0x6: {  	[smem:$0x7FF] =	sst s6;
	s1 =	sor.u32 s0, s1;
	s0 =	ssub.s32 $0x2, s0  }
0x7: {  	s3 =	sadd.s32 $0x400, s3;
	s1 =	smul.u32 $0xC80, s1;
	s4 =	sshrl.u32 s0, $0x1  }
0x8: {  	_ =	strace $0x80000047;
	[dreg:$0x7] =	wrdreg s3;
	s0 =	ssub.s32 s0, s4  }
.Ltmp0:
0x9: {  	v0 =	vlaneseq.u32;
	s7 =	smin.u32 s1, $0x17A20;
	s0 =	smax.u32 s0, $0x1;
	(pc) =	sbr.rel .LBB2_1-.Ltmp0, $4  }
0xa: {  	v1 =	vmul.u32 $0xA0, v0;
	s1 =	sshll.u32 s7, $0x4;
	s31 =	sadd.s32 $0x320, s7;
	[dreg:$0xa] =	wrdreg s0  }
0xb: {  	s19 =	simm.s32 $0x1A000;
	v3 =	vimm.s32 $0x2000;
	s1 =	sadd.s32 s5, s1;
	[dreg:$0x9] =	wrdreg s31  }
0xc: {  	s22 =	simm.s32 $0xF000;
	v4 =	vimm.s32 $0x0;
	v5 =	vimm.s32 $0x1000;
	v2 =	vadd.s32 $0xA00, v1;
	[dreg:$0x6] =	wrdreg s1;
	s1 =	sadd.s32 $0xA00, s1  }
0xd: {  	s24 =	simm.s32 $0xA;
	vm0 =	vmmov $0x1;
	s3 =	simm.s32 $0x0;
	v1 =	vadd.s32 s7, v1;
	v2 =	vadd.s32 s7, v2;
	[dreg:$0x8] =	wrdreg s1  }
.LBB2_107:
0xe: {  	s0 =	simm.s32 $0x5  }
0xf: {  	_ =	swait.ge [sflag:s0], $0x5000  }
0x10: {  	[sflag:s0] =	ssyncset.done $0x0  }
0x11: {  	s29 =	simm.s32 $0x6;
	[sflag:s0] =	ssyncadd.s32 $0xFFFFB000  }
0x12: {  	_ =	swait.ge [sflag:s29], $0x5000  }
0x13: {  	[sflag:s29] =	ssyncset.done $0x0  }
0x14: {  	s30 =	simm.s32 $0x7;
	[sflag:s29] =	ssyncadd.s32 $0xFFFFB000  }
0x15: {  	_ =	swait.ge [sflag:s30], $0x5000  }
0x16: {  	[sflag:s30] =	ssyncset.done $0x0  }
0x17: {  	s1 =	simm.s32 $0x8;
	[sflag:s30] =	ssyncadd.s32 $0xFFFFB000  }
0x18: {  	_ =	swait.ge [sflag:s1], $0x5000  }
0x19: {  	s3 =	rddreg [dreg:$0xb]  }
0x1a: {  	s31 =	rddreg [dreg:$0xa];
	s3 =	sadd.s32 $0x1, s3  }
0x1b: {  	p0 =	sne.s32 s3, s31  }
.Ltmp1:
0x1c: {  	_ = 	snop;
	(pc) =	sbr.rel @!p0 .LBB2_108-.Ltmp1, $3  }
0x1d: {  	_ =	sdelay $0x1  }
0x1e: {  	[sflag:s1] =	ssyncset.done $0x0  }
0x1f: {  	[sflag:s1] =	ssyncadd.s32 $0xFFFFB000  }
.LBB2_1:
0x20: {  	[dreg:$0xb] =	wrdreg s3  }
0x21: {  	s0 =	rddreg [dreg:$0x2];
	s1 =	simm.s32 $0x14000  }
0x22: {  	[tilespmem:s1], [sflag:$0xB] =	stream.linear.gather [hbm4b:s0+s6], $0x4000, $0x38;
	[tilespmem:$0x1C080] =	vst v63  }
0x23: {  	_ =	swait.ge [sflag:s14], $0x4000  }
0x24: {  	[sflag:s14] =	ssyncset.done $0x0  }
0x25: {  	s25 =	simm.s32 $0x1C000;
	s23 =	rddreg [dreg:$0x7];
	[sflag:s14] =	ssyncadd.s32 $0xFFFFC000  }
0x26: {  	[tilespmem:s25], [sflag:$0xB] =	stream.linear.gather [hbm4b:s23+s6], $0x80, $0x38;
	[tilespmem:$0x1C080] =	vst v63  }
0x27: {  	_ =	swait.ge [sflag:s14], $0x80  }
0x28: {  	[sflag:s14] =	ssyncset.done $0x0  }
0x29: {  	[sflag:s14] =	ssyncadd.s32 $0xFFFFFF80  }
0x2a: {  	v6 =	vld.idx.msk [tilespmem:v3+s1+$0x0], $0xffff;
	_ =	sdelay $0x4  }
0x2b: {  	vm1 =	vlt.s32 v6, v1  }
0x2c: {  	v7 =	vsel vm1, $0x3000, v5;
	_ =	sdelay $0x4  }
0x2d: {  	v8 =	vld.idx.msk [tilespmem:v7+s1+$0x0], $0xffff;
	_ =	sdelay $0x4  }
0x2e: {  	v9 =	vsel vm1, $0x4000, v3;
	vm2 =	vlt.s32 v8, v1  }
0x2f: {  	v10 =	vor.u32 $0x1, v7;
	v8 =	vsel vm1, $0x2001, v4;
	v7 =	vsel vm2, v9, v7  }
0x30: {  	v8 =	vsel vm2, v10, v8;
	v9 =	vadd.s32 $0xFFFFFFFF, v7  }
0x31: {  	v10 =	vxor.u32 v9, v8  }
0x32: {  	v9 =	vor.u32 v9, v8;
	v10 =	vshrl.u32 v10, $0x1  }
0x33: {  	v9 =	vsub.s32 v9, v10;
	_ =	sdelay $0x4  }
0x34: {  	v10 =	vld.idx.msk [tilespmem:v9+s1+$0x0], $0xffff;
	_ =	sdelay $0x3  }
0x35: {  	vm1 =	vlt.u32 v8, v7  }
0x36: {  	vm2 =	vlt.s32 v10, v1;
	vm3 =	vge.s32 v10, v1;
	v10 =	vor.u32 $0x1, v9  }
0x37: {  	vm2 =	vmand vm2, vm1;
	vm1 =	vmand vm1, vm3;
	vm3 =	vlt.s32 v6, v2  }
0x38: {  	v6 =	vsel vm2, v10, v8;
	v7 =	vsel vm1, v9, v7;
	v8 =	vsel vm3, $0x3000, v5  }
0x39: {  	v9 =	vxor.u32 v7, v6  }
0x3a: {  	v10 =	vand.u32 v7, v6;
	v9 =	vshrl.u32 v9, $0x1  }
0x3b: {  	v9 =	vadd.s32 v9, v10;
	_ =	sdelay $0x1  }
0x3c: {  	v10 =	vld.idx.msk [tilespmem:v8+s1+$0x0], $0xffff;
	_ =	sdelay $0x2  }
0x3d: {  	v11 =	vld.idx.msk [tilespmem:v9+s1+$0x0], $0xffff;
	_ =	sdelay $0x1  }
0x3e: {  	v12 =	vsel vm3, $0x4000, v3;
	vm1 =	vlt.s32 v10, v2  }
0x3f: {  	v13 =	vor.u32 $0x1, v8;
	v10 =	vsel vm3, $0x2001, v4;
	v8 =	vsel vm1, v12, v8  }
0x40: {  	vm2 =	vlt.u32 v6, v7;
	v10 =	vsel vm1, v13, v10;
	v12 =	vadd.s32 $0xFFFFFFFF, v8  }
0x41: {  	vm1 =	vge.s32 v11, v1;
	vm3 =	vlt.s32 v11, v1;
	v11 =	vxor.u32 v12, v10  }
0x42: {  	v21 =	vadd.s32 $0x1, v9;
	v12 =	vor.u32 v12, v10;
	v11 =	vshrl.u32 v11, $0x1  }
0x43: {  	vm3 =	vmand vm3, vm2;
	vm1 =	vmand vm2, vm1;
	v11 =	vsub.s32 v12, v11  }
0x44: {  	v6 =	vsel vm3, v21, v6;
	v7 =	vsel vm1, v9, v7  }
0x45: {  	v9 =	vadd.s32 v7, v6  }
0x46: {  	v9 =	vshrl.u32 v9, $0x1;
	_ =	sdelay $0x1  }
0x47: {  	v12 =	vld.idx.msk [tilespmem:v11+s1+$0x0], $0xffff;
	_ =	sdelay $0x2  }
0x48: {  	v22 =	vld.idx.msk [tilespmem:v9+s1+$0x0], $0xffff;
	_ =	sdelay $0x1  }
0x49: {  	vm1 =	vlt.u32 v10, v8;
	vm2 =	vge.s32 v12, v2;
	vm3 =	vlt.s32 v12, v2  }
0x4a: {  	v23 =	vor.u32 $0x1, v11;
	vm3 =	vmand vm3, vm1;
	vm1 =	vmand vm1, vm2  }
0x4b: {  	v24 =	vadd.s32 $0x1, v9;
	v10 =	vsel vm3, v23, v10;
	v8 =	vsel vm1, v11, v8  }
0x4c: {  	vm2 =	vlt.u32 v6, v7;
	vm1 =	vge.s32 v22, v1;
	v11 =	vxor.u32 v8, v10  }
0x4d: {  	vm3 =	vlt.s32 v22, v1;
	v12 =	vand.u32 v8, v10;
	v11 =	vshrl.u32 v11, $0x1  }
0x4e: {  	vm3 =	vmand vm3, vm2;
	vm1 =	vmand vm2, vm1;
	v11 =	vadd.s32 v11, v12  }
0x4f: {  	v6 =	vsel vm3, v24, v6;
	v7 =	vsel vm1, v9, v7  }
0x50: {  	v9 =	vadd.s32 v7, v6  }
0x51: {  	v9 =	vshrl.u32 v9, $0x1;
	_ =	sdelay $0x1  }
0x52: {  	v12 =	vld.idx.msk [tilespmem:v11+s1+$0x0], $0xffff;
	_ =	sdelay $0x2  }
0x53: {  	v25 =	vld.idx.msk [tilespmem:v9+s1+$0x0], $0xffff  }
0x54: {  	vm1 =	vlt.u32 v10, v8  }
0x55: {  	v26 =	vadd.s32 $0x1, v11;
	vm2 =	vlt.s32 v12, v2;
	vm3 =	vge.s32 v12, v2  }
0x56: {  	v27 =	vadd.s32 $0x1, v9;
	vm2 =	vmand vm2, vm1;
	vm1 =	vmand vm1, vm3  }
0x57: {  	vm3 =	vlt.u32 v6, v7;
	v10 =	vsel vm2, v26, v10;
	v8 =	vsel vm1, v11, v8  }
0x58: {  	vm2 =	vlt.s32 v25, v1;
	vm1 =	vge.s32 v25, v1;
	v11 =	vadd.s32 v8, v10  }
0x59: {  	vm2 =	vmand vm2, vm3;
	vm1 =	vmand vm3, vm1;
	v11 =	vshrl.u32 v11, $0x1  }
0x5a: {  	v6 =	vsel vm2, v27, v6;
	v7 =	vsel vm1, v9, v7  }
0x5b: {  	v9 =	vadd.s32 v7, v6  }
0x5c: {  	v9 =	vshrl.u32 v9, $0x1;
	_ =	sdelay $0x1  }
0x5d: {  	v28 =	vld.idx.msk [tilespmem:v11+s1+$0x0], $0xffff;
	_ =	sdelay $0x2  }
0x5e: {  	v29 =	vld.idx.msk [tilespmem:v9+s1+$0x0], $0xffff  }
0x5f: {  	vm1 =	vlt.u32 v10, v8  }
0x60: {  	v30 =	vadd.s32 $0x1, v11;
	vm2 =	vlt.s32 v28, v2;
	vm3 =	vge.s32 v28, v2  }
0x61: {  	v31 =	vadd.s32 $0x1, v9;
	vm2 =	vmand vm2, vm1;
	vm1 =	vmand vm1, vm3  }
0x62: {  	vm3 =	vlt.u32 v6, v7;
	v10 =	vsel vm2, v30, v10;
	v8 =	vsel vm1, v11, v8  }
0x63: {  	vm2 =	vlt.s32 v29, v1;
	vm1 =	vge.s32 v29, v1;
	v11 =	vadd.s32 v8, v10  }
0x64: {  	vm2 =	vmand vm2, vm3;
	vm1 =	vmand vm3, vm1;
	v11 =	vshrl.u32 v11, $0x1  }
0x65: {  	v6 =	vsel vm2, v31, v6;
	v7 =	vsel vm1, v9, v7  }
0x66: {  	v9 =	vadd.s32 v7, v6  }
0x67: {  	v9 =	vshrl.u32 v9, $0x1;
	_ =	sdelay $0x1  }
0x68: {  	v32 =	vld.idx.msk [tilespmem:v11+s1+$0x0], $0xffff;
	_ =	sdelay $0x2  }
0x69: {  	v33 =	vld.idx.msk [tilespmem:v9+s1+$0x0], $0xffff  }
0x6a: {  	vm1 =	vlt.u32 v10, v8  }
0x6b: {  	v34 =	vadd.s32 $0x1, v11;
	vm2 =	vlt.s32 v32, v2;
	vm3 =	vge.s32 v32, v2  }
0x6c: {  	v35 =	vadd.s32 $0x1, v9;
	vm2 =	vmand vm2, vm1;
	vm1 =	vmand vm1, vm3  }
0x6d: {  	vm3 =	vlt.u32 v6, v7;
	v10 =	vsel vm2, v34, v10;
	v8 =	vsel vm1, v11, v8  }
0x6e: {  	vm2 =	vlt.s32 v33, v1;
	vm1 =	vge.s32 v33, v1;
	v11 =	vadd.s32 v8, v10  }
0x6f: {  	vm2 =	vmand vm2, vm3;
	vm1 =	vmand vm3, vm1;
	v11 =	vshrl.u32 v11, $0x1  }
0x70: {  	v6 =	vsel vm2, v35, v6;
	v7 =	vsel vm1, v9, v7  }
0x71: {  	v9 =	vadd.s32 v7, v6  }
0x72: {  	v9 =	vshrl.u32 v9, $0x1;
	_ =	sdelay $0x1  }
0x73: {  	v36 =	vld.idx.msk [tilespmem:v11+s1+$0x0], $0xffff;
	_ =	sdelay $0x2  }
0x74: {  	v37 =	vld.idx.msk [tilespmem:v9+s1+$0x0], $0xffff  }
0x75: {  	vm1 =	vlt.u32 v10, v8  }
0x76: {  	v38 =	vadd.s32 $0x1, v11;
	vm2 =	vlt.s32 v36, v2;
	vm3 =	vge.s32 v36, v2  }
0x77: {  	v39 =	vadd.s32 $0x1, v9;
	vm2 =	vmand vm2, vm1;
	vm1 =	vmand vm1, vm3  }
0x78: {  	vm3 =	vlt.u32 v6, v7;
	v10 =	vsel vm2, v38, v10;
	v8 =	vsel vm1, v11, v8  }
0x79: {  	vm2 =	vlt.s32 v37, v1;
	vm1 =	vge.s32 v37, v1;
	v11 =	vadd.s32 v8, v10  }
0x7a: {  	vm2 =	vmand vm2, vm3;
	vm1 =	vmand vm3, vm1;
	v11 =	vshrl.u32 v11, $0x1  }
0x7b: {  	v6 =	vsel vm2, v39, v6;
	v7 =	vsel vm1, v9, v7  }
0x7c: {  	v9 =	vadd.s32 v7, v6  }
0x7d: {  	v9 =	vshrl.u32 v9, $0x1;
	_ =	sdelay $0x1  }
0x7e: {  	v40 =	vld.idx.msk [tilespmem:v11+s1+$0x0], $0xffff;
	_ =	sdelay $0x2  }
0x7f: {  	v41 =	vld.idx.msk [tilespmem:v9+s1+$0x0], $0xffff  }
0x80: {  	vm1 =	vlt.u32 v10, v8  }
0x81: {  	v42 =	vadd.s32 $0x1, v11;
	vm2 =	vlt.s32 v40, v2;
	vm3 =	vge.s32 v40, v2  }
0x82: {  	v43 =	vadd.s32 $0x1, v9;
	vm2 =	vmand vm2, vm1;
	vm1 =	vmand vm1, vm3  }
0x83: {  	vm3 =	vlt.u32 v6, v7;
	v10 =	vsel vm2, v42, v10;
	v8 =	vsel vm1, v11, v8  }
0x84: {  	vm2 =	vlt.s32 v41, v1;
	vm1 =	vge.s32 v41, v1;
	v11 =	vadd.s32 v8, v10  }
0x85: {  	vm2 =	vmand vm2, vm3;
	vm1 =	vmand vm3, vm1;
	v11 =	vshrl.u32 v11, $0x1  }
0x86: {  	v6 =	vsel vm2, v43, v6;
	v7 =	vsel vm1, v9, v7  }
0x87: {  	v9 =	vadd.s32 v7, v6  }
0x88: {  	v9 =	vshrl.u32 v9, $0x1;
	_ =	sdelay $0x1  }
0x89: {  	v44 =	vld.idx.msk [tilespmem:v11+s1+$0x0], $0xffff;
	_ =	sdelay $0x2  }
0x8a: {  	v45 =	vld.idx.msk [tilespmem:v9+s1+$0x0], $0xffff  }
0x8b: {  	vm1 =	vlt.u32 v10, v8  }
0x8c: {  	v46 =	vadd.s32 $0x1, v11;
	vm2 =	vlt.s32 v44, v2;
	vm3 =	vge.s32 v44, v2  }
0x8d: {  	v47 =	vadd.s32 $0x1, v9;
	vm2 =	vmand vm2, vm1;
	vm1 =	vmand vm1, vm3  }
0x8e: {  	vm3 =	vlt.u32 v6, v7;
	v10 =	vsel vm2, v46, v10;
	v8 =	vsel vm1, v11, v8  }
0x8f: {  	vm2 =	vlt.s32 v45, v1;
	vm1 =	vge.s32 v45, v1;
	v11 =	vadd.s32 v8, v10  }
0x90: {  	vm2 =	vmand vm2, vm3;
	vm1 =	vmand vm3, vm1;
	v11 =	vshrl.u32 v11, $0x1  }
0x91: {  	v6 =	vsel vm2, v47, v6;
	v7 =	vsel vm1, v9, v7  }
0x92: {  	v9 =	vadd.s32 v7, v6  }
0x93: {  	v9 =	vshrl.u32 v9, $0x1;
	_ =	sdelay $0x1  }
0x94: {  	v48 =	vld.idx.msk [tilespmem:v11+s1+$0x0], $0xffff;
	_ =	sdelay $0x2  }
0x95: {  	v49 =	vld.idx.msk [tilespmem:v9+s1+$0x0], $0xffff  }
0x96: {  	vm1 =	vlt.u32 v10, v8  }
0x97: {  	v50 =	vadd.s32 $0x1, v11;
	vm2 =	vlt.s32 v48, v2;
	vm3 =	vge.s32 v48, v2  }
0x98: {  	v51 =	vadd.s32 $0x1, v9;
	vm2 =	vmand vm2, vm1;
	vm1 =	vmand vm1, vm3  }
0x99: {  	vm3 =	vlt.u32 v6, v7;
	v10 =	vsel vm2, v50, v10;
	v8 =	vsel vm1, v11, v8  }
0x9a: {  	vm2 =	vlt.s32 v49, v1;
	vm1 =	vge.s32 v49, v1;
	v11 =	vadd.s32 v8, v10  }
0x9b: {  	vm2 =	vmand vm2, vm3;
	vm1 =	vmand vm3, vm1;
	v11 =	vshrl.u32 v11, $0x1  }
0x9c: {  	v6 =	vsel vm2, v51, v6;
	v7 =	vsel vm1, v9, v7  }
0x9d: {  	v9 =	vadd.s32 v7, v6  }
0x9e: {  	v9 =	vshrl.u32 v9, $0x1;
	_ =	sdelay $0x1  }
0x9f: {  	v52 =	vld.idx.msk [tilespmem:v11+s1+$0x0], $0xffff;
	_ =	sdelay $0x2  }
0xa0: {  	v53 =	vld.idx.msk [tilespmem:v9+s1+$0x0], $0xffff  }
0xa1: {  	vm1 =	vlt.u32 v10, v8  }
0xa2: {  	v54 =	vadd.s32 $0x1, v11;
	vm2 =	vlt.s32 v52, v2;
	vm3 =	vge.s32 v52, v2  }
0xa3: {  	v55 =	vadd.s32 $0x1, v9;
	vm2 =	vmand vm2, vm1;
	vm1 =	vmand vm1, vm3  }
0xa4: {  	vm3 =	vlt.u32 v6, v7;
	v10 =	vsel vm2, v54, v10;
	v8 =	vsel vm1, v11, v8  }
0xa5: {  	vm2 =	vlt.s32 v53, v1;
	vm1 =	vge.s32 v53, v1;
	v11 =	vadd.s32 v8, v10  }
0xa6: {  	vm2 =	vmand vm2, vm3;
	vm1 =	vmand vm3, vm1;
	v11 =	vshrl.u32 v11, $0x1  }
0xa7: {  	v6 =	vsel vm2, v55, v6;
	v7 =	vsel vm1, v9, v7  }
0xa8: {  	v9 =	vadd.s32 v7, v6  }
0xa9: {  	v9 =	vshrl.u32 v9, $0x1;
	_ =	sdelay $0x1  }
0xaa: {  	v56 =	vld.idx.msk [tilespmem:v11+s1+$0x0], $0xffff;
	_ =	sdelay $0x2  }
0xab: {  	v57 =	vld.idx.msk [tilespmem:v9+s1+$0x0], $0xffff;
	_ =	sdelay $0x1  }
0xac: {  	vm1 =	vlt.u32 v10, v8;
	vm2 =	vlt.s32 v56, v2  }
0xad: {  	v14 =	vadd.s32 $0x1, v11;
	vm3 =	vge.s32 v56, v2;
	vm2 =	vmand vm2, vm1  }
0xae: {  	vm1 =	vmand vm1, vm3;
	v10 =	vsel vm2, v14, v10;
	vm2 =	vlt.u32 v6, v7  }
0xaf: {  	vm3 =	vlt.s32 v57, v1;
	v8 =	vsel vm1, v11, v8;
	vm1 =	vge.s32 v57, v1  }
0xb0: {  	v11 =	vadd.s32 $0x1, v9;
	vm3 =	vmand vm3, vm2;
	vm1 =	vmand vm2, vm1  }
0xb1: {  	v58 =	vadd.s32 v8, v10;
	v11 =	vsel vm3, v11, v6;
	v7 =	vsel vm1, v9, v7  }
0xb2: {  	v9 =	vshrl.u32 v58, $0x1;
	v6 =	vadd.s32 v7, v11  }
0xb3: {  	v59 =	vshrl.u32 v6, $0x1  }
0xb4: {  	v6 =	vmin.u32 v59, $0x3FFF;
	_ =	sdelay $0x2  }
0xb5: {  	v60 =	vld.idx.msk [tilespmem:v9+s1+$0x0], $0xffff;
	_ =	sdelay $0x1  }
0xb6: {  	v61 =	vld.idx.msk [tilespmem:v6+s1+$0x0], $0xffff;
	_ =	sdelay $0x2  }
0xb7: {  	vm1 =	vlt.u32 v10, v8;
	v6 =	vld [tilespmem:$0x1C000];
	vm2 =	vlt.s32 v60, v2;
	vm3 =	vge.s32 v60, v2  }
0xb8: {  	v15 =	vadd.s32 $0x1, v9;
	vm2 =	vmand vm2, vm1;
	vm1 =	vmand vm1, vm3  }
0xb9: {  	v10 =	vsel vm2, v15, v10;
	vm2 =	vlt.u32 v11, v7;
	vm3 =	vlt.s32 v61, v1  }
0xba: {  	v7 =	vadd.s32 $0x1, v59;
	vm2 =	vmand vm3, vm2  }
0xbb: {  	v8 =	vsel vm1, v9, v8;
	v7 =	vsel vm2, v7, v11  }
0xbc: {  	v9 =	vadd.s32 v8, v10;
	(xrf0) =	vmax.scan.msk.f32 $0xffff, v6;
	v11 =	vnsel vm0, $0x0, v7  }
0xbd: {  	v9 =	vshrl.u32 v9, $0x1;
	v11 =	vxor.u32 $0x80000000, v11  }
0xbe: {  	(xrf0) =	vmax.scan.msk.u32 $0xffff, v11;
	_ =	sdelay $0x3  }
0xbf: {  	v11 =	vld.idx.msk [tilespmem:v9+s1+$0x0], $0xffff;
	v62, _, _ =	vpop (xrf0)  }
0xc0: {  	(v2sf) =	vpush v62, $0xF  }
0xc1: {  	v63, _, _ =	vpop (xrf0)  }
0xc2: {  	(v2sf) =	vpush v63, $0xF;
	_ =	sdelay $0x1  }
0xc3: {  	vm1 =	vlt.u32 v10, v8;
	vm2 =	vge.s32 v11, v2;
	vm3 =	vlt.s32 v11, v2  }
0xc4: {  	v11 =	vadd.s32 $0x1, v9;
	vm3 =	vmand vm3, vm1;
	vm1 =	vmand vm1, vm2  }
0xc5: {  	v10 =	vsel vm3, v11, v10;
	v8 =	vsel vm1, v9, v8  }
0xc6: {  	v9 =	vadd.s32 v8, v10  }
0xc7: {  	v9 =	vshrl.u32 v9, $0x1  }
0xc8: {  	v11 =	vmin.u32 v9, $0x3FFF;
	_ =	sdelay $0x3  }
0xc9: {  	s26 =	rddreg [dreg:$0x6]  }
0xca: {  	v11 =	vld.idx.msk [tilespmem:v11+s1+$0x0], $0xffff;
	[tilespmem:s6], [sflag:$0x1] =	stream.linear.gather [hbm4b:s26+s6], $0x5000, $0x38  }
0xcb: {  	s29 =	rddreg [dreg:$0x8];
	s28 =	spop (v2sf)  }
0xcc: {  	[tilespmem:s16], [sflag:$0x2] =	stream.linear.gather [hbm4b:s29+s6], $0x5000, $0x38;
	[tilespmem:$0x1C080] =	vst v63  }
0xcd: {  	s30 =	spop (v2sf)  }
0xce: {  	s1 =	sxor.u32 $0x80000000, s30  }
0xcf: {  	s31 =	sshra.s32 s1, $0x1F  }
0xd0: {  	s3 =	sshrl.u32 s31, $0x1A  }
0xd1: {  	s1 =	sadd.s32 s3, s1  }
0xd2: {  	p6 =	slt.f32 s28, $1.000000000e+00;
	s1 =	sand.u32 $0xFFFFFFC0, s1  }
.Ltmp2:
0xd3: {  	p1 =	sgt.f32 s28, $1.000000000e+00;
	p0 =	slt.s32 s1, $0x3FC0;
	(pc) =	sbr.rel .LBB2_2-.Ltmp2, $4  }
0xd4: {  	vm1 =	vlt.u32 v10, v8;
	vm2 =	vlt.s32 v11, v2;
	s1 =	simm.s32 @!p0 $0x3FC0  }
0xd5: {  	v8 =	vadd.s32 $0x1, v9;
	vm1 =	vmand vm2, vm1;
	p0 =	por p1, p6;
	s1 =	sshll.u32 s1, $0x4  }
0xd6: {  	s0 =	simm.s32 $0x0;
	v8 =	vsel vm1, v8, v10;
	p0 =	por !p0, !p0;
	s1 =	sadd.s32 s2, s1  }
0xd7: {  	v7 =	vxor.u32 $0x80000000, v7;
	v8 =	vxor.u32 $0x80000000, v8;
	[tilespmem:s17], [sflag:$0x9] =	stream.linear.gather [hbm4b:s1+s6], $0x2000, $0x38;
	[tilespmem:$0x1C080] =	vst v63  }
.LBB2_106:
0xd8: {  	s0 =	sadd.s32 $0x1, s0  }
0xd9: {  	p1 =	sne.s32 s0, $0x5  }
.Ltmp3:
0xda: {  	_ = 	snop;
	(pc) =	sbr.rel @!p1 .LBB2_107-.Ltmp3, $4  }
0xdb: {  	_ = 	snop  }
0xdc: {  	s1 =	rddreg [dreg:$0x4]  }
0xdd: {  	s1 =	sadd.s32 s1, s10  }
0xde: {  	[hbm4b:s1+s6] =	stream.linear.scatter [tilespmem:s22], [sflag:$0x8], $0x5000, $0x38;
	[tilespmem:$0x1C080] =	vst v63  }
.LBB2_2:
0xdf: {  	s4 =	sshll.u32 s0, $0x2  }
0xe0: {  	p2 =	seq.s32 s0, $0x0;
	v9 =	vmov s4;
	s1 =	sadd.s32 $0xFFFFFFF0, s4  }
0xe1: {  	s5 =	simm.s32 @!p2 $0x7;
	vm1 =	veq.s32 v9, v0;
	v9 =	vmov s1  }
0xe2: {  	s3 =	sor.u32 $0x1, s4;
	_ =	swait.ge @!p2 [sflag:s5], $0x5000;
	v10 =	vnsel vm1, $0x80000000, v7;
	vm1 =	veq.s32 v9, v0  }
0xe3: {  	s21 =	sadd.s32 $0xFFFFFFF1, s4;
	v9 =	vmov s3;
	(xrf0) =	vmax.scan.msk.u32 $0xffff, v10;
	v10 =	vnsel vm1, $0x80000000, v8  }
0xe4: {  	vm1 =	veq.s32 v9, v0;
	(xrf0) =	vmax.scan.msk.u32 $0xffff, v10;
	v10 =	vmov s21  }
0xe5: {  	v9 =	vnsel vm1, $0x80000000, v7;
	vm1 =	veq.s32 v10, v0  }
0xe6: {  	(xrf0) =	vmax.scan.msk.u32 $0xffff, v9;
	v9 =	vnsel vm1, $0x80000000, v8  }
0xe7: {  	(xrf0) =	vmax.scan.msk.u32 $0xffff, v9;
	_ =	sdelay $0x2  }
0xe8: {  	v9, _, _ =	vpop (xrf0)  }
0xe9: {  	v10, _, _ =	vpop (xrf0);
	(v2sf) =	vpush v9, $0xF  }
0xea: {  	v9, _, _ =	vpop (xrf0);
	(v2sf) =	vpush v10, $0xF  }
0xeb: {  	(v2sf) =	vpush v9, $0xF;
	v9, _, _ =	vpop (xrf0)  }
0xec: {  	(v2sf) =	vpush v9, $0xF;
	_ =	sdelay $0x4  }
0xed: {  	s8 =	sor.u32 $0x2, s4  }
0xee: {  	s23 =	smul.u32 $0xA0, s8  }
0xef: {  	[sflag:s5] =	ssyncset.done @!p2 $0x0  }
0xf0: {  	s12 =	sadd.s32 s7, s23;
	[sflag:s5] =	ssyncadd.s32 @!p2 $0xFFFFB000  }
0xf1: {  	s15 =	sshll.u32 s12, $0x4;
	s5 =	rddreg [dreg:$0x0]  }
0xf2: {  	s5 =	sadd.s32 s5, s15  }
0xf3: {  	[tilespmem:s18], [sflag:$0x3] =	stream.linear.gather [hbm4b:s5+s6], $0x5000, $0x38;
	[tilespmem:$0x1C080] =	vst v63  }
0xf4: {  	s10 =	spop (v2sf)  }
0xf5: {  	s1 =	spop (v2sf)  }
0xf6: {  	s9 =	spop (v2sf)  }
0xf7: {  	p1 =	seq.s32 s0, $0x4;
	s5 =	spop (v2sf)  }
0xf8: {  	s9 =	smov.u32 @p1 s5  }
0xf9: {  	s28 =	sxor.u32 $0x80000000, s9  }
0xfa: {  	s25 =	sshra.s32 s28, $0x1F  }
0xfb: {  	s5 =	sshrl.u32 s25, $0x1A  }
0xfc: {  	s5 =	sadd.s32 s5, s28  }
0xfd: {  	s30 =	sand.u32 $0xFFFFFFC0, s5  }
0xfe: {  	p3 =	slt.s32 s30, $0x3FC0  }
0xff: {  	s30 =	simm.s32 @!p3 $0x3FC0  }
0x100: {  	s10 =	smov.u32 @p1 s1;
	s26 =	sshll.u32 s30, $0x4  }
0x101: {  	s29 =	simm.s32 $0x1;
	s10 =	sxor.u32 $0x80000000, s10;
	s5 =	sadd.s32 s2, s26  }
0x102: {  	[tilespmem:s19], [sflag:$0xA] =	stream.linear.gather [hbm4b:s5+s6], $0x2000, $0x38;
	[tilespmem:$0x1C080] =	vst v63  }
0x103: {  	p3 =	sge.s32 s10, s28;
	_ =	swait.ge [sflag:s29], $0x5000  }
.Ltmp4:
0x104: {  	[sflag:s29] =	ssyncset.done $0x0;
	(pc) =	sbr.rel @p3 .LBB2_28-.Ltmp4, $4  }
0x105: {  	s31 =	simm.s32 $0x9;
	[sflag:s29] =	ssyncadd.s32 $0xFFFFB000  }
0x106: {  	s9 =	smul.u32 $0x280, s0;
	_ =	swait.ge [sflag:s31], $0x2000  }
0x107: {  	[sflag:s31] =	ssyncset.done $0x0  }
0x108: {  	s13 =	sadd.s32 s7, s9;
	[sflag:s31] =	ssyncadd.s32 $0xFFFFE000  }
.Ltmp5:
0x109: {  	(pc) =	sbr.rel @p0 .LBB2_7-.Ltmp5, $1  }
0x10a: {  	_ =	sdelay $0x3  }
0x10b: {  	s1 =	simm.s32 $0x0  }
0x10c: {  	v12 =	vld [tilespmem:s1+$0x18000]  }
0x10d: {  	v14 =	vld [tilespmem:s1+$0x18010]  }
0x10e: {  	v13 =	vld [tilespmem:s1+$0x18020]  }
0x10f: {  	v11 =	vld [tilespmem:s1+$0x18030]  }
0x110: {  	v9 =	vld [tilespmem:s1+$0x18040]  }
0x111: {  	v10 =	vld [tilespmem:s1+$0x18050];
	v15 =	vmul.f32 v12, v6  }
0x112: {  	s5 =	simm.s32 $0x200;
	v14 =	vmul.f32 v14, v6;
	v12 =	vld [tilespmem:s1+$0x18060]  }
.LBB2_5:
0x113: {  	s11 =	sshra.s32 s5, $0x2;
	p3 =	sne.s32 s5, $0x7E00;
	[tilespmem:s1+$0x18000] =	vst v15;
	v13 =	vmul.f32 v13, v6;
	v15 =	vld [tilespmem:s1+$0x18070]  }
0x114: {  	v16 =	vld [tilespmem:s11+$0x18000];
	[tilespmem:s1+$0x18010] =	vst v14;
	v11 =	vmul.f32 v11, v6  }
0x115: {  	v14 =	vld [tilespmem:s11+$0x18010];
	[tilespmem:s1+$0x18020] =	vst v13;
	v9 =	vmul.f32 v9, v6  }
.Ltmp6:
0x116: {  	v13 =	vld [tilespmem:s11+$0x18020];
	[tilespmem:s1+$0x18030] =	vst v11;
	v10 =	vmul.f32 v10, v6;
	(pc) =	sbr.rel @p3 .LBB2_5-.Ltmp6, $4  }
0x117: {  	v11 =	vld [tilespmem:s11+$0x18030];
	[tilespmem:s1+$0x18040] =	vst v9;
	v12 =	vmul.f32 v12, v6  }
0x118: {  	v9 =	vld [tilespmem:s11+$0x18040];
	[tilespmem:s1+$0x18050] =	vst v10;
	v17 =	vmul.f32 v15, v6  }
0x119: {  	v15 =	vmul.f32 v16, v6;
	v10 =	vld [tilespmem:s11+$0x18050];
	[tilespmem:s1+$0x18060] =	vst v12  }
0x11a: {  	s5 =	sadd.s32 $0x200, s5;
	v14 =	vmul.f32 v14, v6;
	v12 =	vld [tilespmem:s11+$0x18060];
	[tilespmem:s1+$0x18070] =	vst v17;
	s1 =	smov.u32 s11  }
0x11b: {  	[tilespmem:s1+$0x18000] =	vst v15;
	v13 =	vmul.f32 v13, v6;
	v63 =	vld [tilespmem:s1+$0x18070]  }
0x11c: {  	[tilespmem:s1+$0x18010] =	vst v14;
	v11 =	vmul.f32 v11, v6  }
0x11d: {  	[tilespmem:s1+$0x18020] =	vst v13;
	v9 =	vmul.f32 v9, v6  }
0x11e: {  	[tilespmem:s1+$0x18030] =	vst v11;
	v10 =	vmul.f32 v10, v6  }
0x11f: {  	[tilespmem:s1+$0x18040] =	vst v9;
	v9 =	vmul.f32 v12, v6  }
0x120: {  	[tilespmem:s1+$0x18050] =	vst v10;
	v10 =	vmul.f32 v63, v6  }
0x121: {  	[tilespmem:s1+$0x18060] =	vst v9  }
0x122: {  	[tilespmem:s1+$0x18070] =	vst v10  }
.LBB2_7:
0x123: {  	s1 =	sshra.s32 s10, $0x1F  }
0x124: {  	s1 =	sshrl.u32 s1, $0x1A  }
0x125: {  	s1 =	sadd.s32 s1, s10  }
0x126: {  	s11 =	sand.u32 $0xFFFFFFC0, s1  }
0x127: {  	p3 =	slt.s32 s11, $0x3FC0  }
0x128: {  	s11 =	simm.s32 @!p3 $0x3FC0  }
0x129: {  	s29 =	sadd.s32 $0x40, s11;
	p3 =	sgt.s32 s10, s11  }
0x12a: {  	s1 =	smov.u32 s11;
	p4 =	slt.s32 s28, s29;
	s5 =	smov.u32 s29  }
0x12b: {  	s1 =	smov.u32 @p3 s10;
	s5 =	smov.u32 @p4 s28  }
0x12c: {  	p3 =	sle.s32 s5, s1  }
.Ltmp7:
0x12d: {  	_ = 	snop;
	(pc) =	sbr.rel @p3 .LBB2_10-.Ltmp7, $1  }
0x12e: {  	_ =	sdelay $0x3  }
0x12f: {  	s5 =	ssub.s32 s5, s1  }
0x130: {  	s20 =	sshll.u32 s1, $0x9;
	s21 =	sshll.u32 s11, $0x9;
	p4 =	seq.s32 s5, $0x1  }
.Ltmp8:
0x131: {  	s25 =	sadd.s32 $0x14000, s11;
	s20 =	ssub.s32 s20, s21;
	(pc) =	sbr.rel @p4 .LBB2_9-.Ltmp8, $4  }
0x132: {  	v10 =	vmov s25;
	s23 =	sshra.s32 s20, $0x2;
	s20 =	ssub.s32 s1, s11  }
0x133: {  	s1 =	sshra.s32 s20, $0x1F  }
0x134: {  	p3 =	por $0x0, $0x0;
	s26 =	sshrl.u32 s1, $0x1C  }
0x135: {  	v9 =	vmov s13;
	s31 =	sadd.s32 $0x18040, s23;
	s1 =	sadd.s32 $0xFFFFFFFF, s5;
	s5 =	sadd.s32 s26, s20  }
0x136: {  	_ =	sdelay $0x2  }
0x137: {  	s5 =	sand.u32 $0xFFFFFFF0, s5  }
0x138: {  	v11 =	vld.idx.msk [tilespmem:v10+s5+$0x0 ss:$0x1], $0xffff;
	_ =	sdelay $0x3  }
0x139: {  	v12 =	vmov s20  }
0x13a: {  	v11 =	vperm.xlane v11, v12;
	_ =	sdelay $0x1  }
0x13b: {  	v11 =	vsub.s32 v11, v9  }
0x13c: {  	vm1 =	vgt.s32 v11, $0x0  }
0x13d: {  	v12 =	vnsel vm1, $0x0, v11  }
0x13e: {  	v12 =	vmin.u32 v12, $0x9F  }
0x13f: {  	vm1 =	vlt.u32 v11, $0xA0;
	v19 =	vshll.u32 v12, $0x7  }
0x140: {  	v11 =	vld [tilespmem:s31+$0xFFFFFFC0];
	v12 =	vor.u32 v0, v19;
	_ =	sdelay $0x4  }
0x141: {  	[tilespmem:v12+s6+$0x0] =	vst.idx.add.f32.msk vm1, v11;
	v11 =	vor.u32 $0x10, v0  }
0x142: {  	v12 =	vld [tilespmem:s31+$0xFFFFFFD0];
	v13 =	vor.u32 v11, v19;
	_ =	sdelay $0x4  }
0x143: {  	[tilespmem:v13+s6+$0x0] =	vst.idx.add.f32.msk vm1, v12;
	v12 =	vor.u32 $0x20, v0  }
0x144: {  	v13 =	vld [tilespmem:s31+$0xFFFFFFE0];
	v14 =	vor.u32 v12, v19;
	_ =	sdelay $0x4  }
0x145: {  	[tilespmem:v14+s6+$0x0] =	vst.idx.add.f32.msk vm1, v13;
	v13 =	vor.u32 $0x30, v0  }
0x146: {  	v14 =	vld [tilespmem:s31+$0xFFFFFFF0];
	v15 =	vor.u32 v13, v19;
	_ =	sdelay $0x4  }
0x147: {  	[tilespmem:v15+s6+$0x0] =	vst.idx.add.f32.msk vm1, v14;
	v14 =	vor.u32 $0x40, v0  }
0x148: {  	v15 =	vld [tilespmem:s31+$0x0];
	v16 =	vor.u32 v14, v19;
	_ =	sdelay $0x4  }
0x149: {  	[tilespmem:v16+s6+$0x0] =	vst.idx.add.f32.msk vm1, v15;
	v15 =	vor.u32 $0x50, v0  }
0x14a: {  	v16 =	vld [tilespmem:s31+$0x10];
	v17 =	vor.u32 v15, v19;
	_ =	sdelay $0x4  }
0x14b: {  	[tilespmem:v17+s6+$0x0] =	vst.idx.add.f32.msk vm1, v16;
	v16 =	vor.u32 $0x60, v0  }
0x14c: {  	v17 =	vld [tilespmem:s31+$0x20];
	v18 =	vor.u32 v16, v19;
	_ =	sdelay $0x4  }
0x14d: {  	p4 =	seq.s32 s1, $0x1;
	[tilespmem:v18+s6+$0x0] =	vst.idx.add.f32.msk vm1, v17;
	v17 =	vor.u32 $0x70, v0  }
.Ltmp9:
0x14e: {  	v18 =	vld [tilespmem:s31+$0x30];
	v19 =	vor.u32 v17, v19;
	(pc) =	sbr.rel @p4 .LBB2_13-.Ltmp9, $4  }
0x14f: {  	s20 =	sadd.s32 $0x1, s20  }
0x150: {  	s26 =	sshra.s32 s20, $0x1F  }
0x151: {  	s25 =	sadd.s32 $0xFFFFFFFF, s1;
	s5 =	sshrl.u32 s26, $0x1C  }
0x152: {  	p3 =	por $0x1, $0x1;
	s23 =	smov.u32 s31;
	s5 =	sadd.s32 s5, s20  }
.LBB2_14:
0x153: {  	p4 =	seq.s32 s25, $0x1;
	s1 =	sand.u32 $0xFFFFFFF0, s5;
	[tilespmem:v19+s6+$0x0] =	vst.idx.add.f32.msk vm1, v18;
	s23 =	sadd.s32 $0x80, s23  }
0x154: {  	s25 =	sadd.s32 $0xFFFFFFFF, s25;
	v18 =	vld.idx.msk [tilespmem:v10+s1+$0x0 ss:$0x1], $0xffff;
	_ =	sdelay $0x4  }
0x155: {  	v19 =	vmov s20  }
0x156: {  	v18 =	vperm.xlane v18, v19;
	_ =	sdelay $0x1  }
0x157: {  	v18 =	vsub.s32 v18, v9  }
0x158: {  	vm1 =	vgt.s32 v18, $0x0  }
0x159: {  	v19 =	vnsel vm1, $0x0, v18  }
0x15a: {  	v19 =	vmin.u32 v19, $0x9F  }
0x15b: {  	vm1 =	vlt.u32 v18, $0xA0;
	v19 =	vshll.u32 v19, $0x7  }
0x15c: {  	v20 =	vor.u32 v0, v19;
	v18 =	vld [tilespmem:s23+$0xFFFFFFC0];
	_ =	sdelay $0x4  }
0x15d: {  	[tilespmem:v20+s6+$0x0] =	vst.idx.add.f32.msk vm1, v18  }
0x15e: {  	v20 =	vor.u32 v11, v19;
	v18 =	vld [tilespmem:s23+$0xFFFFFFD0];
	_ =	sdelay $0x4  }
0x15f: {  	[tilespmem:v20+s6+$0x0] =	vst.idx.add.f32.msk vm1, v18  }
0x160: {  	v20 =	vor.u32 v12, v19;
	v18 =	vld [tilespmem:s23+$0xFFFFFFE0];
	_ =	sdelay $0x4  }
0x161: {  	[tilespmem:v20+s6+$0x0] =	vst.idx.add.f32.msk vm1, v18  }
0x162: {  	v20 =	vor.u32 v13, v19;
	v18 =	vld [tilespmem:s23+$0xFFFFFFF0];
	_ =	sdelay $0x4  }
0x163: {  	[tilespmem:v20+s6+$0x0] =	vst.idx.add.f32.msk vm1, v18  }
0x164: {  	v20 =	vor.u32 v14, v19;
	v18 =	vld [tilespmem:s23+$0x0];
	_ =	sdelay $0x4  }
0x165: {  	[tilespmem:v20+s6+$0x0] =	vst.idx.add.f32.msk vm1, v18  }
0x166: {  	v20 =	vor.u32 v15, v19;
	v18 =	vld [tilespmem:s23+$0x10];
	_ =	sdelay $0x4  }
0x167: {  	[tilespmem:v20+s6+$0x0] =	vst.idx.add.f32.msk vm1, v18  }
0x168: {  	v20 =	vor.u32 v16, v19;
	v18 =	vld [tilespmem:s23+$0x20];
	_ =	sdelay $0x4  }
0x169: {  	[tilespmem:v20+s6+$0x0] =	vst.idx.add.f32.msk vm1, v18  }
.Ltmp10:
0x16a: {  	v19 =	vor.u32 v17, v19;
	v18 =	vld [tilespmem:s23+$0x30];
	(pc) =	sbr.rel @!p4 .LBB2_14-.Ltmp10, $4  }
0x16b: {  	s20 =	sadd.s32 $0x1, s20  }
0x16c: {  	s1 =	sshra.s32 s20, $0x1F  }
0x16d: {  	s1 =	sshrl.u32 s1, $0x1C  }
0x16e: {  	s5 =	sadd.s32 s1, s20  }
.LBB2_15:
0x16f: {  	_ =	sdelay $0x4  }
0x170: {  	s1 =	sand.u32 $0xFFFFFFF0, s5;
	[tilespmem:v19+s6+$0x0] =	vst.idx.add.f32.msk @p3 vm1, v18  }
0x171: {  	v10 =	vld.idx.msk [tilespmem:v10+s1+$0x0 ss:$0x1], $0xffff;
	_ =	sdelay $0x3  }
0x172: {  	v11 =	vmov s20  }
0x173: {  	v10 =	vperm.xlane v10, v11;
	_ =	sdelay $0x1  }
0x174: {  	v9 =	vsub.s32 v10, v9  }
0x175: {  	vm1 =	vgt.s32 v9, $0x0  }
0x176: {  	v10 =	vnsel vm1, $0x0, v9  }
0x177: {  	s1 =	sadd.s32 @p3 $0x80, s23;
	v10 =	vmin.u32 v10, $0x9F  }
0x178: {  	s31 =	smov.u32 @p3 s1;
	vm1 =	vlt.u32 v9, $0xA0;
	v9 =	vshll.u32 v10, $0x7  }
0x179: {  	v10 =	vld [tilespmem:s31+$0xFFFFFFC0];
	v11 =	vor.u32 v0, v9;
	_ =	sdelay $0x4  }
0x17a: {  	[tilespmem:v11+s6+$0x0] =	vst.idx.add.f32.msk vm1, v10;
	v10 =	vor.u32 $0x10, v0  }
0x17b: {  	v11 =	vld [tilespmem:s31+$0xFFFFFFD0];
	v10 =	vor.u32 v10, v9;
	_ =	sdelay $0x4  }
0x17c: {  	[tilespmem:v10+s6+$0x0] =	vst.idx.add.f32.msk vm1, v11;
	v10 =	vor.u32 $0x20, v0  }
0x17d: {  	v11 =	vld [tilespmem:s31+$0xFFFFFFE0];
	v10 =	vor.u32 v10, v9;
	_ =	sdelay $0x4  }
0x17e: {  	[tilespmem:v10+s6+$0x0] =	vst.idx.add.f32.msk vm1, v11;
	v10 =	vor.u32 $0x30, v0  }
0x17f: {  	v11 =	vld [tilespmem:s31+$0xFFFFFFF0];
	v10 =	vor.u32 v10, v9;
	_ =	sdelay $0x4  }
0x180: {  	[tilespmem:v10+s6+$0x0] =	vst.idx.add.f32.msk vm1, v11;
	v10 =	vor.u32 $0x40, v0  }
0x181: {  	v11 =	vld [tilespmem:s31+$0x0];
	v10 =	vor.u32 v10, v9;
	_ =	sdelay $0x4  }
0x182: {  	[tilespmem:v10+s6+$0x0] =	vst.idx.add.f32.msk vm1, v11;
	v10 =	vor.u32 $0x50, v0  }
0x183: {  	v11 =	vld [tilespmem:s31+$0x10];
	v10 =	vor.u32 v10, v9;
	_ =	sdelay $0x4  }
0x184: {  	[tilespmem:v10+s6+$0x0] =	vst.idx.add.f32.msk vm1, v11;
	v10 =	vor.u32 $0x60, v0  }
0x185: {  	v11 =	vld [tilespmem:s31+$0x20];
	v10 =	vor.u32 v10, v9;
	_ =	sdelay $0x4  }
0x186: {  	[tilespmem:v10+s6+$0x0] =	vst.idx.add.f32.msk vm1, v11;
	v10 =	vor.u32 $0x70, v0  }
0x187: {  	v11 =	vld [tilespmem:s31+$0x30];
	v9 =	vor.u32 v10, v9;
	_ =	sdelay $0x4  }
0x188: {  	[tilespmem:v9+s6+$0x0] =	vst.idx.add.f32.msk vm1, v11  }
.LBB2_10:
0x189: {  	p3 =	sge.s32 s29, s28  }
.Ltmp11:
0x18a: {  	_ = 	snop;
	(pc) =	sbr.rel @p3 .LBB2_28-.Ltmp11, $1  }
0x18b: {  	_ =	sdelay $0x3  }
.Ltmp12:
0x18c: {  	(pc) =	sbr.rel .LBB2_17-.Ltmp12, $2  }
0x18d: {  	_ =	sdelay $0x2  }
0x18e: {  	v9 =	vmov s13;
	s11 =	ssub.s32 $0xFFFFFFC0, s11  }
.LBB2_23:
0x18f: {  	s31 =	smov.u32 s20  }
.LBB2_27:
0x190: {  	_ =	sdelay $0x4  }
0x191: {  	s5 =	sand.u32 $0xFFFFFFF0, s26;
	[tilespmem:v19+s6+$0x0] =	vst.idx.add.f32.msk @p3 vm1, v18  }
0x192: {  	v10 =	vld.idx.msk [tilespmem:v10+s5+$0x0 ss:$0x1], $0xffff;
	_ =	sdelay $0x3  }
0x193: {  	v11 =	vmov s1  }
0x194: {  	v10 =	vperm.xlane v10, v11;
	_ =	sdelay $0x1  }
0x195: {  	v10 =	vsub.s32 v10, v9  }
0x196: {  	vm1 =	vgt.s32 v10, $0x0  }
0x197: {  	v11 =	vnsel vm1, $0x0, v10  }
0x198: {  	s1 =	sadd.s32 @p3 $0x80, s31;
	v11 =	vmin.u32 v11, $0x9F  }
0x199: {  	s20 =	smov.u32 @p3 s1;
	vm1 =	vlt.u32 v10, $0xA0;
	v10 =	vshll.u32 v11, $0x7  }
0x19a: {  	v11 =	vld [tilespmem:s20+$0xFFFFFFC0];
	v12 =	vor.u32 v0, v10;
	_ =	sdelay $0x4  }
0x19b: {  	[tilespmem:v12+s6+$0x0] =	vst.idx.add.f32.msk vm1, v11;
	v11 =	vor.u32 $0x10, v0  }
0x19c: {  	v12 =	vld [tilespmem:s20+$0xFFFFFFD0];
	v11 =	vor.u32 v11, v10;
	_ =	sdelay $0x4  }
0x19d: {  	[tilespmem:v11+s6+$0x0] =	vst.idx.add.f32.msk vm1, v12;
	v11 =	vor.u32 $0x20, v0  }
0x19e: {  	v12 =	vld [tilespmem:s20+$0xFFFFFFE0];
	v11 =	vor.u32 v11, v10;
	_ =	sdelay $0x4  }
0x19f: {  	[tilespmem:v11+s6+$0x0] =	vst.idx.add.f32.msk vm1, v12;
	v11 =	vor.u32 $0x30, v0  }
0x1a0: {  	v12 =	vld [tilespmem:s20+$0xFFFFFFF0];
	v11 =	vor.u32 v11, v10;
	_ =	sdelay $0x4  }
0x1a1: {  	[tilespmem:v11+s6+$0x0] =	vst.idx.add.f32.msk vm1, v12;
	v11 =	vor.u32 $0x40, v0  }
0x1a2: {  	v12 =	vld [tilespmem:s20+$0x0];
	v11 =	vor.u32 v11, v10;
	_ =	sdelay $0x4  }
0x1a3: {  	[tilespmem:v11+s6+$0x0] =	vst.idx.add.f32.msk vm1, v12;
	v11 =	vor.u32 $0x50, v0  }
0x1a4: {  	v12 =	vld [tilespmem:s20+$0x10];
	v11 =	vor.u32 v11, v10;
	_ =	sdelay $0x4  }
0x1a5: {  	[tilespmem:v11+s6+$0x0] =	vst.idx.add.f32.msk vm1, v12;
	v11 =	vor.u32 $0x60, v0  }
0x1a6: {  	v12 =	vld [tilespmem:s20+$0x20];
	v11 =	vor.u32 v11, v10;
	_ =	sdelay $0x4  }
0x1a7: {  	[tilespmem:v11+s6+$0x0] =	vst.idx.add.f32.msk vm1, v12;
	v11 =	vor.u32 $0x70, v0  }
0x1a8: {  	v12 =	vld [tilespmem:s20+$0x30];
	v10 =	vor.u32 v11, v10;
	_ =	sdelay $0x4  }
0x1a9: {  	[tilespmem:v10+s6+$0x0] =	vst.idx.add.f32.msk vm1, v12  }
.LBB2_16:
0x1aa: {  	p3 =	sge.s32 s29, s28  }
.Ltmp13:
0x1ab: {  	_ = 	snop;
	(pc) =	sbr.rel @p3 .LBB2_28-.Ltmp13, $2  }
0x1ac: {  	_ =	sdelay $0x2  }
0x1ad: {  	s11 =	sadd.s32 $0xFFFFFFC0, s11  }
.LBB2_17:
0x1ae: {  	s1 =	sshll.u32 s29, $0x4  }
.Ltmp14:
0x1af: {  	s5 =	simm.s32 $0x0;
	s1 =	sadd.s32 s2, s1;
	(pc) =	sbr.rel @p0 .LBB2_21-.Ltmp14, $4  }
0x1b0: {  	[tilespmem:s17], [sflag:$0xB] =	stream.linear.gather [hbm4b:s1+s5], $0x2000, $0x38;
	[tilespmem:$0x1C080] =	vst v63  }
0x1b1: {  	_ =	swait.ge [sflag:s14], $0x2000  }
0x1b2: {  	[sflag:s14] =	ssyncset.done $0x0  }
0x1b3: {  	s20 =	smov.u32 s29;
	[sflag:s14] =	ssyncadd.s32 $0xFFFFE000  }
0x1b4: {  	s1 =	simm.s32 $0x0  }
0x1b5: {  	v13 =	vld [tilespmem:s1+$0x18000]  }
0x1b6: {  	v15 =	vld [tilespmem:s1+$0x18010]  }
0x1b7: {  	v14 =	vld [tilespmem:s1+$0x18020]  }
0x1b8: {  	v12 =	vld [tilespmem:s1+$0x18030]  }
0x1b9: {  	v10 =	vld [tilespmem:s1+$0x18040]  }
0x1ba: {  	v11 =	vld [tilespmem:s1+$0x18050];
	v16 =	vmul.f32 v13, v6  }
0x1bb: {  	s5 =	simm.s32 $0x200;
	v15 =	vmul.f32 v15, v6;
	v13 =	vld [tilespmem:s1+$0x18060]  }
.LBB2_19:
0x1bc: {  	s21 =	sshra.s32 s5, $0x2;
	p3 =	sne.s32 s5, $0x7E00;
	[tilespmem:s1+$0x18000] =	vst v16;
	v14 =	vmul.f32 v14, v6;
	v16 =	vld [tilespmem:s1+$0x18070]  }
0x1bd: {  	v17 =	vld [tilespmem:s21+$0x18000];
	[tilespmem:s1+$0x18010] =	vst v15;
	v12 =	vmul.f32 v12, v6  }
0x1be: {  	v15 =	vld [tilespmem:s21+$0x18010];
	[tilespmem:s1+$0x18020] =	vst v14;
	v10 =	vmul.f32 v10, v6  }
.Ltmp15:
0x1bf: {  	v14 =	vld [tilespmem:s21+$0x18020];
	[tilespmem:s1+$0x18030] =	vst v12;
	v11 =	vmul.f32 v11, v6;
	(pc) =	sbr.rel @p3 .LBB2_19-.Ltmp15, $4  }
0x1c0: {  	v12 =	vld [tilespmem:s21+$0x18030];
	[tilespmem:s1+$0x18040] =	vst v10;
	v13 =	vmul.f32 v13, v6  }
0x1c1: {  	v10 =	vld [tilespmem:s21+$0x18040];
	[tilespmem:s1+$0x18050] =	vst v11;
	v18 =	vmul.f32 v16, v6  }
0x1c2: {  	v16 =	vmul.f32 v17, v6;
	v11 =	vld [tilespmem:s21+$0x18050];
	[tilespmem:s1+$0x18060] =	vst v13  }
0x1c3: {  	s5 =	sadd.s32 $0x200, s5;
	v15 =	vmul.f32 v15, v6;
	v13 =	vld [tilespmem:s21+$0x18060];
	[tilespmem:s1+$0x18070] =	vst v18;
	s1 =	smov.u32 s21  }
0x1c4: {  	[tilespmem:s1+$0x18000] =	vst v16;
	v14 =	vmul.f32 v14, v6;
	v63 =	vld [tilespmem:s1+$0x18070]  }
0x1c5: {  	[tilespmem:s1+$0x18010] =	vst v15;
	v12 =	vmul.f32 v12, v6  }
0x1c6: {  	[tilespmem:s1+$0x18020] =	vst v14;
	v10 =	vmul.f32 v10, v6  }
0x1c7: {  	[tilespmem:s1+$0x18030] =	vst v12;
	v11 =	vmul.f32 v11, v6  }
0x1c8: {  	[tilespmem:s1+$0x18040] =	vst v10;
	v10 =	vmul.f32 v13, v6  }
0x1c9: {  	[tilespmem:s1+$0x18050] =	vst v11;
	v11 =	vmul.f32 v63, v6  }
0x1ca: {  	[tilespmem:s1+$0x18060] =	vst v10  }
0x1cb: {  	[tilespmem:s1+$0x18070] =	vst v11  }
.LBB2_21:
0x1cc: {  	s29 =	sadd.s32 $0x40, s20;
	p3 =	sgt.s32 s10, s20  }
0x1cd: {  	s5 =	smov.u32 s20;
	p4 =	slt.s32 s28, s29;
	s23 =	smov.u32 s29  }
0x1ce: {  	s5 =	smov.u32 @p3 s10;
	s23 =	smov.u32 @p4 s28  }
0x1cf: {  	p3 =	sge.s32 s5, s23  }
.Ltmp16:
0x1d0: {  	_ = 	snop;
	(pc) =	sbr.rel @p3 .LBB2_16-.Ltmp16, $1  }
0x1d1: {  	_ =	sdelay $0x3  }
0x1d2: {  	p3 =	sgt.s32 s20, s10;
	s1 =	smov.u32 s10  }
0x1d3: {  	s1 =	smov.u32 @p3 s20  }
0x1d4: {  	s1 =	sadd.s32 s11, s1  }
0x1d5: {  	s21 =	sshll.u32 s1, $0x9;
	s1 =	sadd.s32 s5, s11;
	s5 =	sadd.s32 $0x1, s5  }
0x1d6: {  	p4 =	slt.s32 s5, s23  }
.Ltmp17:
0x1d7: {  	_ = 	snop;
	(pc) =	sbr.rel @!p4 .LBB2_23-.Ltmp17, $4  }
0x1d8: {  	s31 =	sadd.s32 $0x14000, s20  }
0x1d9: {  	v10 =	vmov s31;
	s25 =	sshra.s32 s1, $0x1F  }
0x1da: {  	s21 =	sshra.s32 s21, $0x2;
	s25 =	sshrl.u32 s25, $0x1C  }
0x1db: {  	p3 =	por $0x0, $0x0;
	s20 =	sadd.s32 $0x18040, s21;
	s26 =	sadd.s32 s25, s1  }
0x1dc: {  	_ =	sdelay $0x2  }
0x1dd: {  	s21 =	sand.u32 $0xFFFFFFF0, s26  }
0x1de: {  	v11 =	vld.idx.msk [tilespmem:v10+s21+$0x0 ss:$0x1], $0xffff;
	_ =	sdelay $0x3  }
0x1df: {  	v12 =	vmov s1  }
0x1e0: {  	v11 =	vperm.xlane v11, v12;
	_ =	sdelay $0x1  }
0x1e1: {  	v11 =	vsub.s32 v11, v9  }
0x1e2: {  	vm1 =	vgt.s32 v11, $0x0  }
0x1e3: {  	v12 =	vnsel vm1, $0x0, v11  }
0x1e4: {  	v12 =	vmin.u32 v12, $0x9F  }
0x1e5: {  	vm1 =	vlt.u32 v11, $0xA0;
	v19 =	vshll.u32 v12, $0x7  }
0x1e6: {  	v11 =	vld [tilespmem:s20+$0xFFFFFFC0];
	v12 =	vor.u32 v0, v19;
	_ =	sdelay $0x4  }
0x1e7: {  	[tilespmem:v12+s6+$0x0] =	vst.idx.add.f32.msk vm1, v11;
	v11 =	vor.u32 $0x10, v0  }
0x1e8: {  	v12 =	vld [tilespmem:s20+$0xFFFFFFD0];
	v13 =	vor.u32 v11, v19;
	_ =	sdelay $0x4  }
0x1e9: {  	[tilespmem:v13+s6+$0x0] =	vst.idx.add.f32.msk vm1, v12;
	v12 =	vor.u32 $0x20, v0  }
0x1ea: {  	v13 =	vld [tilespmem:s20+$0xFFFFFFE0];
	v14 =	vor.u32 v12, v19;
	_ =	sdelay $0x4  }
0x1eb: {  	[tilespmem:v14+s6+$0x0] =	vst.idx.add.f32.msk vm1, v13;
	v13 =	vor.u32 $0x30, v0  }
0x1ec: {  	v14 =	vld [tilespmem:s20+$0xFFFFFFF0];
	v15 =	vor.u32 v13, v19;
	_ =	sdelay $0x4  }
0x1ed: {  	[tilespmem:v15+s6+$0x0] =	vst.idx.add.f32.msk vm1, v14;
	v14 =	vor.u32 $0x40, v0  }
0x1ee: {  	v15 =	vld [tilespmem:s20+$0x0];
	v16 =	vor.u32 v14, v19;
	_ =	sdelay $0x4  }
0x1ef: {  	[tilespmem:v16+s6+$0x0] =	vst.idx.add.f32.msk vm1, v15;
	v15 =	vor.u32 $0x50, v0  }
0x1f0: {  	v16 =	vld [tilespmem:s20+$0x10];
	v17 =	vor.u32 v15, v19;
	_ =	sdelay $0x4  }
0x1f1: {  	[tilespmem:v17+s6+$0x0] =	vst.idx.add.f32.msk vm1, v16;
	v16 =	vor.u32 $0x60, v0  }
0x1f2: {  	v17 =	vld [tilespmem:s20+$0x20];
	v18 =	vor.u32 v16, v19;
	_ =	sdelay $0x2  }
0x1f3: {  	s25 =	sadd.s32 $0x1, s5  }
0x1f4: {  	p4 =	slt.s32 s25, s23  }
.Ltmp18:
0x1f5: {  	[tilespmem:v18+s6+$0x0] =	vst.idx.add.f32.msk vm1, v17;
	v17 =	vor.u32 $0x70, v0;
	(pc) =	sbr.rel @!p4 .LBB2_25-.Ltmp18, $4  }
0x1f6: {  	s1 =	sadd.s32 s5, s11;
	v18 =	vld [tilespmem:s20+$0x30];
	v19 =	vor.u32 v17, v19  }
0x1f7: {  	s26 =	sshra.s32 s1, $0x1F  }
0x1f8: {  	s5 =	sshrl.u32 s26, $0x1C  }
0x1f9: {  	p3 =	por $0x1, $0x1;
	s31 =	smov.u32 s20;
	s26 =	sadd.s32 s5, s1  }
.LBB2_26:
0x1fa: {  	s5 =	sand.u32 $0xFFFFFFF0, s26  }
0x1fb: {  	[tilespmem:v19+s6+$0x0] =	vst.idx.add.f32.msk vm1, v18;
	s31 =	sadd.s32 $0x80, s31;
	s26 =	smov.u32 s25;
	s25 =	sadd.s32 $0x1, s25  }
0x1fc: {  	p4 =	slt.s32 s25, s23;
	v18 =	vld.idx.msk [tilespmem:v10+s5+$0x0 ss:$0x1], $0xffff;
	_ =	sdelay $0x4  }
0x1fd: {  	v19 =	vmov s1  }
0x1fe: {  	v18 =	vperm.xlane v18, v19;
	_ =	sdelay $0x1  }
0x1ff: {  	v18 =	vsub.s32 v18, v9  }
0x200: {  	vm1 =	vgt.s32 v18, $0x0  }
0x201: {  	v19 =	vnsel vm1, $0x0, v18  }
0x202: {  	v19 =	vmin.u32 v19, $0x9F  }
0x203: {  	vm1 =	vlt.u32 v18, $0xA0;
	v19 =	vshll.u32 v19, $0x7  }
0x204: {  	v20 =	vor.u32 v0, v19;
	v18 =	vld [tilespmem:s31+$0xFFFFFFC0];
	_ =	sdelay $0x4  }
0x205: {  	[tilespmem:v20+s6+$0x0] =	vst.idx.add.f32.msk vm1, v18  }
0x206: {  	v20 =	vor.u32 v11, v19;
	v18 =	vld [tilespmem:s31+$0xFFFFFFD0];
	_ =	sdelay $0x4  }
0x207: {  	[tilespmem:v20+s6+$0x0] =	vst.idx.add.f32.msk vm1, v18  }
0x208: {  	v20 =	vor.u32 v12, v19;
	v18 =	vld [tilespmem:s31+$0xFFFFFFE0];
	_ =	sdelay $0x4  }
0x209: {  	[tilespmem:v20+s6+$0x0] =	vst.idx.add.f32.msk vm1, v18  }
0x20a: {  	v20 =	vor.u32 v13, v19;
	v18 =	vld [tilespmem:s31+$0xFFFFFFF0];
	_ =	sdelay $0x4  }
0x20b: {  	[tilespmem:v20+s6+$0x0] =	vst.idx.add.f32.msk vm1, v18  }
0x20c: {  	v20 =	vor.u32 v14, v19;
	v18 =	vld [tilespmem:s31+$0x0];
	_ =	sdelay $0x4  }
0x20d: {  	[tilespmem:v20+s6+$0x0] =	vst.idx.add.f32.msk vm1, v18  }
0x20e: {  	v20 =	vor.u32 v15, v19;
	v18 =	vld [tilespmem:s31+$0x10];
	_ =	sdelay $0x4  }
0x20f: {  	[tilespmem:v20+s6+$0x0] =	vst.idx.add.f32.msk vm1, v18  }
0x210: {  	v20 =	vor.u32 v16, v19;
	v18 =	vld [tilespmem:s31+$0x20];
	_ =	sdelay $0x4  }
0x211: {  	[tilespmem:v20+s6+$0x0] =	vst.idx.add.f32.msk vm1, v18  }
.Ltmp19:
0x212: {  	v19 =	vor.u32 v17, v19;
	v18 =	vld [tilespmem:s31+$0x30];
	(pc) =	sbr.rel @p4 .LBB2_26-.Ltmp19, $4  }
0x213: {  	s1 =	sadd.s32 s26, s11  }
0x214: {  	s5 =	sshra.s32 s1, $0x1F  }
0x215: {  	s5 =	sshrl.u32 s5, $0x1C  }
0x216: {  	s26 =	sadd.s32 s5, s1  }
.Ltmp20:
0x217: {  	_ = 	snop;
	(pc) =	sbr.rel .LBB2_27-.Ltmp20, $1  }
0x218: {  	_ =	sdelay $0x3  }
.LBB2_25:
.Ltmp21:
0x219: {  	(pc) =	sbr.rel .LBB2_27-.Ltmp21, $2  }
0x21a: {  	_ =	sdelay $0x2  }
0x21b: {  	s31 =	smov.u32 s20  }
.LBB2_28:
0x21c: {  	s1 =	sshll.u32 s13, $0x4;
	s5 =	rddreg [dreg:$0x4]  }
0x21d: {  	s13 =	sadd.s32 $0xFFFFFFF2, s4;
	s1 =	sadd.s32 s5, s1  }
0x21e: {  	v9 =	vmov s8;
	[hbm4b:s1+s6] =	stream.linear.scatter [tilespmem:s6], [sflag:$0x5], $0x5000, $0x38;
	[tilespmem:$0x1C080] =	vst v63  }
0x21f: {  	vm1 =	veq.s32 v9, v0;
	v10 =	vmov s13;
	s1 =	simm.s32 @!p2 $0x8  }
0x220: {  	v9 =	vnsel vm1, $0x80000000, v7;
	vm1 =	veq.s32 v10, v0;
	_ =	swait.ge @!p2 [sflag:s1], $0x5000  }
0x221: {  	(xrf0) =	vmax.scan.msk.u32 $0xffff, v9;
	v9 =	vnsel vm1, $0x80000000, v8  }
0x222: {  	(xrf0) =	vmax.scan.msk.u32 $0xffff, v9;
	_ =	sdelay $0x4  }
0x223: {  	v9, _, _ =	vpop (xrf0)  }
0x224: {  	(v2sf) =	vpush v9, $0xF;
	v9, _, _ =	vpop (xrf0)  }
0x225: {  	(v2sf) =	vpush v9, $0xF;
	_ =	sdelay $0x6  }
0x226: {  	s13 =	sor.u32 $0x3, s4  }
0x227: {  	s20 =	smul.u32 $0xA0, s13  }
0x228: {  	[sflag:s1] =	ssyncset.done @!p2 $0x0  }
0x229: {  	s8 =	sadd.s32 s7, s20;
	[sflag:s1] =	ssyncadd.s32 @!p2 $0xFFFFB000  }
0x22a: {  	s10 =	sshll.u32 s8, $0x4;
	s1 =	rddreg [dreg:$0x0]  }
0x22b: {  	s1 =	sadd.s32 s1, s10  }
0x22c: {  	[tilespmem:s22], [sflag:$0x4] =	stream.linear.gather [hbm4b:s1+s6], $0x5000, $0x38;
	[tilespmem:$0x1C080] =	vst v63  }
0x22d: {  	s5 =	spop (v2sf)  }
0x22e: {  	s1 =	spop (v2sf)  }
0x22f: {  	s5 =	smov.u32 @p1 s1  }
0x230: {  	s29 =	sxor.u32 $0x80000000, s5  }
0x231: {  	s21 =	sshra.s32 s29, $0x1F  }
0x232: {  	s1 =	sshrl.u32 s21, $0x1A  }
0x233: {  	s1 =	sadd.s32 s1, s29  }
0x234: {  	s31 =	sand.u32 $0xFFFFFFC0, s1  }
0x235: {  	p2 =	slt.s32 s31, $0x3FC0  }
0x236: {  	s31 =	simm.s32 @!p2 $0x3FC0  }
0x237: {  	s23 =	sshll.u32 s31, $0x4  }
0x238: {  	s25 =	simm.s32 $0x2;
	s1 =	sadd.s32 s2, s23  }
0x239: {  	[tilespmem:s17], [sflag:$0x9] =	stream.linear.gather [hbm4b:s1+s6], $0x2000, $0x38;
	[tilespmem:$0x1C080] =	vst v63  }
0x23a: {  	p2 =	sge.s32 s28, s29;
	_ =	swait.ge [sflag:s25], $0x5000  }
.Ltmp22:
0x23b: {  	[sflag:s25] =	ssyncset.done $0x0;
	(pc) =	sbr.rel @p2 .LBB2_54-.Ltmp22, $4  }
0x23c: {  	[sflag:s25] =	ssyncadd.s32 $0xFFFFB000  }
0x23d: {  	s26 =	smul.u32 $0xA0, s3;
	_ =	swait.ge [sflag:s24], $0x2000  }
0x23e: {  	[sflag:s24] =	ssyncset.done $0x0  }
0x23f: {  	s3 =	sadd.s32 s7, s26;
	[sflag:s24] =	ssyncadd.s32 $0xFFFFE000  }
.Ltmp23:
0x240: {  	(pc) =	sbr.rel @p0 .LBB2_33-.Ltmp23, $1  }
0x241: {  	_ =	sdelay $0x3  }
0x242: {  	s1 =	simm.s32 $0x0  }
0x243: {  	v12 =	vld [tilespmem:s1+$0x1A000]  }
0x244: {  	v14 =	vld [tilespmem:s1+$0x1A010]  }
0x245: {  	v13 =	vld [tilespmem:s1+$0x1A020]  }
0x246: {  	v11 =	vld [tilespmem:s1+$0x1A030]  }
0x247: {  	v9 =	vld [tilespmem:s1+$0x1A040]  }
0x248: {  	v10 =	vld [tilespmem:s1+$0x1A050];
	v15 =	vmul.f32 v12, v6  }
0x249: {  	s5 =	simm.s32 $0x200;
	v14 =	vmul.f32 v14, v6;
	v12 =	vld [tilespmem:s1+$0x1A060]  }
.LBB2_31:
0x24a: {  	s11 =	sshra.s32 s5, $0x2;
	p2 =	sne.s32 s5, $0x7E00;
	[tilespmem:s1+$0x1A000] =	vst v15;
	v13 =	vmul.f32 v13, v6;
	v15 =	vld [tilespmem:s1+$0x1A070]  }
0x24b: {  	v16 =	vld [tilespmem:s11+$0x1A000];
	[tilespmem:s1+$0x1A010] =	vst v14;
	v11 =	vmul.f32 v11, v6  }
0x24c: {  	v14 =	vld [tilespmem:s11+$0x1A010];
	[tilespmem:s1+$0x1A020] =	vst v13;
	v9 =	vmul.f32 v9, v6  }
.Ltmp24:
0x24d: {  	v13 =	vld [tilespmem:s11+$0x1A020];
	[tilespmem:s1+$0x1A030] =	vst v11;
	v10 =	vmul.f32 v10, v6;
	(pc) =	sbr.rel @p2 .LBB2_31-.Ltmp24, $4  }
0x24e: {  	v11 =	vld [tilespmem:s11+$0x1A030];
	[tilespmem:s1+$0x1A040] =	vst v9;
	v12 =	vmul.f32 v12, v6  }
0x24f: {  	v9 =	vld [tilespmem:s11+$0x1A040];
	[tilespmem:s1+$0x1A050] =	vst v10;
	v17 =	vmul.f32 v15, v6  }
0x250: {  	v15 =	vmul.f32 v16, v6;
	v10 =	vld [tilespmem:s11+$0x1A050];
	[tilespmem:s1+$0x1A060] =	vst v12  }
0x251: {  	s5 =	sadd.s32 $0x200, s5;
	v14 =	vmul.f32 v14, v6;
	v12 =	vld [tilespmem:s11+$0x1A060];
	[tilespmem:s1+$0x1A070] =	vst v17;
	s1 =	smov.u32 s11  }
0x252: {  	[tilespmem:s1+$0x1A000] =	vst v15;
	v13 =	vmul.f32 v13, v6;
	v63 =	vld [tilespmem:s1+$0x1A070]  }
0x253: {  	[tilespmem:s1+$0x1A010] =	vst v14;
	v11 =	vmul.f32 v11, v6  }
0x254: {  	[tilespmem:s1+$0x1A020] =	vst v13;
	v9 =	vmul.f32 v9, v6  }
0x255: {  	[tilespmem:s1+$0x1A030] =	vst v11;
	v10 =	vmul.f32 v10, v6  }
0x256: {  	[tilespmem:s1+$0x1A040] =	vst v9;
	v9 =	vmul.f32 v12, v6  }
0x257: {  	[tilespmem:s1+$0x1A050] =	vst v10;
	v10 =	vmul.f32 v63, v6  }
0x258: {  	[tilespmem:s1+$0x1A060] =	vst v9  }
0x259: {  	[tilespmem:s1+$0x1A070] =	vst v10  }
.LBB2_33:
0x25a: {  	s11 =	sadd.s32 $0x40, s30;
	p2 =	sgt.s32 s28, s30  }
0x25b: {  	s1 =	smov.u32 s30;
	p3 =	slt.s32 s29, s11;
	s5 =	smov.u32 s11  }
0x25c: {  	s1 =	smov.u32 @p2 s28;
	s5 =	smov.u32 @p3 s29  }
0x25d: {  	p2 =	sle.s32 s5, s1  }
.Ltmp25:
0x25e: {  	_ = 	snop;
	(pc) =	sbr.rel @p2 .LBB2_36-.Ltmp25, $1  }
0x25f: {  	_ =	sdelay $0x3  }
0x260: {  	s5 =	ssub.s32 s5, s1  }
0x261: {  	p3 =	seq.s32 s5, $0x1  }
.Ltmp26:
0x262: {  	s25 =	sadd.s32 $0x14000, s30;
	(pc) =	sbr.rel @p3 .LBB2_35-.Ltmp26, $4  }
0x263: {  	s20 =	sshll.u32 s1, $0x9;
	s21 =	sshll.u32 s30, $0x9;
	s23 =	ssub.s32 s1, s30;
	v10 =	vmov s25  }
0x264: {  	s20 =	ssub.s32 s20, s21;
	s1 =	sshra.s32 s23, $0x1F  }
0x265: {  	p2 =	por $0x0, $0x0;
	s20 =	sshra.s32 s20, $0x2;
	s26 =	sshrl.u32 s1, $0x1C  }
0x266: {  	v9 =	vmov s3;
	s1 =	sadd.s32 $0xFFFFFFFF, s5;
	s20 =	sadd.s32 $0x1A040, s20;
	s5 =	sadd.s32 s26, s23  }
0x267: {  	_ =	sdelay $0x2  }
0x268: {  	s5 =	sand.u32 $0xFFFFFFF0, s5  }
0x269: {  	v11 =	vld.idx.msk [tilespmem:v10+s5+$0x0 ss:$0x1], $0xffff;
	_ =	sdelay $0x3  }
0x26a: {  	v12 =	vmov s23  }
0x26b: {  	v11 =	vperm.xlane v11, v12;
	_ =	sdelay $0x1  }
0x26c: {  	v11 =	vsub.s32 v11, v9  }
0x26d: {  	vm1 =	vgt.s32 v11, $0x0  }
0x26e: {  	v12 =	vnsel vm1, $0x0, v11  }
0x26f: {  	v12 =	vmin.u32 v12, $0x9F  }
0x270: {  	vm1 =	vlt.u32 v11, $0xA0;
	v19 =	vshll.u32 v12, $0x7  }
0x271: {  	v11 =	vld [tilespmem:s20+$0xFFFFFFC0];
	v12 =	vor.u32 v0, v19;
	_ =	sdelay $0x4  }
0x272: {  	[tilespmem:v12+s16+$0x0] =	vst.idx.add.f32.msk vm1, v11;
	v11 =	vor.u32 $0x10, v0  }
0x273: {  	v12 =	vld [tilespmem:s20+$0xFFFFFFD0];
	v13 =	vor.u32 v11, v19;
	_ =	sdelay $0x4  }
0x274: {  	[tilespmem:v13+s16+$0x0] =	vst.idx.add.f32.msk vm1, v12;
	v12 =	vor.u32 $0x20, v0  }
0x275: {  	v13 =	vld [tilespmem:s20+$0xFFFFFFE0];
	v14 =	vor.u32 v12, v19;
	_ =	sdelay $0x4  }
0x276: {  	[tilespmem:v14+s16+$0x0] =	vst.idx.add.f32.msk vm1, v13;
	v13 =	vor.u32 $0x30, v0  }
0x277: {  	v14 =	vld [tilespmem:s20+$0xFFFFFFF0];
	v15 =	vor.u32 v13, v19;
	_ =	sdelay $0x4  }
0x278: {  	[tilespmem:v15+s16+$0x0] =	vst.idx.add.f32.msk vm1, v14;
	v14 =	vor.u32 $0x40, v0  }
0x279: {  	v15 =	vld [tilespmem:s20+$0x0];
	v16 =	vor.u32 v14, v19;
	_ =	sdelay $0x4  }
0x27a: {  	[tilespmem:v16+s16+$0x0] =	vst.idx.add.f32.msk vm1, v15;
	v15 =	vor.u32 $0x50, v0  }
0x27b: {  	v16 =	vld [tilespmem:s20+$0x10];
	v17 =	vor.u32 v15, v19;
	_ =	sdelay $0x4  }
0x27c: {  	[tilespmem:v17+s16+$0x0] =	vst.idx.add.f32.msk vm1, v16;
	v16 =	vor.u32 $0x60, v0  }
0x27d: {  	v17 =	vld [tilespmem:s20+$0x20];
	v18 =	vor.u32 v16, v19;
	_ =	sdelay $0x4  }
0x27e: {  	p3 =	seq.s32 s1, $0x1;
	[tilespmem:v18+s16+$0x0] =	vst.idx.add.f32.msk vm1, v17;
	v17 =	vor.u32 $0x70, v0  }
.Ltmp27:
0x27f: {  	v18 =	vld [tilespmem:s20+$0x30];
	v19 =	vor.u32 v17, v19;
	(pc) =	sbr.rel @p3 .LBB2_39-.Ltmp27, $4  }
0x280: {  	s23 =	sadd.s32 $0x1, s23  }
0x281: {  	s26 =	sshra.s32 s23, $0x1F  }
0x282: {  	p2 =	por $0x1, $0x1;
	s5 =	sshrl.u32 s26, $0x1C  }
0x283: {  	s25 =	smov.u32 s20;
	s26 =	sadd.s32 $0xFFFFFFFF, s1;
	s5 =	sadd.s32 s5, s23  }
.LBB2_40:
0x284: {  	p3 =	seq.s32 s26, $0x1;
	s1 =	sand.u32 $0xFFFFFFF0, s5;
	[tilespmem:v19+s16+$0x0] =	vst.idx.add.f32.msk vm1, v18;
	s25 =	sadd.s32 $0x80, s25  }
0x285: {  	s26 =	sadd.s32 $0xFFFFFFFF, s26;
	v18 =	vld.idx.msk [tilespmem:v10+s1+$0x0 ss:$0x1], $0xffff;
	_ =	sdelay $0x4  }
0x286: {  	v19 =	vmov s23  }
0x287: {  	v18 =	vperm.xlane v18, v19;
	_ =	sdelay $0x1  }
0x288: {  	v18 =	vsub.s32 v18, v9  }
0x289: {  	vm1 =	vgt.s32 v18, $0x0  }
0x28a: {  	v19 =	vnsel vm1, $0x0, v18  }
0x28b: {  	v19 =	vmin.u32 v19, $0x9F  }
0x28c: {  	vm1 =	vlt.u32 v18, $0xA0;
	v19 =	vshll.u32 v19, $0x7  }
0x28d: {  	v20 =	vor.u32 v0, v19;
	v18 =	vld [tilespmem:s25+$0xFFFFFFC0];
	_ =	sdelay $0x4  }
0x28e: {  	[tilespmem:v20+s16+$0x0] =	vst.idx.add.f32.msk vm1, v18  }
0x28f: {  	v20 =	vor.u32 v11, v19;
	v18 =	vld [tilespmem:s25+$0xFFFFFFD0];
	_ =	sdelay $0x4  }
0x290: {  	[tilespmem:v20+s16+$0x0] =	vst.idx.add.f32.msk vm1, v18  }
0x291: {  	v20 =	vor.u32 v12, v19;
	v18 =	vld [tilespmem:s25+$0xFFFFFFE0];
	_ =	sdelay $0x4  }
0x292: {  	[tilespmem:v20+s16+$0x0] =	vst.idx.add.f32.msk vm1, v18  }
0x293: {  	v20 =	vor.u32 v13, v19;
	v18 =	vld [tilespmem:s25+$0xFFFFFFF0];
	_ =	sdelay $0x4  }
0x294: {  	[tilespmem:v20+s16+$0x0] =	vst.idx.add.f32.msk vm1, v18  }
0x295: {  	v20 =	vor.u32 v14, v19;
	v18 =	vld [tilespmem:s25+$0x0];
	_ =	sdelay $0x4  }
0x296: {  	[tilespmem:v20+s16+$0x0] =	vst.idx.add.f32.msk vm1, v18  }
0x297: {  	v20 =	vor.u32 v15, v19;
	v18 =	vld [tilespmem:s25+$0x10];
	_ =	sdelay $0x4  }
0x298: {  	[tilespmem:v20+s16+$0x0] =	vst.idx.add.f32.msk vm1, v18  }
0x299: {  	v20 =	vor.u32 v16, v19;
	v18 =	vld [tilespmem:s25+$0x20];
	_ =	sdelay $0x4  }
0x29a: {  	[tilespmem:v20+s16+$0x0] =	vst.idx.add.f32.msk vm1, v18  }
.Ltmp28:
0x29b: {  	v19 =	vor.u32 v17, v19;
	v18 =	vld [tilespmem:s25+$0x30];
	(pc) =	sbr.rel @!p3 .LBB2_40-.Ltmp28, $4  }
0x29c: {  	s23 =	sadd.s32 $0x1, s23  }
0x29d: {  	s1 =	sshra.s32 s23, $0x1F  }
0x29e: {  	s1 =	sshrl.u32 s1, $0x1C  }
0x29f: {  	s5 =	sadd.s32 s1, s23  }
.LBB2_41:
0x2a0: {  	_ =	sdelay $0x4  }
0x2a1: {  	s1 =	sand.u32 $0xFFFFFFF0, s5;
	[tilespmem:v19+s16+$0x0] =	vst.idx.add.f32.msk @p2 vm1, v18  }
0x2a2: {  	v10 =	vld.idx.msk [tilespmem:v10+s1+$0x0 ss:$0x1], $0xffff;
	_ =	sdelay $0x3  }
0x2a3: {  	v11 =	vmov s23  }
0x2a4: {  	v10 =	vperm.xlane v10, v11;
	_ =	sdelay $0x1  }
0x2a5: {  	v9 =	vsub.s32 v10, v9  }
0x2a6: {  	vm1 =	vgt.s32 v9, $0x0  }
0x2a7: {  	v10 =	vnsel vm1, $0x0, v9  }
0x2a8: {  	s1 =	sadd.s32 @p2 $0x80, s25;
	v10 =	vmin.u32 v10, $0x9F  }
0x2a9: {  	s20 =	smov.u32 @p2 s1;
	vm1 =	vlt.u32 v9, $0xA0;
	v9 =	vshll.u32 v10, $0x7  }
0x2aa: {  	v10 =	vld [tilespmem:s20+$0xFFFFFFC0];
	v11 =	vor.u32 v0, v9;
	_ =	sdelay $0x4  }
0x2ab: {  	[tilespmem:v11+s16+$0x0] =	vst.idx.add.f32.msk vm1, v10;
	v10 =	vor.u32 $0x10, v0  }
0x2ac: {  	v11 =	vld [tilespmem:s20+$0xFFFFFFD0];
	v10 =	vor.u32 v10, v9;
	_ =	sdelay $0x4  }
0x2ad: {  	[tilespmem:v10+s16+$0x0] =	vst.idx.add.f32.msk vm1, v11;
	v10 =	vor.u32 $0x20, v0  }
0x2ae: {  	v11 =	vld [tilespmem:s20+$0xFFFFFFE0];
	v10 =	vor.u32 v10, v9;
	_ =	sdelay $0x4  }
0x2af: {  	[tilespmem:v10+s16+$0x0] =	vst.idx.add.f32.msk vm1, v11;
	v10 =	vor.u32 $0x30, v0  }
0x2b0: {  	v11 =	vld [tilespmem:s20+$0xFFFFFFF0];
	v10 =	vor.u32 v10, v9;
	_ =	sdelay $0x4  }
0x2b1: {  	[tilespmem:v10+s16+$0x0] =	vst.idx.add.f32.msk vm1, v11;
	v10 =	vor.u32 $0x40, v0  }
0x2b2: {  	v11 =	vld [tilespmem:s20+$0x0];
	v10 =	vor.u32 v10, v9;
	_ =	sdelay $0x4  }
0x2b3: {  	[tilespmem:v10+s16+$0x0] =	vst.idx.add.f32.msk vm1, v11;
	v10 =	vor.u32 $0x50, v0  }
0x2b4: {  	v11 =	vld [tilespmem:s20+$0x10];
	v10 =	vor.u32 v10, v9;
	_ =	sdelay $0x4  }
0x2b5: {  	[tilespmem:v10+s16+$0x0] =	vst.idx.add.f32.msk vm1, v11;
	v10 =	vor.u32 $0x60, v0  }
0x2b6: {  	v11 =	vld [tilespmem:s20+$0x20];
	v10 =	vor.u32 v10, v9;
	_ =	sdelay $0x4  }
0x2b7: {  	[tilespmem:v10+s16+$0x0] =	vst.idx.add.f32.msk vm1, v11;
	v10 =	vor.u32 $0x70, v0  }
0x2b8: {  	v11 =	vld [tilespmem:s20+$0x30];
	v9 =	vor.u32 v10, v9;
	_ =	sdelay $0x4  }
0x2b9: {  	[tilespmem:v9+s16+$0x0] =	vst.idx.add.f32.msk vm1, v11  }
.LBB2_36:
0x2ba: {  	p2 =	sge.s32 s11, s29  }
.Ltmp29:
0x2bb: {  	_ = 	snop;
	(pc) =	sbr.rel @p2 .LBB2_54-.Ltmp29, $1  }
0x2bc: {  	_ =	sdelay $0x3  }
.Ltmp30:
0x2bd: {  	(pc) =	sbr.rel .LBB2_43-.Ltmp30, $2  }
0x2be: {  	_ =	sdelay $0x2  }
0x2bf: {  	v9 =	vmov s3;
	s30 =	ssub.s32 $0xFFFFFFC0, s30  }
.LBB2_49:
0x2c0: {  	s20 =	smov.u32 s25  }
.LBB2_53:
0x2c1: {  	_ =	sdelay $0x4  }
0x2c2: {  	s1 =	sand.u32 $0xFFFFFFF0, s21;
	[tilespmem:v19+s16+$0x0] =	vst.idx.add.f32.msk @p2 vm1, v18  }
0x2c3: {  	v10 =	vld.idx.msk [tilespmem:v10+s1+$0x0 ss:$0x1], $0xffff;
	_ =	sdelay $0x3  }
0x2c4: {  	v11 =	vmov s5  }
0x2c5: {  	v10 =	vperm.xlane v10, v11;
	_ =	sdelay $0x1  }
0x2c6: {  	v10 =	vsub.s32 v10, v9  }
0x2c7: {  	vm1 =	vgt.s32 v10, $0x0  }
0x2c8: {  	v11 =	vnsel vm1, $0x0, v10  }
0x2c9: {  	s1 =	sadd.s32 @p2 $0x80, s20;
	v11 =	vmin.u32 v11, $0x9F  }
0x2ca: {  	s25 =	smov.u32 @p2 s1;
	vm1 =	vlt.u32 v10, $0xA0;
	v10 =	vshll.u32 v11, $0x7  }
0x2cb: {  	v11 =	vld [tilespmem:s25+$0xFFFFFFC0];
	v12 =	vor.u32 v0, v10;
	_ =	sdelay $0x4  }
0x2cc: {  	[tilespmem:v12+s16+$0x0] =	vst.idx.add.f32.msk vm1, v11;
	v11 =	vor.u32 $0x10, v0  }
0x2cd: {  	v12 =	vld [tilespmem:s25+$0xFFFFFFD0];
	v11 =	vor.u32 v11, v10;
	_ =	sdelay $0x4  }
0x2ce: {  	[tilespmem:v11+s16+$0x0] =	vst.idx.add.f32.msk vm1, v12;
	v11 =	vor.u32 $0x20, v0  }
0x2cf: {  	v12 =	vld [tilespmem:s25+$0xFFFFFFE0];
	v11 =	vor.u32 v11, v10;
	_ =	sdelay $0x4  }
0x2d0: {  	[tilespmem:v11+s16+$0x0] =	vst.idx.add.f32.msk vm1, v12;
	v11 =	vor.u32 $0x30, v0  }
0x2d1: {  	v12 =	vld [tilespmem:s25+$0xFFFFFFF0];
	v11 =	vor.u32 v11, v10;
	_ =	sdelay $0x4  }
0x2d2: {  	[tilespmem:v11+s16+$0x0] =	vst.idx.add.f32.msk vm1, v12;
	v11 =	vor.u32 $0x40, v0  }
0x2d3: {  	v12 =	vld [tilespmem:s25+$0x0];
	v11 =	vor.u32 v11, v10;
	_ =	sdelay $0x4  }
0x2d4: {  	[tilespmem:v11+s16+$0x0] =	vst.idx.add.f32.msk vm1, v12;
	v11 =	vor.u32 $0x50, v0  }
0x2d5: {  	v12 =	vld [tilespmem:s25+$0x10];
	v11 =	vor.u32 v11, v10;
	_ =	sdelay $0x4  }
0x2d6: {  	[tilespmem:v11+s16+$0x0] =	vst.idx.add.f32.msk vm1, v12;
	v11 =	vor.u32 $0x60, v0  }
0x2d7: {  	v12 =	vld [tilespmem:s25+$0x20];
	v11 =	vor.u32 v11, v10;
	_ =	sdelay $0x4  }
0x2d8: {  	[tilespmem:v11+s16+$0x0] =	vst.idx.add.f32.msk vm1, v12;
	v11 =	vor.u32 $0x70, v0  }
0x2d9: {  	v12 =	vld [tilespmem:s25+$0x30];
	v10 =	vor.u32 v11, v10;
	_ =	sdelay $0x4  }
0x2da: {  	[tilespmem:v10+s16+$0x0] =	vst.idx.add.f32.msk vm1, v12  }
.LBB2_42:
0x2db: {  	p2 =	sge.s32 s11, s29  }
.Ltmp31:
0x2dc: {  	_ = 	snop;
	(pc) =	sbr.rel @p2 .LBB2_54-.Ltmp31, $2  }
0x2dd: {  	_ =	sdelay $0x2  }
0x2de: {  	s30 =	sadd.s32 $0xFFFFFFC0, s30  }
.LBB2_43:
0x2df: {  	s1 =	sshll.u32 s11, $0x4  }
.Ltmp32:
0x2e0: {  	s5 =	simm.s32 $0x0;
	s1 =	sadd.s32 s2, s1;
	(pc) =	sbr.rel @p0 .LBB2_47-.Ltmp32, $4  }
0x2e1: {  	[tilespmem:s19], [sflag:$0xB] =	stream.linear.gather [hbm4b:s1+s5], $0x2000, $0x38;
	[tilespmem:$0x1C080] =	vst v63  }
0x2e2: {  	_ =	swait.ge [sflag:s14], $0x2000  }
0x2e3: {  	[sflag:s14] =	ssyncset.done $0x0  }
0x2e4: {  	s20 =	smov.u32 s11;
	[sflag:s14] =	ssyncadd.s32 $0xFFFFE000  }
0x2e5: {  	s1 =	simm.s32 $0x0  }
0x2e6: {  	v13 =	vld [tilespmem:s1+$0x1A000]  }
0x2e7: {  	v15 =	vld [tilespmem:s1+$0x1A010]  }
0x2e8: {  	v14 =	vld [tilespmem:s1+$0x1A020]  }
0x2e9: {  	v12 =	vld [tilespmem:s1+$0x1A030]  }
0x2ea: {  	v10 =	vld [tilespmem:s1+$0x1A040]  }
0x2eb: {  	v11 =	vld [tilespmem:s1+$0x1A050];
	v16 =	vmul.f32 v13, v6  }
0x2ec: {  	s5 =	simm.s32 $0x200;
	v15 =	vmul.f32 v15, v6;
	v13 =	vld [tilespmem:s1+$0x1A060]  }
.LBB2_45:
0x2ed: {  	s11 =	sshra.s32 s5, $0x2;
	p2 =	sne.s32 s5, $0x7E00;
	[tilespmem:s1+$0x1A000] =	vst v16;
	v14 =	vmul.f32 v14, v6;
	v16 =	vld [tilespmem:s1+$0x1A070]  }
0x2ee: {  	v17 =	vld [tilespmem:s11+$0x1A000];
	[tilespmem:s1+$0x1A010] =	vst v15;
	v12 =	vmul.f32 v12, v6  }
0x2ef: {  	v15 =	vld [tilespmem:s11+$0x1A010];
	[tilespmem:s1+$0x1A020] =	vst v14;
	v10 =	vmul.f32 v10, v6  }
.Ltmp33:
0x2f0: {  	v14 =	vld [tilespmem:s11+$0x1A020];
	[tilespmem:s1+$0x1A030] =	vst v12;
	v11 =	vmul.f32 v11, v6;
	(pc) =	sbr.rel @p2 .LBB2_45-.Ltmp33, $4  }
0x2f1: {  	v12 =	vld [tilespmem:s11+$0x1A030];
	[tilespmem:s1+$0x1A040] =	vst v10;
	v13 =	vmul.f32 v13, v6  }
0x2f2: {  	v10 =	vld [tilespmem:s11+$0x1A040];
	[tilespmem:s1+$0x1A050] =	vst v11;
	v18 =	vmul.f32 v16, v6  }
0x2f3: {  	v16 =	vmul.f32 v17, v6;
	v11 =	vld [tilespmem:s11+$0x1A050];
	[tilespmem:s1+$0x1A060] =	vst v13  }
0x2f4: {  	s5 =	sadd.s32 $0x200, s5;
	v15 =	vmul.f32 v15, v6;
	v13 =	vld [tilespmem:s11+$0x1A060];
	[tilespmem:s1+$0x1A070] =	vst v18;
	s1 =	smov.u32 s11  }
0x2f5: {  	[tilespmem:s1+$0x1A000] =	vst v16;
	v14 =	vmul.f32 v14, v6;
	v63 =	vld [tilespmem:s1+$0x1A070]  }
0x2f6: {  	[tilespmem:s1+$0x1A010] =	vst v15;
	v12 =	vmul.f32 v12, v6  }
0x2f7: {  	[tilespmem:s1+$0x1A020] =	vst v14;
	v10 =	vmul.f32 v10, v6  }
0x2f8: {  	[tilespmem:s1+$0x1A030] =	vst v12;
	v11 =	vmul.f32 v11, v6  }
0x2f9: {  	[tilespmem:s1+$0x1A040] =	vst v10;
	v10 =	vmul.f32 v13, v6  }
0x2fa: {  	[tilespmem:s1+$0x1A050] =	vst v11;
	v11 =	vmul.f32 v63, v6  }
0x2fb: {  	[tilespmem:s1+$0x1A060] =	vst v10  }
0x2fc: {  	[tilespmem:s1+$0x1A070] =	vst v11  }
.LBB2_47:
0x2fd: {  	s11 =	sadd.s32 $0x40, s20;
	p2 =	sgt.s32 s28, s20  }
0x2fe: {  	s1 =	smov.u32 s20;
	p3 =	slt.s32 s29, s11;
	s23 =	smov.u32 s11  }
0x2ff: {  	s1 =	smov.u32 @p2 s28;
	s23 =	smov.u32 @p3 s29  }
0x300: {  	p2 =	sge.s32 s1, s23  }
.Ltmp34:
0x301: {  	_ = 	snop;
	(pc) =	sbr.rel @p2 .LBB2_42-.Ltmp34, $1  }
0x302: {  	_ =	sdelay $0x3  }
0x303: {  	p2 =	sgt.s32 s20, s28;
	s5 =	smov.u32 s28  }
0x304: {  	s5 =	smov.u32 @p2 s20  }
0x305: {  	s5 =	sadd.s32 s30, s5  }
0x306: {  	s21 =	sshll.u32 s5, $0x9;
	s5 =	sadd.s32 s1, s30;
	s1 =	sadd.s32 $0x1, s1  }
0x307: {  	p3 =	slt.s32 s1, s23  }
.Ltmp35:
0x308: {  	_ = 	snop;
	(pc) =	sbr.rel @!p3 .LBB2_49-.Ltmp35, $4  }
0x309: {  	s20 =	sadd.s32 $0x14000, s20  }
0x30a: {  	v10 =	vmov s20;
	s25 =	sshra.s32 s5, $0x1F  }
0x30b: {  	s21 =	sshra.s32 s21, $0x2;
	s26 =	sshrl.u32 s25, $0x1C  }
0x30c: {  	p2 =	por $0x0, $0x0;
	s25 =	sadd.s32 $0x1A040, s21;
	s21 =	sadd.s32 s26, s5  }
0x30d: {  	_ =	sdelay $0x2  }
0x30e: {  	s20 =	sand.u32 $0xFFFFFFF0, s21  }
0x30f: {  	v11 =	vld.idx.msk [tilespmem:v10+s20+$0x0 ss:$0x1], $0xffff;
	_ =	sdelay $0x3  }
0x310: {  	v12 =	vmov s5  }
0x311: {  	v11 =	vperm.xlane v11, v12;
	_ =	sdelay $0x1  }
0x312: {  	v11 =	vsub.s32 v11, v9  }
0x313: {  	vm1 =	vgt.s32 v11, $0x0  }
0x314: {  	v12 =	vnsel vm1, $0x0, v11  }
0x315: {  	v12 =	vmin.u32 v12, $0x9F  }
0x316: {  	vm1 =	vlt.u32 v11, $0xA0;
	v19 =	vshll.u32 v12, $0x7  }
0x317: {  	v11 =	vld [tilespmem:s25+$0xFFFFFFC0];
	v12 =	vor.u32 v0, v19;
	_ =	sdelay $0x4  }
0x318: {  	[tilespmem:v12+s16+$0x0] =	vst.idx.add.f32.msk vm1, v11;
	v11 =	vor.u32 $0x10, v0  }
0x319: {  	v12 =	vld [tilespmem:s25+$0xFFFFFFD0];
	v13 =	vor.u32 v11, v19;
	_ =	sdelay $0x4  }
0x31a: {  	[tilespmem:v13+s16+$0x0] =	vst.idx.add.f32.msk vm1, v12;
	v12 =	vor.u32 $0x20, v0  }
0x31b: {  	v13 =	vld [tilespmem:s25+$0xFFFFFFE0];
	v14 =	vor.u32 v12, v19;
	_ =	sdelay $0x4  }
0x31c: {  	[tilespmem:v14+s16+$0x0] =	vst.idx.add.f32.msk vm1, v13;
	v13 =	vor.u32 $0x30, v0  }
0x31d: {  	v14 =	vld [tilespmem:s25+$0xFFFFFFF0];
	v15 =	vor.u32 v13, v19;
	_ =	sdelay $0x4  }
0x31e: {  	[tilespmem:v15+s16+$0x0] =	vst.idx.add.f32.msk vm1, v14;
	v14 =	vor.u32 $0x40, v0  }
0x31f: {  	v15 =	vld [tilespmem:s25+$0x0];
	v16 =	vor.u32 v14, v19;
	_ =	sdelay $0x4  }
0x320: {  	[tilespmem:v16+s16+$0x0] =	vst.idx.add.f32.msk vm1, v15;
	v15 =	vor.u32 $0x50, v0  }
0x321: {  	v16 =	vld [tilespmem:s25+$0x10];
	v17 =	vor.u32 v15, v19;
	_ =	sdelay $0x4  }
0x322: {  	[tilespmem:v17+s16+$0x0] =	vst.idx.add.f32.msk vm1, v16;
	v16 =	vor.u32 $0x60, v0  }
0x323: {  	v17 =	vld [tilespmem:s25+$0x20];
	v18 =	vor.u32 v16, v19;
	_ =	sdelay $0x2  }
0x324: {  	s26 =	sadd.s32 $0x1, s1  }
0x325: {  	p3 =	slt.s32 s26, s23  }
.Ltmp36:
0x326: {  	[tilespmem:v18+s16+$0x0] =	vst.idx.add.f32.msk vm1, v17;
	v17 =	vor.u32 $0x70, v0;
	(pc) =	sbr.rel @!p3 .LBB2_51-.Ltmp36, $4  }
0x327: {  	s5 =	sadd.s32 s1, s30;
	v18 =	vld [tilespmem:s25+$0x30];
	v19 =	vor.u32 v17, v19  }
0x328: {  	s21 =	sshra.s32 s5, $0x1F  }
0x329: {  	s1 =	sshrl.u32 s21, $0x1C  }
0x32a: {  	p2 =	por $0x1, $0x1;
	s20 =	smov.u32 s25;
	s21 =	sadd.s32 s1, s5  }
.LBB2_52:
0x32b: {  	s21 =	sand.u32 $0xFFFFFFF0, s21  }
0x32c: {  	[tilespmem:v19+s16+$0x0] =	vst.idx.add.f32.msk vm1, v18;
	s20 =	sadd.s32 $0x80, s20;
	s1 =	smov.u32 s26;
	s26 =	sadd.s32 $0x1, s26  }
0x32d: {  	p3 =	slt.s32 s26, s23;
	v18 =	vld.idx.msk [tilespmem:v10+s21+$0x0 ss:$0x1], $0xffff;
	_ =	sdelay $0x4  }
0x32e: {  	v19 =	vmov s5  }
0x32f: {  	v18 =	vperm.xlane v18, v19;
	_ =	sdelay $0x1  }
0x330: {  	v18 =	vsub.s32 v18, v9  }
0x331: {  	vm1 =	vgt.s32 v18, $0x0  }
0x332: {  	v19 =	vnsel vm1, $0x0, v18  }
0x333: {  	v19 =	vmin.u32 v19, $0x9F  }
0x334: {  	vm1 =	vlt.u32 v18, $0xA0;
	v19 =	vshll.u32 v19, $0x7  }
0x335: {  	v20 =	vor.u32 v0, v19;
	v18 =	vld [tilespmem:s20+$0xFFFFFFC0];
	_ =	sdelay $0x4  }
0x336: {  	[tilespmem:v20+s16+$0x0] =	vst.idx.add.f32.msk vm1, v18  }
0x337: {  	v20 =	vor.u32 v11, v19;
	v18 =	vld [tilespmem:s20+$0xFFFFFFD0];
	_ =	sdelay $0x4  }
0x338: {  	[tilespmem:v20+s16+$0x0] =	vst.idx.add.f32.msk vm1, v18  }
0x339: {  	v20 =	vor.u32 v12, v19;
	v18 =	vld [tilespmem:s20+$0xFFFFFFE0];
	_ =	sdelay $0x4  }
0x33a: {  	[tilespmem:v20+s16+$0x0] =	vst.idx.add.f32.msk vm1, v18  }
0x33b: {  	v20 =	vor.u32 v13, v19;
	v18 =	vld [tilespmem:s20+$0xFFFFFFF0];
	_ =	sdelay $0x4  }
0x33c: {  	[tilespmem:v20+s16+$0x0] =	vst.idx.add.f32.msk vm1, v18  }
0x33d: {  	v20 =	vor.u32 v14, v19;
	v18 =	vld [tilespmem:s20+$0x0];
	_ =	sdelay $0x4  }
0x33e: {  	[tilespmem:v20+s16+$0x0] =	vst.idx.add.f32.msk vm1, v18  }
0x33f: {  	v20 =	vor.u32 v15, v19;
	v18 =	vld [tilespmem:s20+$0x10];
	_ =	sdelay $0x4  }
0x340: {  	[tilespmem:v20+s16+$0x0] =	vst.idx.add.f32.msk vm1, v18  }
0x341: {  	v20 =	vor.u32 v16, v19;
	v18 =	vld [tilespmem:s20+$0x20];
	_ =	sdelay $0x4  }
0x342: {  	[tilespmem:v20+s16+$0x0] =	vst.idx.add.f32.msk vm1, v18  }
.Ltmp37:
0x343: {  	v19 =	vor.u32 v17, v19;
	v18 =	vld [tilespmem:s20+$0x30];
	(pc) =	sbr.rel @p3 .LBB2_52-.Ltmp37, $4  }
0x344: {  	s5 =	sadd.s32 s1, s30  }
0x345: {  	s1 =	sshra.s32 s5, $0x1F  }
0x346: {  	s1 =	sshrl.u32 s1, $0x1C  }
0x347: {  	s21 =	sadd.s32 s1, s5  }
.Ltmp38:
0x348: {  	_ = 	snop;
	(pc) =	sbr.rel .LBB2_53-.Ltmp38, $1  }
0x349: {  	_ =	sdelay $0x3  }
.LBB2_51:
.Ltmp39:
0x34a: {  	(pc) =	sbr.rel .LBB2_53-.Ltmp39, $2  }
0x34b: {  	_ =	sdelay $0x2  }
0x34c: {  	s20 =	smov.u32 s25  }
.LBB2_54:
0x34d: {  	s1 =	sshll.u32 s3, $0x4;
	s11 =	rddreg [dreg:$0x4]  }
0x34e: {  	s1 =	sadd.s32 s11, s1  }
0x34f: {  	v9 =	vmov s13;
	[hbm4b:s1+s6] =	stream.linear.scatter [tilespmem:s16], [sflag:$0x6], $0x5000, $0x38;
	[tilespmem:$0x1C080] =	vst v63  }
0x350: {  	vm1 =	veq.s32 v9, v0;
	s1 =	simm.s32 @!p1 $0x5  }
0x351: {  	s20 =	sadd.s32 $0xFFFFFFF3, s4;
	v9 =	vnsel vm1, $0x80000000, v7;
	_ =	swait.ge @!p1 [sflag:s1], $0x5000  }
0x352: {  	(xrf0) =	vmax.scan.msk.u32 $0xffff, v9;
	v9 =	vmov s20  }
0x353: {  	vm1 =	veq.s32 v9, v0  }
0x354: {  	v9 =	vnsel vm1, $0x80000000, v8  }
0x355: {  	(xrf0) =	vmax.scan.msk.u32 $0xffff, v9;
	_ =	sdelay $0x4  }
0x356: {  	v9, _, _ =	vpop (xrf0)  }
0x357: {  	(v2sf) =	vpush v9, $0xF;
	v9, _, _ =	vpop (xrf0)  }
0x358: {  	(v2sf) =	vpush v9, $0xF;
	_ =	sdelay $0x6  }
0x359: {  	s13 =	sadd.s32 $0x4, s4  }
0x35a: {  	s3 =	smul.u32 @!p1 $0xA0, s13  }
0x35b: {  	[sflag:s1] =	ssyncset.done @!p1 $0x0  }
0x35c: {  	s3 =	sadd.s32 @!p1 s7, s3;
	[sflag:s1] =	ssyncadd.s32 @!p1 $0xFFFFB000  }
0x35d: {  	s3 =	sshll.u32 @!p1 s3, $0x4;
	s1 =	rddreg [dreg:$0x0]  }
0x35e: {  	s1 =	sadd.s32 @!p1 s1, s3;
	s3 =	simm.s32 @!p1 $0x0  }
0x35f: {  	[tilespmem:s3], [sflag:$0x1] =	stream.linear.gather @!p1 [hbm4b:s1+s3], $0x5000, $0x38;
	[tilespmem:$0x1C080] =	vst v63  }
0x360: {  	s5 =	spop (v2sf)  }
0x361: {  	s1 =	spop (v2sf)  }
0x362: {  	s5 =	smov.u32 @p1 s1  }
0x363: {  	s28 =	sxor.u32 $0x80000000, s5  }
0x364: {  	s21 =	sshra.s32 s28, $0x1F  }
0x365: {  	s1 =	sshrl.u32 s21, $0x1A  }
0x366: {  	s1 =	sadd.s32 s1, s28  }
0x367: {  	s30 =	sand.u32 $0xFFFFFFC0, s1  }
0x368: {  	p2 =	slt.s32 s30, $0x3FC0  }
0x369: {  	s30 =	simm.s32 @!p2 $0x3FC0  }
0x36a: {  	s23 =	sshll.u32 s30, $0x4  }
0x36b: {  	s25 =	simm.s32 $0x3;
	s1 =	sadd.s32 s2, s23  }
0x36c: {  	[tilespmem:s19], [sflag:$0xA] =	stream.linear.gather [hbm4b:s1+s6], $0x2000, $0x38;
	[tilespmem:$0x1C080] =	vst v63  }
0x36d: {  	p2 =	sge.s32 s29, s28;
	_ =	swait.ge [sflag:s25], $0x5000  }
.Ltmp40:
0x36e: {  	[sflag:s25] =	ssyncset.done $0x0;
	(pc) =	sbr.rel @p2 .LBB2_80-.Ltmp40, $4  }
0x36f: {  	s26 =	simm.s32 $0x9;
	[sflag:s25] =	ssyncadd.s32 $0xFFFFB000  }
0x370: {  	_ =	swait.ge [sflag:s26], $0x2000  }
0x371: {  	[sflag:s26] =	ssyncset.done $0x0  }
0x372: {  	[sflag:s26] =	ssyncadd.s32 $0xFFFFE000  }
.Ltmp41:
0x373: {  	(pc) =	sbr.rel @p0 .LBB2_59-.Ltmp41, $1  }
0x374: {  	_ =	sdelay $0x3  }
0x375: {  	s1 =	simm.s32 $0x0  }
0x376: {  	v12 =	vld [tilespmem:s1+$0x18000]  }
0x377: {  	v14 =	vld [tilespmem:s1+$0x18010]  }
0x378: {  	v13 =	vld [tilespmem:s1+$0x18020]  }
0x379: {  	v11 =	vld [tilespmem:s1+$0x18030]  }
0x37a: {  	v9 =	vld [tilespmem:s1+$0x18040]  }
0x37b: {  	v10 =	vld [tilespmem:s1+$0x18050];
	v15 =	vmul.f32 v12, v6  }
0x37c: {  	s5 =	simm.s32 $0x200;
	v14 =	vmul.f32 v14, v6;
	v12 =	vld [tilespmem:s1+$0x18060]  }
.LBB2_57:
0x37d: {  	s11 =	sshra.s32 s5, $0x2;
	p2 =	sne.s32 s5, $0x7E00;
	[tilespmem:s1+$0x18000] =	vst v15;
	v13 =	vmul.f32 v13, v6;
	v15 =	vld [tilespmem:s1+$0x18070]  }
0x37e: {  	v16 =	vld [tilespmem:s11+$0x18000];
	[tilespmem:s1+$0x18010] =	vst v14;
	v11 =	vmul.f32 v11, v6  }
0x37f: {  	v14 =	vld [tilespmem:s11+$0x18010];
	[tilespmem:s1+$0x18020] =	vst v13;
	v9 =	vmul.f32 v9, v6  }
.Ltmp42:
0x380: {  	v13 =	vld [tilespmem:s11+$0x18020];
	[tilespmem:s1+$0x18030] =	vst v11;
	v10 =	vmul.f32 v10, v6;
	(pc) =	sbr.rel @p2 .LBB2_57-.Ltmp42, $4  }
0x381: {  	v11 =	vld [tilespmem:s11+$0x18030];
	[tilespmem:s1+$0x18040] =	vst v9;
	v12 =	vmul.f32 v12, v6  }
0x382: {  	v9 =	vld [tilespmem:s11+$0x18040];
	[tilespmem:s1+$0x18050] =	vst v10;
	v17 =	vmul.f32 v15, v6  }
0x383: {  	v15 =	vmul.f32 v16, v6;
	v10 =	vld [tilespmem:s11+$0x18050];
	[tilespmem:s1+$0x18060] =	vst v12  }
0x384: {  	s5 =	sadd.s32 $0x200, s5;
	v14 =	vmul.f32 v14, v6;
	v12 =	vld [tilespmem:s11+$0x18060];
	[tilespmem:s1+$0x18070] =	vst v17;
	s1 =	smov.u32 s11  }
0x385: {  	[tilespmem:s1+$0x18000] =	vst v15;
	v13 =	vmul.f32 v13, v6;
	v63 =	vld [tilespmem:s1+$0x18070]  }
0x386: {  	[tilespmem:s1+$0x18010] =	vst v14;
	v11 =	vmul.f32 v11, v6  }
0x387: {  	[tilespmem:s1+$0x18020] =	vst v13;
	v9 =	vmul.f32 v9, v6  }
0x388: {  	[tilespmem:s1+$0x18030] =	vst v11;
	v10 =	vmul.f32 v10, v6  }
0x389: {  	[tilespmem:s1+$0x18040] =	vst v9;
	v9 =	vmul.f32 v12, v6  }
0x38a: {  	[tilespmem:s1+$0x18050] =	vst v10;
	v10 =	vmul.f32 v63, v6  }
0x38b: {  	[tilespmem:s1+$0x18060] =	vst v9  }
0x38c: {  	[tilespmem:s1+$0x18070] =	vst v10  }
.LBB2_59:
0x38d: {  	s11 =	sadd.s32 $0x40, s31;
	p2 =	sgt.s32 s29, s31  }
0x38e: {  	s1 =	smov.u32 s31;
	p3 =	slt.s32 s28, s11;
	s5 =	smov.u32 s11  }
0x38f: {  	s1 =	smov.u32 @p2 s29;
	s5 =	smov.u32 @p3 s28  }
0x390: {  	p2 =	sle.s32 s5, s1  }
.Ltmp43:
0x391: {  	_ = 	snop;
	(pc) =	sbr.rel @p2 .LBB2_62-.Ltmp43, $1  }
0x392: {  	_ =	sdelay $0x3  }
0x393: {  	s5 =	ssub.s32 s5, s1  }
0x394: {  	p3 =	seq.s32 s5, $0x1  }
.Ltmp44:
0x395: {  	s25 =	sadd.s32 $0x14000, s31;
	(pc) =	sbr.rel @p3 .LBB2_61-.Ltmp44, $4  }
0x396: {  	s20 =	sshll.u32 s1, $0x9;
	s21 =	sshll.u32 s31, $0x9;
	s23 =	ssub.s32 s1, s31;
	v10 =	vmov s25  }
0x397: {  	s20 =	ssub.s32 s20, s21;
	s1 =	sshra.s32 s23, $0x1F  }
0x398: {  	p2 =	por $0x0, $0x0;
	s20 =	sshra.s32 s20, $0x2;
	s26 =	sshrl.u32 s1, $0x1C  }
0x399: {  	v9 =	vmov s12;
	s1 =	sadd.s32 $0xFFFFFFFF, s5;
	s20 =	sadd.s32 $0x18040, s20;
	s5 =	sadd.s32 s26, s23  }
0x39a: {  	_ =	sdelay $0x2  }
0x39b: {  	s5 =	sand.u32 $0xFFFFFFF0, s5  }
0x39c: {  	v11 =	vld.idx.msk [tilespmem:v10+s5+$0x0 ss:$0x1], $0xffff;
	_ =	sdelay $0x3  }
0x39d: {  	v12 =	vmov s23  }
0x39e: {  	v11 =	vperm.xlane v11, v12;
	_ =	sdelay $0x1  }
0x39f: {  	v11 =	vsub.s32 v11, v9  }
0x3a0: {  	vm1 =	vgt.s32 v11, $0x0  }
0x3a1: {  	v12 =	vnsel vm1, $0x0, v11  }
0x3a2: {  	v12 =	vmin.u32 v12, $0x9F  }
0x3a3: {  	vm1 =	vlt.u32 v11, $0xA0;
	v19 =	vshll.u32 v12, $0x7  }
0x3a4: {  	v11 =	vld [tilespmem:s20+$0xFFFFFFC0];
	v12 =	vor.u32 v0, v19;
	_ =	sdelay $0x4  }
0x3a5: {  	[tilespmem:v12+s18+$0x0] =	vst.idx.add.f32.msk vm1, v11;
	v11 =	vor.u32 $0x10, v0  }
0x3a6: {  	v12 =	vld [tilespmem:s20+$0xFFFFFFD0];
	v13 =	vor.u32 v11, v19;
	_ =	sdelay $0x4  }
0x3a7: {  	[tilespmem:v13+s18+$0x0] =	vst.idx.add.f32.msk vm1, v12;
	v12 =	vor.u32 $0x20, v0  }
0x3a8: {  	v13 =	vld [tilespmem:s20+$0xFFFFFFE0];
	v14 =	vor.u32 v12, v19;
	_ =	sdelay $0x4  }
0x3a9: {  	[tilespmem:v14+s18+$0x0] =	vst.idx.add.f32.msk vm1, v13;
	v13 =	vor.u32 $0x30, v0  }
0x3aa: {  	v14 =	vld [tilespmem:s20+$0xFFFFFFF0];
	v15 =	vor.u32 v13, v19;
	_ =	sdelay $0x4  }
0x3ab: {  	[tilespmem:v15+s18+$0x0] =	vst.idx.add.f32.msk vm1, v14;
	v14 =	vor.u32 $0x40, v0  }
0x3ac: {  	v15 =	vld [tilespmem:s20+$0x0];
	v16 =	vor.u32 v14, v19;
	_ =	sdelay $0x4  }
0x3ad: {  	[tilespmem:v16+s18+$0x0] =	vst.idx.add.f32.msk vm1, v15;
	v15 =	vor.u32 $0x50, v0  }
0x3ae: {  	v16 =	vld [tilespmem:s20+$0x10];
	v17 =	vor.u32 v15, v19;
	_ =	sdelay $0x4  }
0x3af: {  	[tilespmem:v17+s18+$0x0] =	vst.idx.add.f32.msk vm1, v16;
	v16 =	vor.u32 $0x60, v0  }
0x3b0: {  	v17 =	vld [tilespmem:s20+$0x20];
	v18 =	vor.u32 v16, v19;
	_ =	sdelay $0x4  }
0x3b1: {  	p3 =	seq.s32 s1, $0x1;
	[tilespmem:v18+s18+$0x0] =	vst.idx.add.f32.msk vm1, v17;
	v17 =	vor.u32 $0x70, v0  }
.Ltmp45:
0x3b2: {  	v18 =	vld [tilespmem:s20+$0x30];
	v19 =	vor.u32 v17, v19;
	(pc) =	sbr.rel @p3 .LBB2_65-.Ltmp45, $4  }
0x3b3: {  	s23 =	sadd.s32 $0x1, s23  }
0x3b4: {  	s26 =	sshra.s32 s23, $0x1F  }
0x3b5: {  	p2 =	por $0x1, $0x1;
	s5 =	sshrl.u32 s26, $0x1C  }
0x3b6: {  	s25 =	smov.u32 s20;
	s26 =	sadd.s32 $0xFFFFFFFF, s1;
	s5 =	sadd.s32 s5, s23  }
.LBB2_66:
0x3b7: {  	p3 =	seq.s32 s26, $0x1;
	s1 =	sand.u32 $0xFFFFFFF0, s5;
	[tilespmem:v19+s18+$0x0] =	vst.idx.add.f32.msk vm1, v18;
	s25 =	sadd.s32 $0x80, s25  }
0x3b8: {  	s26 =	sadd.s32 $0xFFFFFFFF, s26;
	v18 =	vld.idx.msk [tilespmem:v10+s1+$0x0 ss:$0x1], $0xffff;
	_ =	sdelay $0x4  }
0x3b9: {  	v19 =	vmov s23  }
0x3ba: {  	v18 =	vperm.xlane v18, v19;
	_ =	sdelay $0x1  }
0x3bb: {  	v18 =	vsub.s32 v18, v9  }
0x3bc: {  	vm1 =	vgt.s32 v18, $0x0  }
0x3bd: {  	v19 =	vnsel vm1, $0x0, v18  }
0x3be: {  	v19 =	vmin.u32 v19, $0x9F  }
0x3bf: {  	vm1 =	vlt.u32 v18, $0xA0;
	v19 =	vshll.u32 v19, $0x7  }
0x3c0: {  	v20 =	vor.u32 v0, v19;
	v18 =	vld [tilespmem:s25+$0xFFFFFFC0];
	_ =	sdelay $0x4  }
0x3c1: {  	[tilespmem:v20+s18+$0x0] =	vst.idx.add.f32.msk vm1, v18  }
0x3c2: {  	v20 =	vor.u32 v11, v19;
	v18 =	vld [tilespmem:s25+$0xFFFFFFD0];
	_ =	sdelay $0x4  }
0x3c3: {  	[tilespmem:v20+s18+$0x0] =	vst.idx.add.f32.msk vm1, v18  }
0x3c4: {  	v20 =	vor.u32 v12, v19;
	v18 =	vld [tilespmem:s25+$0xFFFFFFE0];
	_ =	sdelay $0x4  }
0x3c5: {  	[tilespmem:v20+s18+$0x0] =	vst.idx.add.f32.msk vm1, v18  }
0x3c6: {  	v20 =	vor.u32 v13, v19;
	v18 =	vld [tilespmem:s25+$0xFFFFFFF0];
	_ =	sdelay $0x4  }
0x3c7: {  	[tilespmem:v20+s18+$0x0] =	vst.idx.add.f32.msk vm1, v18  }
0x3c8: {  	v20 =	vor.u32 v14, v19;
	v18 =	vld [tilespmem:s25+$0x0];
	_ =	sdelay $0x4  }
0x3c9: {  	[tilespmem:v20+s18+$0x0] =	vst.idx.add.f32.msk vm1, v18  }
0x3ca: {  	v20 =	vor.u32 v15, v19;
	v18 =	vld [tilespmem:s25+$0x10];
	_ =	sdelay $0x4  }
0x3cb: {  	[tilespmem:v20+s18+$0x0] =	vst.idx.add.f32.msk vm1, v18  }
0x3cc: {  	v20 =	vor.u32 v16, v19;
	v18 =	vld [tilespmem:s25+$0x20];
	_ =	sdelay $0x4  }
0x3cd: {  	[tilespmem:v20+s18+$0x0] =	vst.idx.add.f32.msk vm1, v18  }
.Ltmp46:
0x3ce: {  	v19 =	vor.u32 v17, v19;
	v18 =	vld [tilespmem:s25+$0x30];
	(pc) =	sbr.rel @!p3 .LBB2_66-.Ltmp46, $4  }
0x3cf: {  	s23 =	sadd.s32 $0x1, s23  }
0x3d0: {  	s1 =	sshra.s32 s23, $0x1F  }
0x3d1: {  	s1 =	sshrl.u32 s1, $0x1C  }
0x3d2: {  	s5 =	sadd.s32 s1, s23  }
.LBB2_67:
0x3d3: {  	_ =	sdelay $0x4  }
0x3d4: {  	s1 =	sand.u32 $0xFFFFFFF0, s5;
	[tilespmem:v19+s18+$0x0] =	vst.idx.add.f32.msk @p2 vm1, v18  }
0x3d5: {  	v10 =	vld.idx.msk [tilespmem:v10+s1+$0x0 ss:$0x1], $0xffff;
	_ =	sdelay $0x3  }
0x3d6: {  	v11 =	vmov s23  }
0x3d7: {  	v10 =	vperm.xlane v10, v11;
	_ =	sdelay $0x1  }
0x3d8: {  	v9 =	vsub.s32 v10, v9  }
0x3d9: {  	vm1 =	vgt.s32 v9, $0x0  }
0x3da: {  	v10 =	vnsel vm1, $0x0, v9  }
0x3db: {  	s1 =	sadd.s32 @p2 $0x80, s25;
	v10 =	vmin.u32 v10, $0x9F  }
0x3dc: {  	s20 =	smov.u32 @p2 s1;
	vm1 =	vlt.u32 v9, $0xA0;
	v9 =	vshll.u32 v10, $0x7  }
0x3dd: {  	v10 =	vld [tilespmem:s20+$0xFFFFFFC0];
	v11 =	vor.u32 v0, v9;
	_ =	sdelay $0x4  }
0x3de: {  	[tilespmem:v11+s18+$0x0] =	vst.idx.add.f32.msk vm1, v10;
	v10 =	vor.u32 $0x10, v0  }
0x3df: {  	v11 =	vld [tilespmem:s20+$0xFFFFFFD0];
	v10 =	vor.u32 v10, v9;
	_ =	sdelay $0x4  }
0x3e0: {  	[tilespmem:v10+s18+$0x0] =	vst.idx.add.f32.msk vm1, v11;
	v10 =	vor.u32 $0x20, v0  }
0x3e1: {  	v11 =	vld [tilespmem:s20+$0xFFFFFFE0];
	v10 =	vor.u32 v10, v9;
	_ =	sdelay $0x4  }
0x3e2: {  	[tilespmem:v10+s18+$0x0] =	vst.idx.add.f32.msk vm1, v11;
	v10 =	vor.u32 $0x30, v0  }
0x3e3: {  	v11 =	vld [tilespmem:s20+$0xFFFFFFF0];
	v10 =	vor.u32 v10, v9;
	_ =	sdelay $0x4  }
0x3e4: {  	[tilespmem:v10+s18+$0x0] =	vst.idx.add.f32.msk vm1, v11;
	v10 =	vor.u32 $0x40, v0  }
0x3e5: {  	v11 =	vld [tilespmem:s20+$0x0];
	v10 =	vor.u32 v10, v9;
	_ =	sdelay $0x4  }
0x3e6: {  	[tilespmem:v10+s18+$0x0] =	vst.idx.add.f32.msk vm1, v11;
	v10 =	vor.u32 $0x50, v0  }
0x3e7: {  	v11 =	vld [tilespmem:s20+$0x10];
	v10 =	vor.u32 v10, v9;
	_ =	sdelay $0x4  }
0x3e8: {  	[tilespmem:v10+s18+$0x0] =	vst.idx.add.f32.msk vm1, v11;
	v10 =	vor.u32 $0x60, v0  }
0x3e9: {  	v11 =	vld [tilespmem:s20+$0x20];
	v10 =	vor.u32 v10, v9;
	_ =	sdelay $0x4  }
0x3ea: {  	[tilespmem:v10+s18+$0x0] =	vst.idx.add.f32.msk vm1, v11;
	v10 =	vor.u32 $0x70, v0  }
0x3eb: {  	v11 =	vld [tilespmem:s20+$0x30];
	v9 =	vor.u32 v10, v9;
	_ =	sdelay $0x4  }
0x3ec: {  	[tilespmem:v9+s18+$0x0] =	vst.idx.add.f32.msk vm1, v11  }
.LBB2_62:
0x3ed: {  	p2 =	sge.s32 s11, s28  }
.Ltmp47:
0x3ee: {  	_ = 	snop;
	(pc) =	sbr.rel @p2 .LBB2_80-.Ltmp47, $1  }
0x3ef: {  	_ =	sdelay $0x3  }
.Ltmp48:
0x3f0: {  	(pc) =	sbr.rel .LBB2_69-.Ltmp48, $2  }
0x3f1: {  	_ =	sdelay $0x2  }
0x3f2: {  	v9 =	vmov s12;
	s12 =	ssub.s32 $0xFFFFFFC0, s31  }
.LBB2_75:
0x3f3: {  	s25 =	smov.u32 s20  }
.LBB2_79:
0x3f4: {  	_ =	sdelay $0x4  }
0x3f5: {  	s1 =	sand.u32 $0xFFFFFFF0, s21;
	[tilespmem:v19+s18+$0x0] =	vst.idx.add.f32.msk @p2 vm1, v18  }
0x3f6: {  	v10 =	vld.idx.msk [tilespmem:v10+s1+$0x0 ss:$0x1], $0xffff;
	_ =	sdelay $0x3  }
0x3f7: {  	v11 =	vmov s5  }
0x3f8: {  	v10 =	vperm.xlane v10, v11;
	_ =	sdelay $0x1  }
0x3f9: {  	v10 =	vsub.s32 v10, v9  }
0x3fa: {  	vm1 =	vgt.s32 v10, $0x0  }
0x3fb: {  	v11 =	vnsel vm1, $0x0, v10  }
0x3fc: {  	s1 =	sadd.s32 @p2 $0x80, s25;
	v11 =	vmin.u32 v11, $0x9F  }
0x3fd: {  	s20 =	smov.u32 @p2 s1;
	vm1 =	vlt.u32 v10, $0xA0;
	v10 =	vshll.u32 v11, $0x7  }
0x3fe: {  	v11 =	vld [tilespmem:s20+$0xFFFFFFC0];
	v12 =	vor.u32 v0, v10;
	_ =	sdelay $0x4  }
0x3ff: {  	[tilespmem:v12+s18+$0x0] =	vst.idx.add.f32.msk vm1, v11;
	v11 =	vor.u32 $0x10, v0  }
0x400: {  	v12 =	vld [tilespmem:s20+$0xFFFFFFD0];
	v11 =	vor.u32 v11, v10;
	_ =	sdelay $0x4  }
0x401: {  	[tilespmem:v11+s18+$0x0] =	vst.idx.add.f32.msk vm1, v12;
	v11 =	vor.u32 $0x20, v0  }
0x402: {  	v12 =	vld [tilespmem:s20+$0xFFFFFFE0];
	v11 =	vor.u32 v11, v10;
	_ =	sdelay $0x4  }
0x403: {  	[tilespmem:v11+s18+$0x0] =	vst.idx.add.f32.msk vm1, v12;
	v11 =	vor.u32 $0x30, v0  }
0x404: {  	v12 =	vld [tilespmem:s20+$0xFFFFFFF0];
	v11 =	vor.u32 v11, v10;
	_ =	sdelay $0x4  }
0x405: {  	[tilespmem:v11+s18+$0x0] =	vst.idx.add.f32.msk vm1, v12;
	v11 =	vor.u32 $0x40, v0  }
0x406: {  	v12 =	vld [tilespmem:s20+$0x0];
	v11 =	vor.u32 v11, v10;
	_ =	sdelay $0x4  }
0x407: {  	[tilespmem:v11+s18+$0x0] =	vst.idx.add.f32.msk vm1, v12;
	v11 =	vor.u32 $0x50, v0  }
0x408: {  	v12 =	vld [tilespmem:s20+$0x10];
	v11 =	vor.u32 v11, v10;
	_ =	sdelay $0x4  }
0x409: {  	[tilespmem:v11+s18+$0x0] =	vst.idx.add.f32.msk vm1, v12;
	v11 =	vor.u32 $0x60, v0  }
0x40a: {  	v12 =	vld [tilespmem:s20+$0x20];
	v11 =	vor.u32 v11, v10;
	_ =	sdelay $0x4  }
0x40b: {  	[tilespmem:v11+s18+$0x0] =	vst.idx.add.f32.msk vm1, v12;
	v11 =	vor.u32 $0x70, v0  }
0x40c: {  	v12 =	vld [tilespmem:s20+$0x30];
	v10 =	vor.u32 v11, v10;
	_ =	sdelay $0x4  }
0x40d: {  	[tilespmem:v10+s18+$0x0] =	vst.idx.add.f32.msk vm1, v12  }
.LBB2_68:
0x40e: {  	p2 =	sge.s32 s11, s28  }
.Ltmp49:
0x40f: {  	_ = 	snop;
	(pc) =	sbr.rel @p2 .LBB2_80-.Ltmp49, $2  }
0x410: {  	_ =	sdelay $0x2  }
0x411: {  	s12 =	sadd.s32 $0xFFFFFFC0, s12  }
.LBB2_69:
0x412: {  	s1 =	sshll.u32 s11, $0x4  }
.Ltmp50:
0x413: {  	s5 =	simm.s32 $0x0;
	s1 =	sadd.s32 s2, s1;
	(pc) =	sbr.rel @p0 .LBB2_73-.Ltmp50, $4  }
0x414: {  	[tilespmem:s17], [sflag:$0xB] =	stream.linear.gather [hbm4b:s1+s5], $0x2000, $0x38;
	[tilespmem:$0x1C080] =	vst v63  }
0x415: {  	_ =	swait.ge [sflag:s14], $0x2000  }
0x416: {  	[sflag:s14] =	ssyncset.done $0x0  }
0x417: {  	s20 =	smov.u32 s11;
	[sflag:s14] =	ssyncadd.s32 $0xFFFFE000  }
0x418: {  	s1 =	simm.s32 $0x0  }
0x419: {  	v13 =	vld [tilespmem:s1+$0x18000]  }
0x41a: {  	v15 =	vld [tilespmem:s1+$0x18010]  }
0x41b: {  	v14 =	vld [tilespmem:s1+$0x18020]  }
0x41c: {  	v12 =	vld [tilespmem:s1+$0x18030]  }
0x41d: {  	v10 =	vld [tilespmem:s1+$0x18040]  }
0x41e: {  	v11 =	vld [tilespmem:s1+$0x18050];
	v16 =	vmul.f32 v13, v6  }
0x41f: {  	s5 =	simm.s32 $0x200;
	v15 =	vmul.f32 v15, v6;
	v13 =	vld [tilespmem:s1+$0x18060]  }
.LBB2_71:
0x420: {  	s11 =	sshra.s32 s5, $0x2;
	p2 =	sne.s32 s5, $0x7E00;
	[tilespmem:s1+$0x18000] =	vst v16;
	v14 =	vmul.f32 v14, v6;
	v16 =	vld [tilespmem:s1+$0x18070]  }
0x421: {  	v17 =	vld [tilespmem:s11+$0x18000];
	[tilespmem:s1+$0x18010] =	vst v15;
	v12 =	vmul.f32 v12, v6  }
0x422: {  	v15 =	vld [tilespmem:s11+$0x18010];
	[tilespmem:s1+$0x18020] =	vst v14;
	v10 =	vmul.f32 v10, v6  }
.Ltmp51:
0x423: {  	v14 =	vld [tilespmem:s11+$0x18020];
	[tilespmem:s1+$0x18030] =	vst v12;
	v11 =	vmul.f32 v11, v6;
	(pc) =	sbr.rel @p2 .LBB2_71-.Ltmp51, $4  }
0x424: {  	v12 =	vld [tilespmem:s11+$0x18030];
	[tilespmem:s1+$0x18040] =	vst v10;
	v13 =	vmul.f32 v13, v6  }
0x425: {  	v10 =	vld [tilespmem:s11+$0x18040];
	[tilespmem:s1+$0x18050] =	vst v11;
	v18 =	vmul.f32 v16, v6  }
0x426: {  	v16 =	vmul.f32 v17, v6;
	v11 =	vld [tilespmem:s11+$0x18050];
	[tilespmem:s1+$0x18060] =	vst v13  }
0x427: {  	s5 =	sadd.s32 $0x200, s5;
	v15 =	vmul.f32 v15, v6;
	v13 =	vld [tilespmem:s11+$0x18060];
	[tilespmem:s1+$0x18070] =	vst v18;
	s1 =	smov.u32 s11  }
0x428: {  	[tilespmem:s1+$0x18000] =	vst v16;
	v14 =	vmul.f32 v14, v6;
	v63 =	vld [tilespmem:s1+$0x18070]  }
0x429: {  	[tilespmem:s1+$0x18010] =	vst v15;
	v12 =	vmul.f32 v12, v6  }
0x42a: {  	[tilespmem:s1+$0x18020] =	vst v14;
	v10 =	vmul.f32 v10, v6  }
0x42b: {  	[tilespmem:s1+$0x18030] =	vst v12;
	v11 =	vmul.f32 v11, v6  }
0x42c: {  	[tilespmem:s1+$0x18040] =	vst v10;
	v10 =	vmul.f32 v13, v6  }
0x42d: {  	[tilespmem:s1+$0x18050] =	vst v11;
	v11 =	vmul.f32 v63, v6  }
0x42e: {  	[tilespmem:s1+$0x18060] =	vst v10  }
0x42f: {  	[tilespmem:s1+$0x18070] =	vst v11  }
.LBB2_73:
0x430: {  	s11 =	sadd.s32 $0x40, s20;
	p2 =	sgt.s32 s29, s20  }
0x431: {  	s1 =	smov.u32 s20;
	p3 =	slt.s32 s28, s11;
	s23 =	smov.u32 s11  }
0x432: {  	s1 =	smov.u32 @p2 s29;
	s23 =	smov.u32 @p3 s28  }
0x433: {  	p2 =	sge.s32 s1, s23  }
.Ltmp52:
0x434: {  	_ = 	snop;
	(pc) =	sbr.rel @p2 .LBB2_68-.Ltmp52, $1  }
0x435: {  	_ =	sdelay $0x3  }
0x436: {  	p2 =	sgt.s32 s20, s29;
	s5 =	smov.u32 s29  }
0x437: {  	s5 =	smov.u32 @p2 s20  }
0x438: {  	s5 =	sadd.s32 s12, s5  }
0x439: {  	s21 =	sshll.u32 s5, $0x9;
	s5 =	sadd.s32 s1, s12;
	s1 =	sadd.s32 $0x1, s1  }
0x43a: {  	p3 =	slt.s32 s1, s23  }
.Ltmp53:
0x43b: {  	_ = 	snop;
	(pc) =	sbr.rel @!p3 .LBB2_75-.Ltmp53, $4  }
0x43c: {  	s31 =	sadd.s32 $0x14000, s20  }
0x43d: {  	v10 =	vmov s31;
	s25 =	sshra.s32 s5, $0x1F  }
0x43e: {  	s21 =	sshra.s32 s21, $0x2;
	s25 =	sshrl.u32 s25, $0x1C  }
0x43f: {  	p2 =	por $0x0, $0x0;
	s20 =	sadd.s32 $0x18040, s21;
	s21 =	sadd.s32 s25, s5  }
0x440: {  	_ =	sdelay $0x2  }
0x441: {  	s21 =	sand.u32 $0xFFFFFFF0, s21  }
0x442: {  	v11 =	vld.idx.msk [tilespmem:v10+s21+$0x0 ss:$0x1], $0xffff;
	_ =	sdelay $0x3  }
0x443: {  	v12 =	vmov s5  }
0x444: {  	v11 =	vperm.xlane v11, v12;
	_ =	sdelay $0x1  }
0x445: {  	v11 =	vsub.s32 v11, v9  }
0x446: {  	vm1 =	vgt.s32 v11, $0x0  }
0x447: {  	v12 =	vnsel vm1, $0x0, v11  }
0x448: {  	v12 =	vmin.u32 v12, $0x9F  }
0x449: {  	vm1 =	vlt.u32 v11, $0xA0;
	v19 =	vshll.u32 v12, $0x7  }
0x44a: {  	v11 =	vld [tilespmem:s20+$0xFFFFFFC0];
	v12 =	vor.u32 v0, v19;
	_ =	sdelay $0x4  }
0x44b: {  	[tilespmem:v12+s18+$0x0] =	vst.idx.add.f32.msk vm1, v11;
	v11 =	vor.u32 $0x10, v0  }
0x44c: {  	v12 =	vld [tilespmem:s20+$0xFFFFFFD0];
	v13 =	vor.u32 v11, v19;
	_ =	sdelay $0x4  }
0x44d: {  	[tilespmem:v13+s18+$0x0] =	vst.idx.add.f32.msk vm1, v12;
	v12 =	vor.u32 $0x20, v0  }
0x44e: {  	v13 =	vld [tilespmem:s20+$0xFFFFFFE0];
	v14 =	vor.u32 v12, v19;
	_ =	sdelay $0x4  }
0x44f: {  	[tilespmem:v14+s18+$0x0] =	vst.idx.add.f32.msk vm1, v13;
	v13 =	vor.u32 $0x30, v0  }
0x450: {  	v14 =	vld [tilespmem:s20+$0xFFFFFFF0];
	v15 =	vor.u32 v13, v19;
	_ =	sdelay $0x4  }
0x451: {  	[tilespmem:v15+s18+$0x0] =	vst.idx.add.f32.msk vm1, v14;
	v14 =	vor.u32 $0x40, v0  }
0x452: {  	v15 =	vld [tilespmem:s20+$0x0];
	v16 =	vor.u32 v14, v19;
	_ =	sdelay $0x4  }
0x453: {  	[tilespmem:v16+s18+$0x0] =	vst.idx.add.f32.msk vm1, v15;
	v15 =	vor.u32 $0x50, v0  }
0x454: {  	v16 =	vld [tilespmem:s20+$0x10];
	v17 =	vor.u32 v15, v19;
	_ =	sdelay $0x4  }
0x455: {  	[tilespmem:v17+s18+$0x0] =	vst.idx.add.f32.msk vm1, v16;
	v16 =	vor.u32 $0x60, v0  }
0x456: {  	v17 =	vld [tilespmem:s20+$0x20];
	v18 =	vor.u32 v16, v19;
	_ =	sdelay $0x2  }
0x457: {  	s26 =	sadd.s32 $0x1, s1  }
0x458: {  	p3 =	slt.s32 s26, s23  }
.Ltmp54:
0x459: {  	[tilespmem:v18+s18+$0x0] =	vst.idx.add.f32.msk vm1, v17;
	v17 =	vor.u32 $0x70, v0;
	(pc) =	sbr.rel @!p3 .LBB2_77-.Ltmp54, $4  }
0x45a: {  	s5 =	sadd.s32 s1, s12;
	v18 =	vld [tilespmem:s20+$0x30];
	v19 =	vor.u32 v17, v19  }
0x45b: {  	s31 =	sshra.s32 s5, $0x1F  }
0x45c: {  	s1 =	sshrl.u32 s31, $0x1C  }
0x45d: {  	p2 =	por $0x1, $0x1;
	s25 =	smov.u32 s20;
	s21 =	sadd.s32 s1, s5  }
.LBB2_78:
0x45e: {  	s21 =	sand.u32 $0xFFFFFFF0, s21  }
0x45f: {  	[tilespmem:v19+s18+$0x0] =	vst.idx.add.f32.msk vm1, v18;
	s25 =	sadd.s32 $0x80, s25;
	s1 =	smov.u32 s26;
	s26 =	sadd.s32 $0x1, s26  }
0x460: {  	p3 =	slt.s32 s26, s23;
	v18 =	vld.idx.msk [tilespmem:v10+s21+$0x0 ss:$0x1], $0xffff;
	_ =	sdelay $0x4  }
0x461: {  	v19 =	vmov s5  }
0x462: {  	v18 =	vperm.xlane v18, v19;
	_ =	sdelay $0x1  }
0x463: {  	v18 =	vsub.s32 v18, v9  }
0x464: {  	vm1 =	vgt.s32 v18, $0x0  }
0x465: {  	v19 =	vnsel vm1, $0x0, v18  }
0x466: {  	v19 =	vmin.u32 v19, $0x9F  }
0x467: {  	vm1 =	vlt.u32 v18, $0xA0;
	v19 =	vshll.u32 v19, $0x7  }
0x468: {  	v20 =	vor.u32 v0, v19;
	v18 =	vld [tilespmem:s25+$0xFFFFFFC0];
	_ =	sdelay $0x4  }
0x469: {  	[tilespmem:v20+s18+$0x0] =	vst.idx.add.f32.msk vm1, v18  }
0x46a: {  	v20 =	vor.u32 v11, v19;
	v18 =	vld [tilespmem:s25+$0xFFFFFFD0];
	_ =	sdelay $0x4  }
0x46b: {  	[tilespmem:v20+s18+$0x0] =	vst.idx.add.f32.msk vm1, v18  }
0x46c: {  	v20 =	vor.u32 v12, v19;
	v18 =	vld [tilespmem:s25+$0xFFFFFFE0];
	_ =	sdelay $0x4  }
0x46d: {  	[tilespmem:v20+s18+$0x0] =	vst.idx.add.f32.msk vm1, v18  }
0x46e: {  	v20 =	vor.u32 v13, v19;
	v18 =	vld [tilespmem:s25+$0xFFFFFFF0];
	_ =	sdelay $0x4  }
0x46f: {  	[tilespmem:v20+s18+$0x0] =	vst.idx.add.f32.msk vm1, v18  }
0x470: {  	v20 =	vor.u32 v14, v19;
	v18 =	vld [tilespmem:s25+$0x0];
	_ =	sdelay $0x4  }
0x471: {  	[tilespmem:v20+s18+$0x0] =	vst.idx.add.f32.msk vm1, v18  }
0x472: {  	v20 =	vor.u32 v15, v19;
	v18 =	vld [tilespmem:s25+$0x10];
	_ =	sdelay $0x4  }
0x473: {  	[tilespmem:v20+s18+$0x0] =	vst.idx.add.f32.msk vm1, v18  }
0x474: {  	v20 =	vor.u32 v16, v19;
	v18 =	vld [tilespmem:s25+$0x20];
	_ =	sdelay $0x4  }
0x475: {  	[tilespmem:v20+s18+$0x0] =	vst.idx.add.f32.msk vm1, v18  }
.Ltmp55:
0x476: {  	v19 =	vor.u32 v17, v19;
	v18 =	vld [tilespmem:s25+$0x30];
	(pc) =	sbr.rel @p3 .LBB2_78-.Ltmp55, $4  }
0x477: {  	s5 =	sadd.s32 s1, s12  }
0x478: {  	s1 =	sshra.s32 s5, $0x1F  }
0x479: {  	s1 =	sshrl.u32 s1, $0x1C  }
0x47a: {  	s21 =	sadd.s32 s1, s5  }
.Ltmp56:
0x47b: {  	_ = 	snop;
	(pc) =	sbr.rel .LBB2_79-.Ltmp56, $1  }
0x47c: {  	_ =	sdelay $0x3  }
.LBB2_77:
.Ltmp57:
0x47d: {  	(pc) =	sbr.rel .LBB2_79-.Ltmp57, $2  }
0x47e: {  	_ =	sdelay $0x2  }
0x47f: {  	s25 =	smov.u32 s20  }
.LBB2_80:
0x480: {  	s1 =	rddreg [dreg:$0x4]  }
0x481: {  	s1 =	sadd.s32 s1, s15  }
0x482: {  	v9 =	vmov s13;
	[hbm4b:s1+s6] =	stream.linear.scatter [tilespmem:s18], [sflag:$0x7], $0x5000, $0x38;
	[tilespmem:$0x1C080] =	vst v63  }
0x483: {  	vm1 =	veq.s32 v9, v0;
	s1 =	simm.s32 @!p1 $0x6  }
0x484: {  	s4 =	sadd.s32 $0xFFFFFFF4, s4;
	v9 =	vnsel vm1, $0x80000000, v7;
	_ =	swait.ge @!p1 [sflag:s1], $0x5000  }
0x485: {  	(xrf0) =	vmax.scan.msk.u32 $0xffff, v9;
	v9 =	vmov s4  }
0x486: {  	vm1 =	veq.s32 v9, v0  }
0x487: {  	v9 =	vnsel vm1, $0x80000000, v8  }
0x488: {  	(xrf0) =	vmax.scan.msk.u32 $0xffff, v9;
	_ =	sdelay $0x4  }
0x489: {  	v9, _, _ =	vpop (xrf0)  }
0x48a: {  	(v2sf) =	vpush v9, $0xF;
	v9, _, _ =	vpop (xrf0)  }
0x48b: {  	(v2sf) =	vpush v9, $0xF;
	_ =	sdelay $0x8  }
0x48c: {  	s4 =	rddreg [dreg:$0x9];
	[sflag:s1] =	ssyncset.done @!p1 $0x0  }
0x48d: {  	s4 =	sadd.s32 @!p1 s9, s4;
	[sflag:s1] =	ssyncadd.s32 @!p1 $0xFFFFB000  }
0x48e: {  	s4 =	sshll.u32 @!p1 s4, $0x4;
	s1 =	rddreg [dreg:$0x0]  }
0x48f: {  	s1 =	sadd.s32 @!p1 s1, s4;
	s4 =	simm.s32 @!p1 $0x5000  }
0x490: {  	[tilespmem:s4], [sflag:$0x2] =	stream.linear.gather @!p1 [hbm4b:s1+s3], $0x5000, $0x38;
	[tilespmem:$0x1C080] =	vst v63  }
0x491: {  	s5 =	spop (v2sf)  }
0x492: {  	p2 =	slt.u32 s0, $0x3;
	s1 =	spop (v2sf)  }
0x493: {  	s1 =	smov.u32 @p2 s5  }
0x494: {  	s4 =	sxor.u32 $0x80000000, s1  }
0x495: {  	s1 =	sshra.s32 @!p1 s4, $0x1F  }
0x496: {  	s1 =	sshrl.u32 @!p1 s1, $0x1A  }
0x497: {  	s1 =	sadd.s32 @!p1 s1, s4  }
0x498: {  	s1 =	sand.u32 @!p1 $0xFFFFFFC0, s1  }
0x499: {  	p2 =	slt.s32 @!p1 s1, $0x3FC0  }
0x49a: {  	p2 =	por !p2, p1  }
0x49b: {  	s1 =	simm.s32 @p2 $0x3FC0  }
0x49c: {  	s1 =	sshll.u32 @!p1 s1, $0x4  }
0x49d: {  	s31 =	simm.s32 $0x4;
	s5 =	simm.s32 @!p1 $0x18000;
	s1 =	sadd.s32 @!p1 s2, s1  }
0x49e: {  	[tilespmem:s5], [sflag:$0x9] =	stream.linear.gather @!p1 [hbm4b:s1+s3], $0x2000, $0x38;
	[tilespmem:$0x1C080] =	vst v63  }
0x49f: {  	p1 =	sge.s32 s28, s4;
	_ =	swait.ge [sflag:s31], $0x5000  }
.Ltmp58:
0x4a0: {  	[sflag:s31] =	ssyncset.done $0x0;
	(pc) =	sbr.rel @p1 .LBB2_106-.Ltmp58, $4  }
0x4a1: {  	[sflag:s31] =	ssyncadd.s32 $0xFFFFB000  }
0x4a2: {  	_ =	swait.ge [sflag:s24], $0x2000  }
0x4a3: {  	[sflag:s24] =	ssyncset.done $0x0  }
0x4a4: {  	[sflag:s24] =	ssyncadd.s32 $0xFFFFE000  }
.Ltmp59:
0x4a5: {  	(pc) =	sbr.rel @p0 .LBB2_85-.Ltmp59, $1  }
0x4a6: {  	_ =	sdelay $0x3  }
0x4a7: {  	s1 =	simm.s32 $0x0  }
0x4a8: {  	v12 =	vld [tilespmem:s1+$0x1A000]  }
0x4a9: {  	v14 =	vld [tilespmem:s1+$0x1A010]  }
0x4aa: {  	v13 =	vld [tilespmem:s1+$0x1A020]  }
0x4ab: {  	v11 =	vld [tilespmem:s1+$0x1A030]  }
0x4ac: {  	v9 =	vld [tilespmem:s1+$0x1A040]  }
0x4ad: {  	v10 =	vld [tilespmem:s1+$0x1A050];
	v15 =	vmul.f32 v12, v6  }
0x4ae: {  	s3 =	simm.s32 $0x200;
	v14 =	vmul.f32 v14, v6;
	v12 =	vld [tilespmem:s1+$0x1A060]  }
.LBB2_83:
0x4af: {  	s5 =	sshra.s32 s3, $0x2;
	p1 =	sne.s32 s3, $0x7E00;
	[tilespmem:s1+$0x1A000] =	vst v15;
	v13 =	vmul.f32 v13, v6;
	v15 =	vld [tilespmem:s1+$0x1A070]  }
0x4b0: {  	v16 =	vld [tilespmem:s5+$0x1A000];
	[tilespmem:s1+$0x1A010] =	vst v14;
	v11 =	vmul.f32 v11, v6  }
0x4b1: {  	v14 =	vld [tilespmem:s5+$0x1A010];
	[tilespmem:s1+$0x1A020] =	vst v13;
	v9 =	vmul.f32 v9, v6  }
.Ltmp60:
0x4b2: {  	v13 =	vld [tilespmem:s5+$0x1A020];
	[tilespmem:s1+$0x1A030] =	vst v11;
	v10 =	vmul.f32 v10, v6;
	(pc) =	sbr.rel @p1 .LBB2_83-.Ltmp60, $4  }
0x4b3: {  	v11 =	vld [tilespmem:s5+$0x1A030];
	[tilespmem:s1+$0x1A040] =	vst v9;
	v12 =	vmul.f32 v12, v6  }
0x4b4: {  	v9 =	vld [tilespmem:s5+$0x1A040];
	[tilespmem:s1+$0x1A050] =	vst v10;
	v17 =	vmul.f32 v15, v6  }
0x4b5: {  	v15 =	vmul.f32 v16, v6;
	v10 =	vld [tilespmem:s5+$0x1A050];
	[tilespmem:s1+$0x1A060] =	vst v12  }
0x4b6: {  	s3 =	sadd.s32 $0x200, s3;
	v14 =	vmul.f32 v14, v6;
	v12 =	vld [tilespmem:s5+$0x1A060];
	[tilespmem:s1+$0x1A070] =	vst v17;
	s1 =	smov.u32 s5  }
0x4b7: {  	[tilespmem:s1+$0x1A000] =	vst v15;
	v13 =	vmul.f32 v13, v6;
	v63 =	vld [tilespmem:s1+$0x1A070]  }
0x4b8: {  	[tilespmem:s1+$0x1A010] =	vst v14;
	v11 =	vmul.f32 v11, v6  }
0x4b9: {  	[tilespmem:s1+$0x1A020] =	vst v13;
	v9 =	vmul.f32 v9, v6  }
0x4ba: {  	[tilespmem:s1+$0x1A030] =	vst v11;
	v10 =	vmul.f32 v10, v6  }
0x4bb: {  	[tilespmem:s1+$0x1A040] =	vst v9;
	v9 =	vmul.f32 v12, v6  }
0x4bc: {  	[tilespmem:s1+$0x1A050] =	vst v10;
	v10 =	vmul.f32 v63, v6  }
0x4bd: {  	[tilespmem:s1+$0x1A060] =	vst v9  }
0x4be: {  	[tilespmem:s1+$0x1A070] =	vst v10  }
.LBB2_85:
0x4bf: {  	s3 =	sadd.s32 $0x40, s30;
	p1 =	sgt.s32 s28, s30  }
0x4c0: {  	s1 =	smov.u32 s30;
	p2 =	slt.s32 s4, s3;
	s5 =	smov.u32 s3  }
0x4c1: {  	s1 =	smov.u32 @p1 s28;
	s5 =	smov.u32 @p2 s4  }
0x4c2: {  	p1 =	sle.s32 s5, s1  }
.Ltmp61:
0x4c3: {  	_ = 	snop;
	(pc) =	sbr.rel @p1 .LBB2_88-.Ltmp61, $1  }
0x4c4: {  	_ =	sdelay $0x3  }
0x4c5: {  	s5 =	ssub.s32 s5, s1  }
0x4c6: {  	s9 =	sshll.u32 s1, $0x9;
	p2 =	seq.s32 s5, $0x1  }
.Ltmp62:
0x4c7: {  	s11 =	sshll.u32 s30, $0x9;
	s12 =	sadd.s32 $0x14000, s30;
	(pc) =	sbr.rel @p2 .LBB2_87-.Ltmp62, $4  }
0x4c8: {  	s9 =	ssub.s32 s9, s11;
	s11 =	ssub.s32 s1, s30;
	v10 =	vmov s12  }
0x4c9: {  	s1 =	sshra.s32 s11, $0x1F  }
0x4ca: {  	p1 =	por $0x0, $0x0;
	s9 =	sshra.s32 s9, $0x2;
	s31 =	sshrl.u32 s1, $0x1C  }
0x4cb: {  	v9 =	vmov s8;
	s9 =	sadd.s32 $0x1A040, s9;
	s1 =	sadd.s32 $0xFFFFFFFF, s5;
	s5 =	sadd.s32 s31, s11  }
0x4cc: {  	_ =	sdelay $0x2  }
0x4cd: {  	s5 =	sand.u32 $0xFFFFFFF0, s5  }
0x4ce: {  	v11 =	vld.idx.msk [tilespmem:v10+s5+$0x0 ss:$0x1], $0xffff;
	_ =	sdelay $0x3  }
0x4cf: {  	v12 =	vmov s11  }
0x4d0: {  	v11 =	vperm.xlane v11, v12;
	_ =	sdelay $0x1  }
0x4d1: {  	v11 =	vsub.s32 v11, v9  }
0x4d2: {  	vm1 =	vgt.s32 v11, $0x0  }
0x4d3: {  	v12 =	vnsel vm1, $0x0, v11  }
0x4d4: {  	v12 =	vmin.u32 v12, $0x9F  }
0x4d5: {  	vm1 =	vlt.u32 v11, $0xA0;
	v19 =	vshll.u32 v12, $0x7  }
0x4d6: {  	v11 =	vld [tilespmem:s9+$0xFFFFFFC0];
	v12 =	vor.u32 v0, v19;
	_ =	sdelay $0x4  }
0x4d7: {  	[tilespmem:v12+s22+$0x0] =	vst.idx.add.f32.msk vm1, v11;
	v11 =	vor.u32 $0x10, v0  }
0x4d8: {  	v12 =	vld [tilespmem:s9+$0xFFFFFFD0];
	v13 =	vor.u32 v11, v19;
	_ =	sdelay $0x4  }
0x4d9: {  	[tilespmem:v13+s22+$0x0] =	vst.idx.add.f32.msk vm1, v12;
	v12 =	vor.u32 $0x20, v0  }
0x4da: {  	v13 =	vld [tilespmem:s9+$0xFFFFFFE0];
	v14 =	vor.u32 v12, v19;
	_ =	sdelay $0x4  }
0x4db: {  	[tilespmem:v14+s22+$0x0] =	vst.idx.add.f32.msk vm1, v13;
	v13 =	vor.u32 $0x30, v0  }
0x4dc: {  	v14 =	vld [tilespmem:s9+$0xFFFFFFF0];
	v15 =	vor.u32 v13, v19;
	_ =	sdelay $0x4  }
0x4dd: {  	[tilespmem:v15+s22+$0x0] =	vst.idx.add.f32.msk vm1, v14;
	v14 =	vor.u32 $0x40, v0  }
0x4de: {  	v15 =	vld [tilespmem:s9+$0x0];
	v16 =	vor.u32 v14, v19;
	_ =	sdelay $0x4  }
0x4df: {  	[tilespmem:v16+s22+$0x0] =	vst.idx.add.f32.msk vm1, v15;
	v15 =	vor.u32 $0x50, v0  }
0x4e0: {  	v16 =	vld [tilespmem:s9+$0x10];
	v17 =	vor.u32 v15, v19;
	_ =	sdelay $0x4  }
0x4e1: {  	[tilespmem:v17+s22+$0x0] =	vst.idx.add.f32.msk vm1, v16;
	v16 =	vor.u32 $0x60, v0  }
0x4e2: {  	v17 =	vld [tilespmem:s9+$0x20];
	v18 =	vor.u32 v16, v19;
	_ =	sdelay $0x4  }
0x4e3: {  	p2 =	seq.s32 s1, $0x1;
	[tilespmem:v18+s22+$0x0] =	vst.idx.add.f32.msk vm1, v17;
	v17 =	vor.u32 $0x70, v0  }
.Ltmp63:
0x4e4: {  	v18 =	vld [tilespmem:s9+$0x30];
	v19 =	vor.u32 v17, v19;
	(pc) =	sbr.rel @p2 .LBB2_91-.Ltmp63, $4  }
0x4e5: {  	s11 =	sadd.s32 $0x1, s11  }
0x4e6: {  	s31 =	sshra.s32 s11, $0x1F  }
0x4e7: {  	s13 =	sadd.s32 $0xFFFFFFFF, s1;
	s5 =	sshrl.u32 s31, $0x1C  }
0x4e8: {  	p1 =	por $0x1, $0x1;
	s12 =	smov.u32 s9;
	s5 =	sadd.s32 s5, s11  }
.LBB2_92:
0x4e9: {  	p2 =	seq.s32 s13, $0x1;
	s1 =	sand.u32 $0xFFFFFFF0, s5;
	[tilespmem:v19+s22+$0x0] =	vst.idx.add.f32.msk vm1, v18;
	s12 =	sadd.s32 $0x80, s12  }
0x4ea: {  	s13 =	sadd.s32 $0xFFFFFFFF, s13;
	v18 =	vld.idx.msk [tilespmem:v10+s1+$0x0 ss:$0x1], $0xffff;
	_ =	sdelay $0x4  }
0x4eb: {  	v19 =	vmov s11  }
0x4ec: {  	v18 =	vperm.xlane v18, v19;
	_ =	sdelay $0x1  }
0x4ed: {  	v18 =	vsub.s32 v18, v9  }
0x4ee: {  	vm1 =	vgt.s32 v18, $0x0  }
0x4ef: {  	v19 =	vnsel vm1, $0x0, v18  }
0x4f0: {  	v19 =	vmin.u32 v19, $0x9F  }
0x4f1: {  	vm1 =	vlt.u32 v18, $0xA0;
	v19 =	vshll.u32 v19, $0x7  }
0x4f2: {  	v20 =	vor.u32 v0, v19;
	v18 =	vld [tilespmem:s12+$0xFFFFFFC0];
	_ =	sdelay $0x4  }
0x4f3: {  	[tilespmem:v20+s22+$0x0] =	vst.idx.add.f32.msk vm1, v18  }
0x4f4: {  	v20 =	vor.u32 v11, v19;
	v18 =	vld [tilespmem:s12+$0xFFFFFFD0];
	_ =	sdelay $0x4  }
0x4f5: {  	[tilespmem:v20+s22+$0x0] =	vst.idx.add.f32.msk vm1, v18  }
0x4f6: {  	v20 =	vor.u32 v12, v19;
	v18 =	vld [tilespmem:s12+$0xFFFFFFE0];
	_ =	sdelay $0x4  }
0x4f7: {  	[tilespmem:v20+s22+$0x0] =	vst.idx.add.f32.msk vm1, v18  }
0x4f8: {  	v20 =	vor.u32 v13, v19;
	v18 =	vld [tilespmem:s12+$0xFFFFFFF0];
	_ =	sdelay $0x4  }
0x4f9: {  	[tilespmem:v20+s22+$0x0] =	vst.idx.add.f32.msk vm1, v18  }
0x4fa: {  	v20 =	vor.u32 v14, v19;
	v18 =	vld [tilespmem:s12+$0x0];
	_ =	sdelay $0x4  }
0x4fb: {  	[tilespmem:v20+s22+$0x0] =	vst.idx.add.f32.msk vm1, v18  }
0x4fc: {  	v20 =	vor.u32 v15, v19;
	v18 =	vld [tilespmem:s12+$0x10];
	_ =	sdelay $0x4  }
0x4fd: {  	[tilespmem:v20+s22+$0x0] =	vst.idx.add.f32.msk vm1, v18  }
0x4fe: {  	v20 =	vor.u32 v16, v19;
	v18 =	vld [tilespmem:s12+$0x20];
	_ =	sdelay $0x4  }
0x4ff: {  	[tilespmem:v20+s22+$0x0] =	vst.idx.add.f32.msk vm1, v18  }
.Ltmp64:
0x500: {  	v19 =	vor.u32 v17, v19;
	v18 =	vld [tilespmem:s12+$0x30];
	(pc) =	sbr.rel @!p2 .LBB2_92-.Ltmp64, $4  }
0x501: {  	s11 =	sadd.s32 $0x1, s11  }
0x502: {  	s1 =	sshra.s32 s11, $0x1F  }
0x503: {  	s1 =	sshrl.u32 s1, $0x1C  }
0x504: {  	s5 =	sadd.s32 s1, s11  }
.LBB2_93:
0x505: {  	_ =	sdelay $0x4  }
0x506: {  	s1 =	sand.u32 $0xFFFFFFF0, s5;
	[tilespmem:v19+s22+$0x0] =	vst.idx.add.f32.msk @p1 vm1, v18  }
0x507: {  	v10 =	vld.idx.msk [tilespmem:v10+s1+$0x0 ss:$0x1], $0xffff;
	_ =	sdelay $0x3  }
0x508: {  	v11 =	vmov s11  }
0x509: {  	v10 =	vperm.xlane v10, v11;
	_ =	sdelay $0x1  }
0x50a: {  	v9 =	vsub.s32 v10, v9  }
0x50b: {  	vm1 =	vgt.s32 v9, $0x0  }
0x50c: {  	v10 =	vnsel vm1, $0x0, v9  }
0x50d: {  	s1 =	sadd.s32 @p1 $0x80, s12;
	v10 =	vmin.u32 v10, $0x9F  }
0x50e: {  	s9 =	smov.u32 @p1 s1;
	vm1 =	vlt.u32 v9, $0xA0;
	v9 =	vshll.u32 v10, $0x7  }
0x50f: {  	v10 =	vld [tilespmem:s9+$0xFFFFFFC0];
	v11 =	vor.u32 v0, v9;
	_ =	sdelay $0x4  }
0x510: {  	[tilespmem:v11+s22+$0x0] =	vst.idx.add.f32.msk vm1, v10;
	v10 =	vor.u32 $0x10, v0  }
0x511: {  	v11 =	vld [tilespmem:s9+$0xFFFFFFD0];
	v10 =	vor.u32 v10, v9;
	_ =	sdelay $0x4  }
0x512: {  	[tilespmem:v10+s22+$0x0] =	vst.idx.add.f32.msk vm1, v11;
	v10 =	vor.u32 $0x20, v0  }
0x513: {  	v11 =	vld [tilespmem:s9+$0xFFFFFFE0];
	v10 =	vor.u32 v10, v9;
	_ =	sdelay $0x4  }
0x514: {  	[tilespmem:v10+s22+$0x0] =	vst.idx.add.f32.msk vm1, v11;
	v10 =	vor.u32 $0x30, v0  }
0x515: {  	v11 =	vld [tilespmem:s9+$0xFFFFFFF0];
	v10 =	vor.u32 v10, v9;
	_ =	sdelay $0x4  }
0x516: {  	[tilespmem:v10+s22+$0x0] =	vst.idx.add.f32.msk vm1, v11;
	v10 =	vor.u32 $0x40, v0  }
0x517: {  	v11 =	vld [tilespmem:s9+$0x0];
	v10 =	vor.u32 v10, v9;
	_ =	sdelay $0x4  }
0x518: {  	[tilespmem:v10+s22+$0x0] =	vst.idx.add.f32.msk vm1, v11;
	v10 =	vor.u32 $0x50, v0  }
0x519: {  	v11 =	vld [tilespmem:s9+$0x10];
	v10 =	vor.u32 v10, v9;
	_ =	sdelay $0x4  }
0x51a: {  	[tilespmem:v10+s22+$0x0] =	vst.idx.add.f32.msk vm1, v11;
	v10 =	vor.u32 $0x60, v0  }
0x51b: {  	v11 =	vld [tilespmem:s9+$0x20];
	v10 =	vor.u32 v10, v9;
	_ =	sdelay $0x4  }
0x51c: {  	[tilespmem:v10+s22+$0x0] =	vst.idx.add.f32.msk vm1, v11;
	v10 =	vor.u32 $0x70, v0  }
0x51d: {  	v11 =	vld [tilespmem:s9+$0x30];
	v9 =	vor.u32 v10, v9;
	_ =	sdelay $0x4  }
0x51e: {  	[tilespmem:v9+s22+$0x0] =	vst.idx.add.f32.msk vm1, v11  }
.LBB2_88:
0x51f: {  	p1 =	sge.s32 s3, s4  }
.Ltmp65:
0x520: {  	_ = 	snop;
	(pc) =	sbr.rel @p1 .LBB2_106-.Ltmp65, $1  }
0x521: {  	_ =	sdelay $0x3  }
.Ltmp66:
0x522: {  	(pc) =	sbr.rel .LBB2_95-.Ltmp66, $2  }
0x523: {  	_ =	sdelay $0x2  }
0x524: {  	v9 =	vmov s8;
	s8 =	ssub.s32 $0xFFFFFFC0, s30  }
.LBB2_101:
0x525: {  	s12 =	smov.u32 s9  }
.LBB2_105:
0x526: {  	_ =	sdelay $0x4  }
0x527: {  	s1 =	sand.u32 $0xFFFFFFF0, s15;
	[tilespmem:v19+s22+$0x0] =	vst.idx.add.f32.msk @p1 vm1, v18  }
0x528: {  	v10 =	vld.idx.msk [tilespmem:v10+s1+$0x0 ss:$0x1], $0xffff;
	_ =	sdelay $0x3  }
0x529: {  	v11 =	vmov s5  }
0x52a: {  	v10 =	vperm.xlane v10, v11;
	_ =	sdelay $0x1  }
0x52b: {  	v10 =	vsub.s32 v10, v9  }
0x52c: {  	vm1 =	vgt.s32 v10, $0x0  }
0x52d: {  	v11 =	vnsel vm1, $0x0, v10  }
0x52e: {  	s1 =	sadd.s32 @p1 $0x80, s12;
	v11 =	vmin.u32 v11, $0x9F  }
0x52f: {  	s9 =	smov.u32 @p1 s1;
	vm1 =	vlt.u32 v10, $0xA0;
	v10 =	vshll.u32 v11, $0x7  }
0x530: {  	v11 =	vld [tilespmem:s9+$0xFFFFFFC0];
	v12 =	vor.u32 v0, v10;
	_ =	sdelay $0x4  }
0x531: {  	[tilespmem:v12+s22+$0x0] =	vst.idx.add.f32.msk vm1, v11;
	v11 =	vor.u32 $0x10, v0  }
0x532: {  	v12 =	vld [tilespmem:s9+$0xFFFFFFD0];
	v11 =	vor.u32 v11, v10;
	_ =	sdelay $0x4  }
0x533: {  	[tilespmem:v11+s22+$0x0] =	vst.idx.add.f32.msk vm1, v12;
	v11 =	vor.u32 $0x20, v0  }
0x534: {  	v12 =	vld [tilespmem:s9+$0xFFFFFFE0];
	v11 =	vor.u32 v11, v10;
	_ =	sdelay $0x4  }
0x535: {  	[tilespmem:v11+s22+$0x0] =	vst.idx.add.f32.msk vm1, v12;
	v11 =	vor.u32 $0x30, v0  }
0x536: {  	v12 =	vld [tilespmem:s9+$0xFFFFFFF0];
	v11 =	vor.u32 v11, v10;
	_ =	sdelay $0x4  }
0x537: {  	[tilespmem:v11+s22+$0x0] =	vst.idx.add.f32.msk vm1, v12;
	v11 =	vor.u32 $0x40, v0  }
0x538: {  	v12 =	vld [tilespmem:s9+$0x0];
	v11 =	vor.u32 v11, v10;
	_ =	sdelay $0x4  }
0x539: {  	[tilespmem:v11+s22+$0x0] =	vst.idx.add.f32.msk vm1, v12;
	v11 =	vor.u32 $0x50, v0  }
0x53a: {  	v12 =	vld [tilespmem:s9+$0x10];
	v11 =	vor.u32 v11, v10;
	_ =	sdelay $0x4  }
0x53b: {  	[tilespmem:v11+s22+$0x0] =	vst.idx.add.f32.msk vm1, v12;
	v11 =	vor.u32 $0x60, v0  }
0x53c: {  	v12 =	vld [tilespmem:s9+$0x20];
	v11 =	vor.u32 v11, v10;
	_ =	sdelay $0x4  }
0x53d: {  	[tilespmem:v11+s22+$0x0] =	vst.idx.add.f32.msk vm1, v12;
	v11 =	vor.u32 $0x70, v0  }
0x53e: {  	v12 =	vld [tilespmem:s9+$0x30];
	v10 =	vor.u32 v11, v10;
	_ =	sdelay $0x4  }
0x53f: {  	[tilespmem:v10+s22+$0x0] =	vst.idx.add.f32.msk vm1, v12  }
.LBB2_94:
0x540: {  	p1 =	sge.s32 s3, s4  }
.Ltmp67:
0x541: {  	_ = 	snop;
	(pc) =	sbr.rel @p1 .LBB2_106-.Ltmp67, $2  }
0x542: {  	_ =	sdelay $0x2  }
0x543: {  	s8 =	sadd.s32 $0xFFFFFFC0, s8  }
.LBB2_95:
0x544: {  	s1 =	sshll.u32 s3, $0x4  }
.Ltmp68:
0x545: {  	s31 =	simm.s32 $0x0;
	s1 =	sadd.s32 s2, s1;
	(pc) =	sbr.rel @p0 .LBB2_99-.Ltmp68, $4  }
0x546: {  	[tilespmem:s19], [sflag:$0xB] =	stream.linear.gather [hbm4b:s1+s31], $0x2000, $0x38;
	[tilespmem:$0x1C080] =	vst v63  }
0x547: {  	_ =	swait.ge [sflag:s14], $0x2000  }
0x548: {  	[sflag:s14] =	ssyncset.done $0x0  }
0x549: {  	s9 =	smov.u32 s3;
	[sflag:s14] =	ssyncadd.s32 $0xFFFFE000  }
0x54a: {  	s1 =	simm.s32 $0x0  }
0x54b: {  	v13 =	vld [tilespmem:s1+$0x1A000]  }
0x54c: {  	v15 =	vld [tilespmem:s1+$0x1A010]  }
0x54d: {  	v14 =	vld [tilespmem:s1+$0x1A020]  }
0x54e: {  	v12 =	vld [tilespmem:s1+$0x1A030]  }
0x54f: {  	v10 =	vld [tilespmem:s1+$0x1A040]  }
0x550: {  	v11 =	vld [tilespmem:s1+$0x1A050];
	v16 =	vmul.f32 v13, v6  }
0x551: {  	s3 =	simm.s32 $0x200;
	v15 =	vmul.f32 v15, v6;
	v13 =	vld [tilespmem:s1+$0x1A060]  }
.LBB2_97:
0x552: {  	s5 =	sshra.s32 s3, $0x2;
	p1 =	sne.s32 s3, $0x7E00;
	[tilespmem:s1+$0x1A000] =	vst v16;
	v14 =	vmul.f32 v14, v6;
	v16 =	vld [tilespmem:s1+$0x1A070]  }
0x553: {  	v17 =	vld [tilespmem:s5+$0x1A000];
	[tilespmem:s1+$0x1A010] =	vst v15;
	v12 =	vmul.f32 v12, v6  }
0x554: {  	v15 =	vld [tilespmem:s5+$0x1A010];
	[tilespmem:s1+$0x1A020] =	vst v14;
	v10 =	vmul.f32 v10, v6  }
.Ltmp69:
0x555: {  	v14 =	vld [tilespmem:s5+$0x1A020];
	[tilespmem:s1+$0x1A030] =	vst v12;
	v11 =	vmul.f32 v11, v6;
	(pc) =	sbr.rel @p1 .LBB2_97-.Ltmp69, $4  }
0x556: {  	v12 =	vld [tilespmem:s5+$0x1A030];
	[tilespmem:s1+$0x1A040] =	vst v10;
	v13 =	vmul.f32 v13, v6  }
0x557: {  	v10 =	vld [tilespmem:s5+$0x1A040];
	[tilespmem:s1+$0x1A050] =	vst v11;
	v18 =	vmul.f32 v16, v6  }
0x558: {  	v16 =	vmul.f32 v17, v6;
	v11 =	vld [tilespmem:s5+$0x1A050];
	[tilespmem:s1+$0x1A060] =	vst v13  }
0x559: {  	s3 =	sadd.s32 $0x200, s3;
	v15 =	vmul.f32 v15, v6;
	v13 =	vld [tilespmem:s5+$0x1A060];
	[tilespmem:s1+$0x1A070] =	vst v18;
	s1 =	smov.u32 s5  }
0x55a: {  	[tilespmem:s1+$0x1A000] =	vst v16;
	v14 =	vmul.f32 v14, v6;
	v63 =	vld [tilespmem:s1+$0x1A070]  }
0x55b: {  	[tilespmem:s1+$0x1A010] =	vst v15;
	v12 =	vmul.f32 v12, v6  }
0x55c: {  	[tilespmem:s1+$0x1A020] =	vst v14;
	v10 =	vmul.f32 v10, v6  }
0x55d: {  	[tilespmem:s1+$0x1A030] =	vst v12;
	v11 =	vmul.f32 v11, v6  }
0x55e: {  	[tilespmem:s1+$0x1A040] =	vst v10;
	v10 =	vmul.f32 v13, v6  }
0x55f: {  	[tilespmem:s1+$0x1A050] =	vst v11;
	v11 =	vmul.f32 v63, v6  }
0x560: {  	[tilespmem:s1+$0x1A060] =	vst v10  }
0x561: {  	[tilespmem:s1+$0x1A070] =	vst v11  }
.LBB2_99:
0x562: {  	s3 =	sadd.s32 $0x40, s9;
	p1 =	sgt.s32 s28, s9  }
0x563: {  	s1 =	smov.u32 s9;
	p2 =	slt.s32 s4, s3;
	s11 =	smov.u32 s3  }
0x564: {  	s1 =	smov.u32 @p1 s28;
	s11 =	smov.u32 @p2 s4  }
0x565: {  	p1 =	sge.s32 s1, s11  }
.Ltmp70:
0x566: {  	_ = 	snop;
	(pc) =	sbr.rel @p1 .LBB2_94-.Ltmp70, $1  }
0x567: {  	_ =	sdelay $0x3  }
0x568: {  	p1 =	sgt.s32 s9, s28;
	s5 =	smov.u32 s28  }
0x569: {  	s5 =	smov.u32 @p1 s9  }
0x56a: {  	s5 =	sadd.s32 s8, s5  }
0x56b: {  	s12 =	sshll.u32 s5, $0x9;
	s5 =	sadd.s32 s1, s8;
	s1 =	sadd.s32 $0x1, s1  }
0x56c: {  	p2 =	slt.s32 s1, s11  }
.Ltmp71:
0x56d: {  	_ = 	snop;
	(pc) =	sbr.rel @!p2 .LBB2_101-.Ltmp71, $4  }
0x56e: {  	s31 =	sadd.s32 $0x14000, s9  }
0x56f: {  	v10 =	vmov s31;
	s13 =	sshra.s32 s5, $0x1F  }
0x570: {  	s12 =	sshra.s32 s12, $0x2;
	s13 =	sshrl.u32 s13, $0x1C  }
0x571: {  	p1 =	por $0x0, $0x0;
	s9 =	sadd.s32 $0x1A040, s12;
	s15 =	sadd.s32 s13, s5  }
0x572: {  	_ =	sdelay $0x2  }
0x573: {  	s12 =	sand.u32 $0xFFFFFFF0, s15  }
0x574: {  	v11 =	vld.idx.msk [tilespmem:v10+s12+$0x0 ss:$0x1], $0xffff;
	_ =	sdelay $0x3  }
0x575: {  	v12 =	vmov s5  }
0x576: {  	v11 =	vperm.xlane v11, v12;
	_ =	sdelay $0x1  }
0x577: {  	v11 =	vsub.s32 v11, v9  }
0x578: {  	vm1 =	vgt.s32 v11, $0x0  }
0x579: {  	v12 =	vnsel vm1, $0x0, v11  }
0x57a: {  	v12 =	vmin.u32 v12, $0x9F  }
0x57b: {  	vm1 =	vlt.u32 v11, $0xA0;
	v19 =	vshll.u32 v12, $0x7  }
0x57c: {  	v11 =	vld [tilespmem:s9+$0xFFFFFFC0];
	v12 =	vor.u32 v0, v19;
	_ =	sdelay $0x4  }
0x57d: {  	[tilespmem:v12+s22+$0x0] =	vst.idx.add.f32.msk vm1, v11;
	v11 =	vor.u32 $0x10, v0  }
0x57e: {  	v12 =	vld [tilespmem:s9+$0xFFFFFFD0];
	v13 =	vor.u32 v11, v19;
	_ =	sdelay $0x4  }
0x57f: {  	[tilespmem:v13+s22+$0x0] =	vst.idx.add.f32.msk vm1, v12;
	v12 =	vor.u32 $0x20, v0  }
0x580: {  	v13 =	vld [tilespmem:s9+$0xFFFFFFE0];
	v14 =	vor.u32 v12, v19;
	_ =	sdelay $0x4  }
0x581: {  	[tilespmem:v14+s22+$0x0] =	vst.idx.add.f32.msk vm1, v13;
	v13 =	vor.u32 $0x30, v0  }
0x582: {  	v14 =	vld [tilespmem:s9+$0xFFFFFFF0];
	v15 =	vor.u32 v13, v19;
	_ =	sdelay $0x4  }
0x583: {  	[tilespmem:v15+s22+$0x0] =	vst.idx.add.f32.msk vm1, v14;
	v14 =	vor.u32 $0x40, v0  }
0x584: {  	v15 =	vld [tilespmem:s9+$0x0];
	v16 =	vor.u32 v14, v19;
	_ =	sdelay $0x4  }
0x585: {  	[tilespmem:v16+s22+$0x0] =	vst.idx.add.f32.msk vm1, v15;
	v15 =	vor.u32 $0x50, v0  }
0x586: {  	v16 =	vld [tilespmem:s9+$0x10];
	v17 =	vor.u32 v15, v19;
	_ =	sdelay $0x4  }
0x587: {  	[tilespmem:v17+s22+$0x0] =	vst.idx.add.f32.msk vm1, v16;
	v16 =	vor.u32 $0x60, v0  }
0x588: {  	v17 =	vld [tilespmem:s9+$0x20];
	v18 =	vor.u32 v16, v19;
	_ =	sdelay $0x2  }
0x589: {  	s13 =	sadd.s32 $0x1, s1  }
0x58a: {  	p2 =	slt.s32 s13, s11  }
.Ltmp72:
0x58b: {  	[tilespmem:v18+s22+$0x0] =	vst.idx.add.f32.msk vm1, v17;
	v17 =	vor.u32 $0x70, v0;
	(pc) =	sbr.rel @!p2 .LBB2_103-.Ltmp72, $4  }
0x58c: {  	s5 =	sadd.s32 s1, s8;
	v18 =	vld [tilespmem:s9+$0x30];
	v19 =	vor.u32 v17, v19  }
0x58d: {  	s31 =	sshra.s32 s5, $0x1F  }
0x58e: {  	s1 =	sshrl.u32 s31, $0x1C  }
0x58f: {  	p1 =	por $0x1, $0x1;
	s12 =	smov.u32 s9;
	s15 =	sadd.s32 s1, s5  }
.LBB2_104:
0x590: {  	s15 =	sand.u32 $0xFFFFFFF0, s15  }
0x591: {  	[tilespmem:v19+s22+$0x0] =	vst.idx.add.f32.msk vm1, v18;
	s12 =	sadd.s32 $0x80, s12;
	s1 =	smov.u32 s13;
	s13 =	sadd.s32 $0x1, s13  }
0x592: {  	p2 =	slt.s32 s13, s11;
	v18 =	vld.idx.msk [tilespmem:v10+s15+$0x0 ss:$0x1], $0xffff;
	_ =	sdelay $0x4  }
0x593: {  	v19 =	vmov s5  }
0x594: {  	v18 =	vperm.xlane v18, v19;
	_ =	sdelay $0x1  }
0x595: {  	v18 =	vsub.s32 v18, v9  }
0x596: {  	vm1 =	vgt.s32 v18, $0x0  }
0x597: {  	v19 =	vnsel vm1, $0x0, v18  }
0x598: {  	v19 =	vmin.u32 v19, $0x9F  }
0x599: {  	vm1 =	vlt.u32 v18, $0xA0;
	v19 =	vshll.u32 v19, $0x7  }
0x59a: {  	v20 =	vor.u32 v0, v19;
	v18 =	vld [tilespmem:s12+$0xFFFFFFC0];
	_ =	sdelay $0x4  }
0x59b: {  	[tilespmem:v20+s22+$0x0] =	vst.idx.add.f32.msk vm1, v18  }
0x59c: {  	v20 =	vor.u32 v11, v19;
	v18 =	vld [tilespmem:s12+$0xFFFFFFD0];
	_ =	sdelay $0x4  }
0x59d: {  	[tilespmem:v20+s22+$0x0] =	vst.idx.add.f32.msk vm1, v18  }
0x59e: {  	v20 =	vor.u32 v12, v19;
	v18 =	vld [tilespmem:s12+$0xFFFFFFE0];
	_ =	sdelay $0x4  }
0x59f: {  	[tilespmem:v20+s22+$0x0] =	vst.idx.add.f32.msk vm1, v18  }
0x5a0: {  	v20 =	vor.u32 v13, v19;
	v18 =	vld [tilespmem:s12+$0xFFFFFFF0];
	_ =	sdelay $0x4  }
0x5a1: {  	[tilespmem:v20+s22+$0x0] =	vst.idx.add.f32.msk vm1, v18  }
0x5a2: {  	v20 =	vor.u32 v14, v19;
	v18 =	vld [tilespmem:s12+$0x0];
	_ =	sdelay $0x4  }
0x5a3: {  	[tilespmem:v20+s22+$0x0] =	vst.idx.add.f32.msk vm1, v18  }
0x5a4: {  	v20 =	vor.u32 v15, v19;
	v18 =	vld [tilespmem:s12+$0x10];
	_ =	sdelay $0x4  }
0x5a5: {  	[tilespmem:v20+s22+$0x0] =	vst.idx.add.f32.msk vm1, v18  }
0x5a6: {  	v20 =	vor.u32 v16, v19;
	v18 =	vld [tilespmem:s12+$0x20];
	_ =	sdelay $0x4  }
0x5a7: {  	[tilespmem:v20+s22+$0x0] =	vst.idx.add.f32.msk vm1, v18  }
.Ltmp73:
0x5a8: {  	v19 =	vor.u32 v17, v19;
	v18 =	vld [tilespmem:s12+$0x30];
	(pc) =	sbr.rel @p2 .LBB2_104-.Ltmp73, $4  }
0x5a9: {  	s5 =	sadd.s32 s1, s8  }
0x5aa: {  	s1 =	sshra.s32 s5, $0x1F  }
0x5ab: {  	s1 =	sshrl.u32 s1, $0x1C  }
0x5ac: {  	s15 =	sadd.s32 s1, s5  }
.Ltmp74:
0x5ad: {  	_ = 	snop;
	(pc) =	sbr.rel .LBB2_105-.Ltmp74, $1  }
0x5ae: {  	_ =	sdelay $0x3  }
.LBB2_103:
.Ltmp75:
0x5af: {  	(pc) =	sbr.rel .LBB2_105-.Ltmp75, $2  }
0x5b0: {  	_ =	sdelay $0x2  }
0x5b1: {  	s12 =	smov.u32 s9  }
.LBB2_9:
.Ltmp76:
0x5b2: {  	(pc) =	sbr.rel .LBB2_15-.Ltmp76, $2  }
0x5b3: {  	_ =	sdelay $0x2  }
0x5b4: {  	s23 =	smov.u32 s31  }
.LBB2_35:
.Ltmp77:
0x5b5: {  	(pc) =	sbr.rel .LBB2_41-.Ltmp77, $2  }
0x5b6: {  	_ =	sdelay $0x2  }
0x5b7: {  	s25 =	smov.u32 s20  }
.LBB2_61:
.Ltmp78:
0x5b8: {  	(pc) =	sbr.rel .LBB2_67-.Ltmp78, $2  }
0x5b9: {  	_ =	sdelay $0x2  }
0x5ba: {  	s25 =	smov.u32 s20  }
.LBB2_87:
.Ltmp79:
0x5bb: {  	(pc) =	sbr.rel .LBB2_93-.Ltmp79, $2  }
0x5bc: {  	_ =	sdelay $0x2  }
0x5bd: {  	s12 =	smov.u32 s9  }
.LBB2_13:
.Ltmp80:
0x5be: {  	(pc) =	sbr.rel .LBB2_15-.Ltmp80, $2  }
0x5bf: {  	_ =	sdelay $0x2  }
0x5c0: {  	s23 =	smov.u32 s31  }
.LBB2_39:
.Ltmp81:
0x5c1: {  	(pc) =	sbr.rel .LBB2_41-.Ltmp81, $2  }
0x5c2: {  	_ =	sdelay $0x2  }
0x5c3: {  	s25 =	smov.u32 s20  }
.LBB2_65:
.Ltmp82:
0x5c4: {  	(pc) =	sbr.rel .LBB2_67-.Ltmp82, $2  }
0x5c5: {  	_ =	sdelay $0x2  }
0x5c6: {  	s25 =	smov.u32 s20  }
.LBB2_91:
.Ltmp83:
0x5c7: {  	(pc) =	sbr.rel .LBB2_93-.Ltmp83, $2  }
0x5c8: {  	_ =	sdelay $0x2  }
0x5c9: {  	s12 =	smov.u32 s9  }
.LBB2_108:
0x5ca: {  	_ =	sfence.sel $0x180000  }
0x5cb: {  	[bflag:$0x0] =	sbarrier.arrive $0xFFFF  }
0x5cc: {  	_ =	strace $0x90000047  }
0x5cd: {  	s0 =	stileid.u32;
	[bflag:$0x2] =	sbarrier.arrive $0xFFFF  }
0x5ce: {  	p0 =	sne.s32 s0, $0x0;
	s0 =	rddreg [dreg:$0x5]  }
0x5cf: {  	s0 =	sadd.s32 @!p0 $0x100000, s0  }
0x5d0: {  	[sflag:s0] =	ssyncadd.tile.s32 @!p0 $0x1;
	_ =	shalt  }
.Lfunc_end2:
_tile_overlayer_lowered:
.L_overlay_start_2:
0x5d1: {  	(tag) =	ssettag $0x2  }
0x5d2: {  	s0 =	rddreg [dreg:$0x0];
	s2 =	stileid.u32  }
0x5d3: {  	s1 =	rddreg [dreg:$0x1];
	p0 =	sne.s32 s2, $0x0  }
0x5d4: {  	s3 =	rddreg [dreg:$0x2];
	[bflag:$0x3] =	sbarrier.arrive $0xFFFF;
	s2 =	simm.s32 @!p0 $0x1C0B  }
0x5d5: {  	[timem:s3], [sflag:s2] =	dma.local @!p0 [hbm:s0], s1  }
0x5d6: {  	s0 =	simm.s32 @!p0 $0xB  }
0x5d7: {  	_ =	swait.ge @!p0 [sflag:s0], s1  }
0x5d8: {  	s1 =	ssub.s32 @!p0 $0x0, s1;
	[sflag:s0] =	ssyncset.done @!p0 $0x0  }
0x5d9: {  	[sflag:s0] =	ssyncadd.s32 @!p0 s1  }
0x5da: {  	[bflag:$0x3] =	sbarrier.arrive $0xFFFF  }
0x5db: {  	_ =	shalt  }

</sc_bundles>
